<compile_context>
chip_gen: v7x
topology: tpu7x:2x2x1
jax: 0.10.2.dev20260603
libtpu: 0.0.44.dev20260713+nightly
codegen_flags: <defaults>
</compile_context>

<pallas_src>
import functools

import jax
import jax.numpy as jnp
from jax import lax
from jax.experimental import pallas as pl
from jax.experimental.pallas import tpu as pltpu
from jax.experimental.pallas import tpu_sc as plsc

B, N, D, H = 16, 4096, 512, 1024
K = N // 2
TM = 4096

NC, NS = 2, 16
NW = NC * NS
ROWS_PER_W = (B * K) // NW
CH = 64


def _score_body(x_ref, w1_ref, b1_ref, w2_ref, b2_ref, att_ref):
    z = jnp.dot(x_ref[...], w1_ref[...], preferred_element_type=jnp.float32)
    z = z + b1_ref[...]
    h = jnp.where(z >= 0, z, 0.2 * z)
    w2 = w2_ref[...]
    att = None
    for c in range(H // 128):
        p = lax.dot_general(w2[:, c * 128:(c + 1) * 128],
                            h[:, c * 128:(c + 1) * 128],
                            (((1,), (1,)), ((), ())),
                            preferred_element_type=jnp.float32)
        att = p if att is None else att + p
    att_ref[...] = att + b2_ref[...]


def _score(x2, W1, b1, W2, b2):
    return pl.pallas_call(
        _score_body,
        grid=(B * N // TM,),
        in_specs=[
            pl.BlockSpec((TM, D), lambda i: (i, 0)),
            pl.BlockSpec((D, H), lambda i: (0, 0)),
            pl.BlockSpec((1, H), lambda i: (0, 0)),
            pl.BlockSpec((1, H), lambda i: (0, 0)),
            pl.BlockSpec((1, 1), lambda i: (0, 0)),
        ],
        out_specs=pl.BlockSpec((1, TM), lambda i: (0, i)),
        out_shape=jax.ShapeDtypeStruct((1, B * N), jnp.float32),
    )(x2, W1, b1.reshape(1, H), W2.reshape(1, H), b2.reshape(1, 1))


def _roll(v, j):
    return jnp.concatenate([v[:, j:], v[:, :j]], axis=1)


def _sort_body(att_ref, idx_ref):
    v = att_ref[...]
    ic = lax.broadcasted_iota(jnp.int32, (B, N), 1)
    ii = ic
    k = 2
    while k <= N:
        j = k // 2
        while j >= 1:
            islo = (ii & j) == 0
            vp = jnp.where(islo, _roll(v, j), _roll(v, N - j))
            ip = jnp.where(islo, _roll(ic, j), _roll(ic, N - j))
            pred = (v > vp) | ((v == vp) & (ic < ip))
            d = (ii & k) == 0
            take_self = (islo == d) == pred
            v = jnp.where(take_self, v, vp)
            ic = jnp.where(take_self, ic, ip)
            j //= 2
        k *= 2
    base = lax.broadcasted_iota(jnp.int32, (B, K), 0) * N
    idx_ref[...] = ic[:, :K] + base


def _sort(att):
    return pl.pallas_call(
        _sort_body,
        out_shape=jax.ShapeDtypeStruct((B, K), jnp.int32),
    )(att)


NBUF = 3


def _gather_body(x_hbm, idx_hbm, out_hbm, idx_v, rows_v,
                 si0, si1, si2, so0, so1, so2):
    wid = lax.axis_index("s") * NC + lax.axis_index("c")
    base = wid * ROWS_PER_W
    sem_in = (si0, si1, si2)
    sem_out = (so0, so1, so2)
    n = ROWS_PER_W // CH
    pltpu.sync_copy(idx_hbm.at[pl.ds(base, ROWS_PER_W)], idx_v)

    def start_in(i):
        b = i % NBUF
        return pltpu.async_copy(
            x_hbm.at[idx_v.at[pl.ds(i * CH, CH)]], rows_v.at[b], sem_in[b])

    h_in = [None] * n
    h_out = [None] * n
    for i in range(NBUF):
        h_in[i] = start_in(i)
    for i in range(n):
        b = i % NBUF
        h_in[i].wait()
        h_out[i] = pltpu.async_copy(
            rows_v.at[b], out_hbm.at[pl.ds(base + i * CH, CH)], sem_out[b])
        if i + NBUF < n:
            h_out[i].wait()
            h_in[i + NBUF] = start_in(i + NBUF)
    for i in range(n - NBUF, n):
        h_out[i].wait()


def _gather(x2, gidx):
    f = pl.kernel(
        _gather_body,
        mesh=plsc.VectorSubcoreMesh(core_axis_name="c", subcore_axis_name="s"),
        out_type=jax.ShapeDtypeStruct((B * K, D), jnp.float32),
        scratch_types=[
            pltpu.VMEM((ROWS_PER_W,), jnp.int32),
            pltpu.VMEM((NBUF, CH, D), jnp.float32),
            pltpu.SemaphoreType.DMA,
            pltpu.SemaphoreType.DMA,
            pltpu.SemaphoreType.DMA,
            pltpu.SemaphoreType.DMA,
            pltpu.SemaphoreType.DMA,
            pltpu.SemaphoreType.DMA,
        ],
    )
    return f(x2, gidx)


def kernel(x, W1, b1, W2, b2):
    x2 = x.reshape(B * N, D)
    att = _score(x2, W1, b1, W2, b2).reshape(B, N)
    gidx = _sort(att)
    sel = _gather(x2, gidx.reshape(B * K))
    return sel.reshape(B, K, D), att

# --- scband reference (transcript-rebuilt; emitter-appended) ---
"""Pipeline reference for scband-mpool-layer-67104569033188 (READ-ONLY COPY).

The authoritative reference and input builder live on the scoring server;
editing this copy changes nothing except your own understanding.
"""

import jax, jax.numpy as jnp
import numpy as np

B, N, D, H = 16, 4096, 512, 1024

def setup_inputs(seed: int = 0) -> dict:
    key = jax.random.key(seed)
    ks = jax.random.split(key, 4)
    x = jax.random.normal(ks[0], (B, N, D), dtype=jnp.float32)
    lim1 = float(np.sqrt(6.0 / (D + H)))
    W1 = jax.random.uniform(ks[1], (D, H), minval=-lim1, maxval=lim1, dtype=jnp.float32)
    b1 = jnp.zeros((H,), dtype=jnp.float32)
    lim2 = float(np.sqrt(6.0 / (H + 1)))
    W2 = jax.random.uniform(ks[2], (H, 1), minval=-lim2, maxval=lim2, dtype=jnp.float32)
    b2 = jnp.zeros((1,), dtype=jnp.float32)
    return {"x": x, "W1": W1, "b1": b1, "W2": W2, "b2": b2}

def reference(x, W1, b1, W2, b2):
    # h = LeakyReLU(W1 x), slope 0.2
    h = jax.nn.leaky_relu(x @ W1 + b1, negative_slope=0.2)
    # attention scores = W2(h).squeeze(-1)
    attention = (h @ W2 + b2)[..., 0]  # [B, N]
    k = x.shape[1] // 2  # int(num_nodes * pooling_ratio), ratio=0.5
    _, idx = jax.lax.top_k(attention, k)  # [B, k]
    # gather selected node features: torch.gather(x, 1, idx_expanded)
    selected_x = jnp.take_along_axis(x, idx[..., None], axis=1)  # [B, k, D]
    # adj is None -> returned unchanged (omitted); output (selected_x, attention)
    return (selected_x, attention)

if __name__ == "__main__":
    import jax
    _d = setup_inputs()
    print(jax.jit(kernel)(*tuple(_d.values())))

</pallas_src>

<mosaic_0001>
#map = affine_map<(d0, d1) -> (0, 0)>
#map1 = affine_map<(d0, d1) -> (0)>
module attributes {stable_mosaic.version = 14 : i64} {
  func.func @_gather_body(%arg0: i32, %arg1: i32, %arg2: memref<65536x512xf32, #tpu.memory_space<hbm>>, %arg3: memref<32768xi32, #tpu.memory_space<hbm>>, %arg4: memref<32768x512xf32, #tpu.memory_space<hbm>>, %arg5: memref<1024xi32, #tpu.memory_space<vmem>>, %arg6: memref<3x64x512xf32, #tpu.memory_space<vmem>>, %arg7: memref<!tpu.dma_semaphore, #tpu.memory_space<semaphore_mem>>, %arg8: memref<!tpu.dma_semaphore, #tpu.memory_space<semaphore_mem>>, %arg9: memref<!tpu.dma_semaphore, #tpu.memory_space<semaphore_mem>>, %arg10: memref<!tpu.dma_semaphore, #tpu.memory_space<semaphore_mem>>, %arg11: memref<!tpu.dma_semaphore, #tpu.memory_space<semaphore_mem>>, %arg12: memref<!tpu.dma_semaphore, #tpu.memory_space<semaphore_mem>>) attributes {dimension_semantics = [#tpu.dimension_semantics<core_parallel>, #tpu.dimension_semantics<subcore_parallel>], iteration_bounds = array<i64: 2, 16>, scalar_prefetch = 0 : i64, scratch_operands = 8 : i64, tpu.core_type = #tpu.core_type<sc_vector_subcore>, window_params = [{transform_indices = #map}, {transform_indices = #map1}, {transform_indices = #map}]} {
    %mul3A = arith.constant 2 : i32
    %mul3A_0 = arith.muli %arg1, %mul3A : i32
    %add3A = arith.addi %mul3A_0, %arg0 : i32
    %mul3A_1 = arith.constant 1024 : i32
    %mul3A_2 = arith.muli %add3A, %mul3A_1 : i32
    "tpu.region"() ({
      %run_scoped3A = tpu.sem_alloc : memref<!tpu.dma_semaphore, #tpu.memory_space<semaphore_mem>>
      %dma_start3A_769 = tpu.memref_slice %arg3[%mul3A_2] : memref<32768xi32, #tpu.memory_space<hbm>> -> memref<1024xi32, #tpu.memory_space<hbm>>
      %dma_start3A_770 = tpu.memref_slice %arg3[%mul3A_2] : memref<32768xi32, #tpu.memory_space<hbm>> -> memref<1024xi32, #tpu.memory_space<hbm>>
      tpu.enqueue_dma source(%dma_start3A_770 : memref<1024xi32, #tpu.memory_space<hbm>>) target(%arg5 : memref<1024xi32, #tpu.memory_space<vmem>>) target_semaphore(%run_scoped3A : memref<!tpu.dma_semaphore, #tpu.memory_space<semaphore_mem>>)
      %dma_wait3A_771 = tpu.memref_slice %arg3[%mul3A_2] : memref<32768xi32, #tpu.memory_space<hbm>> -> memref<1024xi32, #tpu.memory_space<hbm>>
      %dma_wait3A_772 = tpu.memref_slice %arg3[%mul3A_2] : memref<32768xi32, #tpu.memory_space<hbm>> -> memref<1024xi32, #tpu.memory_space<hbm>>
      tpu.wait_dma2 semaphore(%run_scoped3A : memref<!tpu.dma_semaphore, #tpu.memory_space<semaphore_mem>>) src(%dma_wait3A_772 : memref<1024xi32, #tpu.memory_space<hbm>>) dst(%arg5 : memref<1024xi32, #tpu.memory_space<vmem>>)
      tpu.yield
    }) : () -> ()
    %dma_start3A = arith.constant 0 : i32
    %dma_start3A_3 = arith.constant 0 : i32
    %dma_start3A_4 = arith.constant 0 : i32
    %dma_start3A_5 = tpu.memref_slice %arg6[%dma_start3A, %dma_start3A_3, %dma_start3A_4] : memref<3x64x512xf32, #tpu.memory_space<vmem>> -> memref<1x64x512xf32, #tpu.memory_space<vmem>>
    %dma_start3A_6 = tpu.memref_squeeze %dma_start3A_5 : memref<1x64x512xf32, #tpu.memory_space<vmem>> -> memref<64x512xf32, #tpu.memory_space<vmem>>
    %dma_start3A_7 = arith.constant 0 : i32
    %dma_start3A_8 = tpu.memref_slice %arg5[%dma_start3A_7] : memref<1024xi32, #tpu.memory_space<vmem>> -> memref<64xi32, #tpu.memory_space<vmem>>
    %dma_start3A_9 = arith.constant 0 : i32
    %dma_start3A_10 = arith.constant 0 : i32
    %dma_start3A_11 = tpu.memref_slice %arg2[%dma_start3A_9, %dma_start3A_10] : memref<65536x512xf32, #tpu.memory_space<hbm>> -> memref<65536x512xf32, #tpu.memory_space<hbm>>
    tpu.enqueue_indirect_dma source(%dma_start3A_11 : memref<65536x512xf32, #tpu.memory_space<hbm>>) target(%dma_start3A_6 : memref<64x512xf32, #tpu.memory_space<vmem>>) offsets(%dma_start3A_8 : memref<64xi32, #tpu.memory_space<vmem>>) semaphore(%arg7 : memref<!tpu.dma_semaphore, #tpu.memory_space<semaphore_mem>>)
    %dma_start3A_12 = arith.constant 1 : i32
    %dma_start3A_13 = arith.constant 0 : i32
    %dma_start3A_14 = arith.constant 0 : i32
    %dma_start3A_15 = tpu.memref_slice %arg6[%dma_start3A_12, %dma_start3A_13, %dma_start3A_14] : memref<3x64x512xf32, #tpu.memory_space<vmem>> -> memref<1x64x512xf32, #tpu.memory_space<vmem>>
    %dma_start3A_16 = tpu.memref_squeeze %dma_start3A_15 : memref<1x64x512xf32, #tpu.memory_space<vmem>> -> memref<64x512xf32, #tpu.memory_space<vmem>>
    %dma_start3A_17 = arith.constant 64 : i32
    %dma_start3A_18 = tpu.memref_slice %arg5[%dma_start3A_17] : memref<1024xi32, #tpu.memory_space<vmem>> -> memref<64xi32, #tpu.memory_space<vmem>>
    %dma_start3A_19 = arith.constant 0 : i32
    %dma_start3A_20 = arith.constant 0 : i32
    %dma_start3A_21 = tpu.memref_slice %arg2[%dma_start3A_19, %dma_start3A_20] : memref<65536x512xf32, #tpu.memory_space<hbm>> -> memref<65536x512xf32, #tpu.memory_space<hbm>>
    tpu.enqueue_indirect_dma source(%dma_start3A_21 : memref<65536x512xf32, #tpu.memory_space<hbm>>) target(%dma_start3A_16 : memref<64x512xf32, #tpu.memory_space<vmem>>) offsets(%dma_start3A_18 : memref<64xi32, #tpu.memory_space<vmem>>) semaphore(%arg8 : memref<!tpu.dma_semaphore, #tpu.memory_space<semaphore_mem>>)
    %dma_start3A_22 = arith.constant 2 : i32
    %dma_start3A_23 = arith.constant 0 : i32
    %dma_start3A_24 = arith.constant 0 : i32
    %dma_start3A_25 = tpu.memref_slice %arg6[%dma_start3A_22, %dma_start3A_23, %dma_start3A_24] : memref<3x64x512xf32, #tpu.memory_space<vmem>> -> memref<1x64x512xf32, #tpu.memory_space<vmem>>
    %dma_start3A_26 = tpu.memref_squeeze %dma_start3A_25 : memref<1x64x512xf32, #tpu.memory_space<vmem>> -> memref<64x512xf32, #tpu.memory_space<vmem>>
    %dma_start3A_27 = arith.constant 128 : i32
    %dma_start3A_28 = tpu.memref_slice %arg5[%dma_start3A_27] : memref<1024xi32, #tpu.memory_space<vmem>> -> memref<64xi32, #tpu.memory_space<vmem>>
    %dma_start3A_29 = arith.constant 0 : i32
    %dma_start3A_30 = arith.constant 0 : i32
    %dma_start3A_31 = tpu.memref_slice %arg2[%dma_start3A_29, %dma_start3A_30] : memref<65536x512xf32, #tpu.memory_space<hbm>> -> memref<65536x512xf32, #tpu.memory_space<hbm>>
    tpu.enqueue_indirect_dma source(%dma_start3A_31 : memref<65536x512xf32, #tpu.memory_space<hbm>>) target(%dma_start3A_26 : memref<64x512xf32, #tpu.memory_space<vmem>>) offsets(%dma_start3A_28 : memref<64xi32, #tpu.memory_space<vmem>>) semaphore(%arg9 : memref<!tpu.dma_semaphore, #tpu.memory_space<semaphore_mem>>)
    %dma_wait3A = arith.constant 0 : i32
    %dma_wait3A_32 = arith.constant 0 : i32
    %dma_wait3A_33 = arith.constant 0 : i32
    %dma_wait3A_34 = tpu.memref_slice %arg6[%dma_wait3A, %dma_wait3A_32, %dma_wait3A_33] : memref<3x64x512xf32, #tpu.memory_space<vmem>> -> memref<1x64x512xf32, #tpu.memory_space<vmem>>
    %dma_wait3A_35 = tpu.memref_squeeze %dma_wait3A_34 : memref<1x64x512xf32, #tpu.memory_space<vmem>> -> memref<64x512xf32, #tpu.memory_space<vmem>>
    %dma_wait3A_36 = arith.constant 0 : i32
    %dma_wait3A_37 = tpu.memref_slice %arg5[%dma_wait3A_36] : memref<1024xi32, #tpu.memory_space<vmem>> -> memref<64xi32, #tpu.memory_space<vmem>>
    %dma_wait3A_38 = arith.constant 0 : i32
    %dma_wait3A_39 = arith.constant 0 : i32
    %dma_wait3A_40 = tpu.memref_slice %arg2[%dma_wait3A_38, %dma_wait3A_39] : memref<65536x512xf32, #tpu.memory_space<hbm>> -> memref<65536x512xf32, #tpu.memory_space<hbm>>
    tpu.wait_indirect_dma semaphore(%arg7 : memref<!tpu.dma_semaphore, #tpu.memory_space<semaphore_mem>>) src(%dma_wait3A_40 : memref<65536x512xf32, #tpu.memory_space<hbm>>) dst(%dma_wait3A_35 : memref<64x512xf32, #tpu.memory_space<vmem>>)
    %add3A_41 = arith.constant 0 : i32
    %add3A_42 = arith.addi %mul3A_2, %add3A_41 : i32
    %dma_start3A_43 = arith.constant 0 : i32
    %dma_start3A_44 = arith.constant 0 : i32
    %dma_start3A_45 = arith.constant 0 : i32
    %dma_start3A_46 = tpu.memref_slice %arg6[%dma_start3A_43, %dma_start3A_44, %dma_start3A_45] : memref<3x64x512xf32, #tpu.memory_space<vmem>> -> memref<1x64x512xf32, #tpu.memory_space<vmem>>
    %dma_start3A_47 = tpu.memref_squeeze %dma_start3A_46 : memref<1x64x512xf32, #tpu.memory_space<vmem>> -> memref<64x512xf32, #tpu.memory_space<vmem>>
    %dma_start3A_48 = arith.constant 0 : i32
    %dma_start3A_49 = tpu.memref_slice %arg4[%add3A_42, %dma_start3A_48] : memref<32768x512xf32, #tpu.memory_space<hbm>> -> memref<64x512xf32, #tpu.memory_space<hbm>>
    %dma_start3A_50 = arith.constant 0 : i32
    %dma_start3A_51 = tpu.memref_slice %arg4[%add3A_42, %dma_start3A_50] : memref<32768x512xf32, #tpu.memory_space<hbm>> -> memref<64x512xf32, #tpu.memory_space<hbm>>
    %dma_start3A_52 = arith.constant 0 : i32
    %dma_start3A_53 = arith.constant 0 : i32
    %dma_start3A_54 = tpu.memref_slice %arg6[%dma_start3A_43, %dma_start3A_52, %dma_start3A_53] : memref<3x64x512xf32, #tpu.memory_space<vmem>> -> memref<1x64x512xf32, #tpu.memory_space<vmem>>
    %dma_start3A_55 = tpu.memref_squeeze %dma_start3A_54 : memref<1x64x512xf32, #tpu.memory_space<vmem>> -> memref<64x512xf32, #tpu.memory_space<vmem>>
    tpu.enqueue_dma source(%dma_start3A_55 : memref<64x512xf32, #tpu.memory_space<vmem>>) target(%dma_start3A_51 : memref<64x512xf32, #tpu.memory_space<hbm>>) target_semaphore(%arg10 : memref<!tpu.dma_semaphore, #tpu.memory_space<semaphore_mem>>)
    %dma_wait3A_56 = arith.constant 0 : i32
    %dma_wait3A_57 = arith.constant 0 : i32
    %dma_wait3A_58 = arith.constant 0 : i32
    %dma_wait3A_59 = tpu.memref_slice %arg6[%dma_wait3A_56, %dma_wait3A_57, %dma_wait3A_58] : memref<3x64x512xf32, #tpu.memory_space<vmem>> -> memref<1x64x512xf32, #tpu.memory_space<vmem>>
    %dma_wait3A_60 = tpu.memref_squeeze %dma_wait3A_59 : memref<1x64x512xf32, #tpu.memory_space<vmem>> -> memref<64x512xf32, #tpu.memory_space<vmem>>
    %dma_wait3A_61 = arith.constant 0 : i32
    %dma_wait3A_62 = tpu.memref_slice %arg4[%add3A_42, %dma_wait3A_61] : memref<32768x512xf32, #tpu.memory_space<hbm>> -> memref<64x512xf32, #tpu.memory_space<hbm>>
    %dma_wait3A_63 = arith.constant 0 : i32
    %dma_wait3A_64 = tpu.memref_slice %arg4[%add3A_42, %dma_wait3A_63] : memref<32768x512xf32, #tpu.memory_space<hbm>> -> memref<64x512xf32, #tpu.memory_space<hbm>>
    %dma_wait3A_65 = arith.constant 0 : i32
    %dma_wait3A_66 = arith.constant 0 : i32
    %dma_wait3A_67 = tpu.memref_slice %arg6[%dma_wait3A_56, %dma_wait3A_65, %dma_wait3A_66] : memref<3x64x512xf32, #tpu.memory_space<vmem>> -> memref<1x64x512xf32, #tpu.memory_space<vmem>>
    %dma_wait3A_68 = tpu.memref_squeeze %dma_wait3A_67 : memref<1x64x512xf32, #tpu.memory_space<vmem>> -> memref<64x512xf32, #tpu.memory_space<vmem>>
    tpu.wait_dma2 semaphore(%arg10 : memref<!tpu.dma_semaphore, #tpu.memory_space<semaphore_mem>>) src(%dma_wait3A_68 : memref<64x512xf32, #tpu.memory_space<vmem>>) dst(%dma_wait3A_64 : memref<64x512xf32, #tpu.memory_space<hbm>>)
    %dma_start3A_69 = arith.constant 0 : i32
    %dma_start3A_70 = arith.constant 0 : i32
    %dma_start3A_71 = arith.constant 0 : i32
    %dma_start3A_72 = tpu.memref_slice %arg6[%dma_start3A_69, %dma_start3A_70, %dma_start3A_71] : memref<3x64x512xf32, #tpu.memory_space<vmem>> -> memref<1x64x512xf32, #tpu.memory_space<vmem>>
    %dma_start3A_73 = tpu.memref_squeeze %dma_start3A_72 : memref<1x64x512xf32, #tpu.memory_space<vmem>> -> memref<64x512xf32, #tpu.memory_space<vmem>>
    %dma_start3A_74 = arith.constant 192 : i32
    %dma_start3A_75 = tpu.memref_slice %arg5[%dma_start3A_74] : memref<1024xi32, #tpu.memory_space<vmem>> -> memref<64xi32, #tpu.memory_space<vmem>>
    %dma_start3A_76 = arith.constant 0 : i32
    %dma_start3A_77 = arith.constant 0 : i32
    %dma_start3A_78 = tpu.memref_slice %arg2[%dma_start3A_76, %dma_start3A_77] : memref<65536x512xf32, #tpu.memory_space<hbm>> -> memref<65536x512xf32, #tpu.memory_space<hbm>>
    tpu.enqueue_indirect_dma source(%dma_start3A_78 : memref<65536x512xf32, #tpu.memory_space<hbm>>) target(%dma_start3A_73 : memref<64x512xf32, #tpu.memory_space<vmem>>) offsets(%dma_start3A_75 : memref<64xi32, #tpu.memory_space<vmem>>) semaphore(%arg7 : memref<!tpu.dma_semaphore, #tpu.memory_space<semaphore_mem>>)
    %dma_wait3A_79 = arith.constant 1 : i32
    %dma_wait3A_80 = arith.constant 0 : i32
    %dma_wait3A_81 = arith.constant 0 : i32
    %dma_wait3A_82 = tpu.memref_slice %arg6[%dma_wait3A_79, %dma_wait3A_80, %dma_wait3A_81] : memref<3x64x512xf32, #tpu.memory_space<vmem>> -> memref<1x64x512xf32, #tpu.memory_space<vmem>>
    %dma_wait3A_83 = tpu.memref_squeeze %dma_wait3A_82 : memref<1x64x512xf32, #tpu.memory_space<vmem>> -> memref<64x512xf32, #tpu.memory_space<vmem>>
    %dma_wait3A_84 = arith.constant 64 : i32
    %dma_wait3A_85 = tpu.memref_slice %arg5[%dma_wait3A_84] : memref<1024xi32, #tpu.memory_space<vmem>> -> memref<64xi32, #tpu.memory_space<vmem>>
    %dma_wait3A_86 = arith.constant 0 : i32
    %dma_wait3A_87 = arith.constant 0 : i32
    %dma_wait3A_88 = tpu.memref_slice %arg2[%dma_wait3A_86, %dma_wait3A_87] : memref<65536x512xf32, #tpu.memory_space<hbm>> -> memref<65536x512xf32, #tpu.memory_space<hbm>>
    tpu.wait_indirect_dma semaphore(%arg8 : memref<!tpu.dma_semaphore, #tpu.memory_space<semaphore_mem>>) src(%dma_wait3A_88 : memref<65536x512xf32, #tpu.memory_space<hbm>>) dst(%dma_wait3A_83 : memref<64x512xf32, #tpu.memory_space<vmem>>)
    %add3A_89 = arith.constant 64 : i32
    %add3A_90 = arith.addi %mul3A_2, %add3A_89 : i32
    %dma_start3A_91 = arith.constant 1 : i32
    %dma_start3A_92 = arith.constant 0 : i32
    %dma_start3A_93 = arith.constant 0 : i32
    %dma_start3A_94 = tpu.memref_slice %arg6[%dma_start3A_91, %dma_start3A_92, %dma_start3A_93] : memref<3x64x512xf32, #tpu.memory_space<vmem>> -> memref<1x64x512xf32, #tpu.memory_space<vmem>>
    %dma_start3A_95 = tpu.memref_squeeze %dma_start3A_94 : memref<1x64x512xf32, #tpu.memory_space<vmem>> -> memref<64x512xf32, #tpu.memory_space<vmem>>
    %dma_start3A_96 = arith.constant 0 : i32
    %dma_start3A_97 = tpu.memref_slice %arg4[%add3A_90, %dma_start3A_96] : memref<32768x512xf32, #tpu.memory_space<hbm>> -> memref<64x512xf32, #tpu.memory_space<hbm>>
    %dma_start3A_98 = arith.constant 0 : i32
    %dma_start3A_99 = tpu.memref_slice %arg4[%add3A_90, %dma_start3A_98] : memref<32768x512xf32, #tpu.memory_space<hbm>> -> memref<64x512xf32, #tpu.memory_space<hbm>>
    %dma_start3A_100 = arith.constant 0 : i32
    %dma_start3A_101 = arith.constant 0 : i32
    %dma_start3A_102 = tpu.memref_slice %arg6[%dma_start3A_91, %dma_start3A_100, %dma_start3A_101] : memref<3x64x512xf32, #tpu.memory_space<vmem>> -> memref<1x64x512xf32, #tpu.memory_space<vmem>>
    %dma_start3A_103 = tpu.memref_squeeze %dma_start3A_102 : memref<1x64x512xf32, #tpu.memory_space<vmem>> -> memref<64x512xf32, #tpu.memory_space<vmem>>
    tpu.enqueue_dma source(%dma_start3A_103 : memref<64x512xf32, #tpu.memory_space<vmem>>) target(%dma_start3A_99 : memref<64x512xf32, #tpu.memory_space<hbm>>) target_semaphore(%arg11 : memref<!tpu.dma_semaphore, #tpu.memory_space<semaphore_mem>>)
    %dma_wait3A_104 = arith.constant 1 : i32
    %dma_wait3A_105 = arith.constant 0 : i32
    %dma_wait3A_106 = arith.constant 0 : i32
    %dma_wait3A_107 = tpu.memref_slice %arg6[%dma_wait3A_104, %dma_wait3A_105, %dma_wait3A_106] : memref<3x64x512xf32, #tpu.memory_space<vmem>> -> memref<1x64x512xf32, #tpu.memory_space<vmem>>
    %dma_wait3A_108 = tpu.memref_squeeze %dma_wait3A_107 : memref<1x64x512xf32, #tpu.memory_space<vmem>> -> memref<64x512xf32, #tpu.memory_space<vmem>>
    %dma_wait3A_109 = arith.constant 0 : i32
    %dma_wait3A_110 = tpu.memref_slice %arg4[%add3A_90, %dma_wait3A_109] : memref<32768x512xf32, #tpu.memory_space<hbm>> -> memref<64x512xf32, #tpu.memory_space<hbm>>
    %dma_wait3A_111 = arith.constant 0 : i32
    %dma_wait3A_112 = tpu.memref_slice %arg4[%add3A_90, %dma_wait3A_111] : memref<32768x512xf32, #tpu.memory_space<hbm>> -> memref<64x512xf32, #tpu.memory_space<hbm>>
    %dma_wait3A_113 = arith.constant 0 : i32
    %dma_wait3A_114 = arith.constant 0 : i32
    %dma_wait3A_115 = tpu.memref_slice %arg6[%dma_wait3A_104, %dma_wait3A_113, %dma_wait3A_114] : memref<3x64x512xf32, #tpu.memory_space<vmem>> -> memref<1x64x512xf32, #tpu.memory_space<vmem>>
    %dma_wait3A_116 = tpu.memref_squeeze %dma_wait3A_115 : memref<1x64x512xf32, #tpu.memory_space<vmem>> -> memref<64x512xf32, #tpu.memory_space<vmem>>
    tpu.wait_dma2 semaphore(%arg11 : memref<!tpu.dma_semaphore, #tpu.memory_space<semaphore_mem>>) src(%dma_wait3A_116 : memref<64x512xf32, #tpu.memory_space<vmem>>) dst(%dma_wait3A_112 : memref<64x512xf32, #tpu.memory_space<hbm>>)
    %dma_start3A_117 = arith.constant 1 : i32
    %dma_start3A_118 = arith.constant 0 : i32
    %dma_start3A_119 = arith.constant 0 : i32
    %dma_start3A_120 = tpu.memref_slice %arg6[%dma_start3A_117, %dma_start3A_118, %dma_start3A_119] : memref<3x64x512xf32, #tpu.memory_space<vmem>> -> memref<1x64x512xf32, #tpu.memory_space<vmem>>
    %dma_start3A_121 = tpu.memref_squeeze %dma_start3A_120 : memref<1x64x512xf32, #tpu.memory_space<vmem>> -> memref<64x512xf32, #tpu.memory_space<vmem>>
    %dma_start3A_122 = arith.constant 256 : i32
    %dma_start3A_123 = tpu.memref_slice %arg5[%dma_start3A_122] : memref<1024xi32, #tpu.memory_space<vmem>> -> memref<64xi32, #tpu.memory_space<vmem>>
    %dma_start3A_124 = arith.constant 0 : i32
    %dma_start3A_125 = arith.constant 0 : i32
    %dma_start3A_126 = tpu.memref_slice %arg2[%dma_start3A_124, %dma_start3A_125] : memref<65536x512xf32, #tpu.memory_space<hbm>> -> memref<65536x512xf32, #tpu.memory_space<hbm>>
    tpu.enqueue_indirect_dma source(%dma_start3A_126 : memref<65536x512xf32, #tpu.memory_space<hbm>>) target(%dma_start3A_121 : memref<64x512xf32, #tpu.memory_space<vmem>>) offsets(%dma_start3A_123 : memref<64xi32, #tpu.memory_space<vmem>>) semaphore(%arg8 : memref<!tpu.dma_semaphore, #tpu.memory_space<semaphore_mem>>)
    %dma_wait3A_127 = arith.constant 2 : i32
    %dma_wait3A_128 = arith.constant 0 : i32
    %dma_wait3A_129 = arith.constant 0 : i32
    %dma_wait3A_130 = tpu.memref_slice %arg6[%dma_wait3A_127, %dma_wait3A_128, %dma_wait3A_129] : memref<3x64x512xf32, #tpu.memory_space<vmem>> -> memref<1x64x512xf32, #tpu.memory_space<vmem>>
    %dma_wait3A_131 = tpu.memref_squeeze %dma_wait3A_130 : memref<1x64x512xf32, #tpu.memory_space<vmem>> -> memref<64x512xf32, #tpu.memory_space<vmem>>
    %dma_wait3A_132 = arith.constant 128 : i32
    %dma_wait3A_133 = tpu.memref_slice %arg5[%dma_wait3A_132] : memref<1024xi32, #tpu.memory_space<vmem>> -> memref<64xi32, #tpu.memory_space<vmem>>
    %dma_wait3A_134 = arith.constant 0 : i32
    %dma_wait3A_135 = arith.constant 0 : i32
    %dma_wait3A_136 = tpu.memref_slice %arg2[%dma_wait3A_134, %dma_wait3A_135] : memref<65536x512xf32, #tpu.memory_space<hbm>> -> memref<65536x512xf32, #tpu.memory_space<hbm>>
    tpu.wait_indirect_dma semaphore(%arg9 : memref<!tpu.dma_semaphore, #tpu.memory_space<semaphore_mem>>) src(%dma_wait3A_136 : memref<65536x512xf32, #tpu.memory_space<hbm>>) dst(%dma_wait3A_131 : memref<64x512xf32, #tpu.memory_space<vmem>>)
    %add3A_137 = arith.constant 128 : i32
    %add3A_138 = arith.addi %mul3A_2, %add3A_137 : i32
    %dma_start3A_139 = arith.constant 2 : i32
    %dma_start3A_140 = arith.constant 0 : i32
    %dma_start3A_141 = arith.constant 0 : i32
    %dma_start3A_142 = tpu.memref_slice %arg6[%dma_start3A_139, %dma_start3A_140, %dma_start3A_141] : memref<3x64x512xf32, #tpu.memory_space<vmem>> -> memref<1x64x512xf32, #tpu.memory_space<vmem>>
    %dma_start3A_143 = tpu.memref_squeeze %dma_start3A_142 : memref<1x64x512xf32, #tpu.memory_space<vmem>> -> memref<64x512xf32, #tpu.memory_space<vmem>>
    %dma_start3A_144 = arith.constant 0 : i32
    %dma_start3A_145 = tpu.memref_slice %arg4[%add3A_138, %dma_start3A_144] : memref<32768x512xf32, #tpu.memory_space<hbm>> -> memref<64x512xf32, #tpu.memory_space<hbm>>
    %dma_start3A_146 = arith.constant 0 : i32
    %dma_start3A_147 = tpu.memref_slice %arg4[%add3A_138, %dma_start3A_146] : memref<32768x512xf32, #tpu.memory_space<hbm>> -> memref<64x512xf32, #tpu.memory_space<hbm>>
    %dma_start3A_148 = arith.constant 0 : i32
    %dma_start3A_149 = arith.constant 0 : i32
    %dma_start3A_150 = tpu.memref_slice %arg6[%dma_start3A_139, %dma_start3A_148, %dma_start3A_149] : memref<3x64x512xf32, #tpu.memory_space<vmem>> -> memref<1x64x512xf32, #tpu.memory_space<vmem>>
    %dma_start3A_151 = tpu.memref_squeeze %dma_start3A_150 : memref<1x64x512xf32, #tpu.memory_space<vmem>> -> memref<64x512xf32, #tpu.memory_space<vmem>>
    tpu.enqueue_dma source(%dma_start3A_151 : memref<64x512xf32, #tpu.memory_space<vmem>>) target(%dma_start3A_147 : memref<64x512xf32, #tpu.memory_space<hbm>>) target_semaphore(%arg12 : memref<!tpu.dma_semaphore, #tpu.memory_space<semaphore_mem>>)
    %dma_wait3A_152 = arith.constant 2 : i32
    %dma_wait3A_153 = arith.constant 0 : i32
    %dma_wait3A_154 = arith.constant 0 : i32
    %dma_wait3A_155 = tpu.memref_slice %arg6[%dma_wait3A_152, %dma_wait3A_153, %dma_wait3A_154] : memref<3x64x512xf32, #tpu.memory_space<vmem>> -> memref<1x64x512xf32, #tpu.memory_space<vmem>>
    %dma_wait3A_156 = tpu.memref_squeeze %dma_wait3A_155 : memref<1x64x512xf32, #tpu.memory_space<vmem>> -> memref<64x512xf32, #tpu.memory_space<vmem>>
    %dma_wait3A_157 = arith.constant 0 : i32
    %dma_wait3A_158 = tpu.memref_slice %arg4[%add3A_138, %dma_wait3A_157] : memref<32768x512xf32, #tpu.memory_space<hbm>> -> memref<64x512xf32, #tpu.memory_space<hbm>>
    %dma_wait3A_159 = arith.constant 0 : i32
    %dma_wait3A_160 = tpu.memref_slice %arg4[%add3A_138, %dma_wait3A_159] : memref<32768x512xf32, #tpu.memory_space<hbm>> -> memref<64x512xf32, #tpu.memory_space<hbm>>
    %dma_wait3A_161 = arith.constant 0 : i32
    %dma_wait3A_162 = arith.constant 0 : i32
    %dma_wait3A_163 = tpu.memref_slice %arg6[%dma_wait3A_152, %dma_wait3A_161, %dma_wait3A_162] : memref<3x64x512xf32, #tpu.memory_space<vmem>> -> memref<1x64x512xf32, #tpu.memory_space<vmem>>
    %dma_wait3A_164 = tpu.memref_squeeze %dma_wait3A_163 : memref<1x64x512xf32, #tpu.memory_space<vmem>> -> memref<64x512xf32, #tpu.memory_space<vmem>>
    tpu.wait_dma2 semaphore(%arg12 : memref<!tpu.dma_semaphore, #tpu.memory_space<semaphore_mem>>) src(%dma_wait3A_164 : memref<64x512xf32, #tpu.memory_space<vmem>>) dst(%dma_wait3A_160 : memref<64x512xf32, #tpu.memory_space<hbm>>)
    %dma_start3A_165 = arith.constant 2 : i32
    %dma_start3A_166 = arith.constant 0 : i32
    %dma_start3A_167 = arith.constant 0 : i32
    %dma_start3A_168 = tpu.memref_slice %arg6[%dma_start3A_165, %dma_start3A_166, %dma_start3A_167] : memref<3x64x512xf32, #tpu.memory_space<vmem>> -> memref<1x64x512xf32, #tpu.memory_space<vmem>>
    %dma_start3A_169 = tpu.memref_squeeze %dma_start3A_168 : memref<1x64x512xf32, #tpu.memory_space<vmem>> -> memref<64x512xf32, #tpu.memory_space<vmem>>
    %dma_start3A_170 = arith.constant 320 : i32
    %dma_start3A_171 = tpu.memref_slice %arg5[%dma_start3A_170] : memref<1024xi32, #tpu.memory_space<vmem>> -> memref<64xi32, #tpu.memory_space<vmem>>
    %dma_start3A_172 = arith.constant 0 : i32
    %dma_start3A_173 = arith.constant 0 : i32
    %dma_start3A_174 = tpu.memref_slice %arg2[%dma_start3A_172, %dma_start3A_173] : memref<65536x512xf32, #tpu.memory_space<hbm>> -> memref<65536x512xf32, #tpu.memory_space<hbm>>
    tpu.enqueue_indirect_dma source(%dma_start3A_174 : memref<65536x512xf32, #tpu.memory_space<hbm>>) target(%dma_start3A_169 : memref<64x512xf32, #tpu.memory_space<vmem>>) offsets(%dma_start3A_171 : memref<64xi32, #tpu.memory_space<vmem>>) semaphore(%arg9 : memref<!tpu.dma_semaphore, #tpu.memory_space<semaphore_mem>>)
    %dma_wait3A_175 = arith.constant 0 : i32
    %dma_wait3A_176 = arith.constant 0 : i32
    %dma_wait3A_177 = arith.constant 0 : i32
    %dma_wait3A_178 = tpu.memref_slice %arg6[%dma_wait3A_175, %dma_wait3A_176, %dma_wait3A_177] : memref<3x64x512xf32, #tpu.memory_space<vmem>> -> memref<1x64x512xf32, #tpu.memory_space<vmem>>
    %dma_wait3A_179 = tpu.memref_squeeze %dma_wait3A_178 : memref<1x64x512xf32, #tpu.memory_space<vmem>> -> memref<64x512xf32, #tpu.memory_space<vmem>>
    %dma_wait3A_180 = arith.constant 192 : i32
    %dma_wait3A_181 = tpu.memref_slice %arg5[%dma_wait3A_180] : memref<1024xi32, #tpu.memory_space<vmem>> -> memref<64xi32, #tpu.memory_space<vmem>>
    %dma_wait3A_182 = arith.constant 0 : i32
    %dma_wait3A_183 = arith.constant 0 : i32
    %dma_wait3A_184 = tpu.memref_slice %arg2[%dma_wait3A_182, %dma_wait3A_183] : memref<65536x512xf32, #tpu.memory_space<hbm>> -> memref<65536x512xf32, #tpu.memory_space<hbm>>
    tpu.wait_indirect_dma semaphore(%arg7 : memref<!tpu.dma_semaphore, #tpu.memory_space<semaphore_mem>>) src(%dma_wait3A_184 : memref<65536x512xf32, #tpu.memory_space<hbm>>) dst(%dma_wait3A_179 : memref<64x512xf32, #tpu.memory_space<vmem>>)
    %add3A_185 = arith.constant 192 : i32
    %add3A_186 = arith.addi %mul3A_2, %add3A_185 : i32
    %dma_start3A_187 = arith.constant 0 : i32
    %dma_start3A_188 = arith.constant 0 : i32
    %dma_start3A_189 = arith.constant 0 : i32
    %dma_start3A_190 = tpu.memref_slice %arg6[%dma_start3A_187, %dma_start3A_188, %dma_start3A_189] : memref<3x64x512xf32, #tpu.memory_space<vmem>> -> memref<1x64x512xf32, #tpu.memory_space<vmem>>
    %dma_start3A_191 = tpu.memref_squeeze %dma_start3A_190 : memref<1x64x512xf32, #tpu.memory_space<vmem>> -> memref<64x512xf32, #tpu.memory_space<vmem>>
    %dma_start3A_192 = arith.constant 0 : i32
    %dma_start3A_193 = tpu.memref_slice %arg4[%add3A_186, %dma_start3A_192] : memref<32768x512xf32, #tpu.memory_space<hbm>> -> memref<64x512xf32, #tpu.memory_space<hbm>>
    %dma_start3A_194 = arith.constant 0 : i32
    %dma_start3A_195 = tpu.memref_slice %arg4[%add3A_186, %dma_start3A_194] : memref<32768x512xf32, #tpu.memory_space<hbm>> -> memref<64x512xf32, #tpu.memory_space<hbm>>
    %dma_start3A_196 = arith.constant 0 : i32
    %dma_start3A_197 = arith.constant 0 : i32
    %dma_start3A_198 = tpu.memref_slice %arg6[%dma_start3A_187, %dma_start3A_196, %dma_start3A_197] : memref<3x64x512xf32, #tpu.memory_space<vmem>> -> memref<1x64x512xf32, #tpu.memory_space<vmem>>
    %dma_start3A_199 = tpu.memref_squeeze %dma_start3A_198 : memref<1x64x512xf32, #tpu.memory_space<vmem>> -> memref<64x512xf32, #tpu.memory_space<vmem>>
    tpu.enqueue_dma source(%dma_start3A_199 : memref<64x512xf32, #tpu.memory_space<vmem>>) target(%dma_start3A_195 : memref<64x512xf32, #tpu.memory_space<hbm>>) target_semaphore(%arg10 : memref<!tpu.dma_semaphore, #tpu.memory_space<semaphore_mem>>)
    %dma_wait3A_200 = arith.constant 0 : i32
    %dma_wait3A_201 = arith.constant 0 : i32
    %dma_wait3A_202 = arith.constant 0 : i32
    %dma_wait3A_203 = tpu.memref_slice %arg6[%dma_wait3A_200, %dma_wait3A_201, %dma_wait3A_202] : memref<3x64x512xf32, #tpu.memory_space<vmem>> -> memref<1x64x512xf32, #tpu.memory_space<vmem>>
    %dma_wait3A_204 = tpu.memref_squeeze %dma_wait3A_203 : memref<1x64x512xf32, #tpu.memory_space<vmem>> -> memref<64x512xf32, #tpu.memory_space<vmem>>
    %dma_wait3A_205 = arith.constant 0 : i32
    %dma_wait3A_206 = tpu.memref_slice %arg4[%add3A_186, %dma_wait3A_205] : memref<32768x512xf32, #tpu.memory_space<hbm>> -> memref<64x512xf32, #tpu.memory_space<hbm>>
    %dma_wait3A_207 = arith.constant 0 : i32
    %dma_wait3A_208 = tpu.memref_slice %arg4[%add3A_186, %dma_wait3A_207] : memref<32768x512xf32, #tpu.memory_space<hbm>> -> memref<64x512xf32, #tpu.memory_space<hbm>>
    %dma_wait3A_209 = arith.constant 0 : i32
    %dma_wait3A_210 = arith.constant 0 : i32
    %dma_wait3A_211 = tpu.memref_slice %arg6[%dma_wait3A_200, %dma_wait3A_209, %dma_wait3A_210] : memref<3x64x512xf32, #tpu.memory_space<vmem>> -> memref<1x64x512xf32, #tpu.memory_space<vmem>>
    %dma_wait3A_212 = tpu.memref_squeeze %dma_wait3A_211 : memref<1x64x512xf32, #tpu.memory_space<vmem>> -> memref<64x512xf32, #tpu.memory_space<vmem>>
    tpu.wait_dma2 semaphore(%arg10 : memref<!tpu.dma_semaphore, #tpu.memory_space<semaphore_mem>>) src(%dma_wait3A_212 : memref<64x512xf32, #tpu.memory_space<vmem>>) dst(%dma_wait3A_208 : memref<64x512xf32, #tpu.memory_space<hbm>>)
    %dma_start3A_213 = arith.constant 0 : i32
    %dma_start3A_214 = arith.constant 0 : i32
    %dma_start3A_215 = arith.constant 0 : i32
    %dma_start3A_216 = tpu.memref_slice %arg6[%dma_start3A_213, %dma_start3A_214, %dma_start3A_215] : memref<3x64x512xf32, #tpu.memory_space<vmem>> -> memref<1x64x512xf32, #tpu.memory_space<vmem>>
    %dma_start3A_217 = tpu.memref_squeeze %dma_start3A_216 : memref<1x64x512xf32, #tpu.memory_space<vmem>> -> memref<64x512xf32, #tpu.memory_space<vmem>>
    %dma_start3A_218 = arith.constant 384 : i32
    %dma_start3A_219 = tpu.memref_slice %arg5[%dma_start3A_218] : memref<1024xi32, #tpu.memory_space<vmem>> -> memref<64xi32, #tpu.memory_space<vmem>>
    %dma_start3A_220 = arith.constant 0 : i32
    %dma_start3A_221 = arith.constant 0 : i32
    %dma_start3A_222 = tpu.memref_slice %arg2[%dma_start3A_220, %dma_start3A_221] : memref<65536x512xf32, #tpu.memory_space<hbm>> -> memref<65536x512xf32, #tpu.memory_space<hbm>>
    tpu.enqueue_indirect_dma source(%dma_start3A_222 : memref<65536x512xf32, #tpu.memory_space<hbm>>) target(%dma_start3A_217 : memref<64x512xf32, #tpu.memory_space<vmem>>) offsets(%dma_start3A_219 : memref<64xi32, #tpu.memory_space<vmem>>) semaphore(%arg7 : memref<!tpu.dma_semaphore, #tpu.memory_space<semaphore_mem>>)
    %dma_wait3A_223 = arith.constant 1 : i32
    %dma_wait3A_224 = arith.constant 0 : i32
    %dma_wait3A_225 = arith.constant 0 : i32
    %dma_wait3A_226 = tpu.memref_slice %arg6[%dma_wait3A_223, %dma_wait3A_224, %dma_wait3A_225] : memref<3x64x512xf32, #tpu.memory_space<vmem>> -> memref<1x64x512xf32, #tpu.memory_space<vmem>>
    %dma_wait3A_227 = tpu.memref_squeeze %dma_wait3A_226 : memref<1x64x512xf32, #tpu.memory_space<vmem>> -> memref<64x512xf32, #tpu.memory_space<vmem>>
    %dma_wait3A_228 = arith.constant 256 : i32
    %dma_wait3A_229 = tpu.memref_slice %arg5[%dma_wait3A_228] : memref<1024xi32, #tpu.memory_space<vmem>> -> memref<64xi32, #tpu.memory_space<vmem>>
    %dma_wait3A_230 = arith.constant 0 : i32
    %dma_wait3A_231 = arith.constant 0 : i32
    %dma_wait3A_232 = tpu.memref_slice %arg2[%dma_wait3A_230, %dma_wait3A_231] : memref<65536x512xf32, #tpu.memory_space<hbm>> -> memref<65536x512xf32, #tpu.memory_space<hbm>>
    tpu.wait_indirect_dma semaphore(%arg8 : memref<!tpu.dma_semaphore, #tpu.memory_space<semaphore_mem>>) src(%dma_wait3A_232 : memref<65536x512xf32, #tpu.memory_space<hbm>>) dst(%dma_wait3A_227 : memref<64x512xf32, #tpu.memory_space<vmem>>)
    %add3A_233 = arith.constant 256 : i32
    %add3A_234 = arith.addi %mul3A_2, %add3A_233 : i32
    %dma_start3A_235 = arith.constant 1 : i32
    %dma_start3A_236 = arith.constant 0 : i32
    %dma_start3A_237 = arith.constant 0 : i32
    %dma_start3A_238 = tpu.memref_slice %arg6[%dma_start3A_235, %dma_start3A_236, %dma_start3A_237] : memref<3x64x512xf32, #tpu.memory_space<vmem>> -> memref<1x64x512xf32, #tpu.memory_space<vmem>>
    %dma_start3A_239 = tpu.memref_squeeze %dma_start3A_238 : memref<1x64x512xf32, #tpu.memory_space<vmem>> -> memref<64x512xf32, #tpu.memory_space<vmem>>
    %dma_start3A_240 = arith.constant 0 : i32
    %dma_start3A_241 = tpu.memref_slice %arg4[%add3A_234, %dma_start3A_240] : memref<32768x512xf32, #tpu.memory_space<hbm>> -> memref<64x512xf32, #tpu.memory_space<hbm>>
    %dma_start3A_242 = arith.constant 0 : i32
    %dma_start3A_243 = tpu.memref_slice %arg4[%add3A_234, %dma_start3A_242] : memref<32768x512xf32, #tpu.memory_space<hbm>> -> memref<64x512xf32, #tpu.memory_space<hbm>>
    %dma_start3A_244 = arith.constant 0 : i32
    %dma_start3A_245 = arith.constant 0 : i32
    %dma_start3A_246 = tpu.memref_slice %arg6[%dma_start3A_235, %dma_start3A_244, %dma_start3A_245] : memref<3x64x512xf32, #tpu.memory_space<vmem>> -> memref<1x64x512xf32, #tpu.memory_space<vmem>>
    %dma_start3A_247 = tpu.memref_squeeze %dma_start3A_246 : memref<1x64x512xf32, #tpu.memory_space<vmem>> -> memref<64x512xf32, #tpu.memory_space<vmem>>
    tpu.enqueue_dma source(%dma_start3A_247 : memref<64x512xf32, #tpu.memory_space<vmem>>) target(%dma_start3A_243 : memref<64x512xf32, #tpu.memory_space<hbm>>) target_semaphore(%arg11 : memref<!tpu.dma_semaphore, #tpu.memory_space<semaphore_mem>>)
    %dma_wait3A_248 = arith.constant 1 : i32
    %dma_wait3A_249 = arith.constant 0 : i32
    %dma_wait3A_250 = arith.constant 0 : i32
    %dma_wait3A_251 = tpu.memref_slice %arg6[%dma_wait3A_248, %dma_wait3A_249, %dma_wait3A_250] : memref<3x64x512xf32, #tpu.memory_space<vmem>> -> memref<1x64x512xf32, #tpu.memory_space<vmem>>
    %dma_wait3A_252 = tpu.memref_squeeze %dma_wait3A_251 : memref<1x64x512xf32, #tpu.memory_space<vmem>> -> memref<64x512xf32, #tpu.memory_space<vmem>>
    %dma_wait3A_253 = arith.constant 0 : i32
    %dma_wait3A_254 = tpu.memref_slice %arg4[%add3A_234, %dma_wait3A_253] : memref<32768x512xf32, #tpu.memory_space<hbm>> -> memref<64x512xf32, #tpu.memory_space<hbm>>
    %dma_wait3A_255 = arith.constant 0 : i32
    %dma_wait3A_256 = tpu.memref_slice %arg4[%add3A_234, %dma_wait3A_255] : memref<32768x512xf32, #tpu.memory_space<hbm>> -> memref<64x512xf32, #tpu.memory_space<hbm>>
    %dma_wait3A_257 = arith.constant 0 : i32
    %dma_wait3A_258 = arith.constant 0 : i32
    %dma_wait3A_259 = tpu.memref_slice %arg6[%dma_wait3A_248, %dma_wait3A_257, %dma_wait3A_258] : memref<3x64x512xf32, #tpu.memory_space<vmem>> -> memref<1x64x512xf32, #tpu.memory_space<vmem>>
    %dma_wait3A_260 = tpu.memref_squeeze %dma_wait3A_259 : memref<1x64x512xf32, #tpu.memory_space<vmem>> -> memref<64x512xf32, #tpu.memory_space<vmem>>
    tpu.wait_dma2 semaphore(%arg11 : memref<!tpu.dma_semaphore, #tpu.memory_space<semaphore_mem>>) src(%dma_wait3A_260 : memref<64x512xf32, #tpu.memory_space<vmem>>) dst(%dma_wait3A_256 : memref<64x512xf32, #tpu.memory_space<hbm>>)
    %dma_start3A_261 = arith.constant 1 : i32
    %dma_start3A_262 = arith.constant 0 : i32
    %dma_start3A_263 = arith.constant 0 : i32
    %dma_start3A_264 = tpu.memref_slice %arg6[%dma_start3A_261, %dma_start3A_262, %dma_start3A_263] : memref<3x64x512xf32, #tpu.memory_space<vmem>> -> memref<1x64x512xf32, #tpu.memory_space<vmem>>
    %dma_start3A_265 = tpu.memref_squeeze %dma_start3A_264 : memref<1x64x512xf32, #tpu.memory_space<vmem>> -> memref<64x512xf32, #tpu.memory_space<vmem>>
    %dma_start3A_266 = arith.constant 448 : i32
    %dma_start3A_267 = tpu.memref_slice %arg5[%dma_start3A_266] : memref<1024xi32, #tpu.memory_space<vmem>> -> memref<64xi32, #tpu.memory_space<vmem>>
    %dma_start3A_268 = arith.constant 0 : i32
    %dma_start3A_269 = arith.constant 0 : i32
    %dma_start3A_270 = tpu.memref_slice %arg2[%dma_start3A_268, %dma_start3A_269] : memref<65536x512xf32, #tpu.memory_space<hbm>> -> memref<65536x512xf32, #tpu.memory_space<hbm>>
    tpu.enqueue_indirect_dma source(%dma_start3A_270 : memref<65536x512xf32, #tpu.memory_space<hbm>>) target(%dma_start3A_265 : memref<64x512xf32, #tpu.memory_space<vmem>>) offsets(%dma_start3A_267 : memref<64xi32, #tpu.memory_space<vmem>>) semaphore(%arg8 : memref<!tpu.dma_semaphore, #tpu.memory_space<semaphore_mem>>)
    %dma_wait3A_271 = arith.constant 2 : i32
    %dma_wait3A_272 = arith.constant 0 : i32
    %dma_wait3A_273 = arith.constant 0 : i32
    %dma_wait3A_274 = tpu.memref_slice %arg6[%dma_wait3A_271, %dma_wait3A_272, %dma_wait3A_273] : memref<3x64x512xf32, #tpu.memory_space<vmem>> -> memref<1x64x512xf32, #tpu.memory_space<vmem>>
    %dma_wait3A_275 = tpu.memref_squeeze %dma_wait3A_274 : memref<1x64x512xf32, #tpu.memory_space<vmem>> -> memref<64x512xf32, #tpu.memory_space<vmem>>
    %dma_wait3A_276 = arith.constant 320 : i32
    %dma_wait3A_277 = tpu.memref_slice %arg5[%dma_wait3A_276] : memref<1024xi32, #tpu.memory_space<vmem>> -> memref<64xi32, #tpu.memory_space<vmem>>
    %dma_wait3A_278 = arith.constant 0 : i32
    %dma_wait3A_279 = arith.constant 0 : i32
    %dma_wait3A_280 = tpu.memref_slice %arg2[%dma_wait3A_278, %dma_wait3A_279] : memref<65536x512xf32, #tpu.memory_space<hbm>> -> memref<65536x512xf32, #tpu.memory_space<hbm>>
    tpu.wait_indirect_dma semaphore(%arg9 : memref<!tpu.dma_semaphore, #tpu.memory_space<semaphore_mem>>) src(%dma_wait3A_280 : memref<65536x512xf32, #tpu.memory_space<hbm>>) dst(%dma_wait3A_275 : memref<64x512xf32, #tpu.memory_space<vmem>>)
    %add3A_281 = arith.constant 320 : i32
    %add3A_282 = arith.addi %mul3A_2, %add3A_281 : i32
    %dma_start3A_283 = arith.constant 2 : i32
    %dma_start3A_284 = arith.constant 0 : i32
    %dma_start3A_285 = arith.constant 0 : i32
    %dma_start3A_286 = tpu.memref_slice %arg6[%dma_start3A_283, %dma_start3A_284, %dma_start3A_285] : memref<3x64x512xf32, #tpu.memory_space<vmem>> -> memref<1x64x512xf32, #tpu.memory_space<vmem>>
    %dma_start3A_287 = tpu.memref_squeeze %dma_start3A_286 : memref<1x64x512xf32, #tpu.memory_space<vmem>> -> memref<64x512xf32, #tpu.memory_space<vmem>>
    %dma_start3A_288 = arith.constant 0 : i32
    %dma_start3A_289 = tpu.memref_slice %arg4[%add3A_282, %dma_start3A_288] : memref<32768x512xf32, #tpu.memory_space<hbm>> -> memref<64x512xf32, #tpu.memory_space<hbm>>
    %dma_start3A_290 = arith.constant 0 : i32
    %dma_start3A_291 = tpu.memref_slice %arg4[%add3A_282, %dma_start3A_290] : memref<32768x512xf32, #tpu.memory_space<hbm>> -> memref<64x512xf32, #tpu.memory_space<hbm>>
    %dma_start3A_292 = arith.constant 0 : i32
    %dma_start3A_293 = arith.constant 0 : i32
    %dma_start3A_294 = tpu.memref_slice %arg6[%dma_start3A_283, %dma_start3A_292, %dma_start3A_293] : memref<3x64x512xf32, #tpu.memory_space<vmem>> -> memref<1x64x512xf32, #tpu.memory_space<vmem>>
    %dma_start3A_295 = tpu.memref_squeeze %dma_start3A_294 : memref<1x64x512xf32, #tpu.memory_space<vmem>> -> memref<64x512xf32, #tpu.memory_space<vmem>>
    tpu.enqueue_dma source(%dma_start3A_295 : memref<64x512xf32, #tpu.memory_space<vmem>>) target(%dma_start3A_291 : memref<64x512xf32, #tpu.memory_space<hbm>>) target_semaphore(%arg12 : memref<!tpu.dma_semaphore, #tpu.memory_space<semaphore_mem>>)
    %dma_wait3A_296 = arith.constant 2 : i32
    %dma_wait3A_297 = arith.constant 0 : i32
    %dma_wait3A_298 = arith.constant 0 : i32
    %dma_wait3A_299 = tpu.memref_slice %arg6[%dma_wait3A_296, %dma_wait3A_297, %dma_wait3A_298] : memref<3x64x512xf32, #tpu.memory_space<vmem>> -> memref<1x64x512xf32, #tpu.memory_space<vmem>>
    %dma_wait3A_300 = tpu.memref_squeeze %dma_wait3A_299 : memref<1x64x512xf32, #tpu.memory_space<vmem>> -> memref<64x512xf32, #tpu.memory_space<vmem>>
    %dma_wait3A_301 = arith.constant 0 : i32
    %dma_wait3A_302 = tpu.memref_slice %arg4[%add3A_282, %dma_wait3A_301] : memref<32768x512xf32, #tpu.memory_space<hbm>> -> memref<64x512xf32, #tpu.memory_space<hbm>>
    %dma_wait3A_303 = arith.constant 0 : i32
    %dma_wait3A_304 = tpu.memref_slice %arg4[%add3A_282, %dma_wait3A_303] : memref<32768x512xf32, #tpu.memory_space<hbm>> -> memref<64x512xf32, #tpu.memory_space<hbm>>
    %dma_wait3A_305 = arith.constant 0 : i32
    %dma_wait3A_306 = arith.constant 0 : i32
    %dma_wait3A_307 = tpu.memref_slice %arg6[%dma_wait3A_296, %dma_wait3A_305, %dma_wait3A_306] : memref<3x64x512xf32, #tpu.memory_space<vmem>> -> memref<1x64x512xf32, #tpu.memory_space<vmem>>
    %dma_wait3A_308 = tpu.memref_squeeze %dma_wait3A_307 : memref<1x64x512xf32, #tpu.memory_space<vmem>> -> memref<64x512xf32, #tpu.memory_space<vmem>>
    tpu.wait_dma2 semaphore(%arg12 : memref<!tpu.dma_semaphore, #tpu.memory_space<semaphore_mem>>) src(%dma_wait3A_308 : memref<64x512xf32, #tpu.memory_space<vmem>>) dst(%dma_wait3A_304 : memref<64x512xf32, #tpu.memory_space<hbm>>)
    %dma_start3A_309 = arith.constant 2 : i32
    %dma_start3A_310 = arith.constant 0 : i32
    %dma_start3A_311 = arith.constant 0 : i32
    %dma_start3A_312 = tpu.memref_slice %arg6[%dma_start3A_309, %dma_start3A_310, %dma_start3A_311] : memref<3x64x512xf32, #tpu.memory_space<vmem>> -> memref<1x64x512xf32, #tpu.memory_space<vmem>>
    %dma_start3A_313 = tpu.memref_squeeze %dma_start3A_312 : memref<1x64x512xf32, #tpu.memory_space<vmem>> -> memref<64x512xf32, #tpu.memory_space<vmem>>
    %dma_start3A_314 = arith.constant 512 : i32
    %dma_start3A_315 = tpu.memref_slice %arg5[%dma_start3A_314] : memref<1024xi32, #tpu.memory_space<vmem>> -> memref<64xi32, #tpu.memory_space<vmem>>
    %dma_start3A_316 = arith.constant 0 : i32
    %dma_start3A_317 = arith.constant 0 : i32
    %dma_start3A_318 = tpu.memref_slice %arg2[%dma_start3A_316, %dma_start3A_317] : memref<65536x512xf32, #tpu.memory_space<hbm>> -> memref<65536x512xf32, #tpu.memory_space<hbm>>
    tpu.enqueue_indirect_dma source(%dma_start3A_318 : memref<65536x512xf32, #tpu.memory_space<hbm>>) target(%dma_start3A_313 : memref<64x512xf32, #tpu.memory_space<vmem>>) offsets(%dma_start3A_315 : memref<64xi32, #tpu.memory_space<vmem>>) semaphore(%arg9 : memref<!tpu.dma_semaphore, #tpu.memory_space<semaphore_mem>>)
    %dma_wait3A_319 = arith.constant 0 : i32
    %dma_wait3A_320 = arith.constant 0 : i32
    %dma_wait3A_321 = arith.constant 0 : i32
    %dma_wait3A_322 = tpu.memref_slice %arg6[%dma_wait3A_319, %dma_wait3A_320, %dma_wait3A_321] : memref<3x64x512xf32, #tpu.memory_space<vmem>> -> memref<1x64x512xf32, #tpu.memory_space<vmem>>
    %dma_wait3A_323 = tpu.memref_squeeze %dma_wait3A_322 : memref<1x64x512xf32, #tpu.memory_space<vmem>> -> memref<64x512xf32, #tpu.memory_space<vmem>>
    %dma_wait3A_324 = arith.constant 384 : i32
    %dma_wait3A_325 = tpu.memref_slice %arg5[%dma_wait3A_324] : memref<1024xi32, #tpu.memory_space<vmem>> -> memref<64xi32, #tpu.memory_space<vmem>>
    %dma_wait3A_326 = arith.constant 0 : i32
    %dma_wait3A_327 = arith.constant 0 : i32
    %dma_wait3A_328 = tpu.memref_slice %arg2[%dma_wait3A_326, %dma_wait3A_327] : memref<65536x512xf32, #tpu.memory_space<hbm>> -> memref<65536x512xf32, #tpu.memory_space<hbm>>
    tpu.wait_indirect_dma semaphore(%arg7 : memref<!tpu.dma_semaphore, #tpu.memory_space<semaphore_mem>>) src(%dma_wait3A_328 : memref<65536x512xf32, #tpu.memory_space<hbm>>) dst(%dma_wait3A_323 : memref<64x512xf32, #tpu.memory_space<vmem>>)
    %add3A_329 = arith.constant 384 : i32
    %add3A_330 = arith.addi %mul3A_2, %add3A_329 : i32
    %dma_start3A_331 = arith.constant 0 : i32
    %dma_start3A_332 = arith.constant 0 : i32
    %dma_start3A_333 = arith.constant 0 : i32
    %dma_start3A_334 = tpu.memref_slice %arg6[%dma_start3A_331, %dma_start3A_332, %dma_start3A_333] : memref<3x64x512xf32, #tpu.memory_space<vmem>> -> memref<1x64x512xf32, #tpu.memory_space<vmem>>
    %dma_start3A_335 = tpu.memref_squeeze %dma_start3A_334 : memref<1x64x512xf32, #tpu.memory_space<vmem>> -> memref<64x512xf32, #tpu.memory_space<vmem>>
    %dma_start3A_336 = arith.constant 0 : i32
    %dma_start3A_337 = tpu.memref_slice %arg4[%add3A_330, %dma_start3A_336] : memref<32768x512xf32, #tpu.memory_space<hbm>> -> memref<64x512xf32, #tpu.memory_space<hbm>>
    %dma_start3A_338 = arith.constant 0 : i32
    %dma_start3A_339 = tpu.memref_slice %arg4[%add3A_330, %dma_start3A_338] : memref<32768x512xf32, #tpu.memory_space<hbm>> -> memref<64x512xf32, #tpu.memory_space<hbm>>
    %dma_start3A_340 = arith.constant 0 : i32
    %dma_start3A_341 = arith.constant 0 : i32
    %dma_start3A_342 = tpu.memref_slice %arg6[%dma_start3A_331, %dma_start3A_340, %dma_start3A_341] : memref<3x64x512xf32, #tpu.memory_space<vmem>> -> memref<1x64x512xf32, #tpu.memory_space<vmem>>
    %dma_start3A_343 = tpu.memref_squeeze %dma_start3A_342 : memref<1x64x512xf32, #tpu.memory_space<vmem>> -> memref<64x512xf32, #tpu.memory_space<vmem>>
    tpu.enqueue_dma source(%dma_start3A_343 : memref<64x512xf32, #tpu.memory_space<vmem>>) target(%dma_start3A_339 : memref<64x512xf32, #tpu.memory_space<hbm>>) target_semaphore(%arg10 : memref<!tpu.dma_semaphore, #tpu.memory_space<semaphore_mem>>)
    %dma_wait3A_344 = arith.constant 0 : i32
    %dma_wait3A_345 = arith.constant 0 : i32
    %dma_wait3A_346 = arith.constant 0 : i32
    %dma_wait3A_347 = tpu.memref_slice %arg6[%dma_wait3A_344, %dma_wait3A_345, %dma_wait3A_346] : memref<3x64x512xf32, #tpu.memory_space<vmem>> -> memref<1x64x512xf32, #tpu.memory_space<vmem>>
    %dma_wait3A_348 = tpu.memref_squeeze %dma_wait3A_347 : memref<1x64x512xf32, #tpu.memory_space<vmem>> -> memref<64x512xf32, #tpu.memory_space<vmem>>
    %dma_wait3A_349 = arith.constant 0 : i32
    %dma_wait3A_350 = tpu.memref_slice %arg4[%add3A_330, %dma_wait3A_349] : memref<32768x512xf32, #tpu.memory_space<hbm>> -> memref<64x512xf32, #tpu.memory_space<hbm>>
    %dma_wait3A_351 = arith.constant 0 : i32
    %dma_wait3A_352 = tpu.memref_slice %arg4[%add3A_330, %dma_wait3A_351] : memref<32768x512xf32, #tpu.memory_space<hbm>> -> memref<64x512xf32, #tpu.memory_space<hbm>>
    %dma_wait3A_353 = arith.constant 0 : i32
    %dma_wait3A_354 = arith.constant 0 : i32
    %dma_wait3A_355 = tpu.memref_slice %arg6[%dma_wait3A_344, %dma_wait3A_353, %dma_wait3A_354] : memref<3x64x512xf32, #tpu.memory_space<vmem>> -> memref<1x64x512xf32, #tpu.memory_space<vmem>>
    %dma_wait3A_356 = tpu.memref_squeeze %dma_wait3A_355 : memref<1x64x512xf32, #tpu.memory_space<vmem>> -> memref<64x512xf32, #tpu.memory_space<vmem>>
    tpu.wait_dma2 semaphore(%arg10 : memref<!tpu.dma_semaphore, #tpu.memory_space<semaphore_mem>>) src(%dma_wait3A_356 : memref<64x512xf32, #tpu.memory_space<vmem>>) dst(%dma_wait3A_352 : memref<64x512xf32, #tpu.memory_space<hbm>>)
    %dma_start3A_357 = arith.constant 0 : i32
    %dma_start3A_358 = arith.constant 0 : i32
    %dma_start3A_359 = arith.constant 0 : i32
    %dma_start3A_360 = tpu.memref_slice %arg6[%dma_start3A_357, %dma_start3A_358, %dma_start3A_359] : memref<3x64x512xf32, #tpu.memory_space<vmem>> -> memref<1x64x512xf32, #tpu.memory_space<vmem>>
    %dma_start3A_361 = tpu.memref_squeeze %dma_start3A_360 : memref<1x64x512xf32, #tpu.memory_space<vmem>> -> memref<64x512xf32, #tpu.memory_space<vmem>>
    %dma_start3A_362 = arith.constant 576 : i32
    %dma_start3A_363 = tpu.memref_slice %arg5[%dma_start3A_362] : memref<1024xi32, #tpu.memory_space<vmem>> -> memref<64xi32, #tpu.memory_space<vmem>>
    %dma_start3A_364 = arith.constant 0 : i32
    %dma_start3A_365 = arith.constant 0 : i32
    %dma_start3A_366 = tpu.memref_slice %arg2[%dma_start3A_364, %dma_start3A_365] : memref<65536x512xf32, #tpu.memory_space<hbm>> -> memref<65536x512xf32, #tpu.memory_space<hbm>>
    tpu.enqueue_indirect_dma source(%dma_start3A_366 : memref<65536x512xf32, #tpu.memory_space<hbm>>) target(%dma_start3A_361 : memref<64x512xf32, #tpu.memory_space<vmem>>) offsets(%dma_start3A_363 : memref<64xi32, #tpu.memory_space<vmem>>) semaphore(%arg7 : memref<!tpu.dma_semaphore, #tpu.memory_space<semaphore_mem>>)
    %dma_wait3A_367 = arith.constant 1 : i32
    %dma_wait3A_368 = arith.constant 0 : i32
    %dma_wait3A_369 = arith.constant 0 : i32
    %dma_wait3A_370 = tpu.memref_slice %arg6[%dma_wait3A_367, %dma_wait3A_368, %dma_wait3A_369] : memref<3x64x512xf32, #tpu.memory_space<vmem>> -> memref<1x64x512xf32, #tpu.memory_space<vmem>>
    %dma_wait3A_371 = tpu.memref_squeeze %dma_wait3A_370 : memref<1x64x512xf32, #tpu.memory_space<vmem>> -> memref<64x512xf32, #tpu.memory_space<vmem>>
    %dma_wait3A_372 = arith.constant 448 : i32
    %dma_wait3A_373 = tpu.memref_slice %arg5[%dma_wait3A_372] : memref<1024xi32, #tpu.memory_space<vmem>> -> memref<64xi32, #tpu.memory_space<vmem>>
    %dma_wait3A_374 = arith.constant 0 : i32
    %dma_wait3A_375 = arith.constant 0 : i32
    %dma_wait3A_376 = tpu.memref_slice %arg2[%dma_wait3A_374, %dma_wait3A_375] : memref<65536x512xf32, #tpu.memory_space<hbm>> -> memref<65536x512xf32, #tpu.memory_space<hbm>>
    tpu.wait_indirect_dma semaphore(%arg8 : memref<!tpu.dma_semaphore, #tpu.memory_space<semaphore_mem>>) src(%dma_wait3A_376 : memref<65536x512xf32, #tpu.memory_space<hbm>>) dst(%dma_wait3A_371 : memref<64x512xf32, #tpu.memory_space<vmem>>)
    %add3A_377 = arith.constant 448 : i32
    %add3A_378 = arith.addi %mul3A_2, %add3A_377 : i32
    %dma_start3A_379 = arith.constant 1 : i32
    %dma_start3A_380 = arith.constant 0 : i32
    %dma_start3A_381 = arith.constant 0 : i32
    %dma_start3A_382 = tpu.memref_slice %arg6[%dma_start3A_379, %dma_start3A_380, %dma_start3A_381] : memref<3x64x512xf32, #tpu.memory_space<vmem>> -> memref<1x64x512xf32, #tpu.memory_space<vmem>>
    %dma_start3A_383 = tpu.memref_squeeze %dma_start3A_382 : memref<1x64x512xf32, #tpu.memory_space<vmem>> -> memref<64x512xf32, #tpu.memory_space<vmem>>
    %dma_start3A_384 = arith.constant 0 : i32
    %dma_start3A_385 = tpu.memref_slice %arg4[%add3A_378, %dma_start3A_384] : memref<32768x512xf32, #tpu.memory_space<hbm>> -> memref<64x512xf32, #tpu.memory_space<hbm>>
    %dma_start3A_386 = arith.constant 0 : i32
    %dma_start3A_387 = tpu.memref_slice %arg4[%add3A_378, %dma_start3A_386] : memref<32768x512xf32, #tpu.memory_space<hbm>> -> memref<64x512xf32, #tpu.memory_space<hbm>>
    %dma_start3A_388 = arith.constant 0 : i32
    %dma_start3A_389 = arith.constant 0 : i32
    %dma_start3A_390 = tpu.memref_slice %arg6[%dma_start3A_379, %dma_start3A_388, %dma_start3A_389] : memref<3x64x512xf32, #tpu.memory_space<vmem>> -> memref<1x64x512xf32, #tpu.memory_space<vmem>>
    %dma_start3A_391 = tpu.memref_squeeze %dma_start3A_390 : memref<1x64x512xf32, #tpu.memory_space<vmem>> -> memref<64x512xf32, #tpu.memory_space<vmem>>
    tpu.enqueue_dma source(%dma_start3A_391 : memref<64x512xf32, #tpu.memory_space<vmem>>) target(%dma_start3A_387 : memref<64x512xf32, #tpu.memory_space<hbm>>) target_semaphore(%arg11 : memref<!tpu.dma_semaphore, #tpu.memory_space<semaphore_mem>>)
    %dma_wait3A_392 = arith.constant 1 : i32
    %dma_wait3A_393 = arith.constant 0 : i32
    %dma_wait3A_394 = arith.constant 0 : i32
    %dma_wait3A_395 = tpu.memref_slice %arg6[%dma_wait3A_392, %dma_wait3A_393, %dma_wait3A_394] : memref<3x64x512xf32, #tpu.memory_space<vmem>> -> memref<1x64x512xf32, #tpu.memory_space<vmem>>
    %dma_wait3A_396 = tpu.memref_squeeze %dma_wait3A_395 : memref<1x64x512xf32, #tpu.memory_space<vmem>> -> memref<64x512xf32, #tpu.memory_space<vmem>>
    %dma_wait3A_397 = arith.constant 0 : i32
    %dma_wait3A_398 = tpu.memref_slice %arg4[%add3A_378, %dma_wait3A_397] : memref<32768x512xf32, #tpu.memory_space<hbm>> -> memref<64x512xf32, #tpu.memory_space<hbm>>
    %dma_wait3A_399 = arith.constant 0 : i32
    %dma_wait3A_400 = tpu.memref_slice %arg4[%add3A_378, %dma_wait3A_399] : memref<32768x512xf32, #tpu.memory_space<hbm>> -> memref<64x512xf32, #tpu.memory_space<hbm>>
    %dma_wait3A_401 = arith.constant 0 : i32
    %dma_wait3A_402 = arith.constant 0 : i32
    %dma_wait3A_403 = tpu.memref_slice %arg6[%dma_wait3A_392, %dma_wait3A_401, %dma_wait3A_402] : memref<3x64x512xf32, #tpu.memory_space<vmem>> -> memref<1x64x512xf32, #tpu.memory_space<vmem>>
    %dma_wait3A_404 = tpu.memref_squeeze %dma_wait3A_403 : memref<1x64x512xf32, #tpu.memory_space<vmem>> -> memref<64x512xf32, #tpu.memory_space<vmem>>
    tpu.wait_dma2 semaphore(%arg11 : memref<!tpu.dma_semaphore, #tpu.memory_space<semaphore_mem>>) src(%dma_wait3A_404 : memref<64x512xf32, #tpu.memory_space<vmem>>) dst(%dma_wait3A_400 : memref<64x512xf32, #tpu.memory_space<hbm>>)
    %dma_start3A_405 = arith.constant 1 : i32
    %dma_start3A_406 = arith.constant 0 : i32
    %dma_start3A_407 = arith.constant 0 : i32
    %dma_start3A_408 = tpu.memref_slice %arg6[%dma_start3A_405, %dma_start3A_406, %dma_start3A_407] : memref<3x64x512xf32, #tpu.memory_space<vmem>> -> memref<1x64x512xf32, #tpu.memory_space<vmem>>
    %dma_start3A_409 = tpu.memref_squeeze %dma_start3A_408 : memref<1x64x512xf32, #tpu.memory_space<vmem>> -> memref<64x512xf32, #tpu.memory_space<vmem>>
    %dma_start3A_410 = arith.constant 640 : i32
    %dma_start3A_411 = tpu.memref_slice %arg5[%dma_start3A_410] : memref<1024xi32, #tpu.memory_space<vmem>> -> memref<64xi32, #tpu.memory_space<vmem>>
    %dma_start3A_412 = arith.constant 0 : i32
    %dma_start3A_413 = arith.constant 0 : i32
    %dma_start3A_414 = tpu.memref_slice %arg2[%dma_start3A_412, %dma_start3A_413] : memref<65536x512xf32, #tpu.memory_space<hbm>> -> memref<65536x512xf32, #tpu.memory_space<hbm>>
    tpu.enqueue_indirect_dma source(%dma_start3A_414 : memref<65536x512xf32, #tpu.memory_space<hbm>>) target(%dma_start3A_409 : memref<64x512xf32, #tpu.memory_space<vmem>>) offsets(%dma_start3A_411 : memref<64xi32, #tpu.memory_space<vmem>>) semaphore(%arg8 : memref<!tpu.dma_semaphore, #tpu.memory_space<semaphore_mem>>)
    %dma_wait3A_415 = arith.constant 2 : i32
    %dma_wait3A_416 = arith.constant 0 : i32
    %dma_wait3A_417 = arith.constant 0 : i32
    %dma_wait3A_418 = tpu.memref_slice %arg6[%dma_wait3A_415, %dma_wait3A_416, %dma_wait3A_417] : memref<3x64x512xf32, #tpu.memory_space<vmem>> -> memref<1x64x512xf32, #tpu.memory_space<vmem>>
    %dma_wait3A_419 = tpu.memref_squeeze %dma_wait3A_418 : memref<1x64x512xf32, #tpu.memory_space<vmem>> -> memref<64x512xf32, #tpu.memory_space<vmem>>
    %dma_wait3A_420 = arith.constant 512 : i32
    %dma_wait3A_421 = tpu.memref_slice %arg5[%dma_wait3A_420] : memref<1024xi32, #tpu.memory_space<vmem>> -> memref<64xi32, #tpu.memory_space<vmem>>
    %dma_wait3A_422 = arith.constant 0 : i32
    %dma_wait3A_423 = arith.constant 0 : i32
    %dma_wait3A_424 = tpu.memref_slice %arg2[%dma_wait3A_422, %dma_wait3A_423] : memref<65536x512xf32, #tpu.memory_space<hbm>> -> memref<65536x512xf32, #tpu.memory_space<hbm>>
    tpu.wait_indirect_dma semaphore(%arg9 : memref<!tpu.dma_semaphore, #tpu.memory_space<semaphore_mem>>) src(%dma_wait3A_424 : memref<65536x512xf32, #tpu.memory_space<hbm>>) dst(%dma_wait3A_419 : memref<64x512xf32, #tpu.memory_space<vmem>>)
    %add3A_425 = arith.constant 512 : i32
    %add3A_426 = arith.addi %mul3A_2, %add3A_425 : i32
    %dma_start3A_427 = arith.constant 2 : i32
    %dma_start3A_428 = arith.constant 0 : i32
    %dma_start3A_429 = arith.constant 0 : i32
    %dma_start3A_430 = tpu.memref_slice %arg6[%dma_start3A_427, %dma_start3A_428, %dma_start3A_429] : memref<3x64x512xf32, #tpu.memory_space<vmem>> -> memref<1x64x512xf32, #tpu.memory_space<vmem>>
    %dma_start3A_431 = tpu.memref_squeeze %dma_start3A_430 : memref<1x64x512xf32, #tpu.memory_space<vmem>> -> memref<64x512xf32, #tpu.memory_space<vmem>>
    %dma_start3A_432 = arith.constant 0 : i32
    %dma_start3A_433 = tpu.memref_slice %arg4[%add3A_426, %dma_start3A_432] : memref<32768x512xf32, #tpu.memory_space<hbm>> -> memref<64x512xf32, #tpu.memory_space<hbm>>
    %dma_start3A_434 = arith.constant 0 : i32
    %dma_start3A_435 = tpu.memref_slice %arg4[%add3A_426, %dma_start3A_434] : memref<32768x512xf32, #tpu.memory_space<hbm>> -> memref<64x512xf32, #tpu.memory_space<hbm>>
    %dma_start3A_436 = arith.constant 0 : i32
    %dma_start3A_437 = arith.constant 0 : i32
    %dma_start3A_438 = tpu.memref_slice %arg6[%dma_start3A_427, %dma_start3A_436, %dma_start3A_437] : memref<3x64x512xf32, #tpu.memory_space<vmem>> -> memref<1x64x512xf32, #tpu.memory_space<vmem>>
    %dma_start3A_439 = tpu.memref_squeeze %dma_start3A_438 : memref<1x64x512xf32, #tpu.memory_space<vmem>> -> memref<64x512xf32, #tpu.memory_space<vmem>>
    tpu.enqueue_dma source(%dma_start3A_439 : memref<64x512xf32, #tpu.memory_space<vmem>>) target(%dma_start3A_435 : memref<64x512xf32, #tpu.memory_space<hbm>>) target_semaphore(%arg12 : memref<!tpu.dma_semaphore, #tpu.memory_space<semaphore_mem>>)
    %dma_wait3A_440 = arith.constant 2 : i32
    %dma_wait3A_441 = arith.constant 0 : i32
    %dma_wait3A_442 = arith.constant 0 : i32
    %dma_wait3A_443 = tpu.memref_slice %arg6[%dma_wait3A_440, %dma_wait3A_441, %dma_wait3A_442] : memref<3x64x512xf32, #tpu.memory_space<vmem>> -> memref<1x64x512xf32, #tpu.memory_space<vmem>>
    %dma_wait3A_444 = tpu.memref_squeeze %dma_wait3A_443 : memref<1x64x512xf32, #tpu.memory_space<vmem>> -> memref<64x512xf32, #tpu.memory_space<vmem>>
    %dma_wait3A_445 = arith.constant 0 : i32
    %dma_wait3A_446 = tpu.memref_slice %arg4[%add3A_426, %dma_wait3A_445] : memref<32768x512xf32, #tpu.memory_space<hbm>> -> memref<64x512xf32, #tpu.memory_space<hbm>>
    %dma_wait3A_447 = arith.constant 0 : i32
    %dma_wait3A_448 = tpu.memref_slice %arg4[%add3A_426, %dma_wait3A_447] : memref<32768x512xf32, #tpu.memory_space<hbm>> -> memref<64x512xf32, #tpu.memory_space<hbm>>
    %dma_wait3A_449 = arith.constant 0 : i32
    %dma_wait3A_450 = arith.constant 0 : i32
    %dma_wait3A_451 = tpu.memref_slice %arg6[%dma_wait3A_440, %dma_wait3A_449, %dma_wait3A_450] : memref<3x64x512xf32, #tpu.memory_space<vmem>> -> memref<1x64x512xf32, #tpu.memory_space<vmem>>
    %dma_wait3A_452 = tpu.memref_squeeze %dma_wait3A_451 : memref<1x64x512xf32, #tpu.memory_space<vmem>> -> memref<64x512xf32, #tpu.memory_space<vmem>>
    tpu.wait_dma2 semaphore(%arg12 : memref<!tpu.dma_semaphore, #tpu.memory_space<semaphore_mem>>) src(%dma_wait3A_452 : memref<64x512xf32, #tpu.memory_space<vmem>>) dst(%dma_wait3A_448 : memref<64x512xf32, #tpu.memory_space<hbm>>)
    %dma_start3A_453 = arith.constant 2 : i32
    %dma_start3A_454 = arith.constant 0 : i32
    %dma_start3A_455 = arith.constant 0 : i32
    %dma_start3A_456 = tpu.memref_slice %arg6[%dma_start3A_453, %dma_start3A_454, %dma_start3A_455] : memref<3x64x512xf32, #tpu.memory_space<vmem>> -> memref<1x64x512xf32, #tpu.memory_space<vmem>>
    %dma_start3A_457 = tpu.memref_squeeze %dma_start3A_456 : memref<1x64x512xf32, #tpu.memory_space<vmem>> -> memref<64x512xf32, #tpu.memory_space<vmem>>
    %dma_start3A_458 = arith.constant 704 : i32
    %dma_start3A_459 = tpu.memref_slice %arg5[%dma_start3A_458] : memref<1024xi32, #tpu.memory_space<vmem>> -> memref<64xi32, #tpu.memory_space<vmem>>
    %dma_start3A_460 = arith.constant 0 : i32
    %dma_start3A_461 = arith.constant 0 : i32
    %dma_start3A_462 = tpu.memref_slice %arg2[%dma_start3A_460, %dma_start3A_461] : memref<65536x512xf32, #tpu.memory_space<hbm>> -> memref<65536x512xf32, #tpu.memory_space<hbm>>
    tpu.enqueue_indirect_dma source(%dma_start3A_462 : memref<65536x512xf32, #tpu.memory_space<hbm>>) target(%dma_start3A_457 : memref<64x512xf32, #tpu.memory_space<vmem>>) offsets(%dma_start3A_459 : memref<64xi32, #tpu.memory_space<vmem>>) semaphore(%arg9 : memref<!tpu.dma_semaphore, #tpu.memory_space<semaphore_mem>>)
    %dma_wait3A_463 = arith.constant 0 : i32
    %dma_wait3A_464 = arith.constant 0 : i32
    %dma_wait3A_465 = arith.constant 0 : i32
    %dma_wait3A_466 = tpu.memref_slice %arg6[%dma_wait3A_463, %dma_wait3A_464, %dma_wait3A_465] : memref<3x64x512xf32, #tpu.memory_space<vmem>> -> memref<1x64x512xf32, #tpu.memory_space<vmem>>
    %dma_wait3A_467 = tpu.memref_squeeze %dma_wait3A_466 : memref<1x64x512xf32, #tpu.memory_space<vmem>> -> memref<64x512xf32, #tpu.memory_space<vmem>>
    %dma_wait3A_468 = arith.constant 576 : i32
    %dma_wait3A_469 = tpu.memref_slice %arg5[%dma_wait3A_468] : memref<1024xi32, #tpu.memory_space<vmem>> -> memref<64xi32, #tpu.memory_space<vmem>>
    %dma_wait3A_470 = arith.constant 0 : i32
    %dma_wait3A_471 = arith.constant 0 : i32
    %dma_wait3A_472 = tpu.memref_slice %arg2[%dma_wait3A_470, %dma_wait3A_471] : memref<65536x512xf32, #tpu.memory_space<hbm>> -> memref<65536x512xf32, #tpu.memory_space<hbm>>
    tpu.wait_indirect_dma semaphore(%arg7 : memref<!tpu.dma_semaphore, #tpu.memory_space<semaphore_mem>>) src(%dma_wait3A_472 : memref<65536x512xf32, #tpu.memory_space<hbm>>) dst(%dma_wait3A_467 : memref<64x512xf32, #tpu.memory_space<vmem>>)
    %add3A_473 = arith.constant 576 : i32
    %add3A_474 = arith.addi %mul3A_2, %add3A_473 : i32
    %dma_start3A_475 = arith.constant 0 : i32
    %dma_start3A_476 = arith.constant 0 : i32
    %dma_start3A_477 = arith.constant 0 : i32
    %dma_start3A_478 = tpu.memref_slice %arg6[%dma_start3A_475, %dma_start3A_476, %dma_start3A_477] : memref<3x64x512xf32, #tpu.memory_space<vmem>> -> memref<1x64x512xf32, #tpu.memory_space<vmem>>
    %dma_start3A_479 = tpu.memref_squeeze %dma_start3A_478 : memref<1x64x512xf32, #tpu.memory_space<vmem>> -> memref<64x512xf32, #tpu.memory_space<vmem>>
    %dma_start3A_480 = arith.constant 0 : i32
    %dma_start3A_481 = tpu.memref_slice %arg4[%add3A_474, %dma_start3A_480] : memref<32768x512xf32, #tpu.memory_space<hbm>> -> memref<64x512xf32, #tpu.memory_space<hbm>>
    %dma_start3A_482 = arith.constant 0 : i32
    %dma_start3A_483 = tpu.memref_slice %arg4[%add3A_474, %dma_start3A_482] : memref<32768x512xf32, #tpu.memory_space<hbm>> -> memref<64x512xf32, #tpu.memory_space<hbm>>
    %dma_start3A_484 = arith.constant 0 : i32
    %dma_start3A_485 = arith.constant 0 : i32
    %dma_start3A_486 = tpu.memref_slice %arg6[%dma_start3A_475, %dma_start3A_484, %dma_start3A_485] : memref<3x64x512xf32, #tpu.memory_space<vmem>> -> memref<1x64x512xf32, #tpu.memory_space<vmem>>
    %dma_start3A_487 = tpu.memref_squeeze %dma_start3A_486 : memref<1x64x512xf32, #tpu.memory_space<vmem>> -> memref<64x512xf32, #tpu.memory_space<vmem>>
    tpu.enqueue_dma source(%dma_start3A_487 : memref<64x512xf32, #tpu.memory_space<vmem>>) target(%dma_start3A_483 : memref<64x512xf32, #tpu.memory_space<hbm>>) target_semaphore(%arg10 : memref<!tpu.dma_semaphore, #tpu.memory_space<semaphore_mem>>)
    %dma_wait3A_488 = arith.constant 0 : i32
    %dma_wait3A_489 = arith.constant 0 : i32
    %dma_wait3A_490 = arith.constant 0 : i32
    %dma_wait3A_491 = tpu.memref_slice %arg6[%dma_wait3A_488, %dma_wait3A_489, %dma_wait3A_490] : memref<3x64x512xf32, #tpu.memory_space<vmem>> -> memref<1x64x512xf32, #tpu.memory_space<vmem>>
    %dma_wait3A_492 = tpu.memref_squeeze %dma_wait3A_491 : memref<1x64x512xf32, #tpu.memory_space<vmem>> -> memref<64x512xf32, #tpu.memory_space<vmem>>
    %dma_wait3A_493 = arith.constant 0 : i32
    %dma_wait3A_494 = tpu.memref_slice %arg4[%add3A_474, %dma_wait3A_493] : memref<32768x512xf32, #tpu.memory_space<hbm>> -> memref<64x512xf32, #tpu.memory_space<hbm>>
    %dma_wait3A_495 = arith.constant 0 : i32
    %dma_wait3A_496 = tpu.memref_slice %arg4[%add3A_474, %dma_wait3A_495] : memref<32768x512xf32, #tpu.memory_space<hbm>> -> memref<64x512xf32, #tpu.memory_space<hbm>>
    %dma_wait3A_497 = arith.constant 0 : i32
    %dma_wait3A_498 = arith.constant 0 : i32
    %dma_wait3A_499 = tpu.memref_slice %arg6[%dma_wait3A_488, %dma_wait3A_497, %dma_wait3A_498] : memref<3x64x512xf32, #tpu.memory_space<vmem>> -> memref<1x64x512xf32, #tpu.memory_space<vmem>>
    %dma_wait3A_500 = tpu.memref_squeeze %dma_wait3A_499 : memref<1x64x512xf32, #tpu.memory_space<vmem>> -> memref<64x512xf32, #tpu.memory_space<vmem>>
    tpu.wait_dma2 semaphore(%arg10 : memref<!tpu.dma_semaphore, #tpu.memory_space<semaphore_mem>>) src(%dma_wait3A_500 : memref<64x512xf32, #tpu.memory_space<vmem>>) dst(%dma_wait3A_496 : memref<64x512xf32, #tpu.memory_space<hbm>>)
    %dma_start3A_501 = arith.constant 0 : i32
    %dma_start3A_502 = arith.constant 0 : i32
    %dma_start3A_503 = arith.constant 0 : i32
    %dma_start3A_504 = tpu.memref_slice %arg6[%dma_start3A_501, %dma_start3A_502, %dma_start3A_503] : memref<3x64x512xf32, #tpu.memory_space<vmem>> -> memref<1x64x512xf32, #tpu.memory_space<vmem>>
    %dma_start3A_505 = tpu.memref_squeeze %dma_start3A_504 : memref<1x64x512xf32, #tpu.memory_space<vmem>> -> memref<64x512xf32, #tpu.memory_space<vmem>>
    %dma_start3A_506 = arith.constant 768 : i32
    %dma_start3A_507 = tpu.memref_slice %arg5[%dma_start3A_506] : memref<1024xi32, #tpu.memory_space<vmem>> -> memref<64xi32, #tpu.memory_space<vmem>>
    %dma_start3A_508 = arith.constant 0 : i32
    %dma_start3A_509 = arith.constant 0 : i32
    %dma_start3A_510 = tpu.memref_slice %arg2[%dma_start3A_508, %dma_start3A_509] : memref<65536x512xf32, #tpu.memory_space<hbm>> -> memref<65536x512xf32, #tpu.memory_space<hbm>>
    tpu.enqueue_indirect_dma source(%dma_start3A_510 : memref<65536x512xf32, #tpu.memory_space<hbm>>) target(%dma_start3A_505 : memref<64x512xf32, #tpu.memory_space<vmem>>) offsets(%dma_start3A_507 : memref<64xi32, #tpu.memory_space<vmem>>) semaphore(%arg7 : memref<!tpu.dma_semaphore, #tpu.memory_space<semaphore_mem>>)
    %dma_wait3A_511 = arith.constant 1 : i32
    %dma_wait3A_512 = arith.constant 0 : i32
    %dma_wait3A_513 = arith.constant 0 : i32
    %dma_wait3A_514 = tpu.memref_slice %arg6[%dma_wait3A_511, %dma_wait3A_512, %dma_wait3A_513] : memref<3x64x512xf32, #tpu.memory_space<vmem>> -> memref<1x64x512xf32, #tpu.memory_space<vmem>>
    %dma_wait3A_515 = tpu.memref_squeeze %dma_wait3A_514 : memref<1x64x512xf32, #tpu.memory_space<vmem>> -> memref<64x512xf32, #tpu.memory_space<vmem>>
    %dma_wait3A_516 = arith.constant 640 : i32
    %dma_wait3A_517 = tpu.memref_slice %arg5[%dma_wait3A_516] : memref<1024xi32, #tpu.memory_space<vmem>> -> memref<64xi32, #tpu.memory_space<vmem>>
    %dma_wait3A_518 = arith.constant 0 : i32
    %dma_wait3A_519 = arith.constant 0 : i32
    %dma_wait3A_520 = tpu.memref_slice %arg2[%dma_wait3A_518, %dma_wait3A_519] : memref<65536x512xf32, #tpu.memory_space<hbm>> -> memref<65536x512xf32, #tpu.memory_space<hbm>>
    tpu.wait_indirect_dma semaphore(%arg8 : memref<!tpu.dma_semaphore, #tpu.memory_space<semaphore_mem>>) src(%dma_wait3A_520 : memref<65536x512xf32, #tpu.memory_space<hbm>>) dst(%dma_wait3A_515 : memref<64x512xf32, #tpu.memory_space<vmem>>)
    %add3A_521 = arith.constant 640 : i32
    %add3A_522 = arith.addi %mul3A_2, %add3A_521 : i32
    %dma_start3A_523 = arith.constant 1 : i32
    %dma_start3A_524 = arith.constant 0 : i32
    %dma_start3A_525 = arith.constant 0 : i32
    %dma_start3A_526 = tpu.memref_slice %arg6[%dma_start3A_523, %dma_start3A_524, %dma_start3A_525] : memref<3x64x512xf32, #tpu.memory_space<vmem>> -> memref<1x64x512xf32, #tpu.memory_space<vmem>>
    %dma_start3A_527 = tpu.memref_squeeze %dma_start3A_526 : memref<1x64x512xf32, #tpu.memory_space<vmem>> -> memref<64x512xf32, #tpu.memory_space<vmem>>
    %dma_start3A_528 = arith.constant 0 : i32
    %dma_start3A_529 = tpu.memref_slice %arg4[%add3A_522, %dma_start3A_528] : memref<32768x512xf32, #tpu.memory_space<hbm>> -> memref<64x512xf32, #tpu.memory_space<hbm>>
    %dma_start3A_530 = arith.constant 0 : i32
    %dma_start3A_531 = tpu.memref_slice %arg4[%add3A_522, %dma_start3A_530] : memref<32768x512xf32, #tpu.memory_space<hbm>> -> memref<64x512xf32, #tpu.memory_space<hbm>>
    %dma_start3A_532 = arith.constant 0 : i32
    %dma_start3A_533 = arith.constant 0 : i32
    %dma_start3A_534 = tpu.memref_slice %arg6[%dma_start3A_523, %dma_start3A_532, %dma_start3A_533] : memref<3x64x512xf32, #tpu.memory_space<vmem>> -> memref<1x64x512xf32, #tpu.memory_space<vmem>>
    %dma_start3A_535 = tpu.memref_squeeze %dma_start3A_534 : memref<1x64x512xf32, #tpu.memory_space<vmem>> -> memref<64x512xf32, #tpu.memory_space<vmem>>
    tpu.enqueue_dma source(%dma_start3A_535 : memref<64x512xf32, #tpu.memory_space<vmem>>) target(%dma_start3A_531 : memref<64x512xf32, #tpu.memory_space<hbm>>) target_semaphore(%arg11 : memref<!tpu.dma_semaphore, #tpu.memory_space<semaphore_mem>>)
    %dma_wait3A_536 = arith.constant 1 : i32
    %dma_wait3A_537 = arith.constant 0 : i32
    %dma_wait3A_538 = arith.constant 0 : i32
    %dma_wait3A_539 = tpu.memref_slice %arg6[%dma_wait3A_536, %dma_wait3A_537, %dma_wait3A_538] : memref<3x64x512xf32, #tpu.memory_space<vmem>> -> memref<1x64x512xf32, #tpu.memory_space<vmem>>
    %dma_wait3A_540 = tpu.memref_squeeze %dma_wait3A_539 : memref<1x64x512xf32, #tpu.memory_space<vmem>> -> memref<64x512xf32, #tpu.memory_space<vmem>>
    %dma_wait3A_541 = arith.constant 0 : i32
    %dma_wait3A_542 = tpu.memref_slice %arg4[%add3A_522, %dma_wait3A_541] : memref<32768x512xf32, #tpu.memory_space<hbm>> -> memref<64x512xf32, #tpu.memory_space<hbm>>
    %dma_wait3A_543 = arith.constant 0 : i32
    %dma_wait3A_544 = tpu.memref_slice %arg4[%add3A_522, %dma_wait3A_543] : memref<32768x512xf32, #tpu.memory_space<hbm>> -> memref<64x512xf32, #tpu.memory_space<hbm>>
    %dma_wait3A_545 = arith.constant 0 : i32
    %dma_wait3A_546 = arith.constant 0 : i32
    %dma_wait3A_547 = tpu.memref_slice %arg6[%dma_wait3A_536, %dma_wait3A_545, %dma_wait3A_546] : memref<3x64x512xf32, #tpu.memory_space<vmem>> -> memref<1x64x512xf32, #tpu.memory_space<vmem>>
    %dma_wait3A_548 = tpu.memref_squeeze %dma_wait3A_547 : memref<1x64x512xf32, #tpu.memory_space<vmem>> -> memref<64x512xf32, #tpu.memory_space<vmem>>
    tpu.wait_dma2 semaphore(%arg11 : memref<!tpu.dma_semaphore, #tpu.memory_space<semaphore_mem>>) src(%dma_wait3A_548 : memref<64x512xf32, #tpu.memory_space<vmem>>) dst(%dma_wait3A_544 : memref<64x512xf32, #tpu.memory_space<hbm>>)
    %dma_start3A_549 = arith.constant 1 : i32
    %dma_start3A_550 = arith.constant 0 : i32
    %dma_start3A_551 = arith.constant 0 : i32
    %dma_start3A_552 = tpu.memref_slice %arg6[%dma_start3A_549, %dma_start3A_550, %dma_start3A_551] : memref<3x64x512xf32, #tpu.memory_space<vmem>> -> memref<1x64x512xf32, #tpu.memory_space<vmem>>
    %dma_start3A_553 = tpu.memref_squeeze %dma_start3A_552 : memref<1x64x512xf32, #tpu.memory_space<vmem>> -> memref<64x512xf32, #tpu.memory_space<vmem>>
    %dma_start3A_554 = arith.constant 832 : i32
    %dma_start3A_555 = tpu.memref_slice %arg5[%dma_start3A_554] : memref<1024xi32, #tpu.memory_space<vmem>> -> memref<64xi32, #tpu.memory_space<vmem>>
    %dma_start3A_556 = arith.constant 0 : i32
    %dma_start3A_557 = arith.constant 0 : i32
    %dma_start3A_558 = tpu.memref_slice %arg2[%dma_start3A_556, %dma_start3A_557] : memref<65536x512xf32, #tpu.memory_space<hbm>> -> memref<65536x512xf32, #tpu.memory_space<hbm>>
    tpu.enqueue_indirect_dma source(%dma_start3A_558 : memref<65536x512xf32, #tpu.memory_space<hbm>>) target(%dma_start3A_553 : memref<64x512xf32, #tpu.memory_space<vmem>>) offsets(%dma_start3A_555 : memref<64xi32, #tpu.memory_space<vmem>>) semaphore(%arg8 : memref<!tpu.dma_semaphore, #tpu.memory_space<semaphore_mem>>)
    %dma_wait3A_559 = arith.constant 2 : i32
    %dma_wait3A_560 = arith.constant 0 : i32
    %dma_wait3A_561 = arith.constant 0 : i32
    %dma_wait3A_562 = tpu.memref_slice %arg6[%dma_wait3A_559, %dma_wait3A_560, %dma_wait3A_561] : memref<3x64x512xf32, #tpu.memory_space<vmem>> -> memref<1x64x512xf32, #tpu.memory_space<vmem>>
    %dma_wait3A_563 = tpu.memref_squeeze %dma_wait3A_562 : memref<1x64x512xf32, #tpu.memory_space<vmem>> -> memref<64x512xf32, #tpu.memory_space<vmem>>
    %dma_wait3A_564 = arith.constant 704 : i32
    %dma_wait3A_565 = tpu.memref_slice %arg5[%dma_wait3A_564] : memref<1024xi32, #tpu.memory_space<vmem>> -> memref<64xi32, #tpu.memory_space<vmem>>
    %dma_wait3A_566 = arith.constant 0 : i32
    %dma_wait3A_567 = arith.constant 0 : i32
    %dma_wait3A_568 = tpu.memref_slice %arg2[%dma_wait3A_566, %dma_wait3A_567] : memref<65536x512xf32, #tpu.memory_space<hbm>> -> memref<65536x512xf32, #tpu.memory_space<hbm>>
    tpu.wait_indirect_dma semaphore(%arg9 : memref<!tpu.dma_semaphore, #tpu.memory_space<semaphore_mem>>) src(%dma_wait3A_568 : memref<65536x512xf32, #tpu.memory_space<hbm>>) dst(%dma_wait3A_563 : memref<64x512xf32, #tpu.memory_space<vmem>>)
    %add3A_569 = arith.constant 704 : i32
    %add3A_570 = arith.addi %mul3A_2, %add3A_569 : i32
    %dma_start3A_571 = arith.constant 2 : i32
    %dma_start3A_572 = arith.constant 0 : i32
    %dma_start3A_573 = arith.constant 0 : i32
    %dma_start3A_574 = tpu.memref_slice %arg6[%dma_start3A_571, %dma_start3A_572, %dma_start3A_573] : memref<3x64x512xf32, #tpu.memory_space<vmem>> -> memref<1x64x512xf32, #tpu.memory_space<vmem>>
    %dma_start3A_575 = tpu.memref_squeeze %dma_start3A_574 : memref<1x64x512xf32, #tpu.memory_space<vmem>> -> memref<64x512xf32, #tpu.memory_space<vmem>>
    %dma_start3A_576 = arith.constant 0 : i32
    %dma_start3A_577 = tpu.memref_slice %arg4[%add3A_570, %dma_start3A_576] : memref<32768x512xf32, #tpu.memory_space<hbm>> -> memref<64x512xf32, #tpu.memory_space<hbm>>
    %dma_start3A_578 = arith.constant 0 : i32
    %dma_start3A_579 = tpu.memref_slice %arg4[%add3A_570, %dma_start3A_578] : memref<32768x512xf32, #tpu.memory_space<hbm>> -> memref<64x512xf32, #tpu.memory_space<hbm>>
    %dma_start3A_580 = arith.constant 0 : i32
    %dma_start3A_581 = arith.constant 0 : i32
    %dma_start3A_582 = tpu.memref_slice %arg6[%dma_start3A_571, %dma_start3A_580, %dma_start3A_581] : memref<3x64x512xf32, #tpu.memory_space<vmem>> -> memref<1x64x512xf32, #tpu.memory_space<vmem>>
    %dma_start3A_583 = tpu.memref_squeeze %dma_start3A_582 : memref<1x64x512xf32, #tpu.memory_space<vmem>> -> memref<64x512xf32, #tpu.memory_space<vmem>>
    tpu.enqueue_dma source(%dma_start3A_583 : memref<64x512xf32, #tpu.memory_space<vmem>>) target(%dma_start3A_579 : memref<64x512xf32, #tpu.memory_space<hbm>>) target_semaphore(%arg12 : memref<!tpu.dma_semaphore, #tpu.memory_space<semaphore_mem>>)
    %dma_wait3A_584 = arith.constant 2 : i32
    %dma_wait3A_585 = arith.constant 0 : i32
    %dma_wait3A_586 = arith.constant 0 : i32
    %dma_wait3A_587 = tpu.memref_slice %arg6[%dma_wait3A_584, %dma_wait3A_585, %dma_wait3A_586] : memref<3x64x512xf32, #tpu.memory_space<vmem>> -> memref<1x64x512xf32, #tpu.memory_space<vmem>>
    %dma_wait3A_588 = tpu.memref_squeeze %dma_wait3A_587 : memref<1x64x512xf32, #tpu.memory_space<vmem>> -> memref<64x512xf32, #tpu.memory_space<vmem>>
    %dma_wait3A_589 = arith.constant 0 : i32
    %dma_wait3A_590 = tpu.memref_slice %arg4[%add3A_570, %dma_wait3A_589] : memref<32768x512xf32, #tpu.memory_space<hbm>> -> memref<64x512xf32, #tpu.memory_space<hbm>>
    %dma_wait3A_591 = arith.constant 0 : i32
    %dma_wait3A_592 = tpu.memref_slice %arg4[%add3A_570, %dma_wait3A_591] : memref<32768x512xf32, #tpu.memory_space<hbm>> -> memref<64x512xf32, #tpu.memory_space<hbm>>
    %dma_wait3A_593 = arith.constant 0 : i32
    %dma_wait3A_594 = arith.constant 0 : i32
    %dma_wait3A_595 = tpu.memref_slice %arg6[%dma_wait3A_584, %dma_wait3A_593, %dma_wait3A_594] : memref<3x64x512xf32, #tpu.memory_space<vmem>> -> memref<1x64x512xf32, #tpu.memory_space<vmem>>
    %dma_wait3A_596 = tpu.memref_squeeze %dma_wait3A_595 : memref<1x64x512xf32, #tpu.memory_space<vmem>> -> memref<64x512xf32, #tpu.memory_space<vmem>>
    tpu.wait_dma2 semaphore(%arg12 : memref<!tpu.dma_semaphore, #tpu.memory_space<semaphore_mem>>) src(%dma_wait3A_596 : memref<64x512xf32, #tpu.memory_space<vmem>>) dst(%dma_wait3A_592 : memref<64x512xf32, #tpu.memory_space<hbm>>)
    %dma_start3A_597 = arith.constant 2 : i32
    %dma_start3A_598 = arith.constant 0 : i32
    %dma_start3A_599 = arith.constant 0 : i32
    %dma_start3A_600 = tpu.memref_slice %arg6[%dma_start3A_597, %dma_start3A_598, %dma_start3A_599] : memref<3x64x512xf32, #tpu.memory_space<vmem>> -> memref<1x64x512xf32, #tpu.memory_space<vmem>>
    %dma_start3A_601 = tpu.memref_squeeze %dma_start3A_600 : memref<1x64x512xf32, #tpu.memory_space<vmem>> -> memref<64x512xf32, #tpu.memory_space<vmem>>
    %dma_start3A_602 = arith.constant 896 : i32
    %dma_start3A_603 = tpu.memref_slice %arg5[%dma_start3A_602] : memref<1024xi32, #tpu.memory_space<vmem>> -> memref<64xi32, #tpu.memory_space<vmem>>
    %dma_start3A_604 = arith.constant 0 : i32
    %dma_start3A_605 = arith.constant 0 : i32
    %dma_start3A_606 = tpu.memref_slice %arg2[%dma_start3A_604, %dma_start3A_605] : memref<65536x512xf32, #tpu.memory_space<hbm>> -> memref<65536x512xf32, #tpu.memory_space<hbm>>
    tpu.enqueue_indirect_dma source(%dma_start3A_606 : memref<65536x512xf32, #tpu.memory_space<hbm>>) target(%dma_start3A_601 : memref<64x512xf32, #tpu.memory_space<vmem>>) offsets(%dma_start3A_603 : memref<64xi32, #tpu.memory_space<vmem>>) semaphore(%arg9 : memref<!tpu.dma_semaphore, #tpu.memory_space<semaphore_mem>>)
    %dma_wait3A_607 = arith.constant 0 : i32
    %dma_wait3A_608 = arith.constant 0 : i32
    %dma_wait3A_609 = arith.constant 0 : i32
    %dma_wait3A_610 = tpu.memref_slice %arg6[%dma_wait3A_607, %dma_wait3A_608, %dma_wait3A_609] : memref<3x64x512xf32, #tpu.memory_space<vmem>> -> memref<1x64x512xf32, #tpu.memory_space<vmem>>
    %dma_wait3A_611 = tpu.memref_squeeze %dma_wait3A_610 : memref<1x64x512xf32, #tpu.memory_space<vmem>> -> memref<64x512xf32, #tpu.memory_space<vmem>>
    %dma_wait3A_612 = arith.constant 768 : i32
    %dma_wait3A_613 = tpu.memref_slice %arg5[%dma_wait3A_612] : memref<1024xi32, #tpu.memory_space<vmem>> -> memref<64xi32, #tpu.memory_space<vmem>>
    %dma_wait3A_614 = arith.constant 0 : i32
    %dma_wait3A_615 = arith.constant 0 : i32
    %dma_wait3A_616 = tpu.memref_slice %arg2[%dma_wait3A_614, %dma_wait3A_615] : memref<65536x512xf32, #tpu.memory_space<hbm>> -> memref<65536x512xf32, #tpu.memory_space<hbm>>
    tpu.wait_indirect_dma semaphore(%arg7 : memref<!tpu.dma_semaphore, #tpu.memory_space<semaphore_mem>>) src(%dma_wait3A_616 : memref<65536x512xf32, #tpu.memory_space<hbm>>) dst(%dma_wait3A_611 : memref<64x512xf32, #tpu.memory_space<vmem>>)
    %add3A_617 = arith.constant 768 : i32
    %add3A_618 = arith.addi %mul3A_2, %add3A_617 : i32
    %dma_start3A_619 = arith.constant 0 : i32
    %dma_start3A_620 = arith.constant 0 : i32
    %dma_start3A_621 = arith.constant 0 : i32
    %dma_start3A_622 = tpu.memref_slice %arg6[%dma_start3A_619, %dma_start3A_620, %dma_start3A_621] : memref<3x64x512xf32, #tpu.memory_space<vmem>> -> memref<1x64x512xf32, #tpu.memory_space<vmem>>
    %dma_start3A_623 = tpu.memref_squeeze %dma_start3A_622 : memref<1x64x512xf32, #tpu.memory_space<vmem>> -> memref<64x512xf32, #tpu.memory_space<vmem>>
    %dma_start3A_624 = arith.constant 0 : i32
    %dma_start3A_625 = tpu.memref_slice %arg4[%add3A_618, %dma_start3A_624] : memref<32768x512xf32, #tpu.memory_space<hbm>> -> memref<64x512xf32, #tpu.memory_space<hbm>>
    %dma_start3A_626 = arith.constant 0 : i32
    %dma_start3A_627 = tpu.memref_slice %arg4[%add3A_618, %dma_start3A_626] : memref<32768x512xf32, #tpu.memory_space<hbm>> -> memref<64x512xf32, #tpu.memory_space<hbm>>
    %dma_start3A_628 = arith.constant 0 : i32
    %dma_start3A_629 = arith.constant 0 : i32
    %dma_start3A_630 = tpu.memref_slice %arg6[%dma_start3A_619, %dma_start3A_628, %dma_start3A_629] : memref<3x64x512xf32, #tpu.memory_space<vmem>> -> memref<1x64x512xf32, #tpu.memory_space<vmem>>
    %dma_start3A_631 = tpu.memref_squeeze %dma_start3A_630 : memref<1x64x512xf32, #tpu.memory_space<vmem>> -> memref<64x512xf32, #tpu.memory_space<vmem>>
    tpu.enqueue_dma source(%dma_start3A_631 : memref<64x512xf32, #tpu.memory_space<vmem>>) target(%dma_start3A_627 : memref<64x512xf32, #tpu.memory_space<hbm>>) target_semaphore(%arg10 : memref<!tpu.dma_semaphore, #tpu.memory_space<semaphore_mem>>)
    %dma_wait3A_632 = arith.constant 0 : i32
    %dma_wait3A_633 = arith.constant 0 : i32
    %dma_wait3A_634 = arith.constant 0 : i32
    %dma_wait3A_635 = tpu.memref_slice %arg6[%dma_wait3A_632, %dma_wait3A_633, %dma_wait3A_634] : memref<3x64x512xf32, #tpu.memory_space<vmem>> -> memref<1x64x512xf32, #tpu.memory_space<vmem>>
    %dma_wait3A_636 = tpu.memref_squeeze %dma_wait3A_635 : memref<1x64x512xf32, #tpu.memory_space<vmem>> -> memref<64x512xf32, #tpu.memory_space<vmem>>
    %dma_wait3A_637 = arith.constant 0 : i32
    %dma_wait3A_638 = tpu.memref_slice %arg4[%add3A_618, %dma_wait3A_637] : memref<32768x512xf32, #tpu.memory_space<hbm>> -> memref<64x512xf32, #tpu.memory_space<hbm>>
    %dma_wait3A_639 = arith.constant 0 : i32
    %dma_wait3A_640 = tpu.memref_slice %arg4[%add3A_618, %dma_wait3A_639] : memref<32768x512xf32, #tpu.memory_space<hbm>> -> memref<64x512xf32, #tpu.memory_space<hbm>>
    %dma_wait3A_641 = arith.constant 0 : i32
    %dma_wait3A_642 = arith.constant 0 : i32
    %dma_wait3A_643 = tpu.memref_slice %arg6[%dma_wait3A_632, %dma_wait3A_641, %dma_wait3A_642] : memref<3x64x512xf32, #tpu.memory_space<vmem>> -> memref<1x64x512xf32, #tpu.memory_space<vmem>>
    %dma_wait3A_644 = tpu.memref_squeeze %dma_wait3A_643 : memref<1x64x512xf32, #tpu.memory_space<vmem>> -> memref<64x512xf32, #tpu.memory_space<vmem>>
    tpu.wait_dma2 semaphore(%arg10 : memref<!tpu.dma_semaphore, #tpu.memory_space<semaphore_mem>>) src(%dma_wait3A_644 : memref<64x512xf32, #tpu.memory_space<vmem>>) dst(%dma_wait3A_640 : memref<64x512xf32, #tpu.memory_space<hbm>>)
    %dma_start3A_645 = arith.constant 0 : i32
    %dma_start3A_646 = arith.constant 0 : i32
    %dma_start3A_647 = arith.constant 0 : i32
    %dma_start3A_648 = tpu.memref_slice %arg6[%dma_start3A_645, %dma_start3A_646, %dma_start3A_647] : memref<3x64x512xf32, #tpu.memory_space<vmem>> -> memref<1x64x512xf32, #tpu.memory_space<vmem>>
    %dma_start3A_649 = tpu.memref_squeeze %dma_start3A_648 : memref<1x64x512xf32, #tpu.memory_space<vmem>> -> memref<64x512xf32, #tpu.memory_space<vmem>>
    %dma_start3A_650 = arith.constant 960 : i32
    %dma_start3A_651 = tpu.memref_slice %arg5[%dma_start3A_650] : memref<1024xi32, #tpu.memory_space<vmem>> -> memref<64xi32, #tpu.memory_space<vmem>>
    %dma_start3A_652 = arith.constant 0 : i32
    %dma_start3A_653 = arith.constant 0 : i32
    %dma_start3A_654 = tpu.memref_slice %arg2[%dma_start3A_652, %dma_start3A_653] : memref<65536x512xf32, #tpu.memory_space<hbm>> -> memref<65536x512xf32, #tpu.memory_space<hbm>>
    tpu.enqueue_indirect_dma source(%dma_start3A_654 : memref<65536x512xf32, #tpu.memory_space<hbm>>) target(%dma_start3A_649 : memref<64x512xf32, #tpu.memory_space<vmem>>) offsets(%dma_start3A_651 : memref<64xi32, #tpu.memory_space<vmem>>) semaphore(%arg7 : memref<!tpu.dma_semaphore, #tpu.memory_space<semaphore_mem>>)
    %dma_wait3A_655 = arith.constant 1 : i32
    %dma_wait3A_656 = arith.constant 0 : i32
    %dma_wait3A_657 = arith.constant 0 : i32
    %dma_wait3A_658 = tpu.memref_slice %arg6[%dma_wait3A_655, %dma_wait3A_656, %dma_wait3A_657] : memref<3x64x512xf32, #tpu.memory_space<vmem>> -> memref<1x64x512xf32, #tpu.memory_space<vmem>>
    %dma_wait3A_659 = tpu.memref_squeeze %dma_wait3A_658 : memref<1x64x512xf32, #tpu.memory_space<vmem>> -> memref<64x512xf32, #tpu.memory_space<vmem>>
    %dma_wait3A_660 = arith.constant 832 : i32
    %dma_wait3A_661 = tpu.memref_slice %arg5[%dma_wait3A_660] : memref<1024xi32, #tpu.memory_space<vmem>> -> memref<64xi32, #tpu.memory_space<vmem>>
    %dma_wait3A_662 = arith.constant 0 : i32
    %dma_wait3A_663 = arith.constant 0 : i32
    %dma_wait3A_664 = tpu.memref_slice %arg2[%dma_wait3A_662, %dma_wait3A_663] : memref<65536x512xf32, #tpu.memory_space<hbm>> -> memref<65536x512xf32, #tpu.memory_space<hbm>>
    tpu.wait_indirect_dma semaphore(%arg8 : memref<!tpu.dma_semaphore, #tpu.memory_space<semaphore_mem>>) src(%dma_wait3A_664 : memref<65536x512xf32, #tpu.memory_space<hbm>>) dst(%dma_wait3A_659 : memref<64x512xf32, #tpu.memory_space<vmem>>)
    %add3A_665 = arith.constant 832 : i32
    %add3A_666 = arith.addi %mul3A_2, %add3A_665 : i32
    %dma_start3A_667 = arith.constant 1 : i32
    %dma_start3A_668 = arith.constant 0 : i32
    %dma_start3A_669 = arith.constant 0 : i32
    %dma_start3A_670 = tpu.memref_slice %arg6[%dma_start3A_667, %dma_start3A_668, %dma_start3A_669] : memref<3x64x512xf32, #tpu.memory_space<vmem>> -> memref<1x64x512xf32, #tpu.memory_space<vmem>>
    %dma_start3A_671 = tpu.memref_squeeze %dma_start3A_670 : memref<1x64x512xf32, #tpu.memory_space<vmem>> -> memref<64x512xf32, #tpu.memory_space<vmem>>
    %dma_start3A_672 = arith.constant 0 : i32
    %dma_start3A_673 = tpu.memref_slice %arg4[%add3A_666, %dma_start3A_672] : memref<32768x512xf32, #tpu.memory_space<hbm>> -> memref<64x512xf32, #tpu.memory_space<hbm>>
    %dma_start3A_674 = arith.constant 0 : i32
    %dma_start3A_675 = tpu.memref_slice %arg4[%add3A_666, %dma_start3A_674] : memref<32768x512xf32, #tpu.memory_space<hbm>> -> memref<64x512xf32, #tpu.memory_space<hbm>>
    %dma_start3A_676 = arith.constant 0 : i32
    %dma_start3A_677 = arith.constant 0 : i32
    %dma_start3A_678 = tpu.memref_slice %arg6[%dma_start3A_667, %dma_start3A_676, %dma_start3A_677] : memref<3x64x512xf32, #tpu.memory_space<vmem>> -> memref<1x64x512xf32, #tpu.memory_space<vmem>>
    %dma_start3A_679 = tpu.memref_squeeze %dma_start3A_678 : memref<1x64x512xf32, #tpu.memory_space<vmem>> -> memref<64x512xf32, #tpu.memory_space<vmem>>
    tpu.enqueue_dma source(%dma_start3A_679 : memref<64x512xf32, #tpu.memory_space<vmem>>) target(%dma_start3A_675 : memref<64x512xf32, #tpu.memory_space<hbm>>) target_semaphore(%arg11 : memref<!tpu.dma_semaphore, #tpu.memory_space<semaphore_mem>>)
    %dma_wait3A_680 = arith.constant 2 : i32
    %dma_wait3A_681 = arith.constant 0 : i32
    %dma_wait3A_682 = arith.constant 0 : i32
    %dma_wait3A_683 = tpu.memref_slice %arg6[%dma_wait3A_680, %dma_wait3A_681, %dma_wait3A_682] : memref<3x64x512xf32, #tpu.memory_space<vmem>> -> memref<1x64x512xf32, #tpu.memory_space<vmem>>
    %dma_wait3A_684 = tpu.memref_squeeze %dma_wait3A_683 : memref<1x64x512xf32, #tpu.memory_space<vmem>> -> memref<64x512xf32, #tpu.memory_space<vmem>>
    %dma_wait3A_685 = arith.constant 896 : i32
    %dma_wait3A_686 = tpu.memref_slice %arg5[%dma_wait3A_685] : memref<1024xi32, #tpu.memory_space<vmem>> -> memref<64xi32, #tpu.memory_space<vmem>>
    %dma_wait3A_687 = arith.constant 0 : i32
    %dma_wait3A_688 = arith.constant 0 : i32
    %dma_wait3A_689 = tpu.memref_slice %arg2[%dma_wait3A_687, %dma_wait3A_688] : memref<65536x512xf32, #tpu.memory_space<hbm>> -> memref<65536x512xf32, #tpu.memory_space<hbm>>
    tpu.wait_indirect_dma semaphore(%arg9 : memref<!tpu.dma_semaphore, #tpu.memory_space<semaphore_mem>>) src(%dma_wait3A_689 : memref<65536x512xf32, #tpu.memory_space<hbm>>) dst(%dma_wait3A_684 : memref<64x512xf32, #tpu.memory_space<vmem>>)
    %add3A_690 = arith.constant 896 : i32
    %add3A_691 = arith.addi %mul3A_2, %add3A_690 : i32
    %dma_start3A_692 = arith.constant 2 : i32
    %dma_start3A_693 = arith.constant 0 : i32
    %dma_start3A_694 = arith.constant 0 : i32
    %dma_start3A_695 = tpu.memref_slice %arg6[%dma_start3A_692, %dma_start3A_693, %dma_start3A_694] : memref<3x64x512xf32, #tpu.memory_space<vmem>> -> memref<1x64x512xf32, #tpu.memory_space<vmem>>
    %dma_start3A_696 = tpu.memref_squeeze %dma_start3A_695 : memref<1x64x512xf32, #tpu.memory_space<vmem>> -> memref<64x512xf32, #tpu.memory_space<vmem>>
    %dma_start3A_697 = arith.constant 0 : i32
    %dma_start3A_698 = tpu.memref_slice %arg4[%add3A_691, %dma_start3A_697] : memref<32768x512xf32, #tpu.memory_space<hbm>> -> memref<64x512xf32, #tpu.memory_space<hbm>>
    %dma_start3A_699 = arith.constant 0 : i32
    %dma_start3A_700 = tpu.memref_slice %arg4[%add3A_691, %dma_start3A_699] : memref<32768x512xf32, #tpu.memory_space<hbm>> -> memref<64x512xf32, #tpu.memory_space<hbm>>
    %dma_start3A_701 = arith.constant 0 : i32
    %dma_start3A_702 = arith.constant 0 : i32
    %dma_start3A_703 = tpu.memref_slice %arg6[%dma_start3A_692, %dma_start3A_701, %dma_start3A_702] : memref<3x64x512xf32, #tpu.memory_space<vmem>> -> memref<1x64x512xf32, #tpu.memory_space<vmem>>
    %dma_start3A_704 = tpu.memref_squeeze %dma_start3A_703 : memref<1x64x512xf32, #tpu.memory_space<vmem>> -> memref<64x512xf32, #tpu.memory_space<vmem>>
    tpu.enqueue_dma source(%dma_start3A_704 : memref<64x512xf32, #tpu.memory_space<vmem>>) target(%dma_start3A_700 : memref<64x512xf32, #tpu.memory_space<hbm>>) target_semaphore(%arg12 : memref<!tpu.dma_semaphore, #tpu.memory_space<semaphore_mem>>)
    %dma_wait3A_705 = arith.constant 0 : i32
    %dma_wait3A_706 = arith.constant 0 : i32
    %dma_wait3A_707 = arith.constant 0 : i32
    %dma_wait3A_708 = tpu.memref_slice %arg6[%dma_wait3A_705, %dma_wait3A_706, %dma_wait3A_707] : memref<3x64x512xf32, #tpu.memory_space<vmem>> -> memref<1x64x512xf32, #tpu.memory_space<vmem>>
    %dma_wait3A_709 = tpu.memref_squeeze %dma_wait3A_708 : memref<1x64x512xf32, #tpu.memory_space<vmem>> -> memref<64x512xf32, #tpu.memory_space<vmem>>
    %dma_wait3A_710 = arith.constant 960 : i32
    %dma_wait3A_711 = tpu.memref_slice %arg5[%dma_wait3A_710] : memref<1024xi32, #tpu.memory_space<vmem>> -> memref<64xi32, #tpu.memory_space<vmem>>
    %dma_wait3A_712 = arith.constant 0 : i32
    %dma_wait3A_713 = arith.constant 0 : i32
    %dma_wait3A_714 = tpu.memref_slice %arg2[%dma_wait3A_712, %dma_wait3A_713] : memref<65536x512xf32, #tpu.memory_space<hbm>> -> memref<65536x512xf32, #tpu.memory_space<hbm>>
    tpu.wait_indirect_dma semaphore(%arg7 : memref<!tpu.dma_semaphore, #tpu.memory_space<semaphore_mem>>) src(%dma_wait3A_714 : memref<65536x512xf32, #tpu.memory_space<hbm>>) dst(%dma_wait3A_709 : memref<64x512xf32, #tpu.memory_space<vmem>>)
    %add3A_715 = arith.constant 960 : i32
    %add3A_716 = arith.addi %mul3A_2, %add3A_715 : i32
    %dma_start3A_717 = arith.constant 0 : i32
    %dma_start3A_718 = arith.constant 0 : i32
    %dma_start3A_719 = arith.constant 0 : i32
    %dma_start3A_720 = tpu.memref_slice %arg6[%dma_start3A_717, %dma_start3A_718, %dma_start3A_719] : memref<3x64x512xf32, #tpu.memory_space<vmem>> -> memref<1x64x512xf32, #tpu.memory_space<vmem>>
    %dma_start3A_721 = tpu.memref_squeeze %dma_start3A_720 : memref<1x64x512xf32, #tpu.memory_space<vmem>> -> memref<64x512xf32, #tpu.memory_space<vmem>>
    %dma_start3A_722 = arith.constant 0 : i32
    %dma_start3A_723 = tpu.memref_slice %arg4[%add3A_716, %dma_start3A_722] : memref<32768x512xf32, #tpu.memory_space<hbm>> -> memref<64x512xf32, #tpu.memory_space<hbm>>
    %dma_start3A_724 = arith.constant 0 : i32
    %dma_start3A_725 = tpu.memref_slice %arg4[%add3A_716, %dma_start3A_724] : memref<32768x512xf32, #tpu.memory_space<hbm>> -> memref<64x512xf32, #tpu.memory_space<hbm>>
    %dma_start3A_726 = arith.constant 0 : i32
    %dma_start3A_727 = arith.constant 0 : i32
    %dma_start3A_728 = tpu.memref_slice %arg6[%dma_start3A_717, %dma_start3A_726, %dma_start3A_727] : memref<3x64x512xf32, #tpu.memory_space<vmem>> -> memref<1x64x512xf32, #tpu.memory_space<vmem>>
    %dma_start3A_729 = tpu.memref_squeeze %dma_start3A_728 : memref<1x64x512xf32, #tpu.memory_space<vmem>> -> memref<64x512xf32, #tpu.memory_space<vmem>>
    tpu.enqueue_dma source(%dma_start3A_729 : memref<64x512xf32, #tpu.memory_space<vmem>>) target(%dma_start3A_725 : memref<64x512xf32, #tpu.memory_space<hbm>>) target_semaphore(%arg10 : memref<!tpu.dma_semaphore, #tpu.memory_space<semaphore_mem>>)
    %dma_wait3A_730 = arith.constant 1 : i32
    %dma_wait3A_731 = arith.constant 0 : i32
    %dma_wait3A_732 = arith.constant 0 : i32
    %dma_wait3A_733 = tpu.memref_slice %arg6[%dma_wait3A_730, %dma_wait3A_731, %dma_wait3A_732] : memref<3x64x512xf32, #tpu.memory_space<vmem>> -> memref<1x64x512xf32, #tpu.memory_space<vmem>>
    %dma_wait3A_734 = tpu.memref_squeeze %dma_wait3A_733 : memref<1x64x512xf32, #tpu.memory_space<vmem>> -> memref<64x512xf32, #tpu.memory_space<vmem>>
    %dma_wait3A_735 = arith.constant 0 : i32
    %dma_wait3A_736 = tpu.memref_slice %arg4[%add3A_666, %dma_wait3A_735] : memref<32768x512xf32, #tpu.memory_space<hbm>> -> memref<64x512xf32, #tpu.memory_space<hbm>>
    %dma_wait3A_737 = arith.constant 0 : i32
    %dma_wait3A_738 = tpu.memref_slice %arg4[%add3A_666, %dma_wait3A_737] : memref<32768x512xf32, #tpu.memory_space<hbm>> -> memref<64x512xf32, #tpu.memory_space<hbm>>
    %dma_wait3A_739 = arith.constant 0 : i32
    %dma_wait3A_740 = arith.constant 0 : i32
    %dma_wait3A_741 = tpu.memref_slice %arg6[%dma_wait3A_730, %dma_wait3A_739, %dma_wait3A_740] : memref<3x64x512xf32, #tpu.memory_space<vmem>> -> memref<1x64x512xf32, #tpu.memory_space<vmem>>
    %dma_wait3A_742 = tpu.memref_squeeze %dma_wait3A_741 : memref<1x64x512xf32, #tpu.memory_space<vmem>> -> memref<64x512xf32, #tpu.memory_space<vmem>>
    tpu.wait_dma2 semaphore(%arg11 : memref<!tpu.dma_semaphore, #tpu.memory_space<semaphore_mem>>) src(%dma_wait3A_742 : memref<64x512xf32, #tpu.memory_space<vmem>>) dst(%dma_wait3A_738 : memref<64x512xf32, #tpu.memory_space<hbm>>)
    %dma_wait3A_743 = arith.constant 2 : i32
    %dma_wait3A_744 = arith.constant 0 : i32
    %dma_wait3A_745 = arith.constant 0 : i32
    %dma_wait3A_746 = tpu.memref_slice %arg6[%dma_wait3A_743, %dma_wait3A_744, %dma_wait3A_745] : memref<3x64x512xf32, #tpu.memory_space<vmem>> -> memref<1x64x512xf32, #tpu.memory_space<vmem>>
    %dma_wait3A_747 = tpu.memref_squeeze %dma_wait3A_746 : memref<1x64x512xf32, #tpu.memory_space<vmem>> -> memref<64x512xf32, #tpu.memory_space<vmem>>
    %dma_wait3A_748 = arith.constant 0 : i32
    %dma_wait3A_749 = tpu.memref_slice %arg4[%add3A_691, %dma_wait3A_748] : memref<32768x512xf32, #tpu.memory_space<hbm>> -> memref<64x512xf32, #tpu.memory_space<hbm>>
    %dma_wait3A_750 = arith.constant 0 : i32
    %dma_wait3A_751 = tpu.memref_slice %arg4[%add3A_691, %dma_wait3A_750] : memref<32768x512xf32, #tpu.memory_space<hbm>> -> memref<64x512xf32, #tpu.memory_space<hbm>>
    %dma_wait3A_752 = arith.constant 0 : i32
    %dma_wait3A_753 = arith.constant 0 : i32
    %dma_wait3A_754 = tpu.memref_slice %arg6[%dma_wait3A_743, %dma_wait3A_752, %dma_wait3A_753] : memref<3x64x512xf32, #tpu.memory_space<vmem>> -> memref<1x64x512xf32, #tpu.memory_space<vmem>>
    %dma_wait3A_755 = tpu.memref_squeeze %dma_wait3A_754 : memref<1x64x512xf32, #tpu.memory_space<vmem>> -> memref<64x512xf32, #tpu.memory_space<vmem>>
    tpu.wait_dma2 semaphore(%arg12 : memref<!tpu.dma_semaphore, #tpu.memory_space<semaphore_mem>>) src(%dma_wait3A_755 : memref<64x512xf32, #tpu.memory_space<vmem>>) dst(%dma_wait3A_751 : memref<64x512xf32, #tpu.memory_space<hbm>>)
    %dma_wait3A_756 = arith.constant 0 : i32
    %dma_wait3A_757 = arith.constant 0 : i32
    %dma_wait3A_758 = arith.constant 0 : i32
    %dma_wait3A_759 = tpu.memref_slice %arg6[%dma_wait3A_756, %dma_wait3A_757, %dma_wait3A_758] : memref<3x64x512xf32, #tpu.memory_space<vmem>> -> memref<1x64x512xf32, #tpu.memory_space<vmem>>
    %dma_wait3A_760 = tpu.memref_squeeze %dma_wait3A_759 : memref<1x64x512xf32, #tpu.memory_space<vmem>> -> memref<64x512xf32, #tpu.memory_space<vmem>>
    %dma_wait3A_761 = arith.constant 0 : i32
    %dma_wait3A_762 = tpu.memref_slice %arg4[%add3A_716, %dma_wait3A_761] : memref<32768x512xf32, #tpu.memory_space<hbm>> -> memref<64x512xf32, #tpu.memory_space<hbm>>
    %dma_wait3A_763 = arith.constant 0 : i32
    %dma_wait3A_764 = tpu.memref_slice %arg4[%add3A_716, %dma_wait3A_763] : memref<32768x512xf32, #tpu.memory_space<hbm>> -> memref<64x512xf32, #tpu.memory_space<hbm>>
    %dma_wait3A_765 = arith.constant 0 : i32
    %dma_wait3A_766 = arith.constant 0 : i32
    %dma_wait3A_767 = tpu.memref_slice %arg6[%dma_wait3A_756, %dma_wait3A_765, %dma_wait3A_766] : memref<3x64x512xf32, #tpu.memory_space<vmem>> -> memref<1x64x512xf32, #tpu.memory_space<vmem>>
    %dma_wait3A_768 = tpu.memref_squeeze %dma_wait3A_767 : memref<1x64x512xf32, #tpu.memory_space<vmem>> -> memref<64x512xf32, #tpu.memory_space<vmem>>
    tpu.wait_dma2 semaphore(%arg10 : memref<!tpu.dma_semaphore, #tpu.memory_space<semaphore_mem>>) src(%dma_wait3A_768 : memref<64x512xf32, #tpu.memory_space<vmem>>) dst(%dma_wait3A_764 : memref<64x512xf32, #tpu.memory_space<hbm>>)
    return
  }
}

module attributes {stable_mosaic.version = 14 : i64} {
  func.func @_sort_body(%arg0: memref<16x4096xf32, #tpu.memory_space<vmem>>, %arg1: memref<16x2048xi32, #tpu.memory_space<vmem>>) attributes {dimension_semantics = [], scalar_prefetch = 0 : i64, scratch_operands = 0 : i64, tpu.core_type = #tpu.core_type<tc>} {
    %get3A = arith.constant 0 : index
    %get3A_0 = arith.constant 0 : index
    %get3A_1 = vector.load %arg0[%get3A, %get3A_0] : memref<16x4096xf32, #tpu.memory_space<vmem>>, vector<16x4096xf32>
    %iota3A = tpu.iota {dimensions = array<i32: 1>} : vector<16x4096xi32>
    %and3A = arith.constant 1 : i32
    %and3A_2 = vector.broadcast %and3A : i32 to vector<16x4096xi32>
    %and3A_3 = arith.andi %iota3A, %and3A_2 : vector<16x4096xi32>
    %eq3A = arith.constant 0 : i32
    %eq3A_4 = vector.broadcast %eq3A : i32 to vector<16x4096xi32>
    %eq3A_5 = arith.cmpi eq, %and3A_3, %eq3A_4 : vector<16x4096xi32>
    %slice3A = vector.extract_strided_slice %get3A_1 {offsets = [0, 1], sizes = [16, 4095], strides = [1, 1]} : vector<16x4096xf32> to vector<16x4095xf32>
    %slice3A_6 = vector.extract_strided_slice %get3A_1 {offsets = [0, 0], sizes = [16, 1], strides = [1, 1]} : vector<16x4096xf32> to vector<16x1xf32>
    %concatenate3A = tpu.concatenate %slice3A, %slice3A_6 in 1 : vector<16x4095xf32>, vector<16x1xf32> -> vector<16x4096xf32>
    %slice3A_7 = vector.extract_strided_slice %get3A_1 {offsets = [0, 4095], sizes = [16, 1], strides = [1, 1]} : vector<16x4096xf32> to vector<16x1xf32>
    %slice3A_8 = vector.extract_strided_slice %get3A_1 {offsets = [0, 0], sizes = [16, 4095], strides = [1, 1]} : vector<16x4096xf32> to vector<16x4095xf32>
    %concatenate3A_9 = tpu.concatenate %slice3A_7, %slice3A_8 in 1 : vector<16x1xf32>, vector<16x4095xf32> -> vector<16x4096xf32>
    %select_n3A = arith.select %eq3A_5, %concatenate3A, %concatenate3A_9 : vector<16x4096xi1>, vector<16x4096xf32>
    %slice3A_10 = vector.extract_strided_slice %iota3A {offsets = [0, 1], sizes = [16, 4095], strides = [1, 1]} : vector<16x4096xi32> to vector<16x4095xi32>
    %slice3A_11 = vector.extract_strided_slice %iota3A {offsets = [0, 0], sizes = [16, 1], strides = [1, 1]} : vector<16x4096xi32> to vector<16x1xi32>
    %concatenate3A_12 = tpu.concatenate %slice3A_10, %slice3A_11 in 1 : vector<16x4095xi32>, vector<16x1xi32> -> vector<16x4096xi32>
    %slice3A_13 = vector.extract_strided_slice %iota3A {offsets = [0, 4095], sizes = [16, 1], strides = [1, 1]} : vector<16x4096xi32> to vector<16x1xi32>
    %slice3A_14 = vector.extract_strided_slice %iota3A {offsets = [0, 0], sizes = [16, 4095], strides = [1, 1]} : vector<16x4096xi32> to vector<16x4095xi32>
    %concatenate3A_15 = tpu.concatenate %slice3A_13, %slice3A_14 in 1 : vector<16x1xi32>, vector<16x4095xi32> -> vector<16x4096xi32>
    %select_n3A_16 = arith.select %eq3A_5, %concatenate3A_12, %concatenate3A_15 : vector<16x4096xi1>, vector<16x4096xi32>
    %gt3A = arith.cmpf ogt, %get3A_1, %select_n3A : vector<16x4096xf32>
    %eq3A_17 = arith.cmpf oeq, %get3A_1, %select_n3A : vector<16x4096xf32>
    %lt3A = arith.cmpi slt, %iota3A, %select_n3A_16 : vector<16x4096xi32>
    %and3A_18 = arith.andi %eq3A_17, %lt3A : vector<16x4096xi1>
    %or3A = arith.ori %gt3A, %and3A_18 : vector<16x4096xi1>
    %and3A_19 = arith.constant 2 : i32
    %and3A_20 = vector.broadcast %and3A_19 : i32 to vector<16x4096xi32>
    %and3A_21 = arith.andi %iota3A, %and3A_20 : vector<16x4096xi32>
    %eq3A_22 = arith.constant 0 : i32
    %eq3A_23 = vector.broadcast %eq3A_22 : i32 to vector<16x4096xi32>
    %eq3A_24 = arith.cmpi eq, %and3A_21, %eq3A_23 : vector<16x4096xi32>
    %eq3A_25 = arith.xori %eq3A_5, %eq3A_24 : vector<16x4096xi1>
    %eq3A_26 = arith.constant dense<true> : vector<16x4096xi1>
    %eq3A_27 = arith.xori %eq3A_25, %eq3A_26 : vector<16x4096xi1>
    %eq3A_28 = arith.xori %eq3A_27, %or3A : vector<16x4096xi1>
    %eq3A_29 = arith.constant dense<true> : vector<16x4096xi1>
    %eq3A_30 = arith.xori %eq3A_28, %eq3A_29 : vector<16x4096xi1>
    %select_n3A_31 = arith.select %eq3A_30, %get3A_1, %select_n3A : vector<16x4096xi1>, vector<16x4096xf32>
    %select_n3A_32 = arith.select %eq3A_30, %iota3A, %select_n3A_16 : vector<16x4096xi1>, vector<16x4096xi32>
    %and3A_33 = arith.constant 2 : i32
    %and3A_34 = vector.broadcast %and3A_33 : i32 to vector<16x4096xi32>
    %and3A_35 = arith.andi %iota3A, %and3A_34 : vector<16x4096xi32>
    %eq3A_36 = arith.constant 0 : i32
    %eq3A_37 = vector.broadcast %eq3A_36 : i32 to vector<16x4096xi32>
    %eq3A_38 = arith.cmpi eq, %and3A_35, %eq3A_37 : vector<16x4096xi32>
    %slice3A_39 = vector.extract_strided_slice %select_n3A_31 {offsets = [0, 2], sizes = [16, 4094], strides = [1, 1]} : vector<16x4096xf32> to vector<16x4094xf32>
    %slice3A_40 = vector.extract_strided_slice %select_n3A_31 {offsets = [0, 0], sizes = [16, 2], strides = [1, 1]} : vector<16x4096xf32> to vector<16x2xf32>
    %concatenate3A_41 = tpu.concatenate %slice3A_39, %slice3A_40 in 1 : vector<16x4094xf32>, vector<16x2xf32> -> vector<16x4096xf32>
    %slice3A_42 = vector.extract_strided_slice %select_n3A_31 {offsets = [0, 4094], sizes = [16, 2], strides = [1, 1]} : vector<16x4096xf32> to vector<16x2xf32>
    %slice3A_43 = vector.extract_strided_slice %select_n3A_31 {offsets = [0, 0], sizes = [16, 4094], strides = [1, 1]} : vector<16x4096xf32> to vector<16x4094xf32>
    %concatenate3A_44 = tpu.concatenate %slice3A_42, %slice3A_43 in 1 : vector<16x2xf32>, vector<16x4094xf32> -> vector<16x4096xf32>
    %select_n3A_45 = arith.select %eq3A_38, %concatenate3A_41, %concatenate3A_44 : vector<16x4096xi1>, vector<16x4096xf32>
    %slice3A_46 = vector.extract_strided_slice %select_n3A_32 {offsets = [0, 2], sizes = [16, 4094], strides = [1, 1]} : vector<16x4096xi32> to vector<16x4094xi32>
    %slice3A_47 = vector.extract_strided_slice %select_n3A_32 {offsets = [0, 0], sizes = [16, 2], strides = [1, 1]} : vector<16x4096xi32> to vector<16x2xi32>
    %concatenate3A_48 = tpu.concatenate %slice3A_46, %slice3A_47 in 1 : vector<16x4094xi32>, vector<16x2xi32> -> vector<16x4096xi32>
    %slice3A_49 = vector.extract_strided_slice %select_n3A_32 {offsets = [0, 4094], sizes = [16, 2], strides = [1, 1]} : vector<16x4096xi32> to vector<16x2xi32>
    %slice3A_50 = vector.extract_strided_slice %select_n3A_32 {offsets = [0, 0], sizes = [16, 4094], strides = [1, 1]} : vector<16x4096xi32> to vector<16x4094xi32>
    %concatenate3A_51 = tpu.concatenate %slice3A_49, %slice3A_50 in 1 : vector<16x2xi32>, vector<16x4094xi32> -> vector<16x4096xi32>
    %select_n3A_52 = arith.select %eq3A_38, %concatenate3A_48, %concatenate3A_51 : vector<16x4096xi1>, vector<16x4096xi32>
    %gt3A_53 = arith.cmpf ogt, %select_n3A_31, %select_n3A_45 : vector<16x4096xf32>
    %eq3A_54 = arith.cmpf oeq, %select_n3A_31, %select_n3A_45 : vector<16x4096xf32>
    %lt3A_55 = arith.cmpi slt, %select_n3A_32, %select_n3A_52 : vector<16x4096xi32>
    %and3A_56 = arith.andi %eq3A_54, %lt3A_55 : vector<16x4096xi1>
    %or3A_57 = arith.ori %gt3A_53, %and3A_56 : vector<16x4096xi1>
    %and3A_58 = arith.constant 4 : i32
    %and3A_59 = vector.broadcast %and3A_58 : i32 to vector<16x4096xi32>
    %and3A_60 = arith.andi %iota3A, %and3A_59 : vector<16x4096xi32>
    %eq3A_61 = arith.constant 0 : i32
    %eq3A_62 = vector.broadcast %eq3A_61 : i32 to vector<16x4096xi32>
    %eq3A_63 = arith.cmpi eq, %and3A_60, %eq3A_62 : vector<16x4096xi32>
    %eq3A_64 = arith.xori %eq3A_38, %eq3A_63 : vector<16x4096xi1>
    %eq3A_65 = arith.constant dense<true> : vector<16x4096xi1>
    %eq3A_66 = arith.xori %eq3A_64, %eq3A_65 : vector<16x4096xi1>
    %eq3A_67 = arith.xori %eq3A_66, %or3A_57 : vector<16x4096xi1>
    %eq3A_68 = arith.constant dense<true> : vector<16x4096xi1>
    %eq3A_69 = arith.xori %eq3A_67, %eq3A_68 : vector<16x4096xi1>
    %select_n3A_70 = arith.select %eq3A_69, %select_n3A_31, %select_n3A_45 : vector<16x4096xi1>, vector<16x4096xf32>
    %select_n3A_71 = arith.select %eq3A_69, %select_n3A_32, %select_n3A_52 : vector<16x4096xi1>, vector<16x4096xi32>
    %and3A_72 = arith.constant 1 : i32
    %and3A_73 = vector.broadcast %and3A_72 : i32 to vector<16x4096xi32>
    %and3A_74 = arith.andi %iota3A, %and3A_73 : vector<16x4096xi32>
    %eq3A_75 = arith.constant 0 : i32
    %eq3A_76 = vector.broadcast %eq3A_75 : i32 to vector<16x4096xi32>
    %eq3A_77 = arith.cmpi eq, %and3A_74, %eq3A_76 : vector<16x4096xi32>
    %slice3A_78 = vector.extract_strided_slice %select_n3A_70 {offsets = [0, 1], sizes = [16, 4095], strides = [1, 1]} : vector<16x4096xf32> to vector<16x4095xf32>
    %slice3A_79 = vector.extract_strided_slice %select_n3A_70 {offsets = [0, 0], sizes = [16, 1], strides = [1, 1]} : vector<16x4096xf32> to vector<16x1xf32>
    %concatenate3A_80 = tpu.concatenate %slice3A_78, %slice3A_79 in 1 : vector<16x4095xf32>, vector<16x1xf32> -> vector<16x4096xf32>
    %slice3A_81 = vector.extract_strided_slice %select_n3A_70 {offsets = [0, 4095], sizes = [16, 1], strides = [1, 1]} : vector<16x4096xf32> to vector<16x1xf32>
    %slice3A_82 = vector.extract_strided_slice %select_n3A_70 {offsets = [0, 0], sizes = [16, 4095], strides = [1, 1]} : vector<16x4096xf32> to vector<16x4095xf32>
    %concatenate3A_83 = tpu.concatenate %slice3A_81, %slice3A_82 in 1 : vector<16x1xf32>, vector<16x4095xf32> -> vector<16x4096xf32>
    %select_n3A_84 = arith.select %eq3A_77, %concatenate3A_80, %concatenate3A_83 : vector<16x4096xi1>, vector<16x4096xf32>
    %slice3A_85 = vector.extract_strided_slice %select_n3A_71 {offsets = [0, 1], sizes = [16, 4095], strides = [1, 1]} : vector<16x4096xi32> to vector<16x4095xi32>
    %slice3A_86 = vector.extract_strided_slice %select_n3A_71 {offsets = [0, 0], sizes = [16, 1], strides = [1, 1]} : vector<16x4096xi32> to vector<16x1xi32>
    %concatenate3A_87 = tpu.concatenate %slice3A_85, %slice3A_86 in 1 : vector<16x4095xi32>, vector<16x1xi32> -> vector<16x4096xi32>
    %slice3A_88 = vector.extract_strided_slice %select_n3A_71 {offsets = [0, 4095], sizes = [16, 1], strides = [1, 1]} : vector<16x4096xi32> to vector<16x1xi32>
    %slice3A_89 = vector.extract_strided_slice %select_n3A_71 {offsets = [0, 0], sizes = [16, 4095], strides = [1, 1]} : vector<16x4096xi32> to vector<16x4095xi32>
    %concatenate3A_90 = tpu.concatenate %slice3A_88, %slice3A_89 in 1 : vector<16x1xi32>, vector<16x4095xi32> -> vector<16x4096xi32>
    %select_n3A_91 = arith.select %eq3A_77, %concatenate3A_87, %concatenate3A_90 : vector<16x4096xi1>, vector<16x4096xi32>
    %gt3A_92 = arith.cmpf ogt, %select_n3A_70, %select_n3A_84 : vector<16x4096xf32>
    %eq3A_93 = arith.cmpf oeq, %select_n3A_70, %select_n3A_84 : vector<16x4096xf32>
    %lt3A_94 = arith.cmpi slt, %select_n3A_71, %select_n3A_91 : vector<16x4096xi32>
    %and3A_95 = arith.andi %eq3A_93, %lt3A_94 : vector<16x4096xi1>
    %or3A_96 = arith.ori %gt3A_92, %and3A_95 : vector<16x4096xi1>
    %and3A_97 = arith.constant 4 : i32
    %and3A_98 = vector.broadcast %and3A_97 : i32 to vector<16x4096xi32>
    %and3A_99 = arith.andi %iota3A, %and3A_98 : vector<16x4096xi32>
    %eq3A_100 = arith.constant 0 : i32
    %eq3A_101 = vector.broadcast %eq3A_100 : i32 to vector<16x4096xi32>
    %eq3A_102 = arith.cmpi eq, %and3A_99, %eq3A_101 : vector<16x4096xi32>
    %eq3A_103 = arith.xori %eq3A_77, %eq3A_102 : vector<16x4096xi1>
    %eq3A_104 = arith.constant dense<true> : vector<16x4096xi1>
    %eq3A_105 = arith.xori %eq3A_103, %eq3A_104 : vector<16x4096xi1>
    %eq3A_106 = arith.xori %eq3A_105, %or3A_96 : vector<16x4096xi1>
    %eq3A_107 = arith.constant dense<true> : vector<16x4096xi1>
    %eq3A_108 = arith.xori %eq3A_106, %eq3A_107 : vector<16x4096xi1>
    %select_n3A_109 = arith.select %eq3A_108, %select_n3A_70, %select_n3A_84 : vector<16x4096xi1>, vector<16x4096xf32>
    %select_n3A_110 = arith.select %eq3A_108, %select_n3A_71, %select_n3A_91 : vector<16x4096xi1>, vector<16x4096xi32>
    %and3A_111 = arith.constant 4 : i32
    %and3A_112 = vector.broadcast %and3A_111 : i32 to vector<16x4096xi32>
    %and3A_113 = arith.andi %iota3A, %and3A_112 : vector<16x4096xi32>
    %eq3A_114 = arith.constant 0 : i32
    %eq3A_115 = vector.broadcast %eq3A_114 : i32 to vector<16x4096xi32>
    %eq3A_116 = arith.cmpi eq, %and3A_113, %eq3A_115 : vector<16x4096xi32>
    %slice3A_117 = vector.extract_strided_slice %select_n3A_109 {offsets = [0, 4], sizes = [16, 4092], strides = [1, 1]} : vector<16x4096xf32> to vector<16x4092xf32>
    %slice3A_118 = vector.extract_strided_slice %select_n3A_109 {offsets = [0, 0], sizes = [16, 4], strides = [1, 1]} : vector<16x4096xf32> to vector<16x4xf32>
    %concatenate3A_119 = tpu.concatenate %slice3A_117, %slice3A_118 in 1 : vector<16x4092xf32>, vector<16x4xf32> -> vector<16x4096xf32>
    %slice3A_120 = vector.extract_strided_slice %select_n3A_109 {offsets = [0, 4092], sizes = [16, 4], strides = [1, 1]} : vector<16x4096xf32> to vector<16x4xf32>
    %slice3A_121 = vector.extract_strided_slice %select_n3A_109 {offsets = [0, 0], sizes = [16, 4092], strides = [1, 1]} : vector<16x4096xf32> to vector<16x4092xf32>
    %concatenate3A_122 = tpu.concatenate %slice3A_120, %slice3A_121 in 1 : vector<16x4xf32>, vector<16x4092xf32> -> vector<16x4096xf32>
    %select_n3A_123 = arith.select %eq3A_116, %concatenate3A_119, %concatenate3A_122 : vector<16x4096xi1>, vector<16x4096xf32>
    %slice3A_124 = vector.extract_strided_slice %select_n3A_110 {offsets = [0, 4], sizes = [16, 4092], strides = [1, 1]} : vector<16x4096xi32> to vector<16x4092xi32>
    %slice3A_125 = vector.extract_strided_slice %select_n3A_110 {offsets = [0, 0], sizes = [16, 4], strides = [1, 1]} : vector<16x4096xi32> to vector<16x4xi32>
    %concatenate3A_126 = tpu.concatenate %slice3A_124, %slice3A_125 in 1 : vector<16x4092xi32>, vector<16x4xi32> -> vector<16x4096xi32>
    %slice3A_127 = vector.extract_strided_slice %select_n3A_110 {offsets = [0, 4092], sizes = [16, 4], strides = [1, 1]} : vector<16x4096xi32> to vector<16x4xi32>
    %slice3A_128 = vector.extract_strided_slice %select_n3A_110 {offsets = [0, 0], sizes = [16, 4092], strides = [1, 1]} : vector<16x4096xi32> to vector<16x4092xi32>
    %concatenate3A_129 = tpu.concatenate %slice3A_127, %slice3A_128 in 1 : vector<16x4xi32>, vector<16x4092xi32> -> vector<16x4096xi32>
    %select_n3A_130 = arith.select %eq3A_116, %concatenate3A_126, %concatenate3A_129 : vector<16x4096xi1>, vector<16x4096xi32>
    %gt3A_131 = arith.cmpf ogt, %select_n3A_109, %select_n3A_123 : vector<16x4096xf32>
    %eq3A_132 = arith.cmpf oeq, %select_n3A_109, %select_n3A_123 : vector<16x4096xf32>
    %lt3A_133 = arith.cmpi slt, %select_n3A_110, %select_n3A_130 : vector<16x4096xi32>
    %and3A_134 = arith.andi %eq3A_132, %lt3A_133 : vector<16x4096xi1>
    %or3A_135 = arith.ori %gt3A_131, %and3A_134 : vector<16x4096xi1>
    %and3A_136 = arith.constant 8 : i32
    %and3A_137 = vector.broadcast %and3A_136 : i32 to vector<16x4096xi32>
    %and3A_138 = arith.andi %iota3A, %and3A_137 : vector<16x4096xi32>
    %eq3A_139 = arith.constant 0 : i32
    %eq3A_140 = vector.broadcast %eq3A_139 : i32 to vector<16x4096xi32>
    %eq3A_141 = arith.cmpi eq, %and3A_138, %eq3A_140 : vector<16x4096xi32>
    %eq3A_142 = arith.xori %eq3A_116, %eq3A_141 : vector<16x4096xi1>
    %eq3A_143 = arith.constant dense<true> : vector<16x4096xi1>
    %eq3A_144 = arith.xori %eq3A_142, %eq3A_143 : vector<16x4096xi1>
    %eq3A_145 = arith.xori %eq3A_144, %or3A_135 : vector<16x4096xi1>
    %eq3A_146 = arith.constant dense<true> : vector<16x4096xi1>
    %eq3A_147 = arith.xori %eq3A_145, %eq3A_146 : vector<16x4096xi1>
    %select_n3A_148 = arith.select %eq3A_147, %select_n3A_109, %select_n3A_123 : vector<16x4096xi1>, vector<16x4096xf32>
    %select_n3A_149 = arith.select %eq3A_147, %select_n3A_110, %select_n3A_130 : vector<16x4096xi1>, vector<16x4096xi32>
    %and3A_150 = arith.constant 2 : i32
    %and3A_151 = vector.broadcast %and3A_150 : i32 to vector<16x4096xi32>
    %and3A_152 = arith.andi %iota3A, %and3A_151 : vector<16x4096xi32>
    %eq3A_153 = arith.constant 0 : i32
    %eq3A_154 = vector.broadcast %eq3A_153 : i32 to vector<16x4096xi32>
    %eq3A_155 = arith.cmpi eq, %and3A_152, %eq3A_154 : vector<16x4096xi32>
    %slice3A_156 = vector.extract_strided_slice %select_n3A_148 {offsets = [0, 2], sizes = [16, 4094], strides = [1, 1]} : vector<16x4096xf32> to vector<16x4094xf32>
    %slice3A_157 = vector.extract_strided_slice %select_n3A_148 {offsets = [0, 0], sizes = [16, 2], strides = [1, 1]} : vector<16x4096xf32> to vector<16x2xf32>
    %concatenate3A_158 = tpu.concatenate %slice3A_156, %slice3A_157 in 1 : vector<16x4094xf32>, vector<16x2xf32> -> vector<16x4096xf32>
    %slice3A_159 = vector.extract_strided_slice %select_n3A_148 {offsets = [0, 4094], sizes = [16, 2], strides = [1, 1]} : vector<16x4096xf32> to vector<16x2xf32>
    %slice3A_160 = vector.extract_strided_slice %select_n3A_148 {offsets = [0, 0], sizes = [16, 4094], strides = [1, 1]} : vector<16x4096xf32> to vector<16x4094xf32>
    %concatenate3A_161 = tpu.concatenate %slice3A_159, %slice3A_160 in 1 : vector<16x2xf32>, vector<16x4094xf32> -> vector<16x4096xf32>
    %select_n3A_162 = arith.select %eq3A_155, %concatenate3A_158, %concatenate3A_161 : vector<16x4096xi1>, vector<16x4096xf32>
    %slice3A_163 = vector.extract_strided_slice %select_n3A_149 {offsets = [0, 2], sizes = [16, 4094], strides = [1, 1]} : vector<16x4096xi32> to vector<16x4094xi32>
    %slice3A_164 = vector.extract_strided_slice %select_n3A_149 {offsets = [0, 0], sizes = [16, 2], strides = [1, 1]} : vector<16x4096xi32> to vector<16x2xi32>
    %concatenate3A_165 = tpu.concatenate %slice3A_163, %slice3A_164 in 1 : vector<16x4094xi32>, vector<16x2xi32> -> vector<16x4096xi32>
    %slice3A_166 = vector.extract_strided_slice %select_n3A_149 {offsets = [0, 4094], sizes = [16, 2], strides = [1, 1]} : vector<16x4096xi32> to vector<16x2xi32>
    %slice3A_167 = vector.extract_strided_slice %select_n3A_149 {offsets = [0, 0], sizes = [16, 4094], strides = [1, 1]} : vector<16x4096xi32> to vector<16x4094xi32>
    %concatenate3A_168 = tpu.concatenate %slice3A_166, %slice3A_167 in 1 : vector<16x2xi32>, vector<16x4094xi32> -> vector<16x4096xi32>
    %select_n3A_169 = arith.select %eq3A_155, %concatenate3A_165, %concatenate3A_168 : vector<16x4096xi1>, vector<16x4096xi32>
    %gt3A_170 = arith.cmpf ogt, %select_n3A_148, %select_n3A_162 : vector<16x4096xf32>
    %eq3A_171 = arith.cmpf oeq, %select_n3A_148, %select_n3A_162 : vector<16x4096xf32>
    %lt3A_172 = arith.cmpi slt, %select_n3A_149, %select_n3A_169 : vector<16x4096xi32>
    %and3A_173 = arith.andi %eq3A_171, %lt3A_172 : vector<16x4096xi1>
    %or3A_174 = arith.ori %gt3A_170, %and3A_173 : vector<16x4096xi1>
    %and3A_175 = arith.constant 8 : i32
    %and3A_176 = vector.broadcast %and3A_175 : i32 to vector<16x4096xi32>
    %and3A_177 = arith.andi %iota3A, %and3A_176 : vector<16x4096xi32>
    %eq3A_178 = arith.constant 0 : i32
    %eq3A_179 = vector.broadcast %eq3A_178 : i32 to vector<16x4096xi32>
    %eq3A_180 = arith.cmpi eq, %and3A_177, %eq3A_179 : vector<16x4096xi32>
    %eq3A_181 = arith.xori %eq3A_155, %eq3A_180 : vector<16x4096xi1>
    %eq3A_182 = arith.constant dense<true> : vector<16x4096xi1>
    %eq3A_183 = arith.xori %eq3A_181, %eq3A_182 : vector<16x4096xi1>
    %eq3A_184 = arith.xori %eq3A_183, %or3A_174 : vector<16x4096xi1>
    %eq3A_185 = arith.constant dense<true> : vector<16x4096xi1>
    %eq3A_186 = arith.xori %eq3A_184, %eq3A_185 : vector<16x4096xi1>
    %select_n3A_187 = arith.select %eq3A_186, %select_n3A_148, %select_n3A_162 : vector<16x4096xi1>, vector<16x4096xf32>
    %select_n3A_188 = arith.select %eq3A_186, %select_n3A_149, %select_n3A_169 : vector<16x4096xi1>, vector<16x4096xi32>
    %and3A_189 = arith.constant 1 : i32
    %and3A_190 = vector.broadcast %and3A_189 : i32 to vector<16x4096xi32>
    %and3A_191 = arith.andi %iota3A, %and3A_190 : vector<16x4096xi32>
    %eq3A_192 = arith.constant 0 : i32
    %eq3A_193 = vector.broadcast %eq3A_192 : i32 to vector<16x4096xi32>
    %eq3A_194 = arith.cmpi eq, %and3A_191, %eq3A_193 : vector<16x4096xi32>
    %slice3A_195 = vector.extract_strided_slice %select_n3A_187 {offsets = [0, 1], sizes = [16, 4095], strides = [1, 1]} : vector<16x4096xf32> to vector<16x4095xf32>
    %slice3A_196 = vector.extract_strided_slice %select_n3A_187 {offsets = [0, 0], sizes = [16, 1], strides = [1, 1]} : vector<16x4096xf32> to vector<16x1xf32>
    %concatenate3A_197 = tpu.concatenate %slice3A_195, %slice3A_196 in 1 : vector<16x4095xf32>, vector<16x1xf32> -> vector<16x4096xf32>
    %slice3A_198 = vector.extract_strided_slice %select_n3A_187 {offsets = [0, 4095], sizes = [16, 1], strides = [1, 1]} : vector<16x4096xf32> to vector<16x1xf32>
    %slice3A_199 = vector.extract_strided_slice %select_n3A_187 {offsets = [0, 0], sizes = [16, 4095], strides = [1, 1]} : vector<16x4096xf32> to vector<16x4095xf32>
    %concatenate3A_200 = tpu.concatenate %slice3A_198, %slice3A_199 in 1 : vector<16x1xf32>, vector<16x4095xf32> -> vector<16x4096xf32>
    %select_n3A_201 = arith.select %eq3A_194, %concatenate3A_197, %concatenate3A_200 : vector<16x4096xi1>, vector<16x4096xf32>
    %slice3A_202 = vector.extract_strided_slice %select_n3A_188 {offsets = [0, 1], sizes = [16, 4095], strides = [1, 1]} : vector<16x4096xi32> to vector<16x4095xi32>
    %slice3A_203 = vector.extract_strided_slice %select_n3A_188 {offsets = [0, 0], sizes = [16, 1], strides = [1, 1]} : vector<16x4096xi32> to vector<16x1xi32>
    %concatenate3A_204 = tpu.concatenate %slice3A_202, %slice3A_203 in 1 : vector<16x4095xi32>, vector<16x1xi32> -> vector<16x4096xi32>
    %slice3A_205 = vector.extract_strided_slice %select_n3A_188 {offsets = [0, 4095], sizes = [16, 1], strides = [1, 1]} : vector<16x4096xi32> to vector<16x1xi32>
    %slice3A_206 = vector.extract_strided_slice %select_n3A_188 {offsets = [0, 0], sizes = [16, 4095], strides = [1, 1]} : vector<16x4096xi32> to vector<16x4095xi32>
    %concatenate3A_207 = tpu.concatenate %slice3A_205, %slice3A_206 in 1 : vector<16x1xi32>, vector<16x4095xi32> -> vector<16x4096xi32>
    %select_n3A_208 = arith.select %eq3A_194, %concatenate3A_204, %concatenate3A_207 : vector<16x4096xi1>, vector<16x4096xi32>
    %gt3A_209 = arith.cmpf ogt, %select_n3A_187, %select_n3A_201 : vector<16x4096xf32>
    %eq3A_210 = arith.cmpf oeq, %select_n3A_187, %select_n3A_201 : vector<16x4096xf32>
    %lt3A_211 = arith.cmpi slt, %select_n3A_188, %select_n3A_208 : vector<16x4096xi32>
    %and3A_212 = arith.andi %eq3A_210, %lt3A_211 : vector<16x4096xi1>
    %or3A_213 = arith.ori %gt3A_209, %and3A_212 : vector<16x4096xi1>
    %and3A_214 = arith.constant 8 : i32
    %and3A_215 = vector.broadcast %and3A_214 : i32 to vector<16x4096xi32>
    %and3A_216 = arith.andi %iota3A, %and3A_215 : vector<16x4096xi32>
    %eq3A_217 = arith.constant 0 : i32
    %eq3A_218 = vector.broadcast %eq3A_217 : i32 to vector<16x4096xi32>
    %eq3A_219 = arith.cmpi eq, %and3A_216, %eq3A_218 : vector<16x4096xi32>
    %eq3A_220 = arith.xori %eq3A_194, %eq3A_219 : vector<16x4096xi1>
    %eq3A_221 = arith.constant dense<true> : vector<16x4096xi1>
    %eq3A_222 = arith.xori %eq3A_220, %eq3A_221 : vector<16x4096xi1>
    %eq3A_223 = arith.xori %eq3A_222, %or3A_213 : vector<16x4096xi1>
    %eq3A_224 = arith.constant dense<true> : vector<16x4096xi1>
    %eq3A_225 = arith.xori %eq3A_223, %eq3A_224 : vector<16x4096xi1>
    %select_n3A_226 = arith.select %eq3A_225, %select_n3A_187, %select_n3A_201 : vector<16x4096xi1>, vector<16x4096xf32>
    %select_n3A_227 = arith.select %eq3A_225, %select_n3A_188, %select_n3A_208 : vector<16x4096xi1>, vector<16x4096xi32>
    %and3A_228 = arith.constant 8 : i32
    %and3A_229 = vector.broadcast %and3A_228 : i32 to vector<16x4096xi32>
    %and3A_230 = arith.andi %iota3A, %and3A_229 : vector<16x4096xi32>
    %eq3A_231 = arith.constant 0 : i32
    %eq3A_232 = vector.broadcast %eq3A_231 : i32 to vector<16x4096xi32>
    %eq3A_233 = arith.cmpi eq, %and3A_230, %eq3A_232 : vector<16x4096xi32>
    %slice3A_234 = vector.extract_strided_slice %select_n3A_226 {offsets = [0, 8], sizes = [16, 4088], strides = [1, 1]} : vector<16x4096xf32> to vector<16x4088xf32>
    %slice3A_235 = vector.extract_strided_slice %select_n3A_226 {offsets = [0, 0], sizes = [16, 8], strides = [1, 1]} : vector<16x4096xf32> to vector<16x8xf32>
    %concatenate3A_236 = tpu.concatenate %slice3A_234, %slice3A_235 in 1 : vector<16x4088xf32>, vector<16x8xf32> -> vector<16x4096xf32>
    %slice3A_237 = vector.extract_strided_slice %select_n3A_226 {offsets = [0, 4088], sizes = [16, 8], strides = [1, 1]} : vector<16x4096xf32> to vector<16x8xf32>
    %slice3A_238 = vector.extract_strided_slice %select_n3A_226 {offsets = [0, 0], sizes = [16, 4088], strides = [1, 1]} : vector<16x4096xf32> to vector<16x4088xf32>
    %concatenate3A_239 = tpu.concatenate %slice3A_237, %slice3A_238 in 1 : vector<16x8xf32>, vector<16x4088xf32> -> vector<16x4096xf32>
    %select_n3A_240 = arith.select %eq3A_233, %concatenate3A_236, %concatenate3A_239 : vector<16x4096xi1>, vector<16x4096xf32>
    %slice3A_241 = vector.extract_strided_slice %select_n3A_227 {offsets = [0, 8], sizes = [16, 4088], strides = [1, 1]} : vector<16x4096xi32> to vector<16x4088xi32>
    %slice3A_242 = vector.extract_strided_slice %select_n3A_227 {offsets = [0, 0], sizes = [16, 8], strides = [1, 1]} : vector<16x4096xi32> to vector<16x8xi32>
    %concatenate3A_243 = tpu.concatenate %slice3A_241, %slice3A_242 in 1 : vector<16x4088xi32>, vector<16x8xi32> -> vector<16x4096xi32>
    %slice3A_244 = vector.extract_strided_slice %select_n3A_227 {offsets = [0, 4088], sizes = [16, 8], strides = [1, 1]} : vector<16x4096xi32> to vector<16x8xi32>
    %slice3A_245 = vector.extract_strided_slice %select_n3A_227 {offsets = [0, 0], sizes = [16, 4088], strides = [1, 1]} : vector<16x4096xi32> to vector<16x4088xi32>
    %concatenate3A_246 = tpu.concatenate %slice3A_244, %slice3A_245 in 1 : vector<16x8xi32>, vector<16x4088xi32> -> vector<16x4096xi32>
    %select_n3A_247 = arith.select %eq3A_233, %concatenate3A_243, %concatenate3A_246 : vector<16x4096xi1>, vector<16x4096xi32>
    %gt3A_248 = arith.cmpf ogt, %select_n3A_226, %select_n3A_240 : vector<16x4096xf32>
    %eq3A_249 = arith.cmpf oeq, %select_n3A_226, %select_n3A_240 : vector<16x4096xf32>
    %lt3A_250 = arith.cmpi slt, %select_n3A_227, %select_n3A_247 : vector<16x4096xi32>
    %and3A_251 = arith.andi %eq3A_249, %lt3A_250 : vector<16x4096xi1>
    %or3A_252 = arith.ori %gt3A_248, %and3A_251 : vector<16x4096xi1>
    %and3A_253 = arith.constant 16 : i32
    %and3A_254 = vector.broadcast %and3A_253 : i32 to vector<16x4096xi32>
    %and3A_255 = arith.andi %iota3A, %and3A_254 : vector<16x4096xi32>
    %eq3A_256 = arith.constant 0 : i32
    %eq3A_257 = vector.broadcast %eq3A_256 : i32 to vector<16x4096xi32>
    %eq3A_258 = arith.cmpi eq, %and3A_255, %eq3A_257 : vector<16x4096xi32>
    %eq3A_259 = arith.xori %eq3A_233, %eq3A_258 : vector<16x4096xi1>
    %eq3A_260 = arith.constant dense<true> : vector<16x4096xi1>
    %eq3A_261 = arith.xori %eq3A_259, %eq3A_260 : vector<16x4096xi1>
    %eq3A_262 = arith.xori %eq3A_261, %or3A_252 : vector<16x4096xi1>
    %eq3A_263 = arith.constant dense<true> : vector<16x4096xi1>
    %eq3A_264 = arith.xori %eq3A_262, %eq3A_263 : vector<16x4096xi1>
    %select_n3A_265 = arith.select %eq3A_264, %select_n3A_226, %select_n3A_240 : vector<16x4096xi1>, vector<16x4096xf32>
    %select_n3A_266 = arith.select %eq3A_264, %select_n3A_227, %select_n3A_247 : vector<16x4096xi1>, vector<16x4096xi32>
    %and3A_267 = arith.constant 4 : i32
    %and3A_268 = vector.broadcast %and3A_267 : i32 to vector<16x4096xi32>
    %and3A_269 = arith.andi %iota3A, %and3A_268 : vector<16x4096xi32>
    %eq3A_270 = arith.constant 0 : i32
    %eq3A_271 = vector.broadcast %eq3A_270 : i32 to vector<16x4096xi32>
    %eq3A_272 = arith.cmpi eq, %and3A_269, %eq3A_271 : vector<16x4096xi32>
    %slice3A_273 = vector.extract_strided_slice %select_n3A_265 {offsets = [0, 4], sizes = [16, 4092], strides = [1, 1]} : vector<16x4096xf32> to vector<16x4092xf32>
    %slice3A_274 = vector.extract_strided_slice %select_n3A_265 {offsets = [0, 0], sizes = [16, 4], strides = [1, 1]} : vector<16x4096xf32> to vector<16x4xf32>
    %concatenate3A_275 = tpu.concatenate %slice3A_273, %slice3A_274 in 1 : vector<16x4092xf32>, vector<16x4xf32> -> vector<16x4096xf32>
    %slice3A_276 = vector.extract_strided_slice %select_n3A_265 {offsets = [0, 4092], sizes = [16, 4], strides = [1, 1]} : vector<16x4096xf32> to vector<16x4xf32>
    %slice3A_277 = vector.extract_strided_slice %select_n3A_265 {offsets = [0, 0], sizes = [16, 4092], strides = [1, 1]} : vector<16x4096xf32> to vector<16x4092xf32>
    %concatenate3A_278 = tpu.concatenate %slice3A_276, %slice3A_277 in 1 : vector<16x4xf32>, vector<16x4092xf32> -> vector<16x4096xf32>
    %select_n3A_279 = arith.select %eq3A_272, %concatenate3A_275, %concatenate3A_278 : vector<16x4096xi1>, vector<16x4096xf32>
    %slice3A_280 = vector.extract_strided_slice %select_n3A_266 {offsets = [0, 4], sizes = [16, 4092], strides = [1, 1]} : vector<16x4096xi32> to vector<16x4092xi32>
    %slice3A_281 = vector.extract_strided_slice %select_n3A_266 {offsets = [0, 0], sizes = [16, 4], strides = [1, 1]} : vector<16x4096xi32> to vector<16x4xi32>
    %concatenate3A_282 = tpu.concatenate %slice3A_280, %slice3A_281 in 1 : vector<16x4092xi32>, vector<16x4xi32> -> vector<16x4096xi32>
    %slice3A_283 = vector.extract_strided_slice %select_n3A_266 {offsets = [0, 4092], sizes = [16, 4], strides = [1, 1]} : vector<16x4096xi32> to vector<16x4xi32>
    %slice3A_284 = vector.extract_strided_slice %select_n3A_266 {offsets = [0, 0], sizes = [16, 4092], strides = [1, 1]} : vector<16x4096xi32> to vector<16x4092xi32>
    %concatenate3A_285 = tpu.concatenate %slice3A_283, %slice3A_284 in 1 : vector<16x4xi32>, vector<16x4092xi32> -> vector<16x4096xi32>
    %select_n3A_286 = arith.select %eq3A_272, %concatenate3A_282, %concatenate3A_285 : vector<16x4096xi1>, vector<16x4096xi32>
    %gt3A_287 = arith.cmpf ogt, %select_n3A_265, %select_n3A_279 : vector<16x4096xf32>
    %eq3A_288 = arith.cmpf oeq, %select_n3A_265, %select_n3A_279 : vector<16x4096xf32>
    %lt3A_289 = arith.cmpi slt, %select_n3A_266, %select_n3A_286 : vector<16x4096xi32>
    %and3A_290 = arith.andi %eq3A_288, %lt3A_289 : vector<16x4096xi1>
    %or3A_291 = arith.ori %gt3A_287, %and3A_290 : vector<16x4096xi1>
    %and3A_292 = arith.constant 16 : i32
    %and3A_293 = vector.broadcast %and3A_292 : i32 to vector<16x4096xi32>
    %and3A_294 = arith.andi %iota3A, %and3A_293 : vector<16x4096xi32>
    %eq3A_295 = arith.constant 0 : i32
    %eq3A_296 = vector.broadcast %eq3A_295 : i32 to vector<16x4096xi32>
    %eq3A_297 = arith.cmpi eq, %and3A_294, %eq3A_296 : vector<16x4096xi32>
    %eq3A_298 = arith.xori %eq3A_272, %eq3A_297 : vector<16x4096xi1>
    %eq3A_299 = arith.constant dense<true> : vector<16x4096xi1>
    %eq3A_300 = arith.xori %eq3A_298, %eq3A_299 : vector<16x4096xi1>
    %eq3A_301 = arith.xori %eq3A_300, %or3A_291 : vector<16x4096xi1>
    %eq3A_302 = arith.constant dense<true> : vector<16x4096xi1>
    %eq3A_303 = arith.xori %eq3A_301, %eq3A_302 : vector<16x4096xi1>
    %select_n3A_304 = arith.select %eq3A_303, %select_n3A_265, %select_n3A_279 : vector<16x4096xi1>, vector<16x4096xf32>
    %select_n3A_305 = arith.select %eq3A_303, %select_n3A_266, %select_n3A_286 : vector<16x4096xi1>, vector<16x4096xi32>
    %and3A_306 = arith.constant 2 : i32
    %and3A_307 = vector.broadcast %and3A_306 : i32 to vector<16x4096xi32>
    %and3A_308 = arith.andi %iota3A, %and3A_307 : vector<16x4096xi32>
    %eq3A_309 = arith.constant 0 : i32
    %eq3A_310 = vector.broadcast %eq3A_309 : i32 to vector<16x4096xi32>
    %eq3A_311 = arith.cmpi eq, %and3A_308, %eq3A_310 : vector<16x4096xi32>
    %slice3A_312 = vector.extract_strided_slice %select_n3A_304 {offsets = [0, 2], sizes = [16, 4094], strides = [1, 1]} : vector<16x4096xf32> to vector<16x4094xf32>
    %slice3A_313 = vector.extract_strided_slice %select_n3A_304 {offsets = [0, 0], sizes = [16, 2], strides = [1, 1]} : vector<16x4096xf32> to vector<16x2xf32>
    %concatenate3A_314 = tpu.concatenate %slice3A_312, %slice3A_313 in 1 : vector<16x4094xf32>, vector<16x2xf32> -> vector<16x4096xf32>
    %slice3A_315 = vector.extract_strided_slice %select_n3A_304 {offsets = [0, 4094], sizes = [16, 2], strides = [1, 1]} : vector<16x4096xf32> to vector<16x2xf32>
    %slice3A_316 = vector.extract_strided_slice %select_n3A_304 {offsets = [0, 0], sizes = [16, 4094], strides = [1, 1]} : vector<16x4096xf32> to vector<16x4094xf32>
    %concatenate3A_317 = tpu.concatenate %slice3A_315, %slice3A_316 in 1 : vector<16x2xf32>, vector<16x4094xf32> -> vector<16x4096xf32>
    %select_n3A_318 = arith.select %eq3A_311, %concatenate3A_314, %concatenate3A_317 : vector<16x4096xi1>, vector<16x4096xf32>
    %slice3A_319 = vector.extract_strided_slice %select_n3A_305 {offsets = [0, 2], sizes = [16, 4094], strides = [1, 1]} : vector<16x4096xi32> to vector<16x4094xi32>
    %slice3A_320 = vector.extract_strided_slice %select_n3A_305 {offsets = [0, 0], sizes = [16, 2], strides = [1, 1]} : vector<16x4096xi32> to vector<16x2xi32>
    %concatenate3A_321 = tpu.concatenate %slice3A_319, %slice3A_320 in 1 : vector<16x4094xi32>, vector<16x2xi32> -> vector<16x4096xi32>
    %slice3A_322 = vector.extract_strided_slice %select_n3A_305 {offsets = [0, 4094], sizes = [16, 2], strides = [1, 1]} : vector<16x4096xi32> to vector<16x2xi32>
    %slice3A_323 = vector.extract_strided_slice %select_n3A_305 {offsets = [0, 0], sizes = [16, 4094], strides = [1, 1]} : vector<16x4096xi32> to vector<16x4094xi32>
    %concatenate3A_324 = tpu.concatenate %slice3A_322, %slice3A_323 in 1 : vector<16x2xi32>, vector<16x4094xi32> -> vector<16x4096xi32>
    %select_n3A_325 = arith.select %eq3A_311, %concatenate3A_321, %concatenate3A_324 : vector<16x4096xi1>, vector<16x4096xi32>
    %gt3A_326 = arith.cmpf ogt, %select_n3A_304, %select_n3A_318 : vector<16x4096xf32>
    %eq3A_327 = arith.cmpf oeq, %select_n3A_304, %select_n3A_318 : vector<16x4096xf32>
    %lt3A_328 = arith.cmpi slt, %select_n3A_305, %select_n3A_325 : vector<16x4096xi32>
    %and3A_329 = arith.andi %eq3A_327, %lt3A_328 : vector<16x4096xi1>
    %or3A_330 = arith.ori %gt3A_326, %and3A_329 : vector<16x4096xi1>
    %and3A_331 = arith.constant 16 : i32
    %and3A_332 = vector.broadcast %and3A_331 : i32 to vector<16x4096xi32>
    %and3A_333 = arith.andi %iota3A, %and3A_332 : vector<16x4096xi32>
    %eq3A_334 = arith.constant 0 : i32
    %eq3A_335 = vector.broadcast %eq3A_334 : i32 to vector<16x4096xi32>
    %eq3A_336 = arith.cmpi eq, %and3A_333, %eq3A_335 : vector<16x4096xi32>
    %eq3A_337 = arith.xori %eq3A_311, %eq3A_336 : vector<16x4096xi1>
    %eq3A_338 = arith.constant dense<true> : vector<16x4096xi1>
    %eq3A_339 = arith.xori %eq3A_337, %eq3A_338 : vector<16x4096xi1>
    %eq3A_340 = arith.xori %eq3A_339, %or3A_330 : vector<16x4096xi1>
    %eq3A_341 = arith.constant dense<true> : vector<16x4096xi1>
    %eq3A_342 = arith.xori %eq3A_340, %eq3A_341 : vector<16x4096xi1>
    %select_n3A_343 = arith.select %eq3A_342, %select_n3A_304, %select_n3A_318 : vector<16x4096xi1>, vector<16x4096xf32>
    %select_n3A_344 = arith.select %eq3A_342, %select_n3A_305, %select_n3A_325 : vector<16x4096xi1>, vector<16x4096xi32>
    %and3A_345 = arith.constant 1 : i32
    %and3A_346 = vector.broadcast %and3A_345 : i32 to vector<16x4096xi32>
    %and3A_347 = arith.andi %iota3A, %and3A_346 : vector<16x4096xi32>
    %eq3A_348 = arith.constant 0 : i32
    %eq3A_349 = vector.broadcast %eq3A_348 : i32 to vector<16x4096xi32>
    %eq3A_350 = arith.cmpi eq, %and3A_347, %eq3A_349 : vector<16x4096xi32>
    %slice3A_351 = vector.extract_strided_slice %select_n3A_343 {offsets = [0, 1], sizes = [16, 4095], strides = [1, 1]} : vector<16x4096xf32> to vector<16x4095xf32>
    %slice3A_352 = vector.extract_strided_slice %select_n3A_343 {offsets = [0, 0], sizes = [16, 1], strides = [1, 1]} : vector<16x4096xf32> to vector<16x1xf32>
    %concatenate3A_353 = tpu.concatenate %slice3A_351, %slice3A_352 in 1 : vector<16x4095xf32>, vector<16x1xf32> -> vector<16x4096xf32>
    %slice3A_354 = vector.extract_strided_slice %select_n3A_343 {offsets = [0, 4095], sizes = [16, 1], strides = [1, 1]} : vector<16x4096xf32> to vector<16x1xf32>
    %slice3A_355 = vector.extract_strided_slice %select_n3A_343 {offsets = [0, 0], sizes = [16, 4095], strides = [1, 1]} : vector<16x4096xf32> to vector<16x4095xf32>
    %concatenate3A_356 = tpu.concatenate %slice3A_354, %slice3A_355 in 1 : vector<16x1xf32>, vector<16x4095xf32> -> vector<16x4096xf32>
    %select_n3A_357 = arith.select %eq3A_350, %concatenate3A_353, %concatenate3A_356 : vector<16x4096xi1>, vector<16x4096xf32>
    %slice3A_358 = vector.extract_strided_slice %select_n3A_344 {offsets = [0, 1], sizes = [16, 4095], strides = [1, 1]} : vector<16x4096xi32> to vector<16x4095xi32>
    %slice3A_359 = vector.extract_strided_slice %select_n3A_344 {offsets = [0, 0], sizes = [16, 1], strides = [1, 1]} : vector<16x4096xi32> to vector<16x1xi32>
    %concatenate3A_360 = tpu.concatenate %slice3A_358, %slice3A_359 in 1 : vector<16x4095xi32>, vector<16x1xi32> -> vector<16x4096xi32>
    %slice3A_361 = vector.extract_strided_slice %select_n3A_344 {offsets = [0, 4095], sizes = [16, 1], strides = [1, 1]} : vector<16x4096xi32> to vector<16x1xi32>
    %slice3A_362 = vector.extract_strided_slice %select_n3A_344 {offsets = [0, 0], sizes = [16, 4095], strides = [1, 1]} : vector<16x4096xi32> to vector<16x4095xi32>
    %concatenate3A_363 = tpu.concatenate %slice3A_361, %slice3A_362 in 1 : vector<16x1xi32>, vector<16x4095xi32> -> vector<16x4096xi32>
    %select_n3A_364 = arith.select %eq3A_350, %concatenate3A_360, %concatenate3A_363 : vector<16x4096xi1>, vector<16x4096xi32>
    %gt3A_365 = arith.cmpf ogt, %select_n3A_343, %select_n3A_357 : vector<16x4096xf32>
    %eq3A_366 = arith.cmpf oeq, %select_n3A_343, %select_n3A_357 : vector<16x4096xf32>
    %lt3A_367 = arith.cmpi slt, %select_n3A_344, %select_n3A_364 : vector<16x4096xi32>
    %and3A_368 = arith.andi %eq3A_366, %lt3A_367 : vector<16x4096xi1>
    %or3A_369 = arith.ori %gt3A_365, %and3A_368 : vector<16x4096xi1>
    %and3A_370 = arith.constant 16 : i32
    %and3A_371 = vector.broadcast %and3A_370 : i32 to vector<16x4096xi32>
    %and3A_372 = arith.andi %iota3A, %and3A_371 : vector<16x4096xi32>
    %eq3A_373 = arith.constant 0 : i32
    %eq3A_374 = vector.broadcast %eq3A_373 : i32 to vector<16x4096xi32>
    %eq3A_375 = arith.cmpi eq, %and3A_372, %eq3A_374 : vector<16x4096xi32>
    %eq3A_376 = arith.xori %eq3A_350, %eq3A_375 : vector<16x4096xi1>
    %eq3A_377 = arith.constant dense<true> : vector<16x4096xi1>
    %eq3A_378 = arith.xori %eq3A_376, %eq3A_377 : vector<16x4096xi1>
    %eq3A_379 = arith.xori %eq3A_378, %or3A_369 : vector<16x4096xi1>
    %eq3A_380 = arith.constant dense<true> : vector<16x4096xi1>
    %eq3A_381 = arith.xori %eq3A_379, %eq3A_380 : vector<16x4096xi1>
    %select_n3A_382 = arith.select %eq3A_381, %select_n3A_343, %select_n3A_357 : vector<16x4096xi1>, vector<16x4096xf32>
    %select_n3A_383 = arith.select %eq3A_381, %select_n3A_344, %select_n3A_364 : vector<16x4096xi1>, vector<16x4096xi32>
    %and3A_384 = arith.constant 16 : i32
    %and3A_385 = vector.broadcast %and3A_384 : i32 to vector<16x4096xi32>
    %and3A_386 = arith.andi %iota3A, %and3A_385 : vector<16x4096xi32>
    %eq3A_387 = arith.constant 0 : i32
    %eq3A_388 = vector.broadcast %eq3A_387 : i32 to vector<16x4096xi32>
    %eq3A_389 = arith.cmpi eq, %and3A_386, %eq3A_388 : vector<16x4096xi32>
    %slice3A_390 = vector.extract_strided_slice %select_n3A_382 {offsets = [0, 16], sizes = [16, 4080], strides = [1, 1]} : vector<16x4096xf32> to vector<16x4080xf32>
    %slice3A_391 = vector.extract_strided_slice %select_n3A_382 {offsets = [0, 0], sizes = [16, 16], strides = [1, 1]} : vector<16x4096xf32> to vector<16x16xf32>
    %concatenate3A_392 = tpu.concatenate %slice3A_390, %slice3A_391 in 1 : vector<16x4080xf32>, vector<16x16xf32> -> vector<16x4096xf32>
    %slice3A_393 = vector.extract_strided_slice %select_n3A_382 {offsets = [0, 4080], sizes = [16, 16], strides = [1, 1]} : vector<16x4096xf32> to vector<16x16xf32>
    %slice3A_394 = vector.extract_strided_slice %select_n3A_382 {offsets = [0, 0], sizes = [16, 4080], strides = [1, 1]} : vector<16x4096xf32> to vector<16x4080xf32>
    %concatenate3A_395 = tpu.concatenate %slice3A_393, %slice3A_394 in 1 : vector<16x16xf32>, vector<16x4080xf32> -> vector<16x4096xf32>
    %select_n3A_396 = arith.select %eq3A_389, %concatenate3A_392, %concatenate3A_395 : vector<16x4096xi1>, vector<16x4096xf32>
    %slice3A_397 = vector.extract_strided_slice %select_n3A_383 {offsets = [0, 16], sizes = [16, 4080], strides = [1, 1]} : vector<16x4096xi32> to vector<16x4080xi32>
    %slice3A_398 = vector.extract_strided_slice %select_n3A_383 {offsets = [0, 0], sizes = [16, 16], strides = [1, 1]} : vector<16x4096xi32> to vector<16x16xi32>
    %concatenate3A_399 = tpu.concatenate %slice3A_397, %slice3A_398 in 1 : vector<16x4080xi32>, vector<16x16xi32> -> vector<16x4096xi32>
    %slice3A_400 = vector.extract_strided_slice %select_n3A_383 {offsets = [0, 4080], sizes = [16, 16], strides = [1, 1]} : vector<16x4096xi32> to vector<16x16xi32>
    %slice3A_401 = vector.extract_strided_slice %select_n3A_383 {offsets = [0, 0], sizes = [16, 4080], strides = [1, 1]} : vector<16x4096xi32> to vector<16x4080xi32>
    %concatenate3A_402 = tpu.concatenate %slice3A_400, %slice3A_401 in 1 : vector<16x16xi32>, vector<16x4080xi32> -> vector<16x4096xi32>
    %select_n3A_403 = arith.select %eq3A_389, %concatenate3A_399, %concatenate3A_402 : vector<16x4096xi1>, vector<16x4096xi32>
    %gt3A_404 = arith.cmpf ogt, %select_n3A_382, %select_n3A_396 : vector<16x4096xf32>
    %eq3A_405 = arith.cmpf oeq, %select_n3A_382, %select_n3A_396 : vector<16x4096xf32>
    %lt3A_406 = arith.cmpi slt, %select_n3A_383, %select_n3A_403 : vector<16x4096xi32>
    %and3A_407 = arith.andi %eq3A_405, %lt3A_406 : vector<16x4096xi1>
    %or3A_408 = arith.ori %gt3A_404, %and3A_407 : vector<16x4096xi1>
    %and3A_409 = arith.constant 32 : i32
    %and3A_410 = vector.broadcast %and3A_409 : i32 to vector<16x4096xi32>
    %and3A_411 = arith.andi %iota3A, %and3A_410 : vector<16x4096xi32>
    %eq3A_412 = arith.constant 0 : i32
    %eq3A_413 = vector.broadcast %eq3A_412 : i32 to vector<16x4096xi32>
    %eq3A_414 = arith.cmpi eq, %and3A_411, %eq3A_413 : vector<16x4096xi32>
    %eq3A_415 = arith.xori %eq3A_389, %eq3A_414 : vector<16x4096xi1>
    %eq3A_416 = arith.constant dense<true> : vector<16x4096xi1>
    %eq3A_417 = arith.xori %eq3A_415, %eq3A_416 : vector<16x4096xi1>
    %eq3A_418 = arith.xori %eq3A_417, %or3A_408 : vector<16x4096xi1>
    %eq3A_419 = arith.constant dense<true> : vector<16x4096xi1>
    %eq3A_420 = arith.xori %eq3A_418, %eq3A_419 : vector<16x4096xi1>
    %select_n3A_421 = arith.select %eq3A_420, %select_n3A_382, %select_n3A_396 : vector<16x4096xi1>, vector<16x4096xf32>
    %select_n3A_422 = arith.select %eq3A_420, %select_n3A_383, %select_n3A_403 : vector<16x4096xi1>, vector<16x4096xi32>
    %and3A_423 = arith.constant 8 : i32
    %and3A_424 = vector.broadcast %and3A_423 : i32 to vector<16x4096xi32>
    %and3A_425 = arith.andi %iota3A, %and3A_424 : vector<16x4096xi32>
    %eq3A_426 = arith.constant 0 : i32
    %eq3A_427 = vector.broadcast %eq3A_426 : i32 to vector<16x4096xi32>
    %eq3A_428 = arith.cmpi eq, %and3A_425, %eq3A_427 : vector<16x4096xi32>
    %slice3A_429 = vector.extract_strided_slice %select_n3A_421 {offsets = [0, 8], sizes = [16, 4088], strides = [1, 1]} : vector<16x4096xf32> to vector<16x4088xf32>
    %slice3A_430 = vector.extract_strided_slice %select_n3A_421 {offsets = [0, 0], sizes = [16, 8], strides = [1, 1]} : vector<16x4096xf32> to vector<16x8xf32>
    %concatenate3A_431 = tpu.concatenate %slice3A_429, %slice3A_430 in 1 : vector<16x4088xf32>, vector<16x8xf32> -> vector<16x4096xf32>
    %slice3A_432 = vector.extract_strided_slice %select_n3A_421 {offsets = [0, 4088], sizes = [16, 8], strides = [1, 1]} : vector<16x4096xf32> to vector<16x8xf32>
    %slice3A_433 = vector.extract_strided_slice %select_n3A_421 {offsets = [0, 0], sizes = [16, 4088], strides = [1, 1]} : vector<16x4096xf32> to vector<16x4088xf32>
    %concatenate3A_434 = tpu.concatenate %slice3A_432, %slice3A_433 in 1 : vector<16x8xf32>, vector<16x4088xf32> -> vector<16x4096xf32>
    %select_n3A_435 = arith.select %eq3A_428, %concatenate3A_431, %concatenate3A_434 : vector<16x4096xi1>, vector<16x4096xf32>
    %slice3A_436 = vector.extract_strided_slice %select_n3A_422 {offsets = [0, 8], sizes = [16, 4088], strides = [1, 1]} : vector<16x4096xi32> to vector<16x4088xi32>
    %slice3A_437 = vector.extract_strided_slice %select_n3A_422 {offsets = [0, 0], sizes = [16, 8], strides = [1, 1]} : vector<16x4096xi32> to vector<16x8xi32>
    %concatenate3A_438 = tpu.concatenate %slice3A_436, %slice3A_437 in 1 : vector<16x4088xi32>, vector<16x8xi32> -> vector<16x4096xi32>
    %slice3A_439 = vector.extract_strided_slice %select_n3A_422 {offsets = [0, 4088], sizes = [16, 8], strides = [1, 1]} : vector<16x4096xi32> to vector<16x8xi32>
    %slice3A_440 = vector.extract_strided_slice %select_n3A_422 {offsets = [0, 0], sizes = [16, 4088], strides = [1, 1]} : vector<16x4096xi32> to vector<16x4088xi32>
    %concatenate3A_441 = tpu.concatenate %slice3A_439, %slice3A_440 in 1 : vector<16x8xi32>, vector<16x4088xi32> -> vector<16x4096xi32>
    %select_n3A_442 = arith.select %eq3A_428, %concatenate3A_438, %concatenate3A_441 : vector<16x4096xi1>, vector<16x4096xi32>
    %gt3A_443 = arith.cmpf ogt, %select_n3A_421, %select_n3A_435 : vector<16x4096xf32>
    %eq3A_444 = arith.cmpf oeq, %select_n3A_421, %select_n3A_435 : vector<16x4096xf32>
    %lt3A_445 = arith.cmpi slt, %select_n3A_422, %select_n3A_442 : vector<16x4096xi32>
    %and3A_446 = arith.andi %eq3A_444, %lt3A_445 : vector<16x4096xi1>
    %or3A_447 = arith.ori %gt3A_443, %and3A_446 : vector<16x4096xi1>
    %and3A_448 = arith.constant 32 : i32
    %and3A_449 = vector.broadcast %and3A_448 : i32 to vector<16x4096xi32>
    %and3A_450 = arith.andi %iota3A, %and3A_449 : vector<16x4096xi32>
    %eq3A_451 = arith.constant 0 : i32
    %eq3A_452 = vector.broadcast %eq3A_451 : i32 to vector<16x4096xi32>
    %eq3A_453 = arith.cmpi eq, %and3A_450, %eq3A_452 : vector<16x4096xi32>
    %eq3A_454 = arith.xori %eq3A_428, %eq3A_453 : vector<16x4096xi1>
    %eq3A_455 = arith.constant dense<true> : vector<16x4096xi1>
    %eq3A_456 = arith.xori %eq3A_454, %eq3A_455 : vector<16x4096xi1>
    %eq3A_457 = arith.xori %eq3A_456, %or3A_447 : vector<16x4096xi1>
    %eq3A_458 = arith.constant dense<true> : vector<16x4096xi1>
    %eq3A_459 = arith.xori %eq3A_457, %eq3A_458 : vector<16x4096xi1>
    %select_n3A_460 = arith.select %eq3A_459, %select_n3A_421, %select_n3A_435 : vector<16x4096xi1>, vector<16x4096xf32>
    %select_n3A_461 = arith.select %eq3A_459, %select_n3A_422, %select_n3A_442 : vector<16x4096xi1>, vector<16x4096xi32>
    %and3A_462 = arith.constant 4 : i32
    %and3A_463 = vector.broadcast %and3A_462 : i32 to vector<16x4096xi32>
    %and3A_464 = arith.andi %iota3A, %and3A_463 : vector<16x4096xi32>
    %eq3A_465 = arith.constant 0 : i32
    %eq3A_466 = vector.broadcast %eq3A_465 : i32 to vector<16x4096xi32>
    %eq3A_467 = arith.cmpi eq, %and3A_464, %eq3A_466 : vector<16x4096xi32>
    %slice3A_468 = vector.extract_strided_slice %select_n3A_460 {offsets = [0, 4], sizes = [16, 4092], strides = [1, 1]} : vector<16x4096xf32> to vector<16x4092xf32>
    %slice3A_469 = vector.extract_strided_slice %select_n3A_460 {offsets = [0, 0], sizes = [16, 4], strides = [1, 1]} : vector<16x4096xf32> to vector<16x4xf32>
    %concatenate3A_470 = tpu.concatenate %slice3A_468, %slice3A_469 in 1 : vector<16x4092xf32>, vector<16x4xf32> -> vector<16x4096xf32>
    %slice3A_471 = vector.extract_strided_slice %select_n3A_460 {offsets = [0, 4092], sizes = [16, 4], strides = [1, 1]} : vector<16x4096xf32> to vector<16x4xf32>
    %slice3A_472 = vector.extract_strided_slice %select_n3A_460 {offsets = [0, 0], sizes = [16, 4092], strides = [1, 1]} : vector<16x4096xf32> to vector<16x4092xf32>
    %concatenate3A_473 = tpu.concatenate %slice3A_471, %slice3A_472 in 1 : vector<16x4xf32>, vector<16x4092xf32> -> vector<16x4096xf32>
    %select_n3A_474 = arith.select %eq3A_467, %concatenate3A_470, %concatenate3A_473 : vector<16x4096xi1>, vector<16x4096xf32>
    %slice3A_475 = vector.extract_strided_slice %select_n3A_461 {offsets = [0, 4], sizes = [16, 4092], strides = [1, 1]} : vector<16x4096xi32> to vector<16x4092xi32>
    %slice3A_476 = vector.extract_strided_slice %select_n3A_461 {offsets = [0, 0], sizes = [16, 4], strides = [1, 1]} : vector<16x4096xi32> to vector<16x4xi32>
    %concatenate3A_477 = tpu.concatenate %slice3A_475, %slice3A_476 in 1 : vector<16x4092xi32>, vector<16x4xi32> -> vector<16x4096xi32>
    %slice3A_478 = vector.extract_strided_slice %select_n3A_461 {offsets = [0, 4092], sizes = [16, 4], strides = [1, 1]} : vector<16x4096xi32> to vector<16x4xi32>
    %slice3A_479 = vector.extract_strided_slice %select_n3A_461 {offsets = [0, 0], sizes = [16, 4092], strides = [1, 1]} : vector<16x4096xi32> to vector<16x4092xi32>
    %concatenate3A_480 = tpu.concatenate %slice3A_478, %slice3A_479 in 1 : vector<16x4xi32>, vector<16x4092xi32> -> vector<16x4096xi32>
    %select_n3A_481 = arith.select %eq3A_467, %concatenate3A_477, %concatenate3A_480 : vector<16x4096xi1>, vector<16x4096xi32>
    %gt3A_482 = arith.cmpf ogt, %select_n3A_460, %select_n3A_474 : vector<16x4096xf32>
    %eq3A_483 = arith.cmpf oeq, %select_n3A_460, %select_n3A_474 : vector<16x4096xf32>
    %lt3A_484 = arith.cmpi slt, %select_n3A_461, %select_n3A_481 : vector<16x4096xi32>
    %and3A_485 = arith.andi %eq3A_483, %lt3A_484 : vector<16x4096xi1>
    %or3A_486 = arith.ori %gt3A_482, %and3A_485 : vector<16x4096xi1>
    %and3A_487 = arith.constant 32 : i32
    %and3A_488 = vector.broadcast %and3A_487 : i32 to vector<16x4096xi32>
    %and3A_489 = arith.andi %iota3A, %and3A_488 : vector<16x4096xi32>
    %eq3A_490 = arith.constant 0 : i32
    %eq3A_491 = vector.broadcast %eq3A_490 : i32 to vector<16x4096xi32>
    %eq3A_492 = arith.cmpi eq, %and3A_489, %eq3A_491 : vector<16x4096xi32>
    %eq3A_493 = arith.xori %eq3A_467, %eq3A_492 : vector<16x4096xi1>
    %eq3A_494 = arith.constant dense<true> : vector<16x4096xi1>
    %eq3A_495 = arith.xori %eq3A_493, %eq3A_494 : vector<16x4096xi1>
    %eq3A_496 = arith.xori %eq3A_495, %or3A_486 : vector<16x4096xi1>
    %eq3A_497 = arith.constant dense<true> : vector<16x4096xi1>
    %eq3A_498 = arith.xori %eq3A_496, %eq3A_497 : vector<16x4096xi1>
    %select_n3A_499 = arith.select %eq3A_498, %select_n3A_460, %select_n3A_474 : vector<16x4096xi1>, vector<16x4096xf32>
    %select_n3A_500 = arith.select %eq3A_498, %select_n3A_461, %select_n3A_481 : vector<16x4096xi1>, vector<16x4096xi32>
    %and3A_501 = arith.constant 2 : i32
    %and3A_502 = vector.broadcast %and3A_501 : i32 to vector<16x4096xi32>
    %and3A_503 = arith.andi %iota3A, %and3A_502 : vector<16x4096xi32>
    %eq3A_504 = arith.constant 0 : i32
    %eq3A_505 = vector.broadcast %eq3A_504 : i32 to vector<16x4096xi32>
    %eq3A_506 = arith.cmpi eq, %and3A_503, %eq3A_505 : vector<16x4096xi32>
    %slice3A_507 = vector.extract_strided_slice %select_n3A_499 {offsets = [0, 2], sizes = [16, 4094], strides = [1, 1]} : vector<16x4096xf32> to vector<16x4094xf32>
    %slice3A_508 = vector.extract_strided_slice %select_n3A_499 {offsets = [0, 0], sizes = [16, 2], strides = [1, 1]} : vector<16x4096xf32> to vector<16x2xf32>
    %concatenate3A_509 = tpu.concatenate %slice3A_507, %slice3A_508 in 1 : vector<16x4094xf32>, vector<16x2xf32> -> vector<16x4096xf32>
    %slice3A_510 = vector.extract_strided_slice %select_n3A_499 {offsets = [0, 4094], sizes = [16, 2], strides = [1, 1]} : vector<16x4096xf32> to vector<16x2xf32>
    %slice3A_511 = vector.extract_strided_slice %select_n3A_499 {offsets = [0, 0], sizes = [16, 4094], strides = [1, 1]} : vector<16x4096xf32> to vector<16x4094xf32>
    %concatenate3A_512 = tpu.concatenate %slice3A_510, %slice3A_511 in 1 : vector<16x2xf32>, vector<16x4094xf32> -> vector<16x4096xf32>
    %select_n3A_513 = arith.select %eq3A_506, %concatenate3A_509, %concatenate3A_512 : vector<16x4096xi1>, vector<16x4096xf32>
    %slice3A_514 = vector.extract_strided_slice %select_n3A_500 {offsets = [0, 2], sizes = [16, 4094], strides = [1, 1]} : vector<16x4096xi32> to vector<16x4094xi32>
    %slice3A_515 = vector.extract_strided_slice %select_n3A_500 {offsets = [0, 0], sizes = [16, 2], strides = [1, 1]} : vector<16x4096xi32> to vector<16x2xi32>
    %concatenate3A_516 = tpu.concatenate %slice3A_514, %slice3A_515 in 1 : vector<16x4094xi32>, vector<16x2xi32> -> vector<16x4096xi32>
    %slice3A_517 = vector.extract_strided_slice %select_n3A_500 {offsets = [0, 4094], sizes = [16, 2], strides = [1, 1]} : vector<16x4096xi32> to vector<16x2xi32>
    %slice3A_518 = vector.extract_strided_slice %select_n3A_500 {offsets = [0, 0], sizes = [16, 4094], strides = [1, 1]} : vector<16x4096xi32> to vector<16x4094xi32>
    %concatenate3A_519 = tpu.concatenate %slice3A_517, %slice3A_518 in 1 : vector<16x2xi32>, vector<16x4094xi32> -> vector<16x4096xi32>
    %select_n3A_520 = arith.select %eq3A_506, %concatenate3A_516, %concatenate3A_519 : vector<16x4096xi1>, vector<16x4096xi32>
    %gt3A_521 = arith.cmpf ogt, %select_n3A_499, %select_n3A_513 : vector<16x4096xf32>
    %eq3A_522 = arith.cmpf oeq, %select_n3A_499, %select_n3A_513 : vector<16x4096xf32>
    %lt3A_523 = arith.cmpi slt, %select_n3A_500, %select_n3A_520 : vector<16x4096xi32>
    %and3A_524 = arith.andi %eq3A_522, %lt3A_523 : vector<16x4096xi1>
    %or3A_525 = arith.ori %gt3A_521, %and3A_524 : vector<16x4096xi1>
    %and3A_526 = arith.constant 32 : i32
    %and3A_527 = vector.broadcast %and3A_526 : i32 to vector<16x4096xi32>
    %and3A_528 = arith.andi %iota3A, %and3A_527 : vector<16x4096xi32>
    %eq3A_529 = arith.constant 0 : i32
    %eq3A_530 = vector.broadcast %eq3A_529 : i32 to vector<16x4096xi32>
    %eq3A_531 = arith.cmpi eq, %and3A_528, %eq3A_530 : vector<16x4096xi32>
    %eq3A_532 = arith.xori %eq3A_506, %eq3A_531 : vector<16x4096xi1>
    %eq3A_533 = arith.constant dense<true> : vector<16x4096xi1>
    %eq3A_534 = arith.xori %eq3A_532, %eq3A_533 : vector<16x4096xi1>
    %eq3A_535 = arith.xori %eq3A_534, %or3A_525 : vector<16x4096xi1>
    %eq3A_536 = arith.constant dense<true> : vector<16x4096xi1>
    %eq3A_537 = arith.xori %eq3A_535, %eq3A_536 : vector<16x4096xi1>
    %select_n3A_538 = arith.select %eq3A_537, %select_n3A_499, %select_n3A_513 : vector<16x4096xi1>, vector<16x4096xf32>
    %select_n3A_539 = arith.select %eq3A_537, %select_n3A_500, %select_n3A_520 : vector<16x4096xi1>, vector<16x4096xi32>
    %and3A_540 = arith.constant 1 : i32
    %and3A_541 = vector.broadcast %and3A_540 : i32 to vector<16x4096xi32>
    %and3A_542 = arith.andi %iota3A, %and3A_541 : vector<16x4096xi32>
    %eq3A_543 = arith.constant 0 : i32
    %eq3A_544 = vector.broadcast %eq3A_543 : i32 to vector<16x4096xi32>
    %eq3A_545 = arith.cmpi eq, %and3A_542, %eq3A_544 : vector<16x4096xi32>
    %slice3A_546 = vector.extract_strided_slice %select_n3A_538 {offsets = [0, 1], sizes = [16, 4095], strides = [1, 1]} : vector<16x4096xf32> to vector<16x4095xf32>
    %slice3A_547 = vector.extract_strided_slice %select_n3A_538 {offsets = [0, 0], sizes = [16, 1], strides = [1, 1]} : vector<16x4096xf32> to vector<16x1xf32>
    %concatenate3A_548 = tpu.concatenate %slice3A_546, %slice3A_547 in 1 : vector<16x4095xf32>, vector<16x1xf32> -> vector<16x4096xf32>
    %slice3A_549 = vector.extract_strided_slice %select_n3A_538 {offsets = [0, 4095], sizes = [16, 1], strides = [1, 1]} : vector<16x4096xf32> to vector<16x1xf32>
    %slice3A_550 = vector.extract_strided_slice %select_n3A_538 {offsets = [0, 0], sizes = [16, 4095], strides = [1, 1]} : vector<16x4096xf32> to vector<16x4095xf32>
    %concatenate3A_551 = tpu.concatenate %slice3A_549, %slice3A_550 in 1 : vector<16x1xf32>, vector<16x4095xf32> -> vector<16x4096xf32>
    %select_n3A_552 = arith.select %eq3A_545, %concatenate3A_548, %concatenate3A_551 : vector<16x4096xi1>, vector<16x4096xf32>
    %slice3A_553 = vector.extract_strided_slice %select_n3A_539 {offsets = [0, 1], sizes = [16, 4095], strides = [1, 1]} : vector<16x4096xi32> to vector<16x4095xi32>
    %slice3A_554 = vector.extract_strided_slice %select_n3A_539 {offsets = [0, 0], sizes = [16, 1], strides = [1, 1]} : vector<16x4096xi32> to vector<16x1xi32>
    %concatenate3A_555 = tpu.concatenate %slice3A_553, %slice3A_554 in 1 : vector<16x4095xi32>, vector<16x1xi32> -> vector<16x4096xi32>
    %slice3A_556 = vector.extract_strided_slice %select_n3A_539 {offsets = [0, 4095], sizes = [16, 1], strides = [1, 1]} : vector<16x4096xi32> to vector<16x1xi32>
    %slice3A_557 = vector.extract_strided_slice %select_n3A_539 {offsets = [0, 0], sizes = [16, 4095], strides = [1, 1]} : vector<16x4096xi32> to vector<16x4095xi32>
    %concatenate3A_558 = tpu.concatenate %slice3A_556, %slice3A_557 in 1 : vector<16x1xi32>, vector<16x4095xi32> -> vector<16x4096xi32>
    %select_n3A_559 = arith.select %eq3A_545, %concatenate3A_555, %concatenate3A_558 : vector<16x4096xi1>, vector<16x4096xi32>
    %gt3A_560 = arith.cmpf ogt, %select_n3A_538, %select_n3A_552 : vector<16x4096xf32>
    %eq3A_561 = arith.cmpf oeq, %select_n3A_538, %select_n3A_552 : vector<16x4096xf32>
    %lt3A_562 = arith.cmpi slt, %select_n3A_539, %select_n3A_559 : vector<16x4096xi32>
    %and3A_563 = arith.andi %eq3A_561, %lt3A_562 : vector<16x4096xi1>
    %or3A_564 = arith.ori %gt3A_560, %and3A_563 : vector<16x4096xi1>
    %and3A_565 = arith.constant 32 : i32
    %and3A_566 = vector.broadcast %and3A_565 : i32 to vector<16x4096xi32>
    %and3A_567 = arith.andi %iota3A, %and3A_566 : vector<16x4096xi32>
    %eq3A_568 = arith.constant 0 : i32
    %eq3A_569 = vector.broadcast %eq3A_568 : i32 to vector<16x4096xi32>
    %eq3A_570 = arith.cmpi eq, %and3A_567, %eq3A_569 : vector<16x4096xi32>
    %eq3A_571 = arith.xori %eq3A_545, %eq3A_570 : vector<16x4096xi1>
    %eq3A_572 = arith.constant dense<true> : vector<16x4096xi1>
    %eq3A_573 = arith.xori %eq3A_571, %eq3A_572 : vector<16x4096xi1>
    %eq3A_574 = arith.xori %eq3A_573, %or3A_564 : vector<16x4096xi1>
    %eq3A_575 = arith.constant dense<true> : vector<16x4096xi1>
    %eq3A_576 = arith.xori %eq3A_574, %eq3A_575 : vector<16x4096xi1>
    %select_n3A_577 = arith.select %eq3A_576, %select_n3A_538, %select_n3A_552 : vector<16x4096xi1>, vector<16x4096xf32>
    %select_n3A_578 = arith.select %eq3A_576, %select_n3A_539, %select_n3A_559 : vector<16x4096xi1>, vector<16x4096xi32>
    %and3A_579 = arith.constant 32 : i32
    %and3A_580 = vector.broadcast %and3A_579 : i32 to vector<16x4096xi32>
    %and3A_581 = arith.andi %iota3A, %and3A_580 : vector<16x4096xi32>
    %eq3A_582 = arith.constant 0 : i32
    %eq3A_583 = vector.broadcast %eq3A_582 : i32 to vector<16x4096xi32>
    %eq3A_584 = arith.cmpi eq, %and3A_581, %eq3A_583 : vector<16x4096xi32>
    %slice3A_585 = vector.extract_strided_slice %select_n3A_577 {offsets = [0, 32], sizes = [16, 4064], strides = [1, 1]} : vector<16x4096xf32> to vector<16x4064xf32>
    %slice3A_586 = vector.extract_strided_slice %select_n3A_577 {offsets = [0, 0], sizes = [16, 32], strides = [1, 1]} : vector<16x4096xf32> to vector<16x32xf32>
    %concatenate3A_587 = tpu.concatenate %slice3A_585, %slice3A_586 in 1 : vector<16x4064xf32>, vector<16x32xf32> -> vector<16x4096xf32>
    %slice3A_588 = vector.extract_strided_slice %select_n3A_577 {offsets = [0, 4064], sizes = [16, 32], strides = [1, 1]} : vector<16x4096xf32> to vector<16x32xf32>
    %slice3A_589 = vector.extract_strided_slice %select_n3A_577 {offsets = [0, 0], sizes = [16, 4064], strides = [1, 1]} : vector<16x4096xf32> to vector<16x4064xf32>
    %concatenate3A_590 = tpu.concatenate %slice3A_588, %slice3A_589 in 1 : vector<16x32xf32>, vector<16x4064xf32> -> vector<16x4096xf32>
    %select_n3A_591 = arith.select %eq3A_584, %concatenate3A_587, %concatenate3A_590 : vector<16x4096xi1>, vector<16x4096xf32>
    %slice3A_592 = vector.extract_strided_slice %select_n3A_578 {offsets = [0, 32], sizes = [16, 4064], strides = [1, 1]} : vector<16x4096xi32> to vector<16x4064xi32>
    %slice3A_593 = vector.extract_strided_slice %select_n3A_578 {offsets = [0, 0], sizes = [16, 32], strides = [1, 1]} : vector<16x4096xi32> to vector<16x32xi32>
    %concatenate3A_594 = tpu.concatenate %slice3A_592, %slice3A_593 in 1 : vector<16x4064xi32>, vector<16x32xi32> -> vector<16x4096xi32>
    %slice3A_595 = vector.extract_strided_slice %select_n3A_578 {offsets = [0, 4064], sizes = [16, 32], strides = [1, 1]} : vector<16x4096xi32> to vector<16x32xi32>
    %slice3A_596 = vector.extract_strided_slice %select_n3A_578 {offsets = [0, 0], sizes = [16, 4064], strides = [1, 1]} : vector<16x4096xi32> to vector<16x4064xi32>
    %concatenate3A_597 = tpu.concatenate %slice3A_595, %slice3A_596 in 1 : vector<16x32xi32>, vector<16x4064xi32> -> vector<16x4096xi32>
    %select_n3A_598 = arith.select %eq3A_584, %concatenate3A_594, %concatenate3A_597 : vector<16x4096xi1>, vector<16x4096xi32>
    %gt3A_599 = arith.cmpf ogt, %select_n3A_577, %select_n3A_591 : vector<16x4096xf32>
    %eq3A_600 = arith.cmpf oeq, %select_n3A_577, %select_n3A_591 : vector<16x4096xf32>
    %lt3A_601 = arith.cmpi slt, %select_n3A_578, %select_n3A_598 : vector<16x4096xi32>
    %and3A_602 = arith.andi %eq3A_600, %lt3A_601 : vector<16x4096xi1>
    %or3A_603 = arith.ori %gt3A_599, %and3A_602 : vector<16x4096xi1>
    %and3A_604 = arith.constant 64 : i32
    %and3A_605 = vector.broadcast %and3A_604 : i32 to vector<16x4096xi32>
    %and3A_606 = arith.andi %iota3A, %and3A_605 : vector<16x4096xi32>
    %eq3A_607 = arith.constant 0 : i32
    %eq3A_608 = vector.broadcast %eq3A_607 : i32 to vector<16x4096xi32>
    %eq3A_609 = arith.cmpi eq, %and3A_606, %eq3A_608 : vector<16x4096xi32>
    %eq3A_610 = arith.xori %eq3A_584, %eq3A_609 : vector<16x4096xi1>
    %eq3A_611 = arith.constant dense<true> : vector<16x4096xi1>
    %eq3A_612 = arith.xori %eq3A_610, %eq3A_611 : vector<16x4096xi1>
    %eq3A_613 = arith.xori %eq3A_612, %or3A_603 : vector<16x4096xi1>
    %eq3A_614 = arith.constant dense<true> : vector<16x4096xi1>
    %eq3A_615 = arith.xori %eq3A_613, %eq3A_614 : vector<16x4096xi1>
    %select_n3A_616 = arith.select %eq3A_615, %select_n3A_577, %select_n3A_591 : vector<16x4096xi1>, vector<16x4096xf32>
    %select_n3A_617 = arith.select %eq3A_615, %select_n3A_578, %select_n3A_598 : vector<16x4096xi1>, vector<16x4096xi32>
    %and3A_618 = arith.constant 16 : i32
    %and3A_619 = vector.broadcast %and3A_618 : i32 to vector<16x4096xi32>
    %and3A_620 = arith.andi %iota3A, %and3A_619 : vector<16x4096xi32>
    %eq3A_621 = arith.constant 0 : i32
    %eq3A_622 = vector.broadcast %eq3A_621 : i32 to vector<16x4096xi32>
    %eq3A_623 = arith.cmpi eq, %and3A_620, %eq3A_622 : vector<16x4096xi32>
    %slice3A_624 = vector.extract_strided_slice %select_n3A_616 {offsets = [0, 16], sizes = [16, 4080], strides = [1, 1]} : vector<16x4096xf32> to vector<16x4080xf32>
    %slice3A_625 = vector.extract_strided_slice %select_n3A_616 {offsets = [0, 0], sizes = [16, 16], strides = [1, 1]} : vector<16x4096xf32> to vector<16x16xf32>
    %concatenate3A_626 = tpu.concatenate %slice3A_624, %slice3A_625 in 1 : vector<16x4080xf32>, vector<16x16xf32> -> vector<16x4096xf32>
    %slice3A_627 = vector.extract_strided_slice %select_n3A_616 {offsets = [0, 4080], sizes = [16, 16], strides = [1, 1]} : vector<16x4096xf32> to vector<16x16xf32>
    %slice3A_628 = vector.extract_strided_slice %select_n3A_616 {offsets = [0, 0], sizes = [16, 4080], strides = [1, 1]} : vector<16x4096xf32> to vector<16x4080xf32>
    %concatenate3A_629 = tpu.concatenate %slice3A_627, %slice3A_628 in 1 : vector<16x16xf32>, vector<16x4080xf32> -> vector<16x4096xf32>
    %select_n3A_630 = arith.select %eq3A_623, %concatenate3A_626, %concatenate3A_629 : vector<16x4096xi1>, vector<16x4096xf32>
    %slice3A_631 = vector.extract_strided_slice %select_n3A_617 {offsets = [0, 16], sizes = [16, 4080], strides = [1, 1]} : vector<16x4096xi32> to vector<16x4080xi32>
    %slice3A_632 = vector.extract_strided_slice %select_n3A_617 {offsets = [0, 0], sizes = [16, 16], strides = [1, 1]} : vector<16x4096xi32> to vector<16x16xi32>
    %concatenate3A_633 = tpu.concatenate %slice3A_631, %slice3A_632 in 1 : vector<16x4080xi32>, vector<16x16xi32> -> vector<16x4096xi32>
    %slice3A_634 = vector.extract_strided_slice %select_n3A_617 {offsets = [0, 4080], sizes = [16, 16], strides = [1, 1]} : vector<16x4096xi32> to vector<16x16xi32>
    %slice3A_635 = vector.extract_strided_slice %select_n3A_617 {offsets = [0, 0], sizes = [16, 4080], strides = [1, 1]} : vector<16x4096xi32> to vector<16x4080xi32>
    %concatenate3A_636 = tpu.concatenate %slice3A_634, %slice3A_635 in 1 : vector<16x16xi32>, vector<16x4080xi32> -> vector<16x4096xi32>
    %select_n3A_637 = arith.select %eq3A_623, %concatenate3A_633, %concatenate3A_636 : vector<16x4096xi1>, vector<16x4096xi32>
    %gt3A_638 = arith.cmpf ogt, %select_n3A_616, %select_n3A_630 : vector<16x4096xf32>
    %eq3A_639 = arith.cmpf oeq, %select_n3A_616, %select_n3A_630 : vector<16x4096xf32>
    %lt3A_640 = arith.cmpi slt, %select_n3A_617, %select_n3A_637 : vector<16x4096xi32>
    %and3A_641 = arith.andi %eq3A_639, %lt3A_640 : vector<16x4096xi1>
    %or3A_642 = arith.ori %gt3A_638, %and3A_641 : vector<16x4096xi1>
    %and3A_643 = arith.constant 64 : i32
    %and3A_644 = vector.broadcast %and3A_643 : i32 to vector<16x4096xi32>
    %and3A_645 = arith.andi %iota3A, %and3A_644 : vector<16x4096xi32>
    %eq3A_646 = arith.constant 0 : i32
    %eq3A_647 = vector.broadcast %eq3A_646 : i32 to vector<16x4096xi32>
    %eq3A_648 = arith.cmpi eq, %and3A_645, %eq3A_647 : vector<16x4096xi32>
    %eq3A_649 = arith.xori %eq3A_623, %eq3A_648 : vector<16x4096xi1>
    %eq3A_650 = arith.constant dense<true> : vector<16x4096xi1>
    %eq3A_651 = arith.xori %eq3A_649, %eq3A_650 : vector<16x4096xi1>
    %eq3A_652 = arith.xori %eq3A_651, %or3A_642 : vector<16x4096xi1>
    %eq3A_653 = arith.constant dense<true> : vector<16x4096xi1>
    %eq3A_654 = arith.xori %eq3A_652, %eq3A_653 : vector<16x4096xi1>
    %select_n3A_655 = arith.select %eq3A_654, %select_n3A_616, %select_n3A_630 : vector<16x4096xi1>, vector<16x4096xf32>
    %select_n3A_656 = arith.select %eq3A_654, %select_n3A_617, %select_n3A_637 : vector<16x4096xi1>, vector<16x4096xi32>
    %and3A_657 = arith.constant 8 : i32
    %and3A_658 = vector.broadcast %and3A_657 : i32 to vector<16x4096xi32>
    %and3A_659 = arith.andi %iota3A, %and3A_658 : vector<16x4096xi32>
    %eq3A_660 = arith.constant 0 : i32
    %eq3A_661 = vector.broadcast %eq3A_660 : i32 to vector<16x4096xi32>
    %eq3A_662 = arith.cmpi eq, %and3A_659, %eq3A_661 : vector<16x4096xi32>
    %slice3A_663 = vector.extract_strided_slice %select_n3A_655 {offsets = [0, 8], sizes = [16, 4088], strides = [1, 1]} : vector<16x4096xf32> to vector<16x4088xf32>
    %slice3A_664 = vector.extract_strided_slice %select_n3A_655 {offsets = [0, 0], sizes = [16, 8], strides = [1, 1]} : vector<16x4096xf32> to vector<16x8xf32>
    %concatenate3A_665 = tpu.concatenate %slice3A_663, %slice3A_664 in 1 : vector<16x4088xf32>, vector<16x8xf32> -> vector<16x4096xf32>
    %slice3A_666 = vector.extract_strided_slice %select_n3A_655 {offsets = [0, 4088], sizes = [16, 8], strides = [1, 1]} : vector<16x4096xf32> to vector<16x8xf32>
    %slice3A_667 = vector.extract_strided_slice %select_n3A_655 {offsets = [0, 0], sizes = [16, 4088], strides = [1, 1]} : vector<16x4096xf32> to vector<16x4088xf32>
    %concatenate3A_668 = tpu.concatenate %slice3A_666, %slice3A_667 in 1 : vector<16x8xf32>, vector<16x4088xf32> -> vector<16x4096xf32>
    %select_n3A_669 = arith.select %eq3A_662, %concatenate3A_665, %concatenate3A_668 : vector<16x4096xi1>, vector<16x4096xf32>
    %slice3A_670 = vector.extract_strided_slice %select_n3A_656 {offsets = [0, 8], sizes = [16, 4088], strides = [1, 1]} : vector<16x4096xi32> to vector<16x4088xi32>
    %slice3A_671 = vector.extract_strided_slice %select_n3A_656 {offsets = [0, 0], sizes = [16, 8], strides = [1, 1]} : vector<16x4096xi32> to vector<16x8xi32>
    %concatenate3A_672 = tpu.concatenate %slice3A_670, %slice3A_671 in 1 : vector<16x4088xi32>, vector<16x8xi32> -> vector<16x4096xi32>
    %slice3A_673 = vector.extract_strided_slice %select_n3A_656 {offsets = [0, 4088], sizes = [16, 8], strides = [1, 1]} : vector<16x4096xi32> to vector<16x8xi32>
    %slice3A_674 = vector.extract_strided_slice %select_n3A_656 {offsets = [0, 0], sizes = [16, 4088], strides = [1, 1]} : vector<16x4096xi32> to vector<16x4088xi32>
    %concatenate3A_675 = tpu.concatenate %slice3A_673, %slice3A_674 in 1 : vector<16x8xi32>, vector<16x4088xi32> -> vector<16x4096xi32>
    %select_n3A_676 = arith.select %eq3A_662, %concatenate3A_672, %concatenate3A_675 : vector<16x4096xi1>, vector<16x4096xi32>
    %gt3A_677 = arith.cmpf ogt, %select_n3A_655, %select_n3A_669 : vector<16x4096xf32>
    %eq3A_678 = arith.cmpf oeq, %select_n3A_655, %select_n3A_669 : vector<16x4096xf32>
    %lt3A_679 = arith.cmpi slt, %select_n3A_656, %select_n3A_676 : vector<16x4096xi32>
    %and3A_680 = arith.andi %eq3A_678, %lt3A_679 : vector<16x4096xi1>
    %or3A_681 = arith.ori %gt3A_677, %and3A_680 : vector<16x4096xi1>
    %and3A_682 = arith.constant 64 : i32
    %and3A_683 = vector.broadcast %and3A_682 : i32 to vector<16x4096xi32>
    %and3A_684 = arith.andi %iota3A, %and3A_683 : vector<16x4096xi32>
    %eq3A_685 = arith.constant 0 : i32
    %eq3A_686 = vector.broadcast %eq3A_685 : i32 to vector<16x4096xi32>
    %eq3A_687 = arith.cmpi eq, %and3A_684, %eq3A_686 : vector<16x4096xi32>
    %eq3A_688 = arith.xori %eq3A_662, %eq3A_687 : vector<16x4096xi1>
    %eq3A_689 = arith.constant dense<true> : vector<16x4096xi1>
    %eq3A_690 = arith.xori %eq3A_688, %eq3A_689 : vector<16x4096xi1>
    %eq3A_691 = arith.xori %eq3A_690, %or3A_681 : vector<16x4096xi1>
    %eq3A_692 = arith.constant dense<true> : vector<16x4096xi1>
    %eq3A_693 = arith.xori %eq3A_691, %eq3A_692 : vector<16x4096xi1>
    %select_n3A_694 = arith.select %eq3A_693, %select_n3A_655, %select_n3A_669 : vector<16x4096xi1>, vector<16x4096xf32>
    %select_n3A_695 = arith.select %eq3A_693, %select_n3A_656, %select_n3A_676 : vector<16x4096xi1>, vector<16x4096xi32>
    %and3A_696 = arith.constant 4 : i32
    %and3A_697 = vector.broadcast %and3A_696 : i32 to vector<16x4096xi32>
    %and3A_698 = arith.andi %iota3A, %and3A_697 : vector<16x4096xi32>
    %eq3A_699 = arith.constant 0 : i32
    %eq3A_700 = vector.broadcast %eq3A_699 : i32 to vector<16x4096xi32>
    %eq3A_701 = arith.cmpi eq, %and3A_698, %eq3A_700 : vector<16x4096xi32>
    %slice3A_702 = vector.extract_strided_slice %select_n3A_694 {offsets = [0, 4], sizes = [16, 4092], strides = [1, 1]} : vector<16x4096xf32> to vector<16x4092xf32>
    %slice3A_703 = vector.extract_strided_slice %select_n3A_694 {offsets = [0, 0], sizes = [16, 4], strides = [1, 1]} : vector<16x4096xf32> to vector<16x4xf32>
    %concatenate3A_704 = tpu.concatenate %slice3A_702, %slice3A_703 in 1 : vector<16x4092xf32>, vector<16x4xf32> -> vector<16x4096xf32>
    %slice3A_705 = vector.extract_strided_slice %select_n3A_694 {offsets = [0, 4092], sizes = [16, 4], strides = [1, 1]} : vector<16x4096xf32> to vector<16x4xf32>
    %slice3A_706 = vector.extract_strided_slice %select_n3A_694 {offsets = [0, 0], sizes = [16, 4092], strides = [1, 1]} : vector<16x4096xf32> to vector<16x4092xf32>
    %concatenate3A_707 = tpu.concatenate %slice3A_705, %slice3A_706 in 1 : vector<16x4xf32>, vector<16x4092xf32> -> vector<16x4096xf32>
    %select_n3A_708 = arith.select %eq3A_701, %concatenate3A_704, %concatenate3A_707 : vector<16x4096xi1>, vector<16x4096xf32>
    %slice3A_709 = vector.extract_strided_slice %select_n3A_695 {offsets = [0, 4], sizes = [16, 4092], strides = [1, 1]} : vector<16x4096xi32> to vector<16x4092xi32>
    %slice3A_710 = vector.extract_strided_slice %select_n3A_695 {offsets = [0, 0], sizes = [16, 4], strides = [1, 1]} : vector<16x4096xi32> to vector<16x4xi32>
    %concatenate3A_711 = tpu.concatenate %slice3A_709, %slice3A_710 in 1 : vector<16x4092xi32>, vector<16x4xi32> -> vector<16x4096xi32>
    %slice3A_712 = vector.extract_strided_slice %select_n3A_695 {offsets = [0, 4092], sizes = [16, 4], strides = [1, 1]} : vector<16x4096xi32> to vector<16x4xi32>
    %slice3A_713 = vector.extract_strided_slice %select_n3A_695 {offsets = [0, 0], sizes = [16, 4092], strides = [1, 1]} : vector<16x4096xi32> to vector<16x4092xi32>
    %concatenate3A_714 = tpu.concatenate %slice3A_712, %slice3A_713 in 1 : vector<16x4xi32>, vector<16x4092xi32> -> vector<16x4096xi32>
    %select_n3A_715 = arith.select %eq3A_701, %concatenate3A_711, %concatenate3A_714 : vector<16x4096xi1>, vector<16x4096xi32>
    %gt3A_716 = arith.cmpf ogt, %select_n3A_694, %select_n3A_708 : vector<16x4096xf32>
    %eq3A_717 = arith.cmpf oeq, %select_n3A_694, %select_n3A_708 : vector<16x4096xf32>
    %lt3A_718 = arith.cmpi slt, %select_n3A_695, %select_n3A_715 : vector<16x4096xi32>
    %and3A_719 = arith.andi %eq3A_717, %lt3A_718 : vector<16x4096xi1>
    %or3A_720 = arith.ori %gt3A_716, %and3A_719 : vector<16x4096xi1>
    %and3A_721 = arith.constant 64 : i32
    %and3A_722 = vector.broadcast %and3A_721 : i32 to vector<16x4096xi32>
    %and3A_723 = arith.andi %iota3A, %and3A_722 : vector<16x4096xi32>
    %eq3A_724 = arith.constant 0 : i32
    %eq3A_725 = vector.broadcast %eq3A_724 : i32 to vector<16x4096xi32>
    %eq3A_726 = arith.cmpi eq, %and3A_723, %eq3A_725 : vector<16x4096xi32>
    %eq3A_727 = arith.xori %eq3A_701, %eq3A_726 : vector<16x4096xi1>
    %eq3A_728 = arith.constant dense<true> : vector<16x4096xi1>
    %eq3A_729 = arith.xori %eq3A_727, %eq3A_728 : vector<16x4096xi1>
    %eq3A_730 = arith.xori %eq3A_729, %or3A_720 : vector<16x4096xi1>
    %eq3A_731 = arith.constant dense<true> : vector<16x4096xi1>
    %eq3A_732 = arith.xori %eq3A_730, %eq3A_731 : vector<16x4096xi1>
    %select_n3A_733 = arith.select %eq3A_732, %select_n3A_694, %select_n3A_708 : vector<16x4096xi1>, vector<16x4096xf32>
    %select_n3A_734 = arith.select %eq3A_732, %select_n3A_695, %select_n3A_715 : vector<16x4096xi1>, vector<16x4096xi32>
    %and3A_735 = arith.constant 2 : i32
    %and3A_736 = vector.broadcast %and3A_735 : i32 to vector<16x4096xi32>
    %and3A_737 = arith.andi %iota3A, %and3A_736 : vector<16x4096xi32>
    %eq3A_738 = arith.constant 0 : i32
    %eq3A_739 = vector.broadcast %eq3A_738 : i32 to vector<16x4096xi32>
    %eq3A_740 = arith.cmpi eq, %and3A_737, %eq3A_739 : vector<16x4096xi32>
    %slice3A_741 = vector.extract_strided_slice %select_n3A_733 {offsets = [0, 2], sizes = [16, 4094], strides = [1, 1]} : vector<16x4096xf32> to vector<16x4094xf32>
    %slice3A_742 = vector.extract_strided_slice %select_n3A_733 {offsets = [0, 0], sizes = [16, 2], strides = [1, 1]} : vector<16x4096xf32> to vector<16x2xf32>
    %concatenate3A_743 = tpu.concatenate %slice3A_741, %slice3A_742 in 1 : vector<16x4094xf32>, vector<16x2xf32> -> vector<16x4096xf32>
    %slice3A_744 = vector.extract_strided_slice %select_n3A_733 {offsets = [0, 4094], sizes = [16, 2], strides = [1, 1]} : vector<16x4096xf32> to vector<16x2xf32>
    %slice3A_745 = vector.extract_strided_slice %select_n3A_733 {offsets = [0, 0], sizes = [16, 4094], strides = [1, 1]} : vector<16x4096xf32> to vector<16x4094xf32>
    %concatenate3A_746 = tpu.concatenate %slice3A_744, %slice3A_745 in 1 : vector<16x2xf32>, vector<16x4094xf32> -> vector<16x4096xf32>
    %select_n3A_747 = arith.select %eq3A_740, %concatenate3A_743, %concatenate3A_746 : vector<16x4096xi1>, vector<16x4096xf32>
    %slice3A_748 = vector.extract_strided_slice %select_n3A_734 {offsets = [0, 2], sizes = [16, 4094], strides = [1, 1]} : vector<16x4096xi32> to vector<16x4094xi32>
    %slice3A_749 = vector.extract_strided_slice %select_n3A_734 {offsets = [0, 0], sizes = [16, 2], strides = [1, 1]} : vector<16x4096xi32> to vector<16x2xi32>
    %concatenate3A_750 = tpu.concatenate %slice3A_748, %slice3A_749 in 1 : vector<16x4094xi32>, vector<16x2xi32> -> vector<16x4096xi32>
    %slice3A_751 = vector.extract_strided_slice %select_n3A_734 {offsets = [0, 4094], sizes = [16, 2], strides = [1, 1]} : vector<16x4096xi32> to vector<16x2xi32>
    %slice3A_752 = vector.extract_strided_slice %select_n3A_734 {offsets = [0, 0], sizes = [16, 4094], strides = [1, 1]} : vector<16x4096xi32> to vector<16x4094xi32>
    %concatenate3A_753 = tpu.concatenate %slice3A_751, %slice3A_752 in 1 : vector<16x2xi32>, vector<16x4094xi32> -> vector<16x4096xi32>
    %select_n3A_754 = arith.select %eq3A_740, %concatenate3A_750, %concatenate3A_753 : vector<16x4096xi1>, vector<16x4096xi32>
    %gt3A_755 = arith.cmpf ogt, %select_n3A_733, %select_n3A_747 : vector<16x4096xf32>
    %eq3A_756 = arith.cmpf oeq, %select_n3A_733, %select_n3A_747 : vector<16x4096xf32>
    %lt3A_757 = arith.cmpi slt, %select_n3A_734, %select_n3A_754 : vector<16x4096xi32>
    %and3A_758 = arith.andi %eq3A_756, %lt3A_757 : vector<16x4096xi1>
    %or3A_759 = arith.ori %gt3A_755, %and3A_758 : vector<16x4096xi1>
    %and3A_760 = arith.constant 64 : i32
    %and3A_761 = vector.broadcast %and3A_760 : i32 to vector<16x4096xi32>
    %and3A_762 = arith.andi %iota3A, %and3A_761 : vector<16x4096xi32>
    %eq3A_763 = arith.constant 0 : i32
    %eq3A_764 = vector.broadcast %eq3A_763 : i32 to vector<16x4096xi32>
    %eq3A_765 = arith.cmpi eq, %and3A_762, %eq3A_764 : vector<16x4096xi32>
    %eq3A_766 = arith.xori %eq3A_740, %eq3A_765 : vector<16x4096xi1>
    %eq3A_767 = arith.constant dense<true> : vector<16x4096xi1>
    %eq3A_768 = arith.xori %eq3A_766, %eq3A_767 : vector<16x4096xi1>
    %eq3A_769 = arith.xori %eq3A_768, %or3A_759 : vector<16x4096xi1>
    %eq3A_770 = arith.constant dense<true> : vector<16x4096xi1>
    %eq3A_771 = arith.xori %eq3A_769, %eq3A_770 : vector<16x4096xi1>
    %select_n3A_772 = arith.select %eq3A_771, %select_n3A_733, %select_n3A_747 : vector<16x4096xi1>, vector<16x4096xf32>
    %select_n3A_773 = arith.select %eq3A_771, %select_n3A_734, %select_n3A_754 : vector<16x4096xi1>, vector<16x4096xi32>
    %and3A_774 = arith.constant 1 : i32
    %and3A_775 = vector.broadcast %and3A_774 : i32 to vector<16x4096xi32>
    %and3A_776 = arith.andi %iota3A, %and3A_775 : vector<16x4096xi32>
    %eq3A_777 = arith.constant 0 : i32
    %eq3A_778 = vector.broadcast %eq3A_777 : i32 to vector<16x4096xi32>
    %eq3A_779 = arith.cmpi eq, %and3A_776, %eq3A_778 : vector<16x4096xi32>
    %slice3A_780 = vector.extract_strided_slice %select_n3A_772 {offsets = [0, 1], sizes = [16, 4095], strides = [1, 1]} : vector<16x4096xf32> to vector<16x4095xf32>
    %slice3A_781 = vector.extract_strided_slice %select_n3A_772 {offsets = [0, 0], sizes = [16, 1], strides = [1, 1]} : vector<16x4096xf32> to vector<16x1xf32>
    %concatenate3A_782 = tpu.concatenate %slice3A_780, %slice3A_781 in 1 : vector<16x4095xf32>, vector<16x1xf32> -> vector<16x4096xf32>
    %slice3A_783 = vector.extract_strided_slice %select_n3A_772 {offsets = [0, 4095], sizes = [16, 1], strides = [1, 1]} : vector<16x4096xf32> to vector<16x1xf32>
    %slice3A_784 = vector.extract_strided_slice %select_n3A_772 {offsets = [0, 0], sizes = [16, 4095], strides = [1, 1]} : vector<16x4096xf32> to vector<16x4095xf32>
    %concatenate3A_785 = tpu.concatenate %slice3A_783, %slice3A_784 in 1 : vector<16x1xf32>, vector<16x4095xf32> -> vector<16x4096xf32>
    %select_n3A_786 = arith.select %eq3A_779, %concatenate3A_782, %concatenate3A_785 : vector<16x4096xi1>, vector<16x4096xf32>
    %slice3A_787 = vector.extract_strided_slice %select_n3A_773 {offsets = [0, 1], sizes = [16, 4095], strides = [1, 1]} : vector<16x4096xi32> to vector<16x4095xi32>
    %slice3A_788 = vector.extract_strided_slice %select_n3A_773 {offsets = [0, 0], sizes = [16, 1], strides = [1, 1]} : vector<16x4096xi32> to vector<16x1xi32>
    %concatenate3A_789 = tpu.concatenate %slice3A_787, %slice3A_788 in 1 : vector<16x4095xi32>, vector<16x1xi32> -> vector<16x4096xi32>
    %slice3A_790 = vector.extract_strided_slice %select_n3A_773 {offsets = [0, 4095], sizes = [16, 1], strides = [1, 1]} : vector<16x4096xi32> to vector<16x1xi32>
    %slice3A_791 = vector.extract_strided_slice %select_n3A_773 {offsets = [0, 0], sizes = [16, 4095], strides = [1, 1]} : vector<16x4096xi32> to vector<16x4095xi32>
    %concatenate3A_792 = tpu.concatenate %slice3A_790, %slice3A_791 in 1 : vector<16x1xi32>, vector<16x4095xi32> -> vector<16x4096xi32>
    %select_n3A_793 = arith.select %eq3A_779, %concatenate3A_789, %concatenate3A_792 : vector<16x4096xi1>, vector<16x4096xi32>
    %gt3A_794 = arith.cmpf ogt, %select_n3A_772, %select_n3A_786 : vector<16x4096xf32>
    %eq3A_795 = arith.cmpf oeq, %select_n3A_772, %select_n3A_786 : vector<16x4096xf32>
    %lt3A_796 = arith.cmpi slt, %select_n3A_773, %select_n3A_793 : vector<16x4096xi32>
    %and3A_797 = arith.andi %eq3A_795, %lt3A_796 : vector<16x4096xi1>
    %or3A_798 = arith.ori %gt3A_794, %and3A_797 : vector<16x4096xi1>
    %and3A_799 = arith.constant 64 : i32
    %and3A_800 = vector.broadcast %and3A_799 : i32 to vector<16x4096xi32>
    %and3A_801 = arith.andi %iota3A, %and3A_800 : vector<16x4096xi32>
    %eq3A_802 = arith.constant 0 : i32
    %eq3A_803 = vector.broadcast %eq3A_802 : i32 to vector<16x4096xi32>
    %eq3A_804 = arith.cmpi eq, %and3A_801, %eq3A_803 : vector<16x4096xi32>
    %eq3A_805 = arith.xori %eq3A_779, %eq3A_804 : vector<16x4096xi1>
    %eq3A_806 = arith.constant dense<true> : vector<16x4096xi1>
    %eq3A_807 = arith.xori %eq3A_805, %eq3A_806 : vector<16x4096xi1>
    %eq3A_808 = arith.xori %eq3A_807, %or3A_798 : vector<16x4096xi1>
    %eq3A_809 = arith.constant dense<true> : vector<16x4096xi1>
    %eq3A_810 = arith.xori %eq3A_808, %eq3A_809 : vector<16x4096xi1>
    %select_n3A_811 = arith.select %eq3A_810, %select_n3A_772, %select_n3A_786 : vector<16x4096xi1>, vector<16x4096xf32>
    %select_n3A_812 = arith.select %eq3A_810, %select_n3A_773, %select_n3A_793 : vector<16x4096xi1>, vector<16x4096xi32>
    %and3A_813 = arith.constant 64 : i32
    %and3A_814 = vector.broadcast %and3A_813 : i32 to vector<16x4096xi32>
    %and3A_815 = arith.andi %iota3A, %and3A_814 : vector<16x4096xi32>
    %eq3A_816 = arith.constant 0 : i32
    %eq3A_817 = vector.broadcast %eq3A_816 : i32 to vector<16x4096xi32>
    %eq3A_818 = arith.cmpi eq, %and3A_815, %eq3A_817 : vector<16x4096xi32>
    %slice3A_819 = vector.extract_strided_slice %select_n3A_811 {offsets = [0, 64], sizes = [16, 4032], strides = [1, 1]} : vector<16x4096xf32> to vector<16x4032xf32>
    %slice3A_820 = vector.extract_strided_slice %select_n3A_811 {offsets = [0, 0], sizes = [16, 64], strides = [1, 1]} : vector<16x4096xf32> to vector<16x64xf32>
    %concatenate3A_821 = tpu.concatenate %slice3A_819, %slice3A_820 in 1 : vector<16x4032xf32>, vector<16x64xf32> -> vector<16x4096xf32>
    %slice3A_822 = vector.extract_strided_slice %select_n3A_811 {offsets = [0, 4032], sizes = [16, 64], strides = [1, 1]} : vector<16x4096xf32> to vector<16x64xf32>
    %slice3A_823 = vector.extract_strided_slice %select_n3A_811 {offsets = [0, 0], sizes = [16, 4032], strides = [1, 1]} : vector<16x4096xf32> to vector<16x4032xf32>
    %concatenate3A_824 = tpu.concatenate %slice3A_822, %slice3A_823 in 1 : vector<16x64xf32>, vector<16x4032xf32> -> vector<16x4096xf32>
    %select_n3A_825 = arith.select %eq3A_818, %concatenate3A_821, %concatenate3A_824 : vector<16x4096xi1>, vector<16x4096xf32>
    %slice3A_826 = vector.extract_strided_slice %select_n3A_812 {offsets = [0, 64], sizes = [16, 4032], strides = [1, 1]} : vector<16x4096xi32> to vector<16x4032xi32>
    %slice3A_827 = vector.extract_strided_slice %select_n3A_812 {offsets = [0, 0], sizes = [16, 64], strides = [1, 1]} : vector<16x4096xi32> to vector<16x64xi32>
    %concatenate3A_828 = tpu.concatenate %slice3A_826, %slice3A_827 in 1 : vector<16x4032xi32>, vector<16x64xi32> -> vector<16x4096xi32>
    %slice3A_829 = vector.extract_strided_slice %select_n3A_812 {offsets = [0, 4032], sizes = [16, 64], strides = [1, 1]} : vector<16x4096xi32> to vector<16x64xi32>
    %slice3A_830 = vector.extract_strided_slice %select_n3A_812 {offsets = [0, 0], sizes = [16, 4032], strides = [1, 1]} : vector<16x4096xi32> to vector<16x4032xi32>
    %concatenate3A_831 = tpu.concatenate %slice3A_829, %slice3A_830 in 1 : vector<16x64xi32>, vector<16x4032xi32> -> vector<16x4096xi32>
    %select_n3A_832 = arith.select %eq3A_818, %concatenate3A_828, %concatenate3A_831 : vector<16x4096xi1>, vector<16x4096xi32>
    %gt3A_833 = arith.cmpf ogt, %select_n3A_811, %select_n3A_825 : vector<16x4096xf32>
    %eq3A_834 = arith.cmpf oeq, %select_n3A_811, %select_n3A_825 : vector<16x4096xf32>
    %lt3A_835 = arith.cmpi slt, %select_n3A_812, %select_n3A_832 : vector<16x4096xi32>
    %and3A_836 = arith.andi %eq3A_834, %lt3A_835 : vector<16x4096xi1>
    %or3A_837 = arith.ori %gt3A_833, %and3A_836 : vector<16x4096xi1>
    %and3A_838 = arith.constant 128 : i32
    %and3A_839 = vector.broadcast %and3A_838 : i32 to vector<16x4096xi32>
    %and3A_840 = arith.andi %iota3A, %and3A_839 : vector<16x4096xi32>
    %eq3A_841 = arith.constant 0 : i32
    %eq3A_842 = vector.broadcast %eq3A_841 : i32 to vector<16x4096xi32>
    %eq3A_843 = arith.cmpi eq, %and3A_840, %eq3A_842 : vector<16x4096xi32>
    %eq3A_844 = arith.xori %eq3A_818, %eq3A_843 : vector<16x4096xi1>
    %eq3A_845 = arith.constant dense<true> : vector<16x4096xi1>
    %eq3A_846 = arith.xori %eq3A_844, %eq3A_845 : vector<16x4096xi1>
    %eq3A_847 = arith.xori %eq3A_846, %or3A_837 : vector<16x4096xi1>
    %eq3A_848 = arith.constant dense<true> : vector<16x4096xi1>
    %eq3A_849 = arith.xori %eq3A_847, %eq3A_848 : vector<16x4096xi1>
    %select_n3A_850 = arith.select %eq3A_849, %select_n3A_811, %select_n3A_825 : vector<16x4096xi1>, vector<16x4096xf32>
    %select_n3A_851 = arith.select %eq3A_849, %select_n3A_812, %select_n3A_832 : vector<16x4096xi1>, vector<16x4096xi32>
    %and3A_852 = arith.constant 32 : i32
    %and3A_853 = vector.broadcast %and3A_852 : i32 to vector<16x4096xi32>
    %and3A_854 = arith.andi %iota3A, %and3A_853 : vector<16x4096xi32>
    %eq3A_855 = arith.constant 0 : i32
    %eq3A_856 = vector.broadcast %eq3A_855 : i32 to vector<16x4096xi32>
    %eq3A_857 = arith.cmpi eq, %and3A_854, %eq3A_856 : vector<16x4096xi32>
    %slice3A_858 = vector.extract_strided_slice %select_n3A_850 {offsets = [0, 32], sizes = [16, 4064], strides = [1, 1]} : vector<16x4096xf32> to vector<16x4064xf32>
    %slice3A_859 = vector.extract_strided_slice %select_n3A_850 {offsets = [0, 0], sizes = [16, 32], strides = [1, 1]} : vector<16x4096xf32> to vector<16x32xf32>
    %concatenate3A_860 = tpu.concatenate %slice3A_858, %slice3A_859 in 1 : vector<16x4064xf32>, vector<16x32xf32> -> vector<16x4096xf32>
    %slice3A_861 = vector.extract_strided_slice %select_n3A_850 {offsets = [0, 4064], sizes = [16, 32], strides = [1, 1]} : vector<16x4096xf32> to vector<16x32xf32>
    %slice3A_862 = vector.extract_strided_slice %select_n3A_850 {offsets = [0, 0], sizes = [16, 4064], strides = [1, 1]} : vector<16x4096xf32> to vector<16x4064xf32>
    %concatenate3A_863 = tpu.concatenate %slice3A_861, %slice3A_862 in 1 : vector<16x32xf32>, vector<16x4064xf32> -> vector<16x4096xf32>
    %select_n3A_864 = arith.select %eq3A_857, %concatenate3A_860, %concatenate3A_863 : vector<16x4096xi1>, vector<16x4096xf32>
    %slice3A_865 = vector.extract_strided_slice %select_n3A_851 {offsets = [0, 32], sizes = [16, 4064], strides = [1, 1]} : vector<16x4096xi32> to vector<16x4064xi32>
    %slice3A_866 = vector.extract_strided_slice %select_n3A_851 {offsets = [0, 0], sizes = [16, 32], strides = [1, 1]} : vector<16x4096xi32> to vector<16x32xi32>
    %concatenate3A_867 = tpu.concatenate %slice3A_865, %slice3A_866 in 1 : vector<16x4064xi32>, vector<16x32xi32> -> vector<16x4096xi32>
    %slice3A_868 = vector.extract_strided_slice %select_n3A_851 {offsets = [0, 4064], sizes = [16, 32], strides = [1, 1]} : vector<16x4096xi32> to vector<16x32xi32>
    %slice3A_869 = vector.extract_strided_slice %select_n3A_851 {offsets = [0, 0], sizes = [16, 4064], strides = [1, 1]} : vector<16x4096xi32> to vector<16x4064xi32>
    %concatenate3A_870 = tpu.concatenate %slice3A_868, %slice3A_869 in 1 : vector<16x32xi32>, vector<16x4064xi32> -> vector<16x4096xi32>
    %select_n3A_871 = arith.select %eq3A_857, %concatenate3A_867, %concatenate3A_870 : vector<16x4096xi1>, vector<16x4096xi32>
    %gt3A_872 = arith.cmpf ogt, %select_n3A_850, %select_n3A_864 : vector<16x4096xf32>
    %eq3A_873 = arith.cmpf oeq, %select_n3A_850, %select_n3A_864 : vector<16x4096xf32>
    %lt3A_874 = arith.cmpi slt, %select_n3A_851, %select_n3A_871 : vector<16x4096xi32>
    %and3A_875 = arith.andi %eq3A_873, %lt3A_874 : vector<16x4096xi1>
    %or3A_876 = arith.ori %gt3A_872, %and3A_875 : vector<16x4096xi1>
    %and3A_877 = arith.constant 128 : i32
    %and3A_878 = vector.broadcast %and3A_877 : i32 to vector<16x4096xi32>
    %and3A_879 = arith.andi %iota3A, %and3A_878 : vector<16x4096xi32>
    %eq3A_880 = arith.constant 0 : i32
    %eq3A_881 = vector.broadcast %eq3A_880 : i32 to vector<16x4096xi32>
    %eq3A_882 = arith.cmpi eq, %and3A_879, %eq3A_881 : vector<16x4096xi32>
    %eq3A_883 = arith.xori %eq3A_857, %eq3A_882 : vector<16x4096xi1>
    %eq3A_884 = arith.constant dense<true> : vector<16x4096xi1>
    %eq3A_885 = arith.xori %eq3A_883, %eq3A_884 : vector<16x4096xi1>
    %eq3A_886 = arith.xori %eq3A_885, %or3A_876 : vector<16x4096xi1>
    %eq3A_887 = arith.constant dense<true> : vector<16x4096xi1>
    %eq3A_888 = arith.xori %eq3A_886, %eq3A_887 : vector<16x4096xi1>
    %select_n3A_889 = arith.select %eq3A_888, %select_n3A_850, %select_n3A_864 : vector<16x4096xi1>, vector<16x4096xf32>
    %select_n3A_890 = arith.select %eq3A_888, %select_n3A_851, %select_n3A_871 : vector<16x4096xi1>, vector<16x4096xi32>
    %and3A_891 = arith.constant 16 : i32
    %and3A_892 = vector.broadcast %and3A_891 : i32 to vector<16x4096xi32>
    %and3A_893 = arith.andi %iota3A, %and3A_892 : vector<16x4096xi32>
    %eq3A_894 = arith.constant 0 : i32
    %eq3A_895 = vector.broadcast %eq3A_894 : i32 to vector<16x4096xi32>
    %eq3A_896 = arith.cmpi eq, %and3A_893, %eq3A_895 : vector<16x4096xi32>
    %slice3A_897 = vector.extract_strided_slice %select_n3A_889 {offsets = [0, 16], sizes = [16, 4080], strides = [1, 1]} : vector<16x4096xf32> to vector<16x4080xf32>
    %slice3A_898 = vector.extract_strided_slice %select_n3A_889 {offsets = [0, 0], sizes = [16, 16], strides = [1, 1]} : vector<16x4096xf32> to vector<16x16xf32>
    %concatenate3A_899 = tpu.concatenate %slice3A_897, %slice3A_898 in 1 : vector<16x4080xf32>, vector<16x16xf32> -> vector<16x4096xf32>
    %slice3A_900 = vector.extract_strided_slice %select_n3A_889 {offsets = [0, 4080], sizes = [16, 16], strides = [1, 1]} : vector<16x4096xf32> to vector<16x16xf32>
    %slice3A_901 = vector.extract_strided_slice %select_n3A_889 {offsets = [0, 0], sizes = [16, 4080], strides = [1, 1]} : vector<16x4096xf32> to vector<16x4080xf32>
    %concatenate3A_902 = tpu.concatenate %slice3A_900, %slice3A_901 in 1 : vector<16x16xf32>, vector<16x4080xf32> -> vector<16x4096xf32>
    %select_n3A_903 = arith.select %eq3A_896, %concatenate3A_899, %concatenate3A_902 : vector<16x4096xi1>, vector<16x4096xf32>
    %slice3A_904 = vector.extract_strided_slice %select_n3A_890 {offsets = [0, 16], sizes = [16, 4080], strides = [1, 1]} : vector<16x4096xi32> to vector<16x4080xi32>
    %slice3A_905 = vector.extract_strided_slice %select_n3A_890 {offsets = [0, 0], sizes = [16, 16], strides = [1, 1]} : vector<16x4096xi32> to vector<16x16xi32>
    %concatenate3A_906 = tpu.concatenate %slice3A_904, %slice3A_905 in 1 : vector<16x4080xi32>, vector<16x16xi32> -> vector<16x4096xi32>
    %slice3A_907 = vector.extract_strided_slice %select_n3A_890 {offsets = [0, 4080], sizes = [16, 16], strides = [1, 1]} : vector<16x4096xi32> to vector<16x16xi32>
    %slice3A_908 = vector.extract_strided_slice %select_n3A_890 {offsets = [0, 0], sizes = [16, 4080], strides = [1, 1]} : vector<16x4096xi32> to vector<16x4080xi32>
    %concatenate3A_909 = tpu.concatenate %slice3A_907, %slice3A_908 in 1 : vector<16x16xi32>, vector<16x4080xi32> -> vector<16x4096xi32>
    %select_n3A_910 = arith.select %eq3A_896, %concatenate3A_906, %concatenate3A_909 : vector<16x4096xi1>, vector<16x4096xi32>
    %gt3A_911 = arith.cmpf ogt, %select_n3A_889, %select_n3A_903 : vector<16x4096xf32>
    %eq3A_912 = arith.cmpf oeq, %select_n3A_889, %select_n3A_903 : vector<16x4096xf32>
    %lt3A_913 = arith.cmpi slt, %select_n3A_890, %select_n3A_910 : vector<16x4096xi32>
    %and3A_914 = arith.andi %eq3A_912, %lt3A_913 : vector<16x4096xi1>
    %or3A_915 = arith.ori %gt3A_911, %and3A_914 : vector<16x4096xi1>
    %and3A_916 = arith.constant 128 : i32
    %and3A_917 = vector.broadcast %and3A_916 : i32 to vector<16x4096xi32>
    %and3A_918 = arith.andi %iota3A, %and3A_917 : vector<16x4096xi32>
    %eq3A_919 = arith.constant 0 : i32
    %eq3A_920 = vector.broadcast %eq3A_919 : i32 to vector<16x4096xi32>
    %eq3A_921 = arith.cmpi eq, %and3A_918, %eq3A_920 : vector<16x4096xi32>
    %eq3A_922 = arith.xori %eq3A_896, %eq3A_921 : vector<16x4096xi1>
    %eq3A_923 = arith.constant dense<true> : vector<16x4096xi1>
    %eq3A_924 = arith.xori %eq3A_922, %eq3A_923 : vector<16x4096xi1>
    %eq3A_925 = arith.xori %eq3A_924, %or3A_915 : vector<16x4096xi1>
    %eq3A_926 = arith.constant dense<true> : vector<16x4096xi1>
    %eq3A_927 = arith.xori %eq3A_925, %eq3A_926 : vector<16x4096xi1>
    %select_n3A_928 = arith.select %eq3A_927, %select_n3A_889, %select_n3A_903 : vector<16x4096xi1>, vector<16x4096xf32>
    %select_n3A_929 = arith.select %eq3A_927, %select_n3A_890, %select_n3A_910 : vector<16x4096xi1>, vector<16x4096xi32>
    %and3A_930 = arith.constant 8 : i32
    %and3A_931 = vector.broadcast %and3A_930 : i32 to vector<16x4096xi32>
    %and3A_932 = arith.andi %iota3A, %and3A_931 : vector<16x4096xi32>
    %eq3A_933 = arith.constant 0 : i32
    %eq3A_934 = vector.broadcast %eq3A_933 : i32 to vector<16x4096xi32>
    %eq3A_935 = arith.cmpi eq, %and3A_932, %eq3A_934 : vector<16x4096xi32>
    %slice3A_936 = vector.extract_strided_slice %select_n3A_928 {offsets = [0, 8], sizes = [16, 4088], strides = [1, 1]} : vector<16x4096xf32> to vector<16x4088xf32>
    %slice3A_937 = vector.extract_strided_slice %select_n3A_928 {offsets = [0, 0], sizes = [16, 8], strides = [1, 1]} : vector<16x4096xf32> to vector<16x8xf32>
    %concatenate3A_938 = tpu.concatenate %slice3A_936, %slice3A_937 in 1 : vector<16x4088xf32>, vector<16x8xf32> -> vector<16x4096xf32>
    %slice3A_939 = vector.extract_strided_slice %select_n3A_928 {offsets = [0, 4088], sizes = [16, 8], strides = [1, 1]} : vector<16x4096xf32> to vector<16x8xf32>
    %slice3A_940 = vector.extract_strided_slice %select_n3A_928 {offsets = [0, 0], sizes = [16, 4088], strides = [1, 1]} : vector<16x4096xf32> to vector<16x4088xf32>
    %concatenate3A_941 = tpu.concatenate %slice3A_939, %slice3A_940 in 1 : vector<16x8xf32>, vector<16x4088xf32> -> vector<16x4096xf32>
    %select_n3A_942 = arith.select %eq3A_935, %concatenate3A_938, %concatenate3A_941 : vector<16x4096xi1>, vector<16x4096xf32>
    %slice3A_943 = vector.extract_strided_slice %select_n3A_929 {offsets = [0, 8], sizes = [16, 4088], strides = [1, 1]} : vector<16x4096xi32> to vector<16x4088xi32>
    %slice3A_944 = vector.extract_strided_slice %select_n3A_929 {offsets = [0, 0], sizes = [16, 8], strides = [1, 1]} : vector<16x4096xi32> to vector<16x8xi32>
    %concatenate3A_945 = tpu.concatenate %slice3A_943, %slice3A_944 in 1 : vector<16x4088xi32>, vector<16x8xi32> -> vector<16x4096xi32>
    %slice3A_946 = vector.extract_strided_slice %select_n3A_929 {offsets = [0, 4088], sizes = [16, 8], strides = [1, 1]} : vector<16x4096xi32> to vector<16x8xi32>
    %slice3A_947 = vector.extract_strided_slice %select_n3A_929 {offsets = [0, 0], sizes = [16, 4088], strides = [1, 1]} : vector<16x4096xi32> to vector<16x4088xi32>
    %concatenate3A_948 = tpu.concatenate %slice3A_946, %slice3A_947 in 1 : vector<16x8xi32>, vector<16x4088xi32> -> vector<16x4096xi32>
    %select_n3A_949 = arith.select %eq3A_935, %concatenate3A_945, %concatenate3A_948 : vector<16x4096xi1>, vector<16x4096xi32>
    %gt3A_950 = arith.cmpf ogt, %select_n3A_928, %select_n3A_942 : vector<16x4096xf32>
    %eq3A_951 = arith.cmpf oeq, %select_n3A_928, %select_n3A_942 : vector<16x4096xf32>
    %lt3A_952 = arith.cmpi slt, %select_n3A_929, %select_n3A_949 : vector<16x4096xi32>
    %and3A_953 = arith.andi %eq3A_951, %lt3A_952 : vector<16x4096xi1>
    %or3A_954 = arith.ori %gt3A_950, %and3A_953 : vector<16x4096xi1>
    %and3A_955 = arith.constant 128 : i32
    %and3A_956 = vector.broadcast %and3A_955 : i32 to vector<16x4096xi32>
    %and3A_957 = arith.andi %iota3A, %and3A_956 : vector<16x4096xi32>
    %eq3A_958 = arith.constant 0 : i32
    %eq3A_959 = vector.broadcast %eq3A_958 : i32 to vector<16x4096xi32>
    %eq3A_960 = arith.cmpi eq, %and3A_957, %eq3A_959 : vector<16x4096xi32>
    %eq3A_961 = arith.xori %eq3A_935, %eq3A_960 : vector<16x4096xi1>
    %eq3A_962 = arith.constant dense<true> : vector<16x4096xi1>
    %eq3A_963 = arith.xori %eq3A_961, %eq3A_962 : vector<16x4096xi1>
    %eq3A_964 = arith.xori %eq3A_963, %or3A_954 : vector<16x4096xi1>
    %eq3A_965 = arith.constant dense<true> : vector<16x4096xi1>
    %eq3A_966 = arith.xori %eq3A_964, %eq3A_965 : vector<16x4096xi1>
    %select_n3A_967 = arith.select %eq3A_966, %select_n3A_928, %select_n3A_942 : vector<16x4096xi1>, vector<16x4096xf32>
    %select_n3A_968 = arith.select %eq3A_966, %select_n3A_929, %select_n3A_949 : vector<16x4096xi1>, vector<16x4096xi32>
    %and3A_969 = arith.constant 4 : i32
    %and3A_970 = vector.broadcast %and3A_969 : i32 to vector<16x4096xi32>
    %and3A_971 = arith.andi %iota3A, %and3A_970 : vector<16x4096xi32>
    %eq3A_972 = arith.constant 0 : i32
    %eq3A_973 = vector.broadcast %eq3A_972 : i32 to vector<16x4096xi32>
    %eq3A_974 = arith.cmpi eq, %and3A_971, %eq3A_973 : vector<16x4096xi32>
    %slice3A_975 = vector.extract_strided_slice %select_n3A_967 {offsets = [0, 4], sizes = [16, 4092], strides = [1, 1]} : vector<16x4096xf32> to vector<16x4092xf32>
    %slice3A_976 = vector.extract_strided_slice %select_n3A_967 {offsets = [0, 0], sizes = [16, 4], strides = [1, 1]} : vector<16x4096xf32> to vector<16x4xf32>
    %concatenate3A_977 = tpu.concatenate %slice3A_975, %slice3A_976 in 1 : vector<16x4092xf32>, vector<16x4xf32> -> vector<16x4096xf32>
    %slice3A_978 = vector.extract_strided_slice %select_n3A_967 {offsets = [0, 4092], sizes = [16, 4], strides = [1, 1]} : vector<16x4096xf32> to vector<16x4xf32>
    %slice3A_979 = vector.extract_strided_slice %select_n3A_967 {offsets = [0, 0], sizes = [16, 4092], strides = [1, 1]} : vector<16x4096xf32> to vector<16x4092xf32>
    %concatenate3A_980 = tpu.concatenate %slice3A_978, %slice3A_979 in 1 : vector<16x4xf32>, vector<16x4092xf32> -> vector<16x4096xf32>
    %select_n3A_981 = arith.select %eq3A_974, %concatenate3A_977, %concatenate3A_980 : vector<16x4096xi1>, vector<16x4096xf32>
    %slice3A_982 = vector.extract_strided_slice %select_n3A_968 {offsets = [0, 4], sizes = [16, 4092], strides = [1, 1]} : vector<16x4096xi32> to vector<16x4092xi32>
    %slice3A_983 = vector.extract_strided_slice %select_n3A_968 {offsets = [0, 0], sizes = [16, 4], strides = [1, 1]} : vector<16x4096xi32> to vector<16x4xi32>
    %concatenate3A_984 = tpu.concatenate %slice3A_982, %slice3A_983 in 1 : vector<16x4092xi32>, vector<16x4xi32> -> vector<16x4096xi32>
    %slice3A_985 = vector.extract_strided_slice %select_n3A_968 {offsets = [0, 4092], sizes = [16, 4], strides = [1, 1]} : vector<16x4096xi32> to vector<16x4xi32>
    %slice3A_986 = vector.extract_strided_slice %select_n3A_968 {offsets = [0, 0], sizes = [16, 4092], strides = [1, 1]} : vector<16x4096xi32> to vector<16x4092xi32>
    %concatenate3A_987 = tpu.concatenate %slice3A_985, %slice3A_986 in 1 : vector<16x4xi32>, vector<16x4092xi32> -> vector<16x4096xi32>
    %select_n3A_988 = arith.select %eq3A_974, %concatenate3A_984, %concatenate3A_987 : vector<16x4096xi1>, vector<16x4096xi32>
    %gt3A_989 = arith.cmpf ogt, %select_n3A_967, %select_n3A_981 : vector<16x4096xf32>
    %eq3A_990 = arith.cmpf oeq, %select_n3A_967, %select_n3A_981 : vector<16x4096xf32>
    %lt3A_991 = arith.cmpi slt, %select_n3A_968, %select_n3A_988 : vector<16x4096xi32>
    %and3A_992 = arith.andi %eq3A_990, %lt3A_991 : vector<16x4096xi1>
    %or3A_993 = arith.ori %gt3A_989, %and3A_992 : vector<16x4096xi1>
    %and3A_994 = arith.constant 128 : i32
    %and3A_995 = vector.broadcast %and3A_994 : i32 to vector<16x4096xi32>
    %and3A_996 = arith.andi %iota3A, %and3A_995 : vector<16x4096xi32>
    %eq3A_997 = arith.constant 0 : i32
    %eq3A_998 = vector.broadcast %eq3A_997 : i32 to vector<16x4096xi32>
    %eq3A_999 = arith.cmpi eq, %and3A_996, %eq3A_998 : vector<16x4096xi32>
    %eq3A_1000 = arith.xori %eq3A_974, %eq3A_999 : vector<16x4096xi1>
    %eq3A_1001 = arith.constant dense<true> : vector<16x4096xi1>
    %eq3A_1002 = arith.xori %eq3A_1000, %eq3A_1001 : vector<16x4096xi1>
    %eq3A_1003 = arith.xori %eq3A_1002, %or3A_993 : vector<16x4096xi1>
    %eq3A_1004 = arith.constant dense<true> : vector<16x4096xi1>
    %eq3A_1005 = arith.xori %eq3A_1003, %eq3A_1004 : vector<16x4096xi1>
    %select_n3A_1006 = arith.select %eq3A_1005, %select_n3A_967, %select_n3A_981 : vector<16x4096xi1>, vector<16x4096xf32>
    %select_n3A_1007 = arith.select %eq3A_1005, %select_n3A_968, %select_n3A_988 : vector<16x4096xi1>, vector<16x4096xi32>
    %and3A_1008 = arith.constant 2 : i32
    %and3A_1009 = vector.broadcast %and3A_1008 : i32 to vector<16x4096xi32>
    %and3A_1010 = arith.andi %iota3A, %and3A_1009 : vector<16x4096xi32>
    %eq3A_1011 = arith.constant 0 : i32
    %eq3A_1012 = vector.broadcast %eq3A_1011 : i32 to vector<16x4096xi32>
    %eq3A_1013 = arith.cmpi eq, %and3A_1010, %eq3A_1012 : vector<16x4096xi32>
    %slice3A_1014 = vector.extract_strided_slice %select_n3A_1006 {offsets = [0, 2], sizes = [16, 4094], strides = [1, 1]} : vector<16x4096xf32> to vector<16x4094xf32>
    %slice3A_1015 = vector.extract_strided_slice %select_n3A_1006 {offsets = [0, 0], sizes = [16, 2], strides = [1, 1]} : vector<16x4096xf32> to vector<16x2xf32>
    %concatenate3A_1016 = tpu.concatenate %slice3A_1014, %slice3A_1015 in 1 : vector<16x4094xf32>, vector<16x2xf32> -> vector<16x4096xf32>
    %slice3A_1017 = vector.extract_strided_slice %select_n3A_1006 {offsets = [0, 4094], sizes = [16, 2], strides = [1, 1]} : vector<16x4096xf32> to vector<16x2xf32>
    %slice3A_1018 = vector.extract_strided_slice %select_n3A_1006 {offsets = [0, 0], sizes = [16, 4094], strides = [1, 1]} : vector<16x4096xf32> to vector<16x4094xf32>
    %concatenate3A_1019 = tpu.concatenate %slice3A_1017, %slice3A_1018 in 1 : vector<16x2xf32>, vector<16x4094xf32> -> vector<16x4096xf32>
    %select_n3A_1020 = arith.select %eq3A_1013, %concatenate3A_1016, %concatenate3A_1019 : vector<16x4096xi1>, vector<16x4096xf32>
    %slice3A_1021 = vector.extract_strided_slice %select_n3A_1007 {offsets = [0, 2], sizes = [16, 4094], strides = [1, 1]} : vector<16x4096xi32> to vector<16x4094xi32>
    %slice3A_1022 = vector.extract_strided_slice %select_n3A_1007 {offsets = [0, 0], sizes = [16, 2], strides = [1, 1]} : vector<16x4096xi32> to vector<16x2xi32>
    %concatenate3A_1023 = tpu.concatenate %slice3A_1021, %slice3A_1022 in 1 : vector<16x4094xi32>, vector<16x2xi32> -> vector<16x4096xi32>
    %slice3A_1024 = vector.extract_strided_slice %select_n3A_1007 {offsets = [0, 4094], sizes = [16, 2], strides = [1, 1]} : vector<16x4096xi32> to vector<16x2xi32>
    %slice3A_1025 = vector.extract_strided_slice %select_n3A_1007 {offsets = [0, 0], sizes = [16, 4094], strides = [1, 1]} : vector<16x4096xi32> to vector<16x4094xi32>
    %concatenate3A_1026 = tpu.concatenate %slice3A_1024, %slice3A_1025 in 1 : vector<16x2xi32>, vector<16x4094xi32> -> vector<16x4096xi32>
    %select_n3A_1027 = arith.select %eq3A_1013, %concatenate3A_1023, %concatenate3A_1026 : vector<16x4096xi1>, vector<16x4096xi32>
    %gt3A_1028 = arith.cmpf ogt, %select_n3A_1006, %select_n3A_1020 : vector<16x4096xf32>
    %eq3A_1029 = arith.cmpf oeq, %select_n3A_1006, %select_n3A_1020 : vector<16x4096xf32>
    %lt3A_1030 = arith.cmpi slt, %select_n3A_1007, %select_n3A_1027 : vector<16x4096xi32>
    %and3A_1031 = arith.andi %eq3A_1029, %lt3A_1030 : vector<16x4096xi1>
    %or3A_1032 = arith.ori %gt3A_1028, %and3A_1031 : vector<16x4096xi1>
    %and3A_1033 = arith.constant 128 : i32
    %and3A_1034 = vector.broadcast %and3A_1033 : i32 to vector<16x4096xi32>
    %and3A_1035 = arith.andi %iota3A, %and3A_1034 : vector<16x4096xi32>
    %eq3A_1036 = arith.constant 0 : i32
    %eq3A_1037 = vector.broadcast %eq3A_1036 : i32 to vector<16x4096xi32>
    %eq3A_1038 = arith.cmpi eq, %and3A_1035, %eq3A_1037 : vector<16x4096xi32>
    %eq3A_1039 = arith.xori %eq3A_1013, %eq3A_1038 : vector<16x4096xi1>
    %eq3A_1040 = arith.constant dense<true> : vector<16x4096xi1>
    %eq3A_1041 = arith.xori %eq3A_1039, %eq3A_1040 : vector<16x4096xi1>
    %eq3A_1042 = arith.xori %eq3A_1041, %or3A_1032 : vector<16x4096xi1>
    %eq3A_1043 = arith.constant dense<true> : vector<16x4096xi1>
    %eq3A_1044 = arith.xori %eq3A_1042, %eq3A_1043 : vector<16x4096xi1>
    %select_n3A_1045 = arith.select %eq3A_1044, %select_n3A_1006, %select_n3A_1020 : vector<16x4096xi1>, vector<16x4096xf32>
    %select_n3A_1046 = arith.select %eq3A_1044, %select_n3A_1007, %select_n3A_1027 : vector<16x4096xi1>, vector<16x4096xi32>
    %and3A_1047 = arith.constant 1 : i32
    %and3A_1048 = vector.broadcast %and3A_1047 : i32 to vector<16x4096xi32>
    %and3A_1049 = arith.andi %iota3A, %and3A_1048 : vector<16x4096xi32>
    %eq3A_1050 = arith.constant 0 : i32
    %eq3A_1051 = vector.broadcast %eq3A_1050 : i32 to vector<16x4096xi32>
    %eq3A_1052 = arith.cmpi eq, %and3A_1049, %eq3A_1051 : vector<16x4096xi32>
    %slice3A_1053 = vector.extract_strided_slice %select_n3A_1045 {offsets = [0, 1], sizes = [16, 4095], strides = [1, 1]} : vector<16x4096xf32> to vector<16x4095xf32>
    %slice3A_1054 = vector.extract_strided_slice %select_n3A_1045 {offsets = [0, 0], sizes = [16, 1], strides = [1, 1]} : vector<16x4096xf32> to vector<16x1xf32>
    %concatenate3A_1055 = tpu.concatenate %slice3A_1053, %slice3A_1054 in 1 : vector<16x4095xf32>, vector<16x1xf32> -> vector<16x4096xf32>
    %slice3A_1056 = vector.extract_strided_slice %select_n3A_1045 {offsets = [0, 4095], sizes = [16, 1], strides = [1, 1]} : vector<16x4096xf32> to vector<16x1xf32>
    %slice3A_1057 = vector.extract_strided_slice %select_n3A_1045 {offsets = [0, 0], sizes = [16, 4095], strides = [1, 1]} : vector<16x4096xf32> to vector<16x4095xf32>
    %concatenate3A_1058 = tpu.concatenate %slice3A_1056, %slice3A_1057 in 1 : vector<16x1xf32>, vector<16x4095xf32> -> vector<16x4096xf32>
    %select_n3A_1059 = arith.select %eq3A_1052, %concatenate3A_1055, %concatenate3A_1058 : vector<16x4096xi1>, vector<16x4096xf32>
    %slice3A_1060 = vector.extract_strided_slice %select_n3A_1046 {offsets = [0, 1], sizes = [16, 4095], strides = [1, 1]} : vector<16x4096xi32> to vector<16x4095xi32>
    %slice3A_1061 = vector.extract_strided_slice %select_n3A_1046 {offsets = [0, 0], sizes = [16, 1], strides = [1, 1]} : vector<16x4096xi32> to vector<16x1xi32>
    %concatenate3A_1062 = tpu.concatenate %slice3A_1060, %slice3A_1061 in 1 : vector<16x4095xi32>, vector<16x1xi32> -> vector<16x4096xi32>
    %slice3A_1063 = vector.extract_strided_slice %select_n3A_1046 {offsets = [0, 4095], sizes = [16, 1], strides = [1, 1]} : vector<16x4096xi32> to vector<16x1xi32>
    %slice3A_1064 = vector.extract_strided_slice %select_n3A_1046 {offsets = [0, 0], sizes = [16, 4095], strides = [1, 1]} : vector<16x4096xi32> to vector<16x4095xi32>
    %concatenate3A_1065 = tpu.concatenate %slice3A_1063, %slice3A_1064 in 1 : vector<16x1xi32>, vector<16x4095xi32> -> vector<16x4096xi32>
    %select_n3A_1066 = arith.select %eq3A_1052, %concatenate3A_1062, %concatenate3A_1065 : vector<16x4096xi1>, vector<16x4096xi32>
    %gt3A_1067 = arith.cmpf ogt, %select_n3A_1045, %select_n3A_1059 : vector<16x4096xf32>
    %eq3A_1068 = arith.cmpf oeq, %select_n3A_1045, %select_n3A_1059 : vector<16x4096xf32>
    %lt3A_1069 = arith.cmpi slt, %select_n3A_1046, %select_n3A_1066 : vector<16x4096xi32>
    %and3A_1070 = arith.andi %eq3A_1068, %lt3A_1069 : vector<16x4096xi1>
    %or3A_1071 = arith.ori %gt3A_1067, %and3A_1070 : vector<16x4096xi1>
    %and3A_1072 = arith.constant 128 : i32
    %and3A_1073 = vector.broadcast %and3A_1072 : i32 to vector<16x4096xi32>
    %and3A_1074 = arith.andi %iota3A, %and3A_1073 : vector<16x4096xi32>
    %eq3A_1075 = arith.constant 0 : i32
    %eq3A_1076 = vector.broadcast %eq3A_1075 : i32 to vector<16x4096xi32>
    %eq3A_1077 = arith.cmpi eq, %and3A_1074, %eq3A_1076 : vector<16x4096xi32>
    %eq3A_1078 = arith.xori %eq3A_1052, %eq3A_1077 : vector<16x4096xi1>
    %eq3A_1079 = arith.constant dense<true> : vector<16x4096xi1>
    %eq3A_1080 = arith.xori %eq3A_1078, %eq3A_1079 : vector<16x4096xi1>
    %eq3A_1081 = arith.xori %eq3A_1080, %or3A_1071 : vector<16x4096xi1>
    %eq3A_1082 = arith.constant dense<true> : vector<16x4096xi1>
    %eq3A_1083 = arith.xori %eq3A_1081, %eq3A_1082 : vector<16x4096xi1>
    %select_n3A_1084 = arith.select %eq3A_1083, %select_n3A_1045, %select_n3A_1059 : vector<16x4096xi1>, vector<16x4096xf32>
    %select_n3A_1085 = arith.select %eq3A_1083, %select_n3A_1046, %select_n3A_1066 : vector<16x4096xi1>, vector<16x4096xi32>
    %and3A_1086 = arith.constant 128 : i32
    %and3A_1087 = vector.broadcast %and3A_1086 : i32 to vector<16x4096xi32>
    %and3A_1088 = arith.andi %iota3A, %and3A_1087 : vector<16x4096xi32>
    %eq3A_1089 = arith.constant 0 : i32
    %eq3A_1090 = vector.broadcast %eq3A_1089 : i32 to vector<16x4096xi32>
    %eq3A_1091 = arith.cmpi eq, %and3A_1088, %eq3A_1090 : vector<16x4096xi32>
    %slice3A_1092 = vector.extract_strided_slice %select_n3A_1084 {offsets = [0, 128], sizes = [16, 3968], strides = [1, 1]} : vector<16x4096xf32> to vector<16x3968xf32>
    %slice3A_1093 = vector.extract_strided_slice %select_n3A_1084 {offsets = [0, 0], sizes = [16, 128], strides = [1, 1]} : vector<16x4096xf32> to vector<16x128xf32>
    %concatenate3A_1094 = tpu.concatenate %slice3A_1092, %slice3A_1093 in 1 : vector<16x3968xf32>, vector<16x128xf32> -> vector<16x4096xf32>
    %slice3A_1095 = vector.extract_strided_slice %select_n3A_1084 {offsets = [0, 3968], sizes = [16, 128], strides = [1, 1]} : vector<16x4096xf32> to vector<16x128xf32>
    %slice3A_1096 = vector.extract_strided_slice %select_n3A_1084 {offsets = [0, 0], sizes = [16, 3968], strides = [1, 1]} : vector<16x4096xf32> to vector<16x3968xf32>
    %concatenate3A_1097 = tpu.concatenate %slice3A_1095, %slice3A_1096 in 1 : vector<16x128xf32>, vector<16x3968xf32> -> vector<16x4096xf32>
    %select_n3A_1098 = arith.select %eq3A_1091, %concatenate3A_1094, %concatenate3A_1097 : vector<16x4096xi1>, vector<16x4096xf32>
    %slice3A_1099 = vector.extract_strided_slice %select_n3A_1085 {offsets = [0, 128], sizes = [16, 3968], strides = [1, 1]} : vector<16x4096xi32> to vector<16x3968xi32>
    %slice3A_1100 = vector.extract_strided_slice %select_n3A_1085 {offsets = [0, 0], sizes = [16, 128], strides = [1, 1]} : vector<16x4096xi32> to vector<16x128xi32>
    %concatenate3A_1101 = tpu.concatenate %slice3A_1099, %slice3A_1100 in 1 : vector<16x3968xi32>, vector<16x128xi32> -> vector<16x4096xi32>
    %slice3A_1102 = vector.extract_strided_slice %select_n3A_1085 {offsets = [0, 3968], sizes = [16, 128], strides = [1, 1]} : vector<16x4096xi32> to vector<16x128xi32>
    %slice3A_1103 = vector.extract_strided_slice %select_n3A_1085 {offsets = [0, 0], sizes = [16, 3968], strides = [1, 1]} : vector<16x4096xi32> to vector<16x3968xi32>
    %concatenate3A_1104 = tpu.concatenate %slice3A_1102, %slice3A_1103 in 1 : vector<16x128xi32>, vector<16x3968xi32> -> vector<16x4096xi32>
    %select_n3A_1105 = arith.select %eq3A_1091, %concatenate3A_1101, %concatenate3A_1104 : vector<16x4096xi1>, vector<16x4096xi32>
    %gt3A_1106 = arith.cmpf ogt, %select_n3A_1084, %select_n3A_1098 : vector<16x4096xf32>
    %eq3A_1107 = arith.cmpf oeq, %select_n3A_1084, %select_n3A_1098 : vector<16x4096xf32>
    %lt3A_1108 = arith.cmpi slt, %select_n3A_1085, %select_n3A_1105 : vector<16x4096xi32>
    %and3A_1109 = arith.andi %eq3A_1107, %lt3A_1108 : vector<16x4096xi1>
    %or3A_1110 = arith.ori %gt3A_1106, %and3A_1109 : vector<16x4096xi1>
    %and3A_1111 = arith.constant 256 : i32
    %and3A_1112 = vector.broadcast %and3A_1111 : i32 to vector<16x4096xi32>
    %and3A_1113 = arith.andi %iota3A, %and3A_1112 : vector<16x4096xi32>
    %eq3A_1114 = arith.constant 0 : i32
    %eq3A_1115 = vector.broadcast %eq3A_1114 : i32 to vector<16x4096xi32>
    %eq3A_1116 = arith.cmpi eq, %and3A_1113, %eq3A_1115 : vector<16x4096xi32>
    %eq3A_1117 = arith.xori %eq3A_1091, %eq3A_1116 : vector<16x4096xi1>
    %eq3A_1118 = arith.constant dense<true> : vector<16x4096xi1>
    %eq3A_1119 = arith.xori %eq3A_1117, %eq3A_1118 : vector<16x4096xi1>
    %eq3A_1120 = arith.xori %eq3A_1119, %or3A_1110 : vector<16x4096xi1>
    %eq3A_1121 = arith.constant dense<true> : vector<16x4096xi1>
    %eq3A_1122 = arith.xori %eq3A_1120, %eq3A_1121 : vector<16x4096xi1>
    %select_n3A_1123 = arith.select %eq3A_1122, %select_n3A_1084, %select_n3A_1098 : vector<16x4096xi1>, vector<16x4096xf32>
    %select_n3A_1124 = arith.select %eq3A_1122, %select_n3A_1085, %select_n3A_1105 : vector<16x4096xi1>, vector<16x4096xi32>
    %and3A_1125 = arith.constant 64 : i32
    %and3A_1126 = vector.broadcast %and3A_1125 : i32 to vector<16x4096xi32>
    %and3A_1127 = arith.andi %iota3A, %and3A_1126 : vector<16x4096xi32>
    %eq3A_1128 = arith.constant 0 : i32
    %eq3A_1129 = vector.broadcast %eq3A_1128 : i32 to vector<16x4096xi32>
    %eq3A_1130 = arith.cmpi eq, %and3A_1127, %eq3A_1129 : vector<16x4096xi32>
    %slice3A_1131 = vector.extract_strided_slice %select_n3A_1123 {offsets = [0, 64], sizes = [16, 4032], strides = [1, 1]} : vector<16x4096xf32> to vector<16x4032xf32>
    %slice3A_1132 = vector.extract_strided_slice %select_n3A_1123 {offsets = [0, 0], sizes = [16, 64], strides = [1, 1]} : vector<16x4096xf32> to vector<16x64xf32>
    %concatenate3A_1133 = tpu.concatenate %slice3A_1131, %slice3A_1132 in 1 : vector<16x4032xf32>, vector<16x64xf32> -> vector<16x4096xf32>
    %slice3A_1134 = vector.extract_strided_slice %select_n3A_1123 {offsets = [0, 4032], sizes = [16, 64], strides = [1, 1]} : vector<16x4096xf32> to vector<16x64xf32>
    %slice3A_1135 = vector.extract_strided_slice %select_n3A_1123 {offsets = [0, 0], sizes = [16, 4032], strides = [1, 1]} : vector<16x4096xf32> to vector<16x4032xf32>
    %concatenate3A_1136 = tpu.concatenate %slice3A_1134, %slice3A_1135 in 1 : vector<16x64xf32>, vector<16x4032xf32> -> vector<16x4096xf32>
    %select_n3A_1137 = arith.select %eq3A_1130, %concatenate3A_1133, %concatenate3A_1136 : vector<16x4096xi1>, vector<16x4096xf32>
    %slice3A_1138 = vector.extract_strided_slice %select_n3A_1124 {offsets = [0, 64], sizes = [16, 4032], strides = [1, 1]} : vector<16x4096xi32> to vector<16x4032xi32>
    %slice3A_1139 = vector.extract_strided_slice %select_n3A_1124 {offsets = [0, 0], sizes = [16, 64], strides = [1, 1]} : vector<16x4096xi32> to vector<16x64xi32>
    %concatenate3A_1140 = tpu.concatenate %slice3A_1138, %slice3A_1139 in 1 : vector<16x4032xi32>, vector<16x64xi32> -> vector<16x4096xi32>
    %slice3A_1141 = vector.extract_strided_slice %select_n3A_1124 {offsets = [0, 4032], sizes = [16, 64], strides = [1, 1]} : vector<16x4096xi32> to vector<16x64xi32>
    %slice3A_1142 = vector.extract_strided_slice %select_n3A_1124 {offsets = [0, 0], sizes = [16, 4032], strides = [1, 1]} : vector<16x4096xi32> to vector<16x4032xi32>
    %concatenate3A_1143 = tpu.concatenate %slice3A_1141, %slice3A_1142 in 1 : vector<16x64xi32>, vector<16x4032xi32> -> vector<16x4096xi32>
    %select_n3A_1144 = arith.select %eq3A_1130, %concatenate3A_1140, %concatenate3A_1143 : vector<16x4096xi1>, vector<16x4096xi32>
    %gt3A_1145 = arith.cmpf ogt, %select_n3A_1123, %select_n3A_1137 : vector<16x4096xf32>
    %eq3A_1146 = arith.cmpf oeq, %select_n3A_1123, %select_n3A_1137 : vector<16x4096xf32>
    %lt3A_1147 = arith.cmpi slt, %select_n3A_1124, %select_n3A_1144 : vector<16x4096xi32>
    %and3A_1148 = arith.andi %eq3A_1146, %lt3A_1147 : vector<16x4096xi1>
    %or3A_1149 = arith.ori %gt3A_1145, %and3A_1148 : vector<16x4096xi1>
    %and3A_1150 = arith.constant 256 : i32
    %and3A_1151 = vector.broadcast %and3A_1150 : i32 to vector<16x4096xi32>
    %and3A_1152 = arith.andi %iota3A, %and3A_1151 : vector<16x4096xi32>
    %eq3A_1153 = arith.constant 0 : i32
    %eq3A_1154 = vector.broadcast %eq3A_1153 : i32 to vector<16x4096xi32>
    %eq3A_1155 = arith.cmpi eq, %and3A_1152, %eq3A_1154 : vector<16x4096xi32>
    %eq3A_1156 = arith.xori %eq3A_1130, %eq3A_1155 : vector<16x4096xi1>
    %eq3A_1157 = arith.constant dense<true> : vector<16x4096xi1>
    %eq3A_1158 = arith.xori %eq3A_1156, %eq3A_1157 : vector<16x4096xi1>
    %eq3A_1159 = arith.xori %eq3A_1158, %or3A_1149 : vector<16x4096xi1>
    %eq3A_1160 = arith.constant dense<true> : vector<16x4096xi1>
    %eq3A_1161 = arith.xori %eq3A_1159, %eq3A_1160 : vector<16x4096xi1>
    %select_n3A_1162 = arith.select %eq3A_1161, %select_n3A_1123, %select_n3A_1137 : vector<16x4096xi1>, vector<16x4096xf32>
    %select_n3A_1163 = arith.select %eq3A_1161, %select_n3A_1124, %select_n3A_1144 : vector<16x4096xi1>, vector<16x4096xi32>
    %and3A_1164 = arith.constant 32 : i32
    %and3A_1165 = vector.broadcast %and3A_1164 : i32 to vector<16x4096xi32>
    %and3A_1166 = arith.andi %iota3A, %and3A_1165 : vector<16x4096xi32>
    %eq3A_1167 = arith.constant 0 : i32
    %eq3A_1168 = vector.broadcast %eq3A_1167 : i32 to vector<16x4096xi32>
    %eq3A_1169 = arith.cmpi eq, %and3A_1166, %eq3A_1168 : vector<16x4096xi32>
    %slice3A_1170 = vector.extract_strided_slice %select_n3A_1162 {offsets = [0, 32], sizes = [16, 4064], strides = [1, 1]} : vector<16x4096xf32> to vector<16x4064xf32>
    %slice3A_1171 = vector.extract_strided_slice %select_n3A_1162 {offsets = [0, 0], sizes = [16, 32], strides = [1, 1]} : vector<16x4096xf32> to vector<16x32xf32>
    %concatenate3A_1172 = tpu.concatenate %slice3A_1170, %slice3A_1171 in 1 : vector<16x4064xf32>, vector<16x32xf32> -> vector<16x4096xf32>
    %slice3A_1173 = vector.extract_strided_slice %select_n3A_1162 {offsets = [0, 4064], sizes = [16, 32], strides = [1, 1]} : vector<16x4096xf32> to vector<16x32xf32>
    %slice3A_1174 = vector.extract_strided_slice %select_n3A_1162 {offsets = [0, 0], sizes = [16, 4064], strides = [1, 1]} : vector<16x4096xf32> to vector<16x4064xf32>
    %concatenate3A_1175 = tpu.concatenate %slice3A_1173, %slice3A_1174 in 1 : vector<16x32xf32>, vector<16x4064xf32> -> vector<16x4096xf32>
    %select_n3A_1176 = arith.select %eq3A_1169, %concatenate3A_1172, %concatenate3A_1175 : vector<16x4096xi1>, vector<16x4096xf32>
    %slice3A_1177 = vector.extract_strided_slice %select_n3A_1163 {offsets = [0, 32], sizes = [16, 4064], strides = [1, 1]} : vector<16x4096xi32> to vector<16x4064xi32>
    %slice3A_1178 = vector.extract_strided_slice %select_n3A_1163 {offsets = [0, 0], sizes = [16, 32], strides = [1, 1]} : vector<16x4096xi32> to vector<16x32xi32>
    %concatenate3A_1179 = tpu.concatenate %slice3A_1177, %slice3A_1178 in 1 : vector<16x4064xi32>, vector<16x32xi32> -> vector<16x4096xi32>
    %slice3A_1180 = vector.extract_strided_slice %select_n3A_1163 {offsets = [0, 4064], sizes = [16, 32], strides = [1, 1]} : vector<16x4096xi32> to vector<16x32xi32>
    %slice3A_1181 = vector.extract_strided_slice %select_n3A_1163 {offsets = [0, 0], sizes = [16, 4064], strides = [1, 1]} : vector<16x4096xi32> to vector<16x4064xi32>
    %concatenate3A_1182 = tpu.concatenate %slice3A_1180, %slice3A_1181 in 1 : vector<16x32xi32>, vector<16x4064xi32> -> vector<16x4096xi32>
    %select_n3A_1183 = arith.select %eq3A_1169, %concatenate3A_1179, %concatenate3A_1182 : vector<16x4096xi1>, vector<16x4096xi32>
    %gt3A_1184 = arith.cmpf ogt, %select_n3A_1162, %select_n3A_1176 : vector<16x4096xf32>
    %eq3A_1185 = arith.cmpf oeq, %select_n3A_1162, %select_n3A_1176 : vector<16x4096xf32>
    %lt3A_1186 = arith.cmpi slt, %select_n3A_1163, %select_n3A_1183 : vector<16x4096xi32>
    %and3A_1187 = arith.andi %eq3A_1185, %lt3A_1186 : vector<16x4096xi1>
    %or3A_1188 = arith.ori %gt3A_1184, %and3A_1187 : vector<16x4096xi1>
    %and3A_1189 = arith.constant 256 : i32
    %and3A_1190 = vector.broadcast %and3A_1189 : i32 to vector<16x4096xi32>
    %and3A_1191 = arith.andi %iota3A, %and3A_1190 : vector<16x4096xi32>
    %eq3A_1192 = arith.constant 0 : i32
    %eq3A_1193 = vector.broadcast %eq3A_1192 : i32 to vector<16x4096xi32>
    %eq3A_1194 = arith.cmpi eq, %and3A_1191, %eq3A_1193 : vector<16x4096xi32>
    %eq3A_1195 = arith.xori %eq3A_1169, %eq3A_1194 : vector<16x4096xi1>
    %eq3A_1196 = arith.constant dense<true> : vector<16x4096xi1>
    %eq3A_1197 = arith.xori %eq3A_1195, %eq3A_1196 : vector<16x4096xi1>
    %eq3A_1198 = arith.xori %eq3A_1197, %or3A_1188 : vector<16x4096xi1>
    %eq3A_1199 = arith.constant dense<true> : vector<16x4096xi1>
    %eq3A_1200 = arith.xori %eq3A_1198, %eq3A_1199 : vector<16x4096xi1>
    %select_n3A_1201 = arith.select %eq3A_1200, %select_n3A_1162, %select_n3A_1176 : vector<16x4096xi1>, vector<16x4096xf32>
    %select_n3A_1202 = arith.select %eq3A_1200, %select_n3A_1163, %select_n3A_1183 : vector<16x4096xi1>, vector<16x4096xi32>
    %and3A_1203 = arith.constant 16 : i32
    %and3A_1204 = vector.broadcast %and3A_1203 : i32 to vector<16x4096xi32>
    %and3A_1205 = arith.andi %iota3A, %and3A_1204 : vector<16x4096xi32>
    %eq3A_1206 = arith.constant 0 : i32
    %eq3A_1207 = vector.broadcast %eq3A_1206 : i32 to vector<16x4096xi32>
    %eq3A_1208 = arith.cmpi eq, %and3A_1205, %eq3A_1207 : vector<16x4096xi32>
    %slice3A_1209 = vector.extract_strided_slice %select_n3A_1201 {offsets = [0, 16], sizes = [16, 4080], strides = [1, 1]} : vector<16x4096xf32> to vector<16x4080xf32>
    %slice3A_1210 = vector.extract_strided_slice %select_n3A_1201 {offsets = [0, 0], sizes = [16, 16], strides = [1, 1]} : vector<16x4096xf32> to vector<16x16xf32>
    %concatenate3A_1211 = tpu.concatenate %slice3A_1209, %slice3A_1210 in 1 : vector<16x4080xf32>, vector<16x16xf32> -> vector<16x4096xf32>
    %slice3A_1212 = vector.extract_strided_slice %select_n3A_1201 {offsets = [0, 4080], sizes = [16, 16], strides = [1, 1]} : vector<16x4096xf32> to vector<16x16xf32>
    %slice3A_1213 = vector.extract_strided_slice %select_n3A_1201 {offsets = [0, 0], sizes = [16, 4080], strides = [1, 1]} : vector<16x4096xf32> to vector<16x4080xf32>
    %concatenate3A_1214 = tpu.concatenate %slice3A_1212, %slice3A_1213 in 1 : vector<16x16xf32>, vector<16x4080xf32> -> vector<16x4096xf32>
    %select_n3A_1215 = arith.select %eq3A_1208, %concatenate3A_1211, %concatenate3A_1214 : vector<16x4096xi1>, vector<16x4096xf32>
    %slice3A_1216 = vector.extract_strided_slice %select_n3A_1202 {offsets = [0, 16], sizes = [16, 4080], strides = [1, 1]} : vector<16x4096xi32> to vector<16x4080xi32>
    %slice3A_1217 = vector.extract_strided_slice %select_n3A_1202 {offsets = [0, 0], sizes = [16, 16], strides = [1, 1]} : vector<16x4096xi32> to vector<16x16xi32>
    %concatenate3A_1218 = tpu.concatenate %slice3A_1216, %slice3A_1217 in 1 : vector<16x4080xi32>, vector<16x16xi32> -> vector<16x4096xi32>
    %slice3A_1219 = vector.extract_strided_slice %select_n3A_1202 {offsets = [0, 4080], sizes = [16, 16], strides = [1, 1]} : vector<16x4096xi32> to vector<16x16xi32>
    %slice3A_1220 = vector.extract_strided_slice %select_n3A_1202 {offsets = [0, 0], sizes = [16, 4080], strides = [1, 1]} : vector<16x4096xi32> to vector<16x4080xi32>
    %concatenate3A_1221 = tpu.concatenate %slice3A_1219, %slice3A_1220 in 1 : vector<16x16xi32>, vector<16x4080xi32> -> vector<16x4096xi32>
    %select_n3A_1222 = arith.select %eq3A_1208, %concatenate3A_1218, %concatenate3A_1221 : vector<16x4096xi1>, vector<16x4096xi32>
    %gt3A_1223 = arith.cmpf ogt, %select_n3A_1201, %select_n3A_1215 : vector<16x4096xf32>
    %eq3A_1224 = arith.cmpf oeq, %select_n3A_1201, %select_n3A_1215 : vector<16x4096xf32>
    %lt3A_1225 = arith.cmpi slt, %select_n3A_1202, %select_n3A_1222 : vector<16x4096xi32>
    %and3A_1226 = arith.andi %eq3A_1224, %lt3A_1225 : vector<16x4096xi1>
    %or3A_1227 = arith.ori %gt3A_1223, %and3A_1226 : vector<16x4096xi1>
    %and3A_1228 = arith.constant 256 : i32
    %and3A_1229 = vector.broadcast %and3A_1228 : i32 to vector<16x4096xi32>
    %and3A_1230 = arith.andi %iota3A, %and3A_1229 : vector<16x4096xi32>
    %eq3A_1231 = arith.constant 0 : i32
    %eq3A_1232 = vector.broadcast %eq3A_1231 : i32 to vector<16x4096xi32>
    %eq3A_1233 = arith.cmpi eq, %and3A_1230, %eq3A_1232 : vector<16x4096xi32>
    %eq3A_1234 = arith.xori %eq3A_1208, %eq3A_1233 : vector<16x4096xi1>
    %eq3A_1235 = arith.constant dense<true> : vector<16x4096xi1>
    %eq3A_1236 = arith.xori %eq3A_1234, %eq3A_1235 : vector<16x4096xi1>
    %eq3A_1237 = arith.xori %eq3A_1236, %or3A_1227 : vector<16x4096xi1>
    %eq3A_1238 = arith.constant dense<true> : vector<16x4096xi1>
    %eq3A_1239 = arith.xori %eq3A_1237, %eq3A_1238 : vector<16x4096xi1>
    %select_n3A_1240 = arith.select %eq3A_1239, %select_n3A_1201, %select_n3A_1215 : vector<16x4096xi1>, vector<16x4096xf32>
    %select_n3A_1241 = arith.select %eq3A_1239, %select_n3A_1202, %select_n3A_1222 : vector<16x4096xi1>, vector<16x4096xi32>
    %and3A_1242 = arith.constant 8 : i32
    %and3A_1243 = vector.broadcast %and3A_1242 : i32 to vector<16x4096xi32>
    %and3A_1244 = arith.andi %iota3A, %and3A_1243 : vector<16x4096xi32>
    %eq3A_1245 = arith.constant 0 : i32
    %eq3A_1246 = vector.broadcast %eq3A_1245 : i32 to vector<16x4096xi32>
    %eq3A_1247 = arith.cmpi eq, %and3A_1244, %eq3A_1246 : vector<16x4096xi32>
    %slice3A_1248 = vector.extract_strided_slice %select_n3A_1240 {offsets = [0, 8], sizes = [16, 4088], strides = [1, 1]} : vector<16x4096xf32> to vector<16x4088xf32>
    %slice3A_1249 = vector.extract_strided_slice %select_n3A_1240 {offsets = [0, 0], sizes = [16, 8], strides = [1, 1]} : vector<16x4096xf32> to vector<16x8xf32>
    %concatenate3A_1250 = tpu.concatenate %slice3A_1248, %slice3A_1249 in 1 : vector<16x4088xf32>, vector<16x8xf32> -> vector<16x4096xf32>
    %slice3A_1251 = vector.extract_strided_slice %select_n3A_1240 {offsets = [0, 4088], sizes = [16, 8], strides = [1, 1]} : vector<16x4096xf32> to vector<16x8xf32>
    %slice3A_1252 = vector.extract_strided_slice %select_n3A_1240 {offsets = [0, 0], sizes = [16, 4088], strides = [1, 1]} : vector<16x4096xf32> to vector<16x4088xf32>
    %concatenate3A_1253 = tpu.concatenate %slice3A_1251, %slice3A_1252 in 1 : vector<16x8xf32>, vector<16x4088xf32> -> vector<16x4096xf32>
    %select_n3A_1254 = arith.select %eq3A_1247, %concatenate3A_1250, %concatenate3A_1253 : vector<16x4096xi1>, vector<16x4096xf32>
    %slice3A_1255 = vector.extract_strided_slice %select_n3A_1241 {offsets = [0, 8], sizes = [16, 4088], strides = [1, 1]} : vector<16x4096xi32> to vector<16x4088xi32>
    %slice3A_1256 = vector.extract_strided_slice %select_n3A_1241 {offsets = [0, 0], sizes = [16, 8], strides = [1, 1]} : vector<16x4096xi32> to vector<16x8xi32>
    %concatenate3A_1257 = tpu.concatenate %slice3A_1255, %slice3A_1256 in 1 : vector<16x4088xi32>, vector<16x8xi32> -> vector<16x4096xi32>
    %slice3A_1258 = vector.extract_strided_slice %select_n3A_1241 {offsets = [0, 4088], sizes = [16, 8], strides = [1, 1]} : vector<16x4096xi32> to vector<16x8xi32>
    %slice3A_1259 = vector.extract_strided_slice %select_n3A_1241 {offsets = [0, 0], sizes = [16, 4088], strides = [1, 1]} : vector<16x4096xi32> to vector<16x4088xi32>
    %concatenate3A_1260 = tpu.concatenate %slice3A_1258, %slice3A_1259 in 1 : vector<16x8xi32>, vector<16x4088xi32> -> vector<16x4096xi32>
    %select_n3A_1261 = arith.select %eq3A_1247, %concatenate3A_1257, %concatenate3A_1260 : vector<16x4096xi1>, vector<16x4096xi32>
    %gt3A_1262 = arith.cmpf ogt, %select_n3A_1240, %select_n3A_1254 : vector<16x4096xf32>
    %eq3A_1263 = arith.cmpf oeq, %select_n3A_1240, %select_n3A_1254 : vector<16x4096xf32>
    %lt3A_1264 = arith.cmpi slt, %select_n3A_1241, %select_n3A_1261 : vector<16x4096xi32>
    %and3A_1265 = arith.andi %eq3A_1263, %lt3A_1264 : vector<16x4096xi1>
    %or3A_1266 = arith.ori %gt3A_1262, %and3A_1265 : vector<16x4096xi1>
    %and3A_1267 = arith.constant 256 : i32
    %and3A_1268 = vector.broadcast %and3A_1267 : i32 to vector<16x4096xi32>
    %and3A_1269 = arith.andi %iota3A, %and3A_1268 : vector<16x4096xi32>
    %eq3A_1270 = arith.constant 0 : i32
    %eq3A_1271 = vector.broadcast %eq3A_1270 : i32 to vector<16x4096xi32>
    %eq3A_1272 = arith.cmpi eq, %and3A_1269, %eq3A_1271 : vector<16x4096xi32>
    %eq3A_1273 = arith.xori %eq3A_1247, %eq3A_1272 : vector<16x4096xi1>
    %eq3A_1274 = arith.constant dense<true> : vector<16x4096xi1>
    %eq3A_1275 = arith.xori %eq3A_1273, %eq3A_1274 : vector<16x4096xi1>
    %eq3A_1276 = arith.xori %eq3A_1275, %or3A_1266 : vector<16x4096xi1>
    %eq3A_1277 = arith.constant dense<true> : vector<16x4096xi1>
    %eq3A_1278 = arith.xori %eq3A_1276, %eq3A_1277 : vector<16x4096xi1>
    %select_n3A_1279 = arith.select %eq3A_1278, %select_n3A_1240, %select_n3A_1254 : vector<16x4096xi1>, vector<16x4096xf32>
    %select_n3A_1280 = arith.select %eq3A_1278, %select_n3A_1241, %select_n3A_1261 : vector<16x4096xi1>, vector<16x4096xi32>
    %and3A_1281 = arith.constant 4 : i32
    %and3A_1282 = vector.broadcast %and3A_1281 : i32 to vector<16x4096xi32>
    %and3A_1283 = arith.andi %iota3A, %and3A_1282 : vector<16x4096xi32>
    %eq3A_1284 = arith.constant 0 : i32
    %eq3A_1285 = vector.broadcast %eq3A_1284 : i32 to vector<16x4096xi32>
    %eq3A_1286 = arith.cmpi eq, %and3A_1283, %eq3A_1285 : vector<16x4096xi32>
    %slice3A_1287 = vector.extract_strided_slice %select_n3A_1279 {offsets = [0, 4], sizes = [16, 4092], strides = [1, 1]} : vector<16x4096xf32> to vector<16x4092xf32>
    %slice3A_1288 = vector.extract_strided_slice %select_n3A_1279 {offsets = [0, 0], sizes = [16, 4], strides = [1, 1]} : vector<16x4096xf32> to vector<16x4xf32>
    %concatenate3A_1289 = tpu.concatenate %slice3A_1287, %slice3A_1288 in 1 : vector<16x4092xf32>, vector<16x4xf32> -> vector<16x4096xf32>
    %slice3A_1290 = vector.extract_strided_slice %select_n3A_1279 {offsets = [0, 4092], sizes = [16, 4], strides = [1, 1]} : vector<16x4096xf32> to vector<16x4xf32>
    %slice3A_1291 = vector.extract_strided_slice %select_n3A_1279 {offsets = [0, 0], sizes = [16, 4092], strides = [1, 1]} : vector<16x4096xf32> to vector<16x4092xf32>
    %concatenate3A_1292 = tpu.concatenate %slice3A_1290, %slice3A_1291 in 1 : vector<16x4xf32>, vector<16x4092xf32> -> vector<16x4096xf32>
    %select_n3A_1293 = arith.select %eq3A_1286, %concatenate3A_1289, %concatenate3A_1292 : vector<16x4096xi1>, vector<16x4096xf32>
    %slice3A_1294 = vector.extract_strided_slice %select_n3A_1280 {offsets = [0, 4], sizes = [16, 4092], strides = [1, 1]} : vector<16x4096xi32> to vector<16x4092xi32>
    %slice3A_1295 = vector.extract_strided_slice %select_n3A_1280 {offsets = [0, 0], sizes = [16, 4], strides = [1, 1]} : vector<16x4096xi32> to vector<16x4xi32>
    %concatenate3A_1296 = tpu.concatenate %slice3A_1294, %slice3A_1295 in 1 : vector<16x4092xi32>, vector<16x4xi32> -> vector<16x4096xi32>
    %slice3A_1297 = vector.extract_strided_slice %select_n3A_1280 {offsets = [0, 4092], sizes = [16, 4], strides = [1, 1]} : vector<16x4096xi32> to vector<16x4xi32>
    %slice3A_1298 = vector.extract_strided_slice %select_n3A_1280 {offsets = [0, 0], sizes = [16, 4092], strides = [1, 1]} : vector<16x4096xi32> to vector<16x4092xi32>
    %concatenate3A_1299 = tpu.concatenate %slice3A_1297, %slice3A_1298 in 1 : vector<16x4xi32>, vector<16x4092xi32> -> vector<16x4096xi32>
    %select_n3A_1300 = arith.select %eq3A_1286, %concatenate3A_1296, %concatenate3A_1299 : vector<16x4096xi1>, vector<16x4096xi32>
    %gt3A_1301 = arith.cmpf ogt, %select_n3A_1279, %select_n3A_1293 : vector<16x4096xf32>
    %eq3A_1302 = arith.cmpf oeq, %select_n3A_1279, %select_n3A_1293 : vector<16x4096xf32>
    %lt3A_1303 = arith.cmpi slt, %select_n3A_1280, %select_n3A_1300 : vector<16x4096xi32>
    %and3A_1304 = arith.andi %eq3A_1302, %lt3A_1303 : vector<16x4096xi1>
    %or3A_1305 = arith.ori %gt3A_1301, %and3A_1304 : vector<16x4096xi1>
    %and3A_1306 = arith.constant 256 : i32
    %and3A_1307 = vector.broadcast %and3A_1306 : i32 to vector<16x4096xi32>
    %and3A_1308 = arith.andi %iota3A, %and3A_1307 : vector<16x4096xi32>
    %eq3A_1309 = arith.constant 0 : i32
    %eq3A_1310 = vector.broadcast %eq3A_1309 : i32 to vector<16x4096xi32>
    %eq3A_1311 = arith.cmpi eq, %and3A_1308, %eq3A_1310 : vector<16x4096xi32>
    %eq3A_1312 = arith.xori %eq3A_1286, %eq3A_1311 : vector<16x4096xi1>
    %eq3A_1313 = arith.constant dense<true> : vector<16x4096xi1>
    %eq3A_1314 = arith.xori %eq3A_1312, %eq3A_1313 : vector<16x4096xi1>
    %eq3A_1315 = arith.xori %eq3A_1314, %or3A_1305 : vector<16x4096xi1>
    %eq3A_1316 = arith.constant dense<true> : vector<16x4096xi1>
    %eq3A_1317 = arith.xori %eq3A_1315, %eq3A_1316 : vector<16x4096xi1>
    %select_n3A_1318 = arith.select %eq3A_1317, %select_n3A_1279, %select_n3A_1293 : vector<16x4096xi1>, vector<16x4096xf32>
    %select_n3A_1319 = arith.select %eq3A_1317, %select_n3A_1280, %select_n3A_1300 : vector<16x4096xi1>, vector<16x4096xi32>
    %and3A_1320 = arith.constant 2 : i32
    %and3A_1321 = vector.broadcast %and3A_1320 : i32 to vector<16x4096xi32>
    %and3A_1322 = arith.andi %iota3A, %and3A_1321 : vector<16x4096xi32>
    %eq3A_1323 = arith.constant 0 : i32
    %eq3A_1324 = vector.broadcast %eq3A_1323 : i32 to vector<16x4096xi32>
    %eq3A_1325 = arith.cmpi eq, %and3A_1322, %eq3A_1324 : vector<16x4096xi32>
    %slice3A_1326 = vector.extract_strided_slice %select_n3A_1318 {offsets = [0, 2], sizes = [16, 4094], strides = [1, 1]} : vector<16x4096xf32> to vector<16x4094xf32>
    %slice3A_1327 = vector.extract_strided_slice %select_n3A_1318 {offsets = [0, 0], sizes = [16, 2], strides = [1, 1]} : vector<16x4096xf32> to vector<16x2xf32>
    %concatenate3A_1328 = tpu.concatenate %slice3A_1326, %slice3A_1327 in 1 : vector<16x4094xf32>, vector<16x2xf32> -> vector<16x4096xf32>
    %slice3A_1329 = vector.extract_strided_slice %select_n3A_1318 {offsets = [0, 4094], sizes = [16, 2], strides = [1, 1]} : vector<16x4096xf32> to vector<16x2xf32>
    %slice3A_1330 = vector.extract_strided_slice %select_n3A_1318 {offsets = [0, 0], sizes = [16, 4094], strides = [1, 1]} : vector<16x4096xf32> to vector<16x4094xf32>
    %concatenate3A_1331 = tpu.concatenate %slice3A_1329, %slice3A_1330 in 1 : vector<16x2xf32>, vector<16x4094xf32> -> vector<16x4096xf32>
    %select_n3A_1332 = arith.select %eq3A_1325, %concatenate3A_1328, %concatenate3A_1331 : vector<16x4096xi1>, vector<16x4096xf32>
    %slice3A_1333 = vector.extract_strided_slice %select_n3A_1319 {offsets = [0, 2], sizes = [16, 4094], strides = [1, 1]} : vector<16x4096xi32> to vector<16x4094xi32>
    %slice3A_1334 = vector.extract_strided_slice %select_n3A_1319 {offsets = [0, 0], sizes = [16, 2], strides = [1, 1]} : vector<16x4096xi32> to vector<16x2xi32>
    %concatenate3A_1335 = tpu.concatenate %slice3A_1333, %slice3A_1334 in 1 : vector<16x4094xi32>, vector<16x2xi32> -> vector<16x4096xi32>
    %slice3A_1336 = vector.extract_strided_slice %select_n3A_1319 {offsets = [0, 4094], sizes = [16, 2], strides = [1, 1]} : vector<16x4096xi32> to vector<16x2xi32>
    %slice3A_1337 = vector.extract_strided_slice %select_n3A_1319 {offsets = [0, 0], sizes = [16, 4094], strides = [1, 1]} : vector<16x4096xi32> to vector<16x4094xi32>
    %concatenate3A_1338 = tpu.concatenate %slice3A_1336, %slice3A_1337 in 1 : vector<16x2xi32>, vector<16x4094xi32> -> vector<16x4096xi32>
    %select_n3A_1339 = arith.select %eq3A_1325, %concatenate3A_1335, %concatenate3A_1338 : vector<16x4096xi1>, vector<16x4096xi32>
    %gt3A_1340 = arith.cmpf ogt, %select_n3A_1318, %select_n3A_1332 : vector<16x4096xf32>
    %eq3A_1341 = arith.cmpf oeq, %select_n3A_1318, %select_n3A_1332 : vector<16x4096xf32>
    %lt3A_1342 = arith.cmpi slt, %select_n3A_1319, %select_n3A_1339 : vector<16x4096xi32>
    %and3A_1343 = arith.andi %eq3A_1341, %lt3A_1342 : vector<16x4096xi1>
    %or3A_1344 = arith.ori %gt3A_1340, %and3A_1343 : vector<16x4096xi1>
    %and3A_1345 = arith.constant 256 : i32
    %and3A_1346 = vector.broadcast %and3A_1345 : i32 to vector<16x4096xi32>
    %and3A_1347 = arith.andi %iota3A, %and3A_1346 : vector<16x4096xi32>
    %eq3A_1348 = arith.constant 0 : i32
    %eq3A_1349 = vector.broadcast %eq3A_1348 : i32 to vector<16x4096xi32>
    %eq3A_1350 = arith.cmpi eq, %and3A_1347, %eq3A_1349 : vector<16x4096xi32>
    %eq3A_1351 = arith.xori %eq3A_1325, %eq3A_1350 : vector<16x4096xi1>
    %eq3A_1352 = arith.constant dense<true> : vector<16x4096xi1>
    %eq3A_1353 = arith.xori %eq3A_1351, %eq3A_1352 : vector<16x4096xi1>
    %eq3A_1354 = arith.xori %eq3A_1353, %or3A_1344 : vector<16x4096xi1>
    %eq3A_1355 = arith.constant dense<true> : vector<16x4096xi1>
    %eq3A_1356 = arith.xori %eq3A_1354, %eq3A_1355 : vector<16x4096xi1>
    %select_n3A_1357 = arith.select %eq3A_1356, %select_n3A_1318, %select_n3A_1332 : vector<16x4096xi1>, vector<16x4096xf32>
    %select_n3A_1358 = arith.select %eq3A_1356, %select_n3A_1319, %select_n3A_1339 : vector<16x4096xi1>, vector<16x4096xi32>
    %and3A_1359 = arith.constant 1 : i32
    %and3A_1360 = vector.broadcast %and3A_1359 : i32 to vector<16x4096xi32>
    %and3A_1361 = arith.andi %iota3A, %and3A_1360 : vector<16x4096xi32>
    %eq3A_1362 = arith.constant 0 : i32
    %eq3A_1363 = vector.broadcast %eq3A_1362 : i32 to vector<16x4096xi32>
    %eq3A_1364 = arith.cmpi eq, %and3A_1361, %eq3A_1363 : vector<16x4096xi32>
    %slice3A_1365 = vector.extract_strided_slice %select_n3A_1357 {offsets = [0, 1], sizes = [16, 4095], strides = [1, 1]} : vector<16x4096xf32> to vector<16x4095xf32>
    %slice3A_1366 = vector.extract_strided_slice %select_n3A_1357 {offsets = [0, 0], sizes = [16, 1], strides = [1, 1]} : vector<16x4096xf32> to vector<16x1xf32>
    %concatenate3A_1367 = tpu.concatenate %slice3A_1365, %slice3A_1366 in 1 : vector<16x4095xf32>, vector<16x1xf32> -> vector<16x4096xf32>
    %slice3A_1368 = vector.extract_strided_slice %select_n3A_1357 {offsets = [0, 4095], sizes = [16, 1], strides = [1, 1]} : vector<16x4096xf32> to vector<16x1xf32>
    %slice3A_1369 = vector.extract_strided_slice %select_n3A_1357 {offsets = [0, 0], sizes = [16, 4095], strides = [1, 1]} : vector<16x4096xf32> to vector<16x4095xf32>
    %concatenate3A_1370 = tpu.concatenate %slice3A_1368, %slice3A_1369 in 1 : vector<16x1xf32>, vector<16x4095xf32> -> vector<16x4096xf32>
    %select_n3A_1371 = arith.select %eq3A_1364, %concatenate3A_1367, %concatenate3A_1370 : vector<16x4096xi1>, vector<16x4096xf32>
    %slice3A_1372 = vector.extract_strided_slice %select_n3A_1358 {offsets = [0, 1], sizes = [16, 4095], strides = [1, 1]} : vector<16x4096xi32> to vector<16x4095xi32>
    %slice3A_1373 = vector.extract_strided_slice %select_n3A_1358 {offsets = [0, 0], sizes = [16, 1], strides = [1, 1]} : vector<16x4096xi32> to vector<16x1xi32>
    %concatenate3A_1374 = tpu.concatenate %slice3A_1372, %slice3A_1373 in 1 : vector<16x4095xi32>, vector<16x1xi32> -> vector<16x4096xi32>
    %slice3A_1375 = vector.extract_strided_slice %select_n3A_1358 {offsets = [0, 4095], sizes = [16, 1], strides = [1, 1]} : vector<16x4096xi32> to vector<16x1xi32>
    %slice3A_1376 = vector.extract_strided_slice %select_n3A_1358 {offsets = [0, 0], sizes = [16, 4095], strides = [1, 1]} : vector<16x4096xi32> to vector<16x4095xi32>
    %concatenate3A_1377 = tpu.concatenate %slice3A_1375, %slice3A_1376 in 1 : vector<16x1xi32>, vector<16x4095xi32> -> vector<16x4096xi32>
    %select_n3A_1378 = arith.select %eq3A_1364, %concatenate3A_1374, %concatenate3A_1377 : vector<16x4096xi1>, vector<16x4096xi32>
    %gt3A_1379 = arith.cmpf ogt, %select_n3A_1357, %select_n3A_1371 : vector<16x4096xf32>
    %eq3A_1380 = arith.cmpf oeq, %select_n3A_1357, %select_n3A_1371 : vector<16x4096xf32>
    %lt3A_1381 = arith.cmpi slt, %select_n3A_1358, %select_n3A_1378 : vector<16x4096xi32>
    %and3A_1382 = arith.andi %eq3A_1380, %lt3A_1381 : vector<16x4096xi1>
    %or3A_1383 = arith.ori %gt3A_1379, %and3A_1382 : vector<16x4096xi1>
    %and3A_1384 = arith.constant 256 : i32
    %and3A_1385 = vector.broadcast %and3A_1384 : i32 to vector<16x4096xi32>
    %and3A_1386 = arith.andi %iota3A, %and3A_1385 : vector<16x4096xi32>
    %eq3A_1387 = arith.constant 0 : i32
    %eq3A_1388 = vector.broadcast %eq3A_1387 : i32 to vector<16x4096xi32>
    %eq3A_1389 = arith.cmpi eq, %and3A_1386, %eq3A_1388 : vector<16x4096xi32>
    %eq3A_1390 = arith.xori %eq3A_1364, %eq3A_1389 : vector<16x4096xi1>
    %eq3A_1391 = arith.constant dense<true> : vector<16x4096xi1>
    %eq3A_1392 = arith.xori %eq3A_1390, %eq3A_1391 : vector<16x4096xi1>
    %eq3A_1393 = arith.xori %eq3A_1392, %or3A_1383 : vector<16x4096xi1>
    %eq3A_1394 = arith.constant dense<true> : vector<16x4096xi1>
    %eq3A_1395 = arith.xori %eq3A_1393, %eq3A_1394 : vector<16x4096xi1>
    %select_n3A_1396 = arith.select %eq3A_1395, %select_n3A_1357, %select_n3A_1371 : vector<16x4096xi1>, vector<16x4096xf32>
    %select_n3A_1397 = arith.select %eq3A_1395, %select_n3A_1358, %select_n3A_1378 : vector<16x4096xi1>, vector<16x4096xi32>
    %and3A_1398 = arith.constant 256 : i32
    %and3A_1399 = vector.broadcast %and3A_1398 : i32 to vector<16x4096xi32>
    %and3A_1400 = arith.andi %iota3A, %and3A_1399 : vector<16x4096xi32>
    %eq3A_1401 = arith.constant 0 : i32
    %eq3A_1402 = vector.broadcast %eq3A_1401 : i32 to vector<16x4096xi32>
    %eq3A_1403 = arith.cmpi eq, %and3A_1400, %eq3A_1402 : vector<16x4096xi32>
    %slice3A_1404 = vector.extract_strided_slice %select_n3A_1396 {offsets = [0, 256], sizes = [16, 3840], strides = [1, 1]} : vector<16x4096xf32> to vector<16x3840xf32>
    %slice3A_1405 = vector.extract_strided_slice %select_n3A_1396 {offsets = [0, 0], sizes = [16, 256], strides = [1, 1]} : vector<16x4096xf32> to vector<16x256xf32>
    %concatenate3A_1406 = tpu.concatenate %slice3A_1404, %slice3A_1405 in 1 : vector<16x3840xf32>, vector<16x256xf32> -> vector<16x4096xf32>
    %slice3A_1407 = vector.extract_strided_slice %select_n3A_1396 {offsets = [0, 3840], sizes = [16, 256], strides = [1, 1]} : vector<16x4096xf32> to vector<16x256xf32>
    %slice3A_1408 = vector.extract_strided_slice %select_n3A_1396 {offsets = [0, 0], sizes = [16, 3840], strides = [1, 1]} : vector<16x4096xf32> to vector<16x3840xf32>
    %concatenate3A_1409 = tpu.concatenate %slice3A_1407, %slice3A_1408 in 1 : vector<16x256xf32>, vector<16x3840xf32> -> vector<16x4096xf32>
    %select_n3A_1410 = arith.select %eq3A_1403, %concatenate3A_1406, %concatenate3A_1409 : vector<16x4096xi1>, vector<16x4096xf32>
    %slice3A_1411 = vector.extract_strided_slice %select_n3A_1397 {offsets = [0, 256], sizes = [16, 3840], strides = [1, 1]} : vector<16x4096xi32> to vector<16x3840xi32>
    %slice3A_1412 = vector.extract_strided_slice %select_n3A_1397 {offsets = [0, 0], sizes = [16, 256], strides = [1, 1]} : vector<16x4096xi32> to vector<16x256xi32>
    %concatenate3A_1413 = tpu.concatenate %slice3A_1411, %slice3A_1412 in 1 : vector<16x3840xi32>, vector<16x256xi32> -> vector<16x4096xi32>
    %slice3A_1414 = vector.extract_strided_slice %select_n3A_1397 {offsets = [0, 3840], sizes = [16, 256], strides = [1, 1]} : vector<16x4096xi32> to vector<16x256xi32>
    %slice3A_1415 = vector.extract_strided_slice %select_n3A_1397 {offsets = [0, 0], sizes = [16, 3840], strides = [1, 1]} : vector<16x4096xi32> to vector<16x3840xi32>
    %concatenate3A_1416 = tpu.concatenate %slice3A_1414, %slice3A_1415 in 1 : vector<16x256xi32>, vector<16x3840xi32> -> vector<16x4096xi32>
    %select_n3A_1417 = arith.select %eq3A_1403, %concatenate3A_1413, %concatenate3A_1416 : vector<16x4096xi1>, vector<16x4096xi32>
    %gt3A_1418 = arith.cmpf ogt, %select_n3A_1396, %select_n3A_1410 : vector<16x4096xf32>
    %eq3A_1419 = arith.cmpf oeq, %select_n3A_1396, %select_n3A_1410 : vector<16x4096xf32>
    %lt3A_1420 = arith.cmpi slt, %select_n3A_1397, %select_n3A_1417 : vector<16x4096xi32>
    %and3A_1421 = arith.andi %eq3A_1419, %lt3A_1420 : vector<16x4096xi1>
    %or3A_1422 = arith.ori %gt3A_1418, %and3A_1421 : vector<16x4096xi1>
    %and3A_1423 = arith.constant 512 : i32
    %and3A_1424 = vector.broadcast %and3A_1423 : i32 to vector<16x4096xi32>
    %and3A_1425 = arith.andi %iota3A, %and3A_1424 : vector<16x4096xi32>
    %eq3A_1426 = arith.constant 0 : i32
    %eq3A_1427 = vector.broadcast %eq3A_1426 : i32 to vector<16x4096xi32>
    %eq3A_1428 = arith.cmpi eq, %and3A_1425, %eq3A_1427 : vector<16x4096xi32>
    %eq3A_1429 = arith.xori %eq3A_1403, %eq3A_1428 : vector<16x4096xi1>
    %eq3A_1430 = arith.constant dense<true> : vector<16x4096xi1>
    %eq3A_1431 = arith.xori %eq3A_1429, %eq3A_1430 : vector<16x4096xi1>
    %eq3A_1432 = arith.xori %eq3A_1431, %or3A_1422 : vector<16x4096xi1>
    %eq3A_1433 = arith.constant dense<true> : vector<16x4096xi1>
    %eq3A_1434 = arith.xori %eq3A_1432, %eq3A_1433 : vector<16x4096xi1>
    %select_n3A_1435 = arith.select %eq3A_1434, %select_n3A_1396, %select_n3A_1410 : vector<16x4096xi1>, vector<16x4096xf32>
    %select_n3A_1436 = arith.select %eq3A_1434, %select_n3A_1397, %select_n3A_1417 : vector<16x4096xi1>, vector<16x4096xi32>
    %and3A_1437 = arith.constant 128 : i32
    %and3A_1438 = vector.broadcast %and3A_1437 : i32 to vector<16x4096xi32>
    %and3A_1439 = arith.andi %iota3A, %and3A_1438 : vector<16x4096xi32>
    %eq3A_1440 = arith.constant 0 : i32
    %eq3A_1441 = vector.broadcast %eq3A_1440 : i32 to vector<16x4096xi32>
    %eq3A_1442 = arith.cmpi eq, %and3A_1439, %eq3A_1441 : vector<16x4096xi32>
    %slice3A_1443 = vector.extract_strided_slice %select_n3A_1435 {offsets = [0, 128], sizes = [16, 3968], strides = [1, 1]} : vector<16x4096xf32> to vector<16x3968xf32>
    %slice3A_1444 = vector.extract_strided_slice %select_n3A_1435 {offsets = [0, 0], sizes = [16, 128], strides = [1, 1]} : vector<16x4096xf32> to vector<16x128xf32>
    %concatenate3A_1445 = tpu.concatenate %slice3A_1443, %slice3A_1444 in 1 : vector<16x3968xf32>, vector<16x128xf32> -> vector<16x4096xf32>
    %slice3A_1446 = vector.extract_strided_slice %select_n3A_1435 {offsets = [0, 3968], sizes = [16, 128], strides = [1, 1]} : vector<16x4096xf32> to vector<16x128xf32>
    %slice3A_1447 = vector.extract_strided_slice %select_n3A_1435 {offsets = [0, 0], sizes = [16, 3968], strides = [1, 1]} : vector<16x4096xf32> to vector<16x3968xf32>
    %concatenate3A_1448 = tpu.concatenate %slice3A_1446, %slice3A_1447 in 1 : vector<16x128xf32>, vector<16x3968xf32> -> vector<16x4096xf32>
    %select_n3A_1449 = arith.select %eq3A_1442, %concatenate3A_1445, %concatenate3A_1448 : vector<16x4096xi1>, vector<16x4096xf32>
    %slice3A_1450 = vector.extract_strided_slice %select_n3A_1436 {offsets = [0, 128], sizes = [16, 3968], strides = [1, 1]} : vector<16x4096xi32> to vector<16x3968xi32>
    %slice3A_1451 = vector.extract_strided_slice %select_n3A_1436 {offsets = [0, 0], sizes = [16, 128], strides = [1, 1]} : vector<16x4096xi32> to vector<16x128xi32>
    %concatenate3A_1452 = tpu.concatenate %slice3A_1450, %slice3A_1451 in 1 : vector<16x3968xi32>, vector<16x128xi32> -> vector<16x4096xi32>
    %slice3A_1453 = vector.extract_strided_slice %select_n3A_1436 {offsets = [0, 3968], sizes = [16, 128], strides = [1, 1]} : vector<16x4096xi32> to vector<16x128xi32>
    %slice3A_1454 = vector.extract_strided_slice %select_n3A_1436 {offsets = [0, 0], sizes = [16, 3968], strides = [1, 1]} : vector<16x4096xi32> to vector<16x3968xi32>
    %concatenate3A_1455 = tpu.concatenate %slice3A_1453, %slice3A_1454 in 1 : vector<16x128xi32>, vector<16x3968xi32> -> vector<16x4096xi32>
    %select_n3A_1456 = arith.select %eq3A_1442, %concatenate3A_1452, %concatenate3A_1455 : vector<16x4096xi1>, vector<16x4096xi32>
    %gt3A_1457 = arith.cmpf ogt, %select_n3A_1435, %select_n3A_1449 : vector<16x4096xf32>
    %eq3A_1458 = arith.cmpf oeq, %select_n3A_1435, %select_n3A_1449 : vector<16x4096xf32>
    %lt3A_1459 = arith.cmpi slt, %select_n3A_1436, %select_n3A_1456 : vector<16x4096xi32>
    %and3A_1460 = arith.andi %eq3A_1458, %lt3A_1459 : vector<16x4096xi1>
    %or3A_1461 = arith.ori %gt3A_1457, %and3A_1460 : vector<16x4096xi1>
    %and3A_1462 = arith.constant 512 : i32
    %and3A_1463 = vector.broadcast %and3A_1462 : i32 to vector<16x4096xi32>
    %and3A_1464 = arith.andi %iota3A, %and3A_1463 : vector<16x4096xi32>
    %eq3A_1465 = arith.constant 0 : i32
    %eq3A_1466 = vector.broadcast %eq3A_1465 : i32 to vector<16x4096xi32>
    %eq3A_1467 = arith.cmpi eq, %and3A_1464, %eq3A_1466 : vector<16x4096xi32>
    %eq3A_1468 = arith.xori %eq3A_1442, %eq3A_1467 : vector<16x4096xi1>
    %eq3A_1469 = arith.constant dense<true> : vector<16x4096xi1>
    %eq3A_1470 = arith.xori %eq3A_1468, %eq3A_1469 : vector<16x4096xi1>
    %eq3A_1471 = arith.xori %eq3A_1470, %or3A_1461 : vector<16x4096xi1>
    %eq3A_1472 = arith.constant dense<true> : vector<16x4096xi1>
    %eq3A_1473 = arith.xori %eq3A_1471, %eq3A_1472 : vector<16x4096xi1>
    %select_n3A_1474 = arith.select %eq3A_1473, %select_n3A_1435, %select_n3A_1449 : vector<16x4096xi1>, vector<16x4096xf32>
    %select_n3A_1475 = arith.select %eq3A_1473, %select_n3A_1436, %select_n3A_1456 : vector<16x4096xi1>, vector<16x4096xi32>
    %and3A_1476 = arith.constant 64 : i32
    %and3A_1477 = vector.broadcast %and3A_1476 : i32 to vector<16x4096xi32>
    %and3A_1478 = arith.andi %iota3A, %and3A_1477 : vector<16x4096xi32>
    %eq3A_1479 = arith.constant 0 : i32
    %eq3A_1480 = vector.broadcast %eq3A_1479 : i32 to vector<16x4096xi32>
    %eq3A_1481 = arith.cmpi eq, %and3A_1478, %eq3A_1480 : vector<16x4096xi32>
    %slice3A_1482 = vector.extract_strided_slice %select_n3A_1474 {offsets = [0, 64], sizes = [16, 4032], strides = [1, 1]} : vector<16x4096xf32> to vector<16x4032xf32>
    %slice3A_1483 = vector.extract_strided_slice %select_n3A_1474 {offsets = [0, 0], sizes = [16, 64], strides = [1, 1]} : vector<16x4096xf32> to vector<16x64xf32>
    %concatenate3A_1484 = tpu.concatenate %slice3A_1482, %slice3A_1483 in 1 : vector<16x4032xf32>, vector<16x64xf32> -> vector<16x4096xf32>
    %slice3A_1485 = vector.extract_strided_slice %select_n3A_1474 {offsets = [0, 4032], sizes = [16, 64], strides = [1, 1]} : vector<16x4096xf32> to vector<16x64xf32>
    %slice3A_1486 = vector.extract_strided_slice %select_n3A_1474 {offsets = [0, 0], sizes = [16, 4032], strides = [1, 1]} : vector<16x4096xf32> to vector<16x4032xf32>
    %concatenate3A_1487 = tpu.concatenate %slice3A_1485, %slice3A_1486 in 1 : vector<16x64xf32>, vector<16x4032xf32> -> vector<16x4096xf32>
    %select_n3A_1488 = arith.select %eq3A_1481, %concatenate3A_1484, %concatenate3A_1487 : vector<16x4096xi1>, vector<16x4096xf32>
    %slice3A_1489 = vector.extract_strided_slice %select_n3A_1475 {offsets = [0, 64], sizes = [16, 4032], strides = [1, 1]} : vector<16x4096xi32> to vector<16x4032xi32>
    %slice3A_1490 = vector.extract_strided_slice %select_n3A_1475 {offsets = [0, 0], sizes = [16, 64], strides = [1, 1]} : vector<16x4096xi32> to vector<16x64xi32>
    %concatenate3A_1491 = tpu.concatenate %slice3A_1489, %slice3A_1490 in 1 : vector<16x4032xi32>, vector<16x64xi32> -> vector<16x4096xi32>
    %slice3A_1492 = vector.extract_strided_slice %select_n3A_1475 {offsets = [0, 4032], sizes = [16, 64], strides = [1, 1]} : vector<16x4096xi32> to vector<16x64xi32>
    %slice3A_1493 = vector.extract_strided_slice %select_n3A_1475 {offsets = [0, 0], sizes = [16, 4032], strides = [1, 1]} : vector<16x4096xi32> to vector<16x4032xi32>
    %concatenate3A_1494 = tpu.concatenate %slice3A_1492, %slice3A_1493 in 1 : vector<16x64xi32>, vector<16x4032xi32> -> vector<16x4096xi32>
    %select_n3A_1495 = arith.select %eq3A_1481, %concatenate3A_1491, %concatenate3A_1494 : vector<16x4096xi1>, vector<16x4096xi32>
    %gt3A_1496 = arith.cmpf ogt, %select_n3A_1474, %select_n3A_1488 : vector<16x4096xf32>
    %eq3A_1497 = arith.cmpf oeq, %select_n3A_1474, %select_n3A_1488 : vector<16x4096xf32>
    %lt3A_1498 = arith.cmpi slt, %select_n3A_1475, %select_n3A_1495 : vector<16x4096xi32>
    %and3A_1499 = arith.andi %eq3A_1497, %lt3A_1498 : vector<16x4096xi1>
    %or3A_1500 = arith.ori %gt3A_1496, %and3A_1499 : vector<16x4096xi1>
    %and3A_1501 = arith.constant 512 : i32
    %and3A_1502 = vector.broadcast %and3A_1501 : i32 to vector<16x4096xi32>
    %and3A_1503 = arith.andi %iota3A, %and3A_1502 : vector<16x4096xi32>
    %eq3A_1504 = arith.constant 0 : i32
    %eq3A_1505 = vector.broadcast %eq3A_1504 : i32 to vector<16x4096xi32>
    %eq3A_1506 = arith.cmpi eq, %and3A_1503, %eq3A_1505 : vector<16x4096xi32>
    %eq3A_1507 = arith.xori %eq3A_1481, %eq3A_1506 : vector<16x4096xi1>
    %eq3A_1508 = arith.constant dense<true> : vector<16x4096xi1>
    %eq3A_1509 = arith.xori %eq3A_1507, %eq3A_1508 : vector<16x4096xi1>
    %eq3A_1510 = arith.xori %eq3A_1509, %or3A_1500 : vector<16x4096xi1>
    %eq3A_1511 = arith.constant dense<true> : vector<16x4096xi1>
    %eq3A_1512 = arith.xori %eq3A_1510, %eq3A_1511 : vector<16x4096xi1>
    %select_n3A_1513 = arith.select %eq3A_1512, %select_n3A_1474, %select_n3A_1488 : vector<16x4096xi1>, vector<16x4096xf32>
    %select_n3A_1514 = arith.select %eq3A_1512, %select_n3A_1475, %select_n3A_1495 : vector<16x4096xi1>, vector<16x4096xi32>
    %and3A_1515 = arith.constant 32 : i32
    %and3A_1516 = vector.broadcast %and3A_1515 : i32 to vector<16x4096xi32>
    %and3A_1517 = arith.andi %iota3A, %and3A_1516 : vector<16x4096xi32>
    %eq3A_1518 = arith.constant 0 : i32
    %eq3A_1519 = vector.broadcast %eq3A_1518 : i32 to vector<16x4096xi32>
    %eq3A_1520 = arith.cmpi eq, %and3A_1517, %eq3A_1519 : vector<16x4096xi32>
    %slice3A_1521 = vector.extract_strided_slice %select_n3A_1513 {offsets = [0, 32], sizes = [16, 4064], strides = [1, 1]} : vector<16x4096xf32> to vector<16x4064xf32>
    %slice3A_1522 = vector.extract_strided_slice %select_n3A_1513 {offsets = [0, 0], sizes = [16, 32], strides = [1, 1]} : vector<16x4096xf32> to vector<16x32xf32>
    %concatenate3A_1523 = tpu.concatenate %slice3A_1521, %slice3A_1522 in 1 : vector<16x4064xf32>, vector<16x32xf32> -> vector<16x4096xf32>
    %slice3A_1524 = vector.extract_strided_slice %select_n3A_1513 {offsets = [0, 4064], sizes = [16, 32], strides = [1, 1]} : vector<16x4096xf32> to vector<16x32xf32>
    %slice3A_1525 = vector.extract_strided_slice %select_n3A_1513 {offsets = [0, 0], sizes = [16, 4064], strides = [1, 1]} : vector<16x4096xf32> to vector<16x4064xf32>
    %concatenate3A_1526 = tpu.concatenate %slice3A_1524, %slice3A_1525 in 1 : vector<16x32xf32>, vector<16x4064xf32> -> vector<16x4096xf32>
    %select_n3A_1527 = arith.select %eq3A_1520, %concatenate3A_1523, %concatenate3A_1526 : vector<16x4096xi1>, vector<16x4096xf32>
    %slice3A_1528 = vector.extract_strided_slice %select_n3A_1514 {offsets = [0, 32], sizes = [16, 4064], strides = [1, 1]} : vector<16x4096xi32> to vector<16x4064xi32>
    %slice3A_1529 = vector.extract_strided_slice %select_n3A_1514 {offsets = [0, 0], sizes = [16, 32], strides = [1, 1]} : vector<16x4096xi32> to vector<16x32xi32>
    %concatenate3A_1530 = tpu.concatenate %slice3A_1528, %slice3A_1529 in 1 : vector<16x4064xi32>, vector<16x32xi32> -> vector<16x4096xi32>
    %slice3A_1531 = vector.extract_strided_slice %select_n3A_1514 {offsets = [0, 4064], sizes = [16, 32], strides = [1, 1]} : vector<16x4096xi32> to vector<16x32xi32>
    %slice3A_1532 = vector.extract_strided_slice %select_n3A_1514 {offsets = [0, 0], sizes = [16, 4064], strides = [1, 1]} : vector<16x4096xi32> to vector<16x4064xi32>
    %concatenate3A_1533 = tpu.concatenate %slice3A_1531, %slice3A_1532 in 1 : vector<16x32xi32>, vector<16x4064xi32> -> vector<16x4096xi32>
    %select_n3A_1534 = arith.select %eq3A_1520, %concatenate3A_1530, %concatenate3A_1533 : vector<16x4096xi1>, vector<16x4096xi32>
    %gt3A_1535 = arith.cmpf ogt, %select_n3A_1513, %select_n3A_1527 : vector<16x4096xf32>
    %eq3A_1536 = arith.cmpf oeq, %select_n3A_1513, %select_n3A_1527 : vector<16x4096xf32>
    %lt3A_1537 = arith.cmpi slt, %select_n3A_1514, %select_n3A_1534 : vector<16x4096xi32>
    %and3A_1538 = arith.andi %eq3A_1536, %lt3A_1537 : vector<16x4096xi1>
    %or3A_1539 = arith.ori %gt3A_1535, %and3A_1538 : vector<16x4096xi1>
    %and3A_1540 = arith.constant 512 : i32
    %and3A_1541 = vector.broadcast %and3A_1540 : i32 to vector<16x4096xi32>
    %and3A_1542 = arith.andi %iota3A, %and3A_1541 : vector<16x4096xi32>
    %eq3A_1543 = arith.constant 0 : i32
    %eq3A_1544 = vector.broadcast %eq3A_1543 : i32 to vector<16x4096xi32>
    %eq3A_1545 = arith.cmpi eq, %and3A_1542, %eq3A_1544 : vector<16x4096xi32>
    %eq3A_1546 = arith.xori %eq3A_1520, %eq3A_1545 : vector<16x4096xi1>
    %eq3A_1547 = arith.constant dense<true> : vector<16x4096xi1>
    %eq3A_1548 = arith.xori %eq3A_1546, %eq3A_1547 : vector<16x4096xi1>
    %eq3A_1549 = arith.xori %eq3A_1548, %or3A_1539 : vector<16x4096xi1>
    %eq3A_1550 = arith.constant dense<true> : vector<16x4096xi1>
    %eq3A_1551 = arith.xori %eq3A_1549, %eq3A_1550 : vector<16x4096xi1>
    %select_n3A_1552 = arith.select %eq3A_1551, %select_n3A_1513, %select_n3A_1527 : vector<16x4096xi1>, vector<16x4096xf32>
    %select_n3A_1553 = arith.select %eq3A_1551, %select_n3A_1514, %select_n3A_1534 : vector<16x4096xi1>, vector<16x4096xi32>
    %and3A_1554 = arith.constant 16 : i32
    %and3A_1555 = vector.broadcast %and3A_1554 : i32 to vector<16x4096xi32>
    %and3A_1556 = arith.andi %iota3A, %and3A_1555 : vector<16x4096xi32>
    %eq3A_1557 = arith.constant 0 : i32
    %eq3A_1558 = vector.broadcast %eq3A_1557 : i32 to vector<16x4096xi32>
    %eq3A_1559 = arith.cmpi eq, %and3A_1556, %eq3A_1558 : vector<16x4096xi32>
    %slice3A_1560 = vector.extract_strided_slice %select_n3A_1552 {offsets = [0, 16], sizes = [16, 4080], strides = [1, 1]} : vector<16x4096xf32> to vector<16x4080xf32>
    %slice3A_1561 = vector.extract_strided_slice %select_n3A_1552 {offsets = [0, 0], sizes = [16, 16], strides = [1, 1]} : vector<16x4096xf32> to vector<16x16xf32>
    %concatenate3A_1562 = tpu.concatenate %slice3A_1560, %slice3A_1561 in 1 : vector<16x4080xf32>, vector<16x16xf32> -> vector<16x4096xf32>
    %slice3A_1563 = vector.extract_strided_slice %select_n3A_1552 {offsets = [0, 4080], sizes = [16, 16], strides = [1, 1]} : vector<16x4096xf32> to vector<16x16xf32>
    %slice3A_1564 = vector.extract_strided_slice %select_n3A_1552 {offsets = [0, 0], sizes = [16, 4080], strides = [1, 1]} : vector<16x4096xf32> to vector<16x4080xf32>
    %concatenate3A_1565 = tpu.concatenate %slice3A_1563, %slice3A_1564 in 1 : vector<16x16xf32>, vector<16x4080xf32> -> vector<16x4096xf32>
    %select_n3A_1566 = arith.select %eq3A_1559, %concatenate3A_1562, %concatenate3A_1565 : vector<16x4096xi1>, vector<16x4096xf32>
    %slice3A_1567 = vector.extract_strided_slice %select_n3A_1553 {offsets = [0, 16], sizes = [16, 4080], strides = [1, 1]} : vector<16x4096xi32> to vector<16x4080xi32>
    %slice3A_1568 = vector.extract_strided_slice %select_n3A_1553 {offsets = [0, 0], sizes = [16, 16], strides = [1, 1]} : vector<16x4096xi32> to vector<16x16xi32>
    %concatenate3A_1569 = tpu.concatenate %slice3A_1567, %slice3A_1568 in 1 : vector<16x4080xi32>, vector<16x16xi32> -> vector<16x4096xi32>
    %slice3A_1570 = vector.extract_strided_slice %select_n3A_1553 {offsets = [0, 4080], sizes = [16, 16], strides = [1, 1]} : vector<16x4096xi32> to vector<16x16xi32>
    %slice3A_1571 = vector.extract_strided_slice %select_n3A_1553 {offsets = [0, 0], sizes = [16, 4080], strides = [1, 1]} : vector<16x4096xi32> to vector<16x4080xi32>
    %concatenate3A_1572 = tpu.concatenate %slice3A_1570, %slice3A_1571 in 1 : vector<16x16xi32>, vector<16x4080xi32> -> vector<16x4096xi32>
    %select_n3A_1573 = arith.select %eq3A_1559, %concatenate3A_1569, %concatenate3A_1572 : vector<16x4096xi1>, vector<16x4096xi32>
    %gt3A_1574 = arith.cmpf ogt, %select_n3A_1552, %select_n3A_1566 : vector<16x4096xf32>
    %eq3A_1575 = arith.cmpf oeq, %select_n3A_1552, %select_n3A_1566 : vector<16x4096xf32>
    %lt3A_1576 = arith.cmpi slt, %select_n3A_1553, %select_n3A_1573 : vector<16x4096xi32>
    %and3A_1577 = arith.andi %eq3A_1575, %lt3A_1576 : vector<16x4096xi1>
    %or3A_1578 = arith.ori %gt3A_1574, %and3A_1577 : vector<16x4096xi1>
    %and3A_1579 = arith.constant 512 : i32
    %and3A_1580 = vector.broadcast %and3A_1579 : i32 to vector<16x4096xi32>
    %and3A_1581 = arith.andi %iota3A, %and3A_1580 : vector<16x4096xi32>
    %eq3A_1582 = arith.constant 0 : i32
    %eq3A_1583 = vector.broadcast %eq3A_1582 : i32 to vector<16x4096xi32>
    %eq3A_1584 = arith.cmpi eq, %and3A_1581, %eq3A_1583 : vector<16x4096xi32>
    %eq3A_1585 = arith.xori %eq3A_1559, %eq3A_1584 : vector<16x4096xi1>
    %eq3A_1586 = arith.constant dense<true> : vector<16x4096xi1>
    %eq3A_1587 = arith.xori %eq3A_1585, %eq3A_1586 : vector<16x4096xi1>
    %eq3A_1588 = arith.xori %eq3A_1587, %or3A_1578 : vector<16x4096xi1>
    %eq3A_1589 = arith.constant dense<true> : vector<16x4096xi1>
    %eq3A_1590 = arith.xori %eq3A_1588, %eq3A_1589 : vector<16x4096xi1>
    %select_n3A_1591 = arith.select %eq3A_1590, %select_n3A_1552, %select_n3A_1566 : vector<16x4096xi1>, vector<16x4096xf32>
    %select_n3A_1592 = arith.select %eq3A_1590, %select_n3A_1553, %select_n3A_1573 : vector<16x4096xi1>, vector<16x4096xi32>
    %and3A_1593 = arith.constant 8 : i32
    %and3A_1594 = vector.broadcast %and3A_1593 : i32 to vector<16x4096xi32>
    %and3A_1595 = arith.andi %iota3A, %and3A_1594 : vector<16x4096xi32>
    %eq3A_1596 = arith.constant 0 : i32
    %eq3A_1597 = vector.broadcast %eq3A_1596 : i32 to vector<16x4096xi32>
    %eq3A_1598 = arith.cmpi eq, %and3A_1595, %eq3A_1597 : vector<16x4096xi32>
    %slice3A_1599 = vector.extract_strided_slice %select_n3A_1591 {offsets = [0, 8], sizes = [16, 4088], strides = [1, 1]} : vector<16x4096xf32> to vector<16x4088xf32>
    %slice3A_1600 = vector.extract_strided_slice %select_n3A_1591 {offsets = [0, 0], sizes = [16, 8], strides = [1, 1]} : vector<16x4096xf32> to vector<16x8xf32>
    %concatenate3A_1601 = tpu.concatenate %slice3A_1599, %slice3A_1600 in 1 : vector<16x4088xf32>, vector<16x8xf32> -> vector<16x4096xf32>
    %slice3A_1602 = vector.extract_strided_slice %select_n3A_1591 {offsets = [0, 4088], sizes = [16, 8], strides = [1, 1]} : vector<16x4096xf32> to vector<16x8xf32>
    %slice3A_1603 = vector.extract_strided_slice %select_n3A_1591 {offsets = [0, 0], sizes = [16, 4088], strides = [1, 1]} : vector<16x4096xf32> to vector<16x4088xf32>
    %concatenate3A_1604 = tpu.concatenate %slice3A_1602, %slice3A_1603 in 1 : vector<16x8xf32>, vector<16x4088xf32> -> vector<16x4096xf32>
    %select_n3A_1605 = arith.select %eq3A_1598, %concatenate3A_1601, %concatenate3A_1604 : vector<16x4096xi1>, vector<16x4096xf32>
    %slice3A_1606 = vector.extract_strided_slice %select_n3A_1592 {offsets = [0, 8], sizes = [16, 4088], strides = [1, 1]} : vector<16x4096xi32> to vector<16x4088xi32>
    %slice3A_1607 = vector.extract_strided_slice %select_n3A_1592 {offsets = [0, 0], sizes = [16, 8], strides = [1, 1]} : vector<16x4096xi32> to vector<16x8xi32>
    %concatenate3A_1608 = tpu.concatenate %slice3A_1606, %slice3A_1607 in 1 : vector<16x4088xi32>, vector<16x8xi32> -> vector<16x4096xi32>
    %slice3A_1609 = vector.extract_strided_slice %select_n3A_1592 {offsets = [0, 4088], sizes = [16, 8], strides = [1, 1]} : vector<16x4096xi32> to vector<16x8xi32>
    %slice3A_1610 = vector.extract_strided_slice %select_n3A_1592 {offsets = [0, 0], sizes = [16, 4088], strides = [1, 1]} : vector<16x4096xi32> to vector<16x4088xi32>
    %concatenate3A_1611 = tpu.concatenate %slice3A_1609, %slice3A_1610 in 1 : vector<16x8xi32>, vector<16x4088xi32> -> vector<16x4096xi32>
    %select_n3A_1612 = arith.select %eq3A_1598, %concatenate3A_1608, %concatenate3A_1611 : vector<16x4096xi1>, vector<16x4096xi32>
    %gt3A_1613 = arith.cmpf ogt, %select_n3A_1591, %select_n3A_1605 : vector<16x4096xf32>
    %eq3A_1614 = arith.cmpf oeq, %select_n3A_1591, %select_n3A_1605 : vector<16x4096xf32>
    %lt3A_1615 = arith.cmpi slt, %select_n3A_1592, %select_n3A_1612 : vector<16x4096xi32>
    %and3A_1616 = arith.andi %eq3A_1614, %lt3A_1615 : vector<16x4096xi1>
    %or3A_1617 = arith.ori %gt3A_1613, %and3A_1616 : vector<16x4096xi1>
    %and3A_1618 = arith.constant 512 : i32
    %and3A_1619 = vector.broadcast %and3A_1618 : i32 to vector<16x4096xi32>
    %and3A_1620 = arith.andi %iota3A, %and3A_1619 : vector<16x4096xi32>
    %eq3A_1621 = arith.constant 0 : i32
    %eq3A_1622 = vector.broadcast %eq3A_1621 : i32 to vector<16x4096xi32>
    %eq3A_1623 = arith.cmpi eq, %and3A_1620, %eq3A_1622 : vector<16x4096xi32>
    %eq3A_1624 = arith.xori %eq3A_1598, %eq3A_1623 : vector<16x4096xi1>
    %eq3A_1625 = arith.constant dense<true> : vector<16x4096xi1>
    %eq3A_1626 = arith.xori %eq3A_1624, %eq3A_1625 : vector<16x4096xi1>
    %eq3A_1627 = arith.xori %eq3A_1626, %or3A_1617 : vector<16x4096xi1>
    %eq3A_1628 = arith.constant dense<true> : vector<16x4096xi1>
    %eq3A_1629 = arith.xori %eq3A_1627, %eq3A_1628 : vector<16x4096xi1>
    %select_n3A_1630 = arith.select %eq3A_1629, %select_n3A_1591, %select_n3A_1605 : vector<16x4096xi1>, vector<16x4096xf32>
    %select_n3A_1631 = arith.select %eq3A_1629, %select_n3A_1592, %select_n3A_1612 : vector<16x4096xi1>, vector<16x4096xi32>
    %and3A_1632 = arith.constant 4 : i32
    %and3A_1633 = vector.broadcast %and3A_1632 : i32 to vector<16x4096xi32>
    %and3A_1634 = arith.andi %iota3A, %and3A_1633 : vector<16x4096xi32>
    %eq3A_1635 = arith.constant 0 : i32
    %eq3A_1636 = vector.broadcast %eq3A_1635 : i32 to vector<16x4096xi32>
    %eq3A_1637 = arith.cmpi eq, %and3A_1634, %eq3A_1636 : vector<16x4096xi32>
    %slice3A_1638 = vector.extract_strided_slice %select_n3A_1630 {offsets = [0, 4], sizes = [16, 4092], strides = [1, 1]} : vector<16x4096xf32> to vector<16x4092xf32>
    %slice3A_1639 = vector.extract_strided_slice %select_n3A_1630 {offsets = [0, 0], sizes = [16, 4], strides = [1, 1]} : vector<16x4096xf32> to vector<16x4xf32>
    %concatenate3A_1640 = tpu.concatenate %slice3A_1638, %slice3A_1639 in 1 : vector<16x4092xf32>, vector<16x4xf32> -> vector<16x4096xf32>
    %slice3A_1641 = vector.extract_strided_slice %select_n3A_1630 {offsets = [0, 4092], sizes = [16, 4], strides = [1, 1]} : vector<16x4096xf32> to vector<16x4xf32>
    %slice3A_1642 = vector.extract_strided_slice %select_n3A_1630 {offsets = [0, 0], sizes = [16, 4092], strides = [1, 1]} : vector<16x4096xf32> to vector<16x4092xf32>
    %concatenate3A_1643 = tpu.concatenate %slice3A_1641, %slice3A_1642 in 1 : vector<16x4xf32>, vector<16x4092xf32> -> vector<16x4096xf32>
    %select_n3A_1644 = arith.select %eq3A_1637, %concatenate3A_1640, %concatenate3A_1643 : vector<16x4096xi1>, vector<16x4096xf32>
    %slice3A_1645 = vector.extract_strided_slice %select_n3A_1631 {offsets = [0, 4], sizes = [16, 4092], strides = [1, 1]} : vector<16x4096xi32> to vector<16x4092xi32>
    %slice3A_1646 = vector.extract_strided_slice %select_n3A_1631 {offsets = [0, 0], sizes = [16, 4], strides = [1, 1]} : vector<16x4096xi32> to vector<16x4xi32>
    %concatenate3A_1647 = tpu.concatenate %slice3A_1645, %slice3A_1646 in 1 : vector<16x4092xi32>, vector<16x4xi32> -> vector<16x4096xi32>
    %slice3A_1648 = vector.extract_strided_slice %select_n3A_1631 {offsets = [0, 4092], sizes = [16, 4], strides = [1, 1]} : vector<16x4096xi32> to vector<16x4xi32>
    %slice3A_1649 = vector.extract_strided_slice %select_n3A_1631 {offsets = [0, 0], sizes = [16, 4092], strides = [1, 1]} : vector<16x4096xi32> to vector<16x4092xi32>
    %concatenate3A_1650 = tpu.concatenate %slice3A_1648, %slice3A_1649 in 1 : vector<16x4xi32>, vector<16x4092xi32> -> vector<16x4096xi32>
    %select_n3A_1651 = arith.select %eq3A_1637, %concatenate3A_1647, %concatenate3A_1650 : vector<16x4096xi1>, vector<16x4096xi32>
    %gt3A_1652 = arith.cmpf ogt, %select_n3A_1630, %select_n3A_1644 : vector<16x4096xf32>
    %eq3A_1653 = arith.cmpf oeq, %select_n3A_1630, %select_n3A_1644 : vector<16x4096xf32>
    %lt3A_1654 = arith.cmpi slt, %select_n3A_1631, %select_n3A_1651 : vector<16x4096xi32>
    %and3A_1655 = arith.andi %eq3A_1653, %lt3A_1654 : vector<16x4096xi1>
    %or3A_1656 = arith.ori %gt3A_1652, %and3A_1655 : vector<16x4096xi1>
    %and3A_1657 = arith.constant 512 : i32
    %and3A_1658 = vector.broadcast %and3A_1657 : i32 to vector<16x4096xi32>
    %and3A_1659 = arith.andi %iota3A, %and3A_1658 : vector<16x4096xi32>
    %eq3A_1660 = arith.constant 0 : i32
    %eq3A_1661 = vector.broadcast %eq3A_1660 : i32 to vector<16x4096xi32>
    %eq3A_1662 = arith.cmpi eq, %and3A_1659, %eq3A_1661 : vector<16x4096xi32>
    %eq3A_1663 = arith.xori %eq3A_1637, %eq3A_1662 : vector<16x4096xi1>
    %eq3A_1664 = arith.constant dense<true> : vector<16x4096xi1>
    %eq3A_1665 = arith.xori %eq3A_1663, %eq3A_1664 : vector<16x4096xi1>
    %eq3A_1666 = arith.xori %eq3A_1665, %or3A_1656 : vector<16x4096xi1>
    %eq3A_1667 = arith.constant dense<true> : vector<16x4096xi1>
    %eq3A_1668 = arith.xori %eq3A_1666, %eq3A_1667 : vector<16x4096xi1>
    %select_n3A_1669 = arith.select %eq3A_1668, %select_n3A_1630, %select_n3A_1644 : vector<16x4096xi1>, vector<16x4096xf32>
    %select_n3A_1670 = arith.select %eq3A_1668, %select_n3A_1631, %select_n3A_1651 : vector<16x4096xi1>, vector<16x4096xi32>
    %and3A_1671 = arith.constant 2 : i32
    %and3A_1672 = vector.broadcast %and3A_1671 : i32 to vector<16x4096xi32>
    %and3A_1673 = arith.andi %iota3A, %and3A_1672 : vector<16x4096xi32>
    %eq3A_1674 = arith.constant 0 : i32
    %eq3A_1675 = vector.broadcast %eq3A_1674 : i32 to vector<16x4096xi32>
    %eq3A_1676 = arith.cmpi eq, %and3A_1673, %eq3A_1675 : vector<16x4096xi32>
    %slice3A_1677 = vector.extract_strided_slice %select_n3A_1669 {offsets = [0, 2], sizes = [16, 4094], strides = [1, 1]} : vector<16x4096xf32> to vector<16x4094xf32>
    %slice3A_1678 = vector.extract_strided_slice %select_n3A_1669 {offsets = [0, 0], sizes = [16, 2], strides = [1, 1]} : vector<16x4096xf32> to vector<16x2xf32>
    %concatenate3A_1679 = tpu.concatenate %slice3A_1677, %slice3A_1678 in 1 : vector<16x4094xf32>, vector<16x2xf32> -> vector<16x4096xf32>
    %slice3A_1680 = vector.extract_strided_slice %select_n3A_1669 {offsets = [0, 4094], sizes = [16, 2], strides = [1, 1]} : vector<16x4096xf32> to vector<16x2xf32>
    %slice3A_1681 = vector.extract_strided_slice %select_n3A_1669 {offsets = [0, 0], sizes = [16, 4094], strides = [1, 1]} : vector<16x4096xf32> to vector<16x4094xf32>
    %concatenate3A_1682 = tpu.concatenate %slice3A_1680, %slice3A_1681 in 1 : vector<16x2xf32>, vector<16x4094xf32> -> vector<16x4096xf32>
    %select_n3A_1683 = arith.select %eq3A_1676, %concatenate3A_1679, %concatenate3A_1682 : vector<16x4096xi1>, vector<16x4096xf32>
    %slice3A_1684 = vector.extract_strided_slice %select_n3A_1670 {offsets = [0, 2], sizes = [16, 4094], strides = [1, 1]} : vector<16x4096xi32> to vector<16x4094xi32>
    %slice3A_1685 = vector.extract_strided_slice %select_n3A_1670 {offsets = [0, 0], sizes = [16, 2], strides = [1, 1]} : vector<16x4096xi32> to vector<16x2xi32>
    %concatenate3A_1686 = tpu.concatenate %slice3A_1684, %slice3A_1685 in 1 : vector<16x4094xi32>, vector<16x2xi32> -> vector<16x4096xi32>
    %slice3A_1687 = vector.extract_strided_slice %select_n3A_1670 {offsets = [0, 4094], sizes = [16, 2], strides = [1, 1]} : vector<16x4096xi32> to vector<16x2xi32>
    %slice3A_1688 = vector.extract_strided_slice %select_n3A_1670 {offsets = [0, 0], sizes = [16, 4094], strides = [1, 1]} : vector<16x4096xi32> to vector<16x4094xi32>
    %concatenate3A_1689 = tpu.concatenate %slice3A_1687, %slice3A_1688 in 1 : vector<16x2xi32>, vector<16x4094xi32> -> vector<16x4096xi32>
    %select_n3A_1690 = arith.select %eq3A_1676, %concatenate3A_1686, %concatenate3A_1689 : vector<16x4096xi1>, vector<16x4096xi32>
    %gt3A_1691 = arith.cmpf ogt, %select_n3A_1669, %select_n3A_1683 : vector<16x4096xf32>
    %eq3A_1692 = arith.cmpf oeq, %select_n3A_1669, %select_n3A_1683 : vector<16x4096xf32>
    %lt3A_1693 = arith.cmpi slt, %select_n3A_1670, %select_n3A_1690 : vector<16x4096xi32>
    %and3A_1694 = arith.andi %eq3A_1692, %lt3A_1693 : vector<16x4096xi1>
    %or3A_1695 = arith.ori %gt3A_1691, %and3A_1694 : vector<16x4096xi1>
    %and3A_1696 = arith.constant 512 : i32
    %and3A_1697 = vector.broadcast %and3A_1696 : i32 to vector<16x4096xi32>
    %and3A_1698 = arith.andi %iota3A, %and3A_1697 : vector<16x4096xi32>
    %eq3A_1699 = arith.constant 0 : i32
    %eq3A_1700 = vector.broadcast %eq3A_1699 : i32 to vector<16x4096xi32>
    %eq3A_1701 = arith.cmpi eq, %and3A_1698, %eq3A_1700 : vector<16x4096xi32>
    %eq3A_1702 = arith.xori %eq3A_1676, %eq3A_1701 : vector<16x4096xi1>
    %eq3A_1703 = arith.constant dense<true> : vector<16x4096xi1>
    %eq3A_1704 = arith.xori %eq3A_1702, %eq3A_1703 : vector<16x4096xi1>
    %eq3A_1705 = arith.xori %eq3A_1704, %or3A_1695 : vector<16x4096xi1>
    %eq3A_1706 = arith.constant dense<true> : vector<16x4096xi1>
    %eq3A_1707 = arith.xori %eq3A_1705, %eq3A_1706 : vector<16x4096xi1>
    %select_n3A_1708 = arith.select %eq3A_1707, %select_n3A_1669, %select_n3A_1683 : vector<16x4096xi1>, vector<16x4096xf32>
    %select_n3A_1709 = arith.select %eq3A_1707, %select_n3A_1670, %select_n3A_1690 : vector<16x4096xi1>, vector<16x4096xi32>
    %and3A_1710 = arith.constant 1 : i32
    %and3A_1711 = vector.broadcast %and3A_1710 : i32 to vector<16x4096xi32>
    %and3A_1712 = arith.andi %iota3A, %and3A_1711 : vector<16x4096xi32>
    %eq3A_1713 = arith.constant 0 : i32
    %eq3A_1714 = vector.broadcast %eq3A_1713 : i32 to vector<16x4096xi32>
    %eq3A_1715 = arith.cmpi eq, %and3A_1712, %eq3A_1714 : vector<16x4096xi32>
    %slice3A_1716 = vector.extract_strided_slice %select_n3A_1708 {offsets = [0, 1], sizes = [16, 4095], strides = [1, 1]} : vector<16x4096xf32> to vector<16x4095xf32>
    %slice3A_1717 = vector.extract_strided_slice %select_n3A_1708 {offsets = [0, 0], sizes = [16, 1], strides = [1, 1]} : vector<16x4096xf32> to vector<16x1xf32>
    %concatenate3A_1718 = tpu.concatenate %slice3A_1716, %slice3A_1717 in 1 : vector<16x4095xf32>, vector<16x1xf32> -> vector<16x4096xf32>
    %slice3A_1719 = vector.extract_strided_slice %select_n3A_1708 {offsets = [0, 4095], sizes = [16, 1], strides = [1, 1]} : vector<16x4096xf32> to vector<16x1xf32>
    %slice3A_1720 = vector.extract_strided_slice %select_n3A_1708 {offsets = [0, 0], sizes = [16, 4095], strides = [1, 1]} : vector<16x4096xf32> to vector<16x4095xf32>
    %concatenate3A_1721 = tpu.concatenate %slice3A_1719, %slice3A_1720 in 1 : vector<16x1xf32>, vector<16x4095xf32> -> vector<16x4096xf32>
    %select_n3A_1722 = arith.select %eq3A_1715, %concatenate3A_1718, %concatenate3A_1721 : vector<16x4096xi1>, vector<16x4096xf32>
    %slice3A_1723 = vector.extract_strided_slice %select_n3A_1709 {offsets = [0, 1], sizes = [16, 4095], strides = [1, 1]} : vector<16x4096xi32> to vector<16x4095xi32>
    %slice3A_1724 = vector.extract_strided_slice %select_n3A_1709 {offsets = [0, 0], sizes = [16, 1], strides = [1, 1]} : vector<16x4096xi32> to vector<16x1xi32>
    %concatenate3A_1725 = tpu.concatenate %slice3A_1723, %slice3A_1724 in 1 : vector<16x4095xi32>, vector<16x1xi32> -> vector<16x4096xi32>
    %slice3A_1726 = vector.extract_strided_slice %select_n3A_1709 {offsets = [0, 4095], sizes = [16, 1], strides = [1, 1]} : vector<16x4096xi32> to vector<16x1xi32>
    %slice3A_1727 = vector.extract_strided_slice %select_n3A_1709 {offsets = [0, 0], sizes = [16, 4095], strides = [1, 1]} : vector<16x4096xi32> to vector<16x4095xi32>
    %concatenate3A_1728 = tpu.concatenate %slice3A_1726, %slice3A_1727 in 1 : vector<16x1xi32>, vector<16x4095xi32> -> vector<16x4096xi32>
    %select_n3A_1729 = arith.select %eq3A_1715, %concatenate3A_1725, %concatenate3A_1728 : vector<16x4096xi1>, vector<16x4096xi32>
    %gt3A_1730 = arith.cmpf ogt, %select_n3A_1708, %select_n3A_1722 : vector<16x4096xf32>
    %eq3A_1731 = arith.cmpf oeq, %select_n3A_1708, %select_n3A_1722 : vector<16x4096xf32>
    %lt3A_1732 = arith.cmpi slt, %select_n3A_1709, %select_n3A_1729 : vector<16x4096xi32>
    %and3A_1733 = arith.andi %eq3A_1731, %lt3A_1732 : vector<16x4096xi1>
    %or3A_1734 = arith.ori %gt3A_1730, %and3A_1733 : vector<16x4096xi1>
    %and3A_1735 = arith.constant 512 : i32
    %and3A_1736 = vector.broadcast %and3A_1735 : i32 to vector<16x4096xi32>
    %and3A_1737 = arith.andi %iota3A, %and3A_1736 : vector<16x4096xi32>
    %eq3A_1738 = arith.constant 0 : i32
    %eq3A_1739 = vector.broadcast %eq3A_1738 : i32 to vector<16x4096xi32>
    %eq3A_1740 = arith.cmpi eq, %and3A_1737, %eq3A_1739 : vector<16x4096xi32>
    %eq3A_1741 = arith.xori %eq3A_1715, %eq3A_1740 : vector<16x4096xi1>
    %eq3A_1742 = arith.constant dense<true> : vector<16x4096xi1>
    %eq3A_1743 = arith.xori %eq3A_1741, %eq3A_1742 : vector<16x4096xi1>
    %eq3A_1744 = arith.xori %eq3A_1743, %or3A_1734 : vector<16x4096xi1>
    %eq3A_1745 = arith.constant dense<true> : vector<16x4096xi1>
    %eq3A_1746 = arith.xori %eq3A_1744, %eq3A_1745 : vector<16x4096xi1>
    %select_n3A_1747 = arith.select %eq3A_1746, %select_n3A_1708, %select_n3A_1722 : vector<16x4096xi1>, vector<16x4096xf32>
    %select_n3A_1748 = arith.select %eq3A_1746, %select_n3A_1709, %select_n3A_1729 : vector<16x4096xi1>, vector<16x4096xi32>
    %and3A_1749 = arith.constant 512 : i32
    %and3A_1750 = vector.broadcast %and3A_1749 : i32 to vector<16x4096xi32>
    %and3A_1751 = arith.andi %iota3A, %and3A_1750 : vector<16x4096xi32>
    %eq3A_1752 = arith.constant 0 : i32
    %eq3A_1753 = vector.broadcast %eq3A_1752 : i32 to vector<16x4096xi32>
    %eq3A_1754 = arith.cmpi eq, %and3A_1751, %eq3A_1753 : vector<16x4096xi32>
    %slice3A_1755 = vector.extract_strided_slice %select_n3A_1747 {offsets = [0, 512], sizes = [16, 3584], strides = [1, 1]} : vector<16x4096xf32> to vector<16x3584xf32>
    %slice3A_1756 = vector.extract_strided_slice %select_n3A_1747 {offsets = [0, 0], sizes = [16, 512], strides = [1, 1]} : vector<16x4096xf32> to vector<16x512xf32>
    %concatenate3A_1757 = tpu.concatenate %slice3A_1755, %slice3A_1756 in 1 : vector<16x3584xf32>, vector<16x512xf32> -> vector<16x4096xf32>
    %slice3A_1758 = vector.extract_strided_slice %select_n3A_1747 {offsets = [0, 3584], sizes = [16, 512], strides = [1, 1]} : vector<16x4096xf32> to vector<16x512xf32>
    %slice3A_1759 = vector.extract_strided_slice %select_n3A_1747 {offsets = [0, 0], sizes = [16, 3584], strides = [1, 1]} : vector<16x4096xf32> to vector<16x3584xf32>
    %concatenate3A_1760 = tpu.concatenate %slice3A_1758, %slice3A_1759 in 1 : vector<16x512xf32>, vector<16x3584xf32> -> vector<16x4096xf32>
    %select_n3A_1761 = arith.select %eq3A_1754, %concatenate3A_1757, %concatenate3A_1760 : vector<16x4096xi1>, vector<16x4096xf32>
    %slice3A_1762 = vector.extract_strided_slice %select_n3A_1748 {offsets = [0, 512], sizes = [16, 3584], strides = [1, 1]} : vector<16x4096xi32> to vector<16x3584xi32>
    %slice3A_1763 = vector.extract_strided_slice %select_n3A_1748 {offsets = [0, 0], sizes = [16, 512], strides = [1, 1]} : vector<16x4096xi32> to vector<16x512xi32>
    %concatenate3A_1764 = tpu.concatenate %slice3A_1762, %slice3A_1763 in 1 : vector<16x3584xi32>, vector<16x512xi32> -> vector<16x4096xi32>
    %slice3A_1765 = vector.extract_strided_slice %select_n3A_1748 {offsets = [0, 3584], sizes = [16, 512], strides = [1, 1]} : vector<16x4096xi32> to vector<16x512xi32>
    %slice3A_1766 = vector.extract_strided_slice %select_n3A_1748 {offsets = [0, 0], sizes = [16, 3584], strides = [1, 1]} : vector<16x4096xi32> to vector<16x3584xi32>
    %concatenate3A_1767 = tpu.concatenate %slice3A_1765, %slice3A_1766 in 1 : vector<16x512xi32>, vector<16x3584xi32> -> vector<16x4096xi32>
    %select_n3A_1768 = arith.select %eq3A_1754, %concatenate3A_1764, %concatenate3A_1767 : vector<16x4096xi1>, vector<16x4096xi32>
    %gt3A_1769 = arith.cmpf ogt, %select_n3A_1747, %select_n3A_1761 : vector<16x4096xf32>
    %eq3A_1770 = arith.cmpf oeq, %select_n3A_1747, %select_n3A_1761 : vector<16x4096xf32>
    %lt3A_1771 = arith.cmpi slt, %select_n3A_1748, %select_n3A_1768 : vector<16x4096xi32>
    %and3A_1772 = arith.andi %eq3A_1770, %lt3A_1771 : vector<16x4096xi1>
    %or3A_1773 = arith.ori %gt3A_1769, %and3A_1772 : vector<16x4096xi1>
    %and3A_1774 = arith.constant 1024 : i32
    %and3A_1775 = vector.broadcast %and3A_1774 : i32 to vector<16x4096xi32>
    %and3A_1776 = arith.andi %iota3A, %and3A_1775 : vector<16x4096xi32>
    %eq3A_1777 = arith.constant 0 : i32
    %eq3A_1778 = vector.broadcast %eq3A_1777 : i32 to vector<16x4096xi32>
    %eq3A_1779 = arith.cmpi eq, %and3A_1776, %eq3A_1778 : vector<16x4096xi32>
    %eq3A_1780 = arith.xori %eq3A_1754, %eq3A_1779 : vector<16x4096xi1>
    %eq3A_1781 = arith.constant dense<true> : vector<16x4096xi1>
    %eq3A_1782 = arith.xori %eq3A_1780, %eq3A_1781 : vector<16x4096xi1>
    %eq3A_1783 = arith.xori %eq3A_1782, %or3A_1773 : vector<16x4096xi1>
    %eq3A_1784 = arith.constant dense<true> : vector<16x4096xi1>
    %eq3A_1785 = arith.xori %eq3A_1783, %eq3A_1784 : vector<16x4096xi1>
    %select_n3A_1786 = arith.select %eq3A_1785, %select_n3A_1747, %select_n3A_1761 : vector<16x4096xi1>, vector<16x4096xf32>
    %select_n3A_1787 = arith.select %eq3A_1785, %select_n3A_1748, %select_n3A_1768 : vector<16x4096xi1>, vector<16x4096xi32>
    %and3A_1788 = arith.constant 256 : i32
    %and3A_1789 = vector.broadcast %and3A_1788 : i32 to vector<16x4096xi32>
    %and3A_1790 = arith.andi %iota3A, %and3A_1789 : vector<16x4096xi32>
    %eq3A_1791 = arith.constant 0 : i32
    %eq3A_1792 = vector.broadcast %eq3A_1791 : i32 to vector<16x4096xi32>
    %eq3A_1793 = arith.cmpi eq, %and3A_1790, %eq3A_1792 : vector<16x4096xi32>
    %slice3A_1794 = vector.extract_strided_slice %select_n3A_1786 {offsets = [0, 256], sizes = [16, 3840], strides = [1, 1]} : vector<16x4096xf32> to vector<16x3840xf32>
    %slice3A_1795 = vector.extract_strided_slice %select_n3A_1786 {offsets = [0, 0], sizes = [16, 256], strides = [1, 1]} : vector<16x4096xf32> to vector<16x256xf32>
    %concatenate3A_1796 = tpu.concatenate %slice3A_1794, %slice3A_1795 in 1 : vector<16x3840xf32>, vector<16x256xf32> -> vector<16x4096xf32>
    %slice3A_1797 = vector.extract_strided_slice %select_n3A_1786 {offsets = [0, 3840], sizes = [16, 256], strides = [1, 1]} : vector<16x4096xf32> to vector<16x256xf32>
    %slice3A_1798 = vector.extract_strided_slice %select_n3A_1786 {offsets = [0, 0], sizes = [16, 3840], strides = [1, 1]} : vector<16x4096xf32> to vector<16x3840xf32>
    %concatenate3A_1799 = tpu.concatenate %slice3A_1797, %slice3A_1798 in 1 : vector<16x256xf32>, vector<16x3840xf32> -> vector<16x4096xf32>
    %select_n3A_1800 = arith.select %eq3A_1793, %concatenate3A_1796, %concatenate3A_1799 : vector<16x4096xi1>, vector<16x4096xf32>
    %slice3A_1801 = vector.extract_strided_slice %select_n3A_1787 {offsets = [0, 256], sizes = [16, 3840], strides = [1, 1]} : vector<16x4096xi32> to vector<16x3840xi32>
    %slice3A_1802 = vector.extract_strided_slice %select_n3A_1787 {offsets = [0, 0], sizes = [16, 256], strides = [1, 1]} : vector<16x4096xi32> to vector<16x256xi32>
    %concatenate3A_1803 = tpu.concatenate %slice3A_1801, %slice3A_1802 in 1 : vector<16x3840xi32>, vector<16x256xi32> -> vector<16x4096xi32>
    %slice3A_1804 = vector.extract_strided_slice %select_n3A_1787 {offsets = [0, 3840], sizes = [16, 256], strides = [1, 1]} : vector<16x4096xi32> to vector<16x256xi32>
    %slice3A_1805 = vector.extract_strided_slice %select_n3A_1787 {offsets = [0, 0], sizes = [16, 3840], strides = [1, 1]} : vector<16x4096xi32> to vector<16x3840xi32>
    %concatenate3A_1806 = tpu.concatenate %slice3A_1804, %slice3A_1805 in 1 : vector<16x256xi32>, vector<16x3840xi32> -> vector<16x4096xi32>
    %select_n3A_1807 = arith.select %eq3A_1793, %concatenate3A_1803, %concatenate3A_1806 : vector<16x4096xi1>, vector<16x4096xi32>
    %gt3A_1808 = arith.cmpf ogt, %select_n3A_1786, %select_n3A_1800 : vector<16x4096xf32>
    %eq3A_1809 = arith.cmpf oeq, %select_n3A_1786, %select_n3A_1800 : vector<16x4096xf32>
    %lt3A_1810 = arith.cmpi slt, %select_n3A_1787, %select_n3A_1807 : vector<16x4096xi32>
    %and3A_1811 = arith.andi %eq3A_1809, %lt3A_1810 : vector<16x4096xi1>
    %or3A_1812 = arith.ori %gt3A_1808, %and3A_1811 : vector<16x4096xi1>
    %and3A_1813 = arith.constant 1024 : i32
    %and3A_1814 = vector.broadcast %and3A_1813 : i32 to vector<16x4096xi32>
    %and3A_1815 = arith.andi %iota3A, %and3A_1814 : vector<16x4096xi32>
    %eq3A_1816 = arith.constant 0 : i32
    %eq3A_1817 = vector.broadcast %eq3A_1816 : i32 to vector<16x4096xi32>
    %eq3A_1818 = arith.cmpi eq, %and3A_1815, %eq3A_1817 : vector<16x4096xi32>
    %eq3A_1819 = arith.xori %eq3A_1793, %eq3A_1818 : vector<16x4096xi1>
    %eq3A_1820 = arith.constant dense<true> : vector<16x4096xi1>
    %eq3A_1821 = arith.xori %eq3A_1819, %eq3A_1820 : vector<16x4096xi1>
    %eq3A_1822 = arith.xori %eq3A_1821, %or3A_1812 : vector<16x4096xi1>
    %eq3A_1823 = arith.constant dense<true> : vector<16x4096xi1>
    %eq3A_1824 = arith.xori %eq3A_1822, %eq3A_1823 : vector<16x4096xi1>
    %select_n3A_1825 = arith.select %eq3A_1824, %select_n3A_1786, %select_n3A_1800 : vector<16x4096xi1>, vector<16x4096xf32>
    %select_n3A_1826 = arith.select %eq3A_1824, %select_n3A_1787, %select_n3A_1807 : vector<16x4096xi1>, vector<16x4096xi32>
    %and3A_1827 = arith.constant 128 : i32
    %and3A_1828 = vector.broadcast %and3A_1827 : i32 to vector<16x4096xi32>
    %and3A_1829 = arith.andi %iota3A, %and3A_1828 : vector<16x4096xi32>
    %eq3A_1830 = arith.constant 0 : i32
    %eq3A_1831 = vector.broadcast %eq3A_1830 : i32 to vector<16x4096xi32>
    %eq3A_1832 = arith.cmpi eq, %and3A_1829, %eq3A_1831 : vector<16x4096xi32>
    %slice3A_1833 = vector.extract_strided_slice %select_n3A_1825 {offsets = [0, 128], sizes = [16, 3968], strides = [1, 1]} : vector<16x4096xf32> to vector<16x3968xf32>
    %slice3A_1834 = vector.extract_strided_slice %select_n3A_1825 {offsets = [0, 0], sizes = [16, 128], strides = [1, 1]} : vector<16x4096xf32> to vector<16x128xf32>
    %concatenate3A_1835 = tpu.concatenate %slice3A_1833, %slice3A_1834 in 1 : vector<16x3968xf32>, vector<16x128xf32> -> vector<16x4096xf32>
    %slice3A_1836 = vector.extract_strided_slice %select_n3A_1825 {offsets = [0, 3968], sizes = [16, 128], strides = [1, 1]} : vector<16x4096xf32> to vector<16x128xf32>
    %slice3A_1837 = vector.extract_strided_slice %select_n3A_1825 {offsets = [0, 0], sizes = [16, 3968], strides = [1, 1]} : vector<16x4096xf32> to vector<16x3968xf32>
    %concatenate3A_1838 = tpu.concatenate %slice3A_1836, %slice3A_1837 in 1 : vector<16x128xf32>, vector<16x3968xf32> -> vector<16x4096xf32>
    %select_n3A_1839 = arith.select %eq3A_1832, %concatenate3A_1835, %concatenate3A_1838 : vector<16x4096xi1>, vector<16x4096xf32>
    %slice3A_1840 = vector.extract_strided_slice %select_n3A_1826 {offsets = [0, 128], sizes = [16, 3968], strides = [1, 1]} : vector<16x4096xi32> to vector<16x3968xi32>
    %slice3A_1841 = vector.extract_strided_slice %select_n3A_1826 {offsets = [0, 0], sizes = [16, 128], strides = [1, 1]} : vector<16x4096xi32> to vector<16x128xi32>
    %concatenate3A_1842 = tpu.concatenate %slice3A_1840, %slice3A_1841 in 1 : vector<16x3968xi32>, vector<16x128xi32> -> vector<16x4096xi32>
    %slice3A_1843 = vector.extract_strided_slice %select_n3A_1826 {offsets = [0, 3968], sizes = [16, 128], strides = [1, 1]} : vector<16x4096xi32> to vector<16x128xi32>
    %slice3A_1844 = vector.extract_strided_slice %select_n3A_1826 {offsets = [0, 0], sizes = [16, 3968], strides = [1, 1]} : vector<16x4096xi32> to vector<16x3968xi32>
    %concatenate3A_1845 = tpu.concatenate %slice3A_1843, %slice3A_1844 in 1 : vector<16x128xi32>, vector<16x3968xi32> -> vector<16x4096xi32>
    %select_n3A_1846 = arith.select %eq3A_1832, %concatenate3A_1842, %concatenate3A_1845 : vector<16x4096xi1>, vector<16x4096xi32>
    %gt3A_1847 = arith.cmpf ogt, %select_n3A_1825, %select_n3A_1839 : vector<16x4096xf32>
    %eq3A_1848 = arith.cmpf oeq, %select_n3A_1825, %select_n3A_1839 : vector<16x4096xf32>
    %lt3A_1849 = arith.cmpi slt, %select_n3A_1826, %select_n3A_1846 : vector<16x4096xi32>
    %and3A_1850 = arith.andi %eq3A_1848, %lt3A_1849 : vector<16x4096xi1>
    %or3A_1851 = arith.ori %gt3A_1847, %and3A_1850 : vector<16x4096xi1>
    %and3A_1852 = arith.constant 1024 : i32
    %and3A_1853 = vector.broadcast %and3A_1852 : i32 to vector<16x4096xi32>
    %and3A_1854 = arith.andi %iota3A, %and3A_1853 : vector<16x4096xi32>
    %eq3A_1855 = arith.constant 0 : i32
    %eq3A_1856 = vector.broadcast %eq3A_1855 : i32 to vector<16x4096xi32>
    %eq3A_1857 = arith.cmpi eq, %and3A_1854, %eq3A_1856 : vector<16x4096xi32>
    %eq3A_1858 = arith.xori %eq3A_1832, %eq3A_1857 : vector<16x4096xi1>
    %eq3A_1859 = arith.constant dense<true> : vector<16x4096xi1>
    %eq3A_1860 = arith.xori %eq3A_1858, %eq3A_1859 : vector<16x4096xi1>
    %eq3A_1861 = arith.xori %eq3A_1860, %or3A_1851 : vector<16x4096xi1>
    %eq3A_1862 = arith.constant dense<true> : vector<16x4096xi1>
    %eq3A_1863 = arith.xori %eq3A_1861, %eq3A_1862 : vector<16x4096xi1>
    %select_n3A_1864 = arith.select %eq3A_1863, %select_n3A_1825, %select_n3A_1839 : vector<16x4096xi1>, vector<16x4096xf32>
    %select_n3A_1865 = arith.select %eq3A_1863, %select_n3A_1826, %select_n3A_1846 : vector<16x4096xi1>, vector<16x4096xi32>
    %and3A_1866 = arith.constant 64 : i32
    %and3A_1867 = vector.broadcast %and3A_1866 : i32 to vector<16x4096xi32>
    %and3A_1868 = arith.andi %iota3A, %and3A_1867 : vector<16x4096xi32>
    %eq3A_1869 = arith.constant 0 : i32
    %eq3A_1870 = vector.broadcast %eq3A_1869 : i32 to vector<16x4096xi32>
    %eq3A_1871 = arith.cmpi eq, %and3A_1868, %eq3A_1870 : vector<16x4096xi32>
    %slice3A_1872 = vector.extract_strided_slice %select_n3A_1864 {offsets = [0, 64], sizes = [16, 4032], strides = [1, 1]} : vector<16x4096xf32> to vector<16x4032xf32>
    %slice3A_1873 = vector.extract_strided_slice %select_n3A_1864 {offsets = [0, 0], sizes = [16, 64], strides = [1, 1]} : vector<16x4096xf32> to vector<16x64xf32>
    %concatenate3A_1874 = tpu.concatenate %slice3A_1872, %slice3A_1873 in 1 : vector<16x4032xf32>, vector<16x64xf32> -> vector<16x4096xf32>
    %slice3A_1875 = vector.extract_strided_slice %select_n3A_1864 {offsets = [0, 4032], sizes = [16, 64], strides = [1, 1]} : vector<16x4096xf32> to vector<16x64xf32>
    %slice3A_1876 = vector.extract_strided_slice %select_n3A_1864 {offsets = [0, 0], sizes = [16, 4032], strides = [1, 1]} : vector<16x4096xf32> to vector<16x4032xf32>
    %concatenate3A_1877 = tpu.concatenate %slice3A_1875, %slice3A_1876 in 1 : vector<16x64xf32>, vector<16x4032xf32> -> vector<16x4096xf32>
    %select_n3A_1878 = arith.select %eq3A_1871, %concatenate3A_1874, %concatenate3A_1877 : vector<16x4096xi1>, vector<16x4096xf32>
    %slice3A_1879 = vector.extract_strided_slice %select_n3A_1865 {offsets = [0, 64], sizes = [16, 4032], strides = [1, 1]} : vector<16x4096xi32> to vector<16x4032xi32>
    %slice3A_1880 = vector.extract_strided_slice %select_n3A_1865 {offsets = [0, 0], sizes = [16, 64], strides = [1, 1]} : vector<16x4096xi32> to vector<16x64xi32>
    %concatenate3A_1881 = tpu.concatenate %slice3A_1879, %slice3A_1880 in 1 : vector<16x4032xi32>, vector<16x64xi32> -> vector<16x4096xi32>
    %slice3A_1882 = vector.extract_strided_slice %select_n3A_1865 {offsets = [0, 4032], sizes = [16, 64], strides = [1, 1]} : vector<16x4096xi32> to vector<16x64xi32>
    %slice3A_1883 = vector.extract_strided_slice %select_n3A_1865 {offsets = [0, 0], sizes = [16, 4032], strides = [1, 1]} : vector<16x4096xi32> to vector<16x4032xi32>
    %concatenate3A_1884 = tpu.concatenate %slice3A_1882, %slice3A_1883 in 1 : vector<16x64xi32>, vector<16x4032xi32> -> vector<16x4096xi32>
    %select_n3A_1885 = arith.select %eq3A_1871, %concatenate3A_1881, %concatenate3A_1884 : vector<16x4096xi1>, vector<16x4096xi32>
    %gt3A_1886 = arith.cmpf ogt, %select_n3A_1864, %select_n3A_1878 : vector<16x4096xf32>
    %eq3A_1887 = arith.cmpf oeq, %select_n3A_1864, %select_n3A_1878 : vector<16x4096xf32>
    %lt3A_1888 = arith.cmpi slt, %select_n3A_1865, %select_n3A_1885 : vector<16x4096xi32>
    %and3A_1889 = arith.andi %eq3A_1887, %lt3A_1888 : vector<16x4096xi1>
    %or3A_1890 = arith.ori %gt3A_1886, %and3A_1889 : vector<16x4096xi1>
    %and3A_1891 = arith.constant 1024 : i32
    %and3A_1892 = vector.broadcast %and3A_1891 : i32 to vector<16x4096xi32>
    %and3A_1893 = arith.andi %iota3A, %and3A_1892 : vector<16x4096xi32>
    %eq3A_1894 = arith.constant 0 : i32
    %eq3A_1895 = vector.broadcast %eq3A_1894 : i32 to vector<16x4096xi32>
    %eq3A_1896 = arith.cmpi eq, %and3A_1893, %eq3A_1895 : vector<16x4096xi32>
    %eq3A_1897 = arith.xori %eq3A_1871, %eq3A_1896 : vector<16x4096xi1>
    %eq3A_1898 = arith.constant dense<true> : vector<16x4096xi1>
    %eq3A_1899 = arith.xori %eq3A_1897, %eq3A_1898 : vector<16x4096xi1>
    %eq3A_1900 = arith.xori %eq3A_1899, %or3A_1890 : vector<16x4096xi1>
    %eq3A_1901 = arith.constant dense<true> : vector<16x4096xi1>
    %eq3A_1902 = arith.xori %eq3A_1900, %eq3A_1901 : vector<16x4096xi1>
    %select_n3A_1903 = arith.select %eq3A_1902, %select_n3A_1864, %select_n3A_1878 : vector<16x4096xi1>, vector<16x4096xf32>
    %select_n3A_1904 = arith.select %eq3A_1902, %select_n3A_1865, %select_n3A_1885 : vector<16x4096xi1>, vector<16x4096xi32>
    %and3A_1905 = arith.constant 32 : i32
    %and3A_1906 = vector.broadcast %and3A_1905 : i32 to vector<16x4096xi32>
    %and3A_1907 = arith.andi %iota3A, %and3A_1906 : vector<16x4096xi32>
    %eq3A_1908 = arith.constant 0 : i32
    %eq3A_1909 = vector.broadcast %eq3A_1908 : i32 to vector<16x4096xi32>
    %eq3A_1910 = arith.cmpi eq, %and3A_1907, %eq3A_1909 : vector<16x4096xi32>
    %slice3A_1911 = vector.extract_strided_slice %select_n3A_1903 {offsets = [0, 32], sizes = [16, 4064], strides = [1, 1]} : vector<16x4096xf32> to vector<16x4064xf32>
    %slice3A_1912 = vector.extract_strided_slice %select_n3A_1903 {offsets = [0, 0], sizes = [16, 32], strides = [1, 1]} : vector<16x4096xf32> to vector<16x32xf32>
    %concatenate3A_1913 = tpu.concatenate %slice3A_1911, %slice3A_1912 in 1 : vector<16x4064xf32>, vector<16x32xf32> -> vector<16x4096xf32>
    %slice3A_1914 = vector.extract_strided_slice %select_n3A_1903 {offsets = [0, 4064], sizes = [16, 32], strides = [1, 1]} : vector<16x4096xf32> to vector<16x32xf32>
    %slice3A_1915 = vector.extract_strided_slice %select_n3A_1903 {offsets = [0, 0], sizes = [16, 4064], strides = [1, 1]} : vector<16x4096xf32> to vector<16x4064xf32>
    %concatenate3A_1916 = tpu.concatenate %slice3A_1914, %slice3A_1915 in 1 : vector<16x32xf32>, vector<16x4064xf32> -> vector<16x4096xf32>
    %select_n3A_1917 = arith.select %eq3A_1910, %concatenate3A_1913, %concatenate3A_1916 : vector<16x4096xi1>, vector<16x4096xf32>
    %slice3A_1918 = vector.extract_strided_slice %select_n3A_1904 {offsets = [0, 32], sizes = [16, 4064], strides = [1, 1]} : vector<16x4096xi32> to vector<16x4064xi32>
    %slice3A_1919 = vector.extract_strided_slice %select_n3A_1904 {offsets = [0, 0], sizes = [16, 32], strides = [1, 1]} : vector<16x4096xi32> to vector<16x32xi32>
    %concatenate3A_1920 = tpu.concatenate %slice3A_1918, %slice3A_1919 in 1 : vector<16x4064xi32>, vector<16x32xi32> -> vector<16x4096xi32>
    %slice3A_1921 = vector.extract_strided_slice %select_n3A_1904 {offsets = [0, 4064], sizes = [16, 32], strides = [1, 1]} : vector<16x4096xi32> to vector<16x32xi32>
    %slice3A_1922 = vector.extract_strided_slice %select_n3A_1904 {offsets = [0, 0], sizes = [16, 4064], strides = [1, 1]} : vector<16x4096xi32> to vector<16x4064xi32>
    %concatenate3A_1923 = tpu.concatenate %slice3A_1921, %slice3A_1922 in 1 : vector<16x32xi32>, vector<16x4064xi32> -> vector<16x4096xi32>
    %select_n3A_1924 = arith.select %eq3A_1910, %concatenate3A_1920, %concatenate3A_1923 : vector<16x4096xi1>, vector<16x4096xi32>
    %gt3A_1925 = arith.cmpf ogt, %select_n3A_1903, %select_n3A_1917 : vector<16x4096xf32>
    %eq3A_1926 = arith.cmpf oeq, %select_n3A_1903, %select_n3A_1917 : vector<16x4096xf32>
    %lt3A_1927 = arith.cmpi slt, %select_n3A_1904, %select_n3A_1924 : vector<16x4096xi32>
    %and3A_1928 = arith.andi %eq3A_1926, %lt3A_1927 : vector<16x4096xi1>
    %or3A_1929 = arith.ori %gt3A_1925, %and3A_1928 : vector<16x4096xi1>
    %and3A_1930 = arith.constant 1024 : i32
    %and3A_1931 = vector.broadcast %and3A_1930 : i32 to vector<16x4096xi32>
    %and3A_1932 = arith.andi %iota3A, %and3A_1931 : vector<16x4096xi32>
    %eq3A_1933 = arith.constant 0 : i32
    %eq3A_1934 = vector.broadcast %eq3A_1933 : i32 to vector<16x4096xi32>
    %eq3A_1935 = arith.cmpi eq, %and3A_1932, %eq3A_1934 : vector<16x4096xi32>
    %eq3A_1936 = arith.xori %eq3A_1910, %eq3A_1935 : vector<16x4096xi1>
    %eq3A_1937 = arith.constant dense<true> : vector<16x4096xi1>
    %eq3A_1938 = arith.xori %eq3A_1936, %eq3A_1937 : vector<16x4096xi1>
    %eq3A_1939 = arith.xori %eq3A_1938, %or3A_1929 : vector<16x4096xi1>
    %eq3A_1940 = arith.constant dense<true> : vector<16x4096xi1>
    %eq3A_1941 = arith.xori %eq3A_1939, %eq3A_1940 : vector<16x4096xi1>
    %select_n3A_1942 = arith.select %eq3A_1941, %select_n3A_1903, %select_n3A_1917 : vector<16x4096xi1>, vector<16x4096xf32>
    %select_n3A_1943 = arith.select %eq3A_1941, %select_n3A_1904, %select_n3A_1924 : vector<16x4096xi1>, vector<16x4096xi32>
    %and3A_1944 = arith.constant 16 : i32
    %and3A_1945 = vector.broadcast %and3A_1944 : i32 to vector<16x4096xi32>
    %and3A_1946 = arith.andi %iota3A, %and3A_1945 : vector<16x4096xi32>
    %eq3A_1947 = arith.constant 0 : i32
    %eq3A_1948 = vector.broadcast %eq3A_1947 : i32 to vector<16x4096xi32>
    %eq3A_1949 = arith.cmpi eq, %and3A_1946, %eq3A_1948 : vector<16x4096xi32>
    %slice3A_1950 = vector.extract_strided_slice %select_n3A_1942 {offsets = [0, 16], sizes = [16, 4080], strides = [1, 1]} : vector<16x4096xf32> to vector<16x4080xf32>
    %slice3A_1951 = vector.extract_strided_slice %select_n3A_1942 {offsets = [0, 0], sizes = [16, 16], strides = [1, 1]} : vector<16x4096xf32> to vector<16x16xf32>
    %concatenate3A_1952 = tpu.concatenate %slice3A_1950, %slice3A_1951 in 1 : vector<16x4080xf32>, vector<16x16xf32> -> vector<16x4096xf32>
    %slice3A_1953 = vector.extract_strided_slice %select_n3A_1942 {offsets = [0, 4080], sizes = [16, 16], strides = [1, 1]} : vector<16x4096xf32> to vector<16x16xf32>
    %slice3A_1954 = vector.extract_strided_slice %select_n3A_1942 {offsets = [0, 0], sizes = [16, 4080], strides = [1, 1]} : vector<16x4096xf32> to vector<16x4080xf32>
    %concatenate3A_1955 = tpu.concatenate %slice3A_1953, %slice3A_1954 in 1 : vector<16x16xf32>, vector<16x4080xf32> -> vector<16x4096xf32>
    %select_n3A_1956 = arith.select %eq3A_1949, %concatenate3A_1952, %concatenate3A_1955 : vector<16x4096xi1>, vector<16x4096xf32>
    %slice3A_1957 = vector.extract_strided_slice %select_n3A_1943 {offsets = [0, 16], sizes = [16, 4080], strides = [1, 1]} : vector<16x4096xi32> to vector<16x4080xi32>
    %slice3A_1958 = vector.extract_strided_slice %select_n3A_1943 {offsets = [0, 0], sizes = [16, 16], strides = [1, 1]} : vector<16x4096xi32> to vector<16x16xi32>
    %concatenate3A_1959 = tpu.concatenate %slice3A_1957, %slice3A_1958 in 1 : vector<16x4080xi32>, vector<16x16xi32> -> vector<16x4096xi32>
    %slice3A_1960 = vector.extract_strided_slice %select_n3A_1943 {offsets = [0, 4080], sizes = [16, 16], strides = [1, 1]} : vector<16x4096xi32> to vector<16x16xi32>
    %slice3A_1961 = vector.extract_strided_slice %select_n3A_1943 {offsets = [0, 0], sizes = [16, 4080], strides = [1, 1]} : vector<16x4096xi32> to vector<16x4080xi32>
    %concatenate3A_1962 = tpu.concatenate %slice3A_1960, %slice3A_1961 in 1 : vector<16x16xi32>, vector<16x4080xi32> -> vector<16x4096xi32>
    %select_n3A_1963 = arith.select %eq3A_1949, %concatenate3A_1959, %concatenate3A_1962 : vector<16x4096xi1>, vector<16x4096xi32>
    %gt3A_1964 = arith.cmpf ogt, %select_n3A_1942, %select_n3A_1956 : vector<16x4096xf32>
    %eq3A_1965 = arith.cmpf oeq, %select_n3A_1942, %select_n3A_1956 : vector<16x4096xf32>
    %lt3A_1966 = arith.cmpi slt, %select_n3A_1943, %select_n3A_1963 : vector<16x4096xi32>
    %and3A_1967 = arith.andi %eq3A_1965, %lt3A_1966 : vector<16x4096xi1>
    %or3A_1968 = arith.ori %gt3A_1964, %and3A_1967 : vector<16x4096xi1>
    %and3A_1969 = arith.constant 1024 : i32
    %and3A_1970 = vector.broadcast %and3A_1969 : i32 to vector<16x4096xi32>
    %and3A_1971 = arith.andi %iota3A, %and3A_1970 : vector<16x4096xi32>
    %eq3A_1972 = arith.constant 0 : i32
    %eq3A_1973 = vector.broadcast %eq3A_1972 : i32 to vector<16x4096xi32>
    %eq3A_1974 = arith.cmpi eq, %and3A_1971, %eq3A_1973 : vector<16x4096xi32>
    %eq3A_1975 = arith.xori %eq3A_1949, %eq3A_1974 : vector<16x4096xi1>
    %eq3A_1976 = arith.constant dense<true> : vector<16x4096xi1>
    %eq3A_1977 = arith.xori %eq3A_1975, %eq3A_1976 : vector<16x4096xi1>
    %eq3A_1978 = arith.xori %eq3A_1977, %or3A_1968 : vector<16x4096xi1>
    %eq3A_1979 = arith.constant dense<true> : vector<16x4096xi1>
    %eq3A_1980 = arith.xori %eq3A_1978, %eq3A_1979 : vector<16x4096xi1>
    %select_n3A_1981 = arith.select %eq3A_1980, %select_n3A_1942, %select_n3A_1956 : vector<16x4096xi1>, vector<16x4096xf32>
    %select_n3A_1982 = arith.select %eq3A_1980, %select_n3A_1943, %select_n3A_1963 : vector<16x4096xi1>, vector<16x4096xi32>
    %and3A_1983 = arith.constant 8 : i32
    %and3A_1984 = vector.broadcast %and3A_1983 : i32 to vector<16x4096xi32>
    %and3A_1985 = arith.andi %iota3A, %and3A_1984 : vector<16x4096xi32>
    %eq3A_1986 = arith.constant 0 : i32
    %eq3A_1987 = vector.broadcast %eq3A_1986 : i32 to vector<16x4096xi32>
    %eq3A_1988 = arith.cmpi eq, %and3A_1985, %eq3A_1987 : vector<16x4096xi32>
    %slice3A_1989 = vector.extract_strided_slice %select_n3A_1981 {offsets = [0, 8], sizes = [16, 4088], strides = [1, 1]} : vector<16x4096xf32> to vector<16x4088xf32>
    %slice3A_1990 = vector.extract_strided_slice %select_n3A_1981 {offsets = [0, 0], sizes = [16, 8], strides = [1, 1]} : vector<16x4096xf32> to vector<16x8xf32>
    %concatenate3A_1991 = tpu.concatenate %slice3A_1989, %slice3A_1990 in 1 : vector<16x4088xf32>, vector<16x8xf32> -> vector<16x4096xf32>
    %slice3A_1992 = vector.extract_strided_slice %select_n3A_1981 {offsets = [0, 4088], sizes = [16, 8], strides = [1, 1]} : vector<16x4096xf32> to vector<16x8xf32>
    %slice3A_1993 = vector.extract_strided_slice %select_n3A_1981 {offsets = [0, 0], sizes = [16, 4088], strides = [1, 1]} : vector<16x4096xf32> to vector<16x4088xf32>
    %concatenate3A_1994 = tpu.concatenate %slice3A_1992, %slice3A_1993 in 1 : vector<16x8xf32>, vector<16x4088xf32> -> vector<16x4096xf32>
    %select_n3A_1995 = arith.select %eq3A_1988, %concatenate3A_1991, %concatenate3A_1994 : vector<16x4096xi1>, vector<16x4096xf32>
    %slice3A_1996 = vector.extract_strided_slice %select_n3A_1982 {offsets = [0, 8], sizes = [16, 4088], strides = [1, 1]} : vector<16x4096xi32> to vector<16x4088xi32>
    %slice3A_1997 = vector.extract_strided_slice %select_n3A_1982 {offsets = [0, 0], sizes = [16, 8], strides = [1, 1]} : vector<16x4096xi32> to vector<16x8xi32>
    %concatenate3A_1998 = tpu.concatenate %slice3A_1996, %slice3A_1997 in 1 : vector<16x4088xi32>, vector<16x8xi32> -> vector<16x4096xi32>
    %slice3A_1999 = vector.extract_strided_slice %select_n3A_1982 {offsets = [0, 4088], sizes = [16, 8], strides = [1, 1]} : vector<16x4096xi32> to vector<16x8xi32>
    %slice3A_2000 = vector.extract_strided_slice %select_n3A_1982 {offsets = [0, 0], sizes = [16, 4088], strides = [1, 1]} : vector<16x4096xi32> to vector<16x4088xi32>
    %concatenate3A_2001 = tpu.concatenate %slice3A_1999, %slice3A_2000 in 1 : vector<16x8xi32>, vector<16x4088xi32> -> vector<16x4096xi32>
    %select_n3A_2002 = arith.select %eq3A_1988, %concatenate3A_1998, %concatenate3A_2001 : vector<16x4096xi1>, vector<16x4096xi32>
    %gt3A_2003 = arith.cmpf ogt, %select_n3A_1981, %select_n3A_1995 : vector<16x4096xf32>
    %eq3A_2004 = arith.cmpf oeq, %select_n3A_1981, %select_n3A_1995 : vector<16x4096xf32>
    %lt3A_2005 = arith.cmpi slt, %select_n3A_1982, %select_n3A_2002 : vector<16x4096xi32>
    %and3A_2006 = arith.andi %eq3A_2004, %lt3A_2005 : vector<16x4096xi1>
    %or3A_2007 = arith.ori %gt3A_2003, %and3A_2006 : vector<16x4096xi1>
    %and3A_2008 = arith.constant 1024 : i32
    %and3A_2009 = vector.broadcast %and3A_2008 : i32 to vector<16x4096xi32>
    %and3A_2010 = arith.andi %iota3A, %and3A_2009 : vector<16x4096xi32>
    %eq3A_2011 = arith.constant 0 : i32
    %eq3A_2012 = vector.broadcast %eq3A_2011 : i32 to vector<16x4096xi32>
    %eq3A_2013 = arith.cmpi eq, %and3A_2010, %eq3A_2012 : vector<16x4096xi32>
    %eq3A_2014 = arith.xori %eq3A_1988, %eq3A_2013 : vector<16x4096xi1>
    %eq3A_2015 = arith.constant dense<true> : vector<16x4096xi1>
    %eq3A_2016 = arith.xori %eq3A_2014, %eq3A_2015 : vector<16x4096xi1>
    %eq3A_2017 = arith.xori %eq3A_2016, %or3A_2007 : vector<16x4096xi1>
    %eq3A_2018 = arith.constant dense<true> : vector<16x4096xi1>
    %eq3A_2019 = arith.xori %eq3A_2017, %eq3A_2018 : vector<16x4096xi1>
    %select_n3A_2020 = arith.select %eq3A_2019, %select_n3A_1981, %select_n3A_1995 : vector<16x4096xi1>, vector<16x4096xf32>
    %select_n3A_2021 = arith.select %eq3A_2019, %select_n3A_1982, %select_n3A_2002 : vector<16x4096xi1>, vector<16x4096xi32>
    %and3A_2022 = arith.constant 4 : i32
    %and3A_2023 = vector.broadcast %and3A_2022 : i32 to vector<16x4096xi32>
    %and3A_2024 = arith.andi %iota3A, %and3A_2023 : vector<16x4096xi32>
    %eq3A_2025 = arith.constant 0 : i32
    %eq3A_2026 = vector.broadcast %eq3A_2025 : i32 to vector<16x4096xi32>
    %eq3A_2027 = arith.cmpi eq, %and3A_2024, %eq3A_2026 : vector<16x4096xi32>
    %slice3A_2028 = vector.extract_strided_slice %select_n3A_2020 {offsets = [0, 4], sizes = [16, 4092], strides = [1, 1]} : vector<16x4096xf32> to vector<16x4092xf32>
    %slice3A_2029 = vector.extract_strided_slice %select_n3A_2020 {offsets = [0, 0], sizes = [16, 4], strides = [1, 1]} : vector<16x4096xf32> to vector<16x4xf32>
    %concatenate3A_2030 = tpu.concatenate %slice3A_2028, %slice3A_2029 in 1 : vector<16x4092xf32>, vector<16x4xf32> -> vector<16x4096xf32>
    %slice3A_2031 = vector.extract_strided_slice %select_n3A_2020 {offsets = [0, 4092], sizes = [16, 4], strides = [1, 1]} : vector<16x4096xf32> to vector<16x4xf32>
    %slice3A_2032 = vector.extract_strided_slice %select_n3A_2020 {offsets = [0, 0], sizes = [16, 4092], strides = [1, 1]} : vector<16x4096xf32> to vector<16x4092xf32>
    %concatenate3A_2033 = tpu.concatenate %slice3A_2031, %slice3A_2032 in 1 : vector<16x4xf32>, vector<16x4092xf32> -> vector<16x4096xf32>
    %select_n3A_2034 = arith.select %eq3A_2027, %concatenate3A_2030, %concatenate3A_2033 : vector<16x4096xi1>, vector<16x4096xf32>
    %slice3A_2035 = vector.extract_strided_slice %select_n3A_2021 {offsets = [0, 4], sizes = [16, 4092], strides = [1, 1]} : vector<16x4096xi32> to vector<16x4092xi32>
    %slice3A_2036 = vector.extract_strided_slice %select_n3A_2021 {offsets = [0, 0], sizes = [16, 4], strides = [1, 1]} : vector<16x4096xi32> to vector<16x4xi32>
    %concatenate3A_2037 = tpu.concatenate %slice3A_2035, %slice3A_2036 in 1 : vector<16x4092xi32>, vector<16x4xi32> -> vector<16x4096xi32>
    %slice3A_2038 = vector.extract_strided_slice %select_n3A_2021 {offsets = [0, 4092], sizes = [16, 4], strides = [1, 1]} : vector<16x4096xi32> to vector<16x4xi32>
    %slice3A_2039 = vector.extract_strided_slice %select_n3A_2021 {offsets = [0, 0], sizes = [16, 4092], strides = [1, 1]} : vector<16x4096xi32> to vector<16x4092xi32>
    %concatenate3A_2040 = tpu.concatenate %slice3A_2038, %slice3A_2039 in 1 : vector<16x4xi32>, vector<16x4092xi32> -> vector<16x4096xi32>
    %select_n3A_2041 = arith.select %eq3A_2027, %concatenate3A_2037, %concatenate3A_2040 : vector<16x4096xi1>, vector<16x4096xi32>
    %gt3A_2042 = arith.cmpf ogt, %select_n3A_2020, %select_n3A_2034 : vector<16x4096xf32>
    %eq3A_2043 = arith.cmpf oeq, %select_n3A_2020, %select_n3A_2034 : vector<16x4096xf32>
    %lt3A_2044 = arith.cmpi slt, %select_n3A_2021, %select_n3A_2041 : vector<16x4096xi32>
    %and3A_2045 = arith.andi %eq3A_2043, %lt3A_2044 : vector<16x4096xi1>
    %or3A_2046 = arith.ori %gt3A_2042, %and3A_2045 : vector<16x4096xi1>
    %and3A_2047 = arith.constant 1024 : i32
    %and3A_2048 = vector.broadcast %and3A_2047 : i32 to vector<16x4096xi32>
    %and3A_2049 = arith.andi %iota3A, %and3A_2048 : vector<16x4096xi32>
    %eq3A_2050 = arith.constant 0 : i32
    %eq3A_2051 = vector.broadcast %eq3A_2050 : i32 to vector<16x4096xi32>
    %eq3A_2052 = arith.cmpi eq, %and3A_2049, %eq3A_2051 : vector<16x4096xi32>
    %eq3A_2053 = arith.xori %eq3A_2027, %eq3A_2052 : vector<16x4096xi1>
    %eq3A_2054 = arith.constant dense<true> : vector<16x4096xi1>
    %eq3A_2055 = arith.xori %eq3A_2053, %eq3A_2054 : vector<16x4096xi1>
    %eq3A_2056 = arith.xori %eq3A_2055, %or3A_2046 : vector<16x4096xi1>
    %eq3A_2057 = arith.constant dense<true> : vector<16x4096xi1>
    %eq3A_2058 = arith.xori %eq3A_2056, %eq3A_2057 : vector<16x4096xi1>
    %select_n3A_2059 = arith.select %eq3A_2058, %select_n3A_2020, %select_n3A_2034 : vector<16x4096xi1>, vector<16x4096xf32>
    %select_n3A_2060 = arith.select %eq3A_2058, %select_n3A_2021, %select_n3A_2041 : vector<16x4096xi1>, vector<16x4096xi32>
    %and3A_2061 = arith.constant 2 : i32
    %and3A_2062 = vector.broadcast %and3A_2061 : i32 to vector<16x4096xi32>
    %and3A_2063 = arith.andi %iota3A, %and3A_2062 : vector<16x4096xi32>
    %eq3A_2064 = arith.constant 0 : i32
    %eq3A_2065 = vector.broadcast %eq3A_2064 : i32 to vector<16x4096xi32>
    %eq3A_2066 = arith.cmpi eq, %and3A_2063, %eq3A_2065 : vector<16x4096xi32>
    %slice3A_2067 = vector.extract_strided_slice %select_n3A_2059 {offsets = [0, 2], sizes = [16, 4094], strides = [1, 1]} : vector<16x4096xf32> to vector<16x4094xf32>
    %slice3A_2068 = vector.extract_strided_slice %select_n3A_2059 {offsets = [0, 0], sizes = [16, 2], strides = [1, 1]} : vector<16x4096xf32> to vector<16x2xf32>
    %concatenate3A_2069 = tpu.concatenate %slice3A_2067, %slice3A_2068 in 1 : vector<16x4094xf32>, vector<16x2xf32> -> vector<16x4096xf32>
    %slice3A_2070 = vector.extract_strided_slice %select_n3A_2059 {offsets = [0, 4094], sizes = [16, 2], strides = [1, 1]} : vector<16x4096xf32> to vector<16x2xf32>
    %slice3A_2071 = vector.extract_strided_slice %select_n3A_2059 {offsets = [0, 0], sizes = [16, 4094], strides = [1, 1]} : vector<16x4096xf32> to vector<16x4094xf32>
    %concatenate3A_2072 = tpu.concatenate %slice3A_2070, %slice3A_2071 in 1 : vector<16x2xf32>, vector<16x4094xf32> -> vector<16x4096xf32>
    %select_n3A_2073 = arith.select %eq3A_2066, %concatenate3A_2069, %concatenate3A_2072 : vector<16x4096xi1>, vector<16x4096xf32>
    %slice3A_2074 = vector.extract_strided_slice %select_n3A_2060 {offsets = [0, 2], sizes = [16, 4094], strides = [1, 1]} : vector<16x4096xi32> to vector<16x4094xi32>
    %slice3A_2075 = vector.extract_strided_slice %select_n3A_2060 {offsets = [0, 0], sizes = [16, 2], strides = [1, 1]} : vector<16x4096xi32> to vector<16x2xi32>
    %concatenate3A_2076 = tpu.concatenate %slice3A_2074, %slice3A_2075 in 1 : vector<16x4094xi32>, vector<16x2xi32> -> vector<16x4096xi32>
    %slice3A_2077 = vector.extract_strided_slice %select_n3A_2060 {offsets = [0, 4094], sizes = [16, 2], strides = [1, 1]} : vector<16x4096xi32> to vector<16x2xi32>
    %slice3A_2078 = vector.extract_strided_slice %select_n3A_2060 {offsets = [0, 0], sizes = [16, 4094], strides = [1, 1]} : vector<16x4096xi32> to vector<16x4094xi32>
    %concatenate3A_2079 = tpu.concatenate %slice3A_2077, %slice3A_2078 in 1 : vector<16x2xi32>, vector<16x4094xi32> -> vector<16x4096xi32>
    %select_n3A_2080 = arith.select %eq3A_2066, %concatenate3A_2076, %concatenate3A_2079 : vector<16x4096xi1>, vector<16x4096xi32>
    %gt3A_2081 = arith.cmpf ogt, %select_n3A_2059, %select_n3A_2073 : vector<16x4096xf32>
    %eq3A_2082 = arith.cmpf oeq, %select_n3A_2059, %select_n3A_2073 : vector<16x4096xf32>
    %lt3A_2083 = arith.cmpi slt, %select_n3A_2060, %select_n3A_2080 : vector<16x4096xi32>
    %and3A_2084 = arith.andi %eq3A_2082, %lt3A_2083 : vector<16x4096xi1>
    %or3A_2085 = arith.ori %gt3A_2081, %and3A_2084 : vector<16x4096xi1>
    %and3A_2086 = arith.constant 1024 : i32
    %and3A_2087 = vector.broadcast %and3A_2086 : i32 to vector<16x4096xi32>
    %and3A_2088 = arith.andi %iota3A, %and3A_2087 : vector<16x4096xi32>
    %eq3A_2089 = arith.constant 0 : i32
    %eq3A_2090 = vector.broadcast %eq3A_2089 : i32 to vector<16x4096xi32>
    %eq3A_2091 = arith.cmpi eq, %and3A_2088, %eq3A_2090 : vector<16x4096xi32>
    %eq3A_2092 = arith.xori %eq3A_2066, %eq3A_2091 : vector<16x4096xi1>
    %eq3A_2093 = arith.constant dense<true> : vector<16x4096xi1>
    %eq3A_2094 = arith.xori %eq3A_2092, %eq3A_2093 : vector<16x4096xi1>
    %eq3A_2095 = arith.xori %eq3A_2094, %or3A_2085 : vector<16x4096xi1>
    %eq3A_2096 = arith.constant dense<true> : vector<16x4096xi1>
    %eq3A_2097 = arith.xori %eq3A_2095, %eq3A_2096 : vector<16x4096xi1>
    %select_n3A_2098 = arith.select %eq3A_2097, %select_n3A_2059, %select_n3A_2073 : vector<16x4096xi1>, vector<16x4096xf32>
    %select_n3A_2099 = arith.select %eq3A_2097, %select_n3A_2060, %select_n3A_2080 : vector<16x4096xi1>, vector<16x4096xi32>
    %and3A_2100 = arith.constant 1 : i32
    %and3A_2101 = vector.broadcast %and3A_2100 : i32 to vector<16x4096xi32>
    %and3A_2102 = arith.andi %iota3A, %and3A_2101 : vector<16x4096xi32>
    %eq3A_2103 = arith.constant 0 : i32
    %eq3A_2104 = vector.broadcast %eq3A_2103 : i32 to vector<16x4096xi32>
    %eq3A_2105 = arith.cmpi eq, %and3A_2102, %eq3A_2104 : vector<16x4096xi32>
    %slice3A_2106 = vector.extract_strided_slice %select_n3A_2098 {offsets = [0, 1], sizes = [16, 4095], strides = [1, 1]} : vector<16x4096xf32> to vector<16x4095xf32>
    %slice3A_2107 = vector.extract_strided_slice %select_n3A_2098 {offsets = [0, 0], sizes = [16, 1], strides = [1, 1]} : vector<16x4096xf32> to vector<16x1xf32>
    %concatenate3A_2108 = tpu.concatenate %slice3A_2106, %slice3A_2107 in 1 : vector<16x4095xf32>, vector<16x1xf32> -> vector<16x4096xf32>
    %slice3A_2109 = vector.extract_strided_slice %select_n3A_2098 {offsets = [0, 4095], sizes = [16, 1], strides = [1, 1]} : vector<16x4096xf32> to vector<16x1xf32>
    %slice3A_2110 = vector.extract_strided_slice %select_n3A_2098 {offsets = [0, 0], sizes = [16, 4095], strides = [1, 1]} : vector<16x4096xf32> to vector<16x4095xf32>
    %concatenate3A_2111 = tpu.concatenate %slice3A_2109, %slice3A_2110 in 1 : vector<16x1xf32>, vector<16x4095xf32> -> vector<16x4096xf32>
    %select_n3A_2112 = arith.select %eq3A_2105, %concatenate3A_2108, %concatenate3A_2111 : vector<16x4096xi1>, vector<16x4096xf32>
    %slice3A_2113 = vector.extract_strided_slice %select_n3A_2099 {offsets = [0, 1], sizes = [16, 4095], strides = [1, 1]} : vector<16x4096xi32> to vector<16x4095xi32>
    %slice3A_2114 = vector.extract_strided_slice %select_n3A_2099 {offsets = [0, 0], sizes = [16, 1], strides = [1, 1]} : vector<16x4096xi32> to vector<16x1xi32>
    %concatenate3A_2115 = tpu.concatenate %slice3A_2113, %slice3A_2114 in 1 : vector<16x4095xi32>, vector<16x1xi32> -> vector<16x4096xi32>
    %slice3A_2116 = vector.extract_strided_slice %select_n3A_2099 {offsets = [0, 4095], sizes = [16, 1], strides = [1, 1]} : vector<16x4096xi32> to vector<16x1xi32>
    %slice3A_2117 = vector.extract_strided_slice %select_n3A_2099 {offsets = [0, 0], sizes = [16, 4095], strides = [1, 1]} : vector<16x4096xi32> to vector<16x4095xi32>
    %concatenate3A_2118 = tpu.concatenate %slice3A_2116, %slice3A_2117 in 1 : vector<16x1xi32>, vector<16x4095xi32> -> vector<16x4096xi32>
    %select_n3A_2119 = arith.select %eq3A_2105, %concatenate3A_2115, %concatenate3A_2118 : vector<16x4096xi1>, vector<16x4096xi32>
    %gt3A_2120 = arith.cmpf ogt, %select_n3A_2098, %select_n3A_2112 : vector<16x4096xf32>
    %eq3A_2121 = arith.cmpf oeq, %select_n3A_2098, %select_n3A_2112 : vector<16x4096xf32>
    %lt3A_2122 = arith.cmpi slt, %select_n3A_2099, %select_n3A_2119 : vector<16x4096xi32>
    %and3A_2123 = arith.andi %eq3A_2121, %lt3A_2122 : vector<16x4096xi1>
    %or3A_2124 = arith.ori %gt3A_2120, %and3A_2123 : vector<16x4096xi1>
    %and3A_2125 = arith.constant 1024 : i32
    %and3A_2126 = vector.broadcast %and3A_2125 : i32 to vector<16x4096xi32>
    %and3A_2127 = arith.andi %iota3A, %and3A_2126 : vector<16x4096xi32>
    %eq3A_2128 = arith.constant 0 : i32
    %eq3A_2129 = vector.broadcast %eq3A_2128 : i32 to vector<16x4096xi32>
    %eq3A_2130 = arith.cmpi eq, %and3A_2127, %eq3A_2129 : vector<16x4096xi32>
    %eq3A_2131 = arith.xori %eq3A_2105, %eq3A_2130 : vector<16x4096xi1>
    %eq3A_2132 = arith.constant dense<true> : vector<16x4096xi1>
    %eq3A_2133 = arith.xori %eq3A_2131, %eq3A_2132 : vector<16x4096xi1>
    %eq3A_2134 = arith.xori %eq3A_2133, %or3A_2124 : vector<16x4096xi1>
    %eq3A_2135 = arith.constant dense<true> : vector<16x4096xi1>
    %eq3A_2136 = arith.xori %eq3A_2134, %eq3A_2135 : vector<16x4096xi1>
    %select_n3A_2137 = arith.select %eq3A_2136, %select_n3A_2098, %select_n3A_2112 : vector<16x4096xi1>, vector<16x4096xf32>
    %select_n3A_2138 = arith.select %eq3A_2136, %select_n3A_2099, %select_n3A_2119 : vector<16x4096xi1>, vector<16x4096xi32>
    %and3A_2139 = arith.constant 1024 : i32
    %and3A_2140 = vector.broadcast %and3A_2139 : i32 to vector<16x4096xi32>
    %and3A_2141 = arith.andi %iota3A, %and3A_2140 : vector<16x4096xi32>
    %eq3A_2142 = arith.constant 0 : i32
    %eq3A_2143 = vector.broadcast %eq3A_2142 : i32 to vector<16x4096xi32>
    %eq3A_2144 = arith.cmpi eq, %and3A_2141, %eq3A_2143 : vector<16x4096xi32>
    %slice3A_2145 = vector.extract_strided_slice %select_n3A_2137 {offsets = [0, 1024], sizes = [16, 3072], strides = [1, 1]} : vector<16x4096xf32> to vector<16x3072xf32>
    %slice3A_2146 = vector.extract_strided_slice %select_n3A_2137 {offsets = [0, 0], sizes = [16, 1024], strides = [1, 1]} : vector<16x4096xf32> to vector<16x1024xf32>
    %concatenate3A_2147 = tpu.concatenate %slice3A_2145, %slice3A_2146 in 1 : vector<16x3072xf32>, vector<16x1024xf32> -> vector<16x4096xf32>
    %slice3A_2148 = vector.extract_strided_slice %select_n3A_2137 {offsets = [0, 3072], sizes = [16, 1024], strides = [1, 1]} : vector<16x4096xf32> to vector<16x1024xf32>
    %slice3A_2149 = vector.extract_strided_slice %select_n3A_2137 {offsets = [0, 0], sizes = [16, 3072], strides = [1, 1]} : vector<16x4096xf32> to vector<16x3072xf32>
    %concatenate3A_2150 = tpu.concatenate %slice3A_2148, %slice3A_2149 in 1 : vector<16x1024xf32>, vector<16x3072xf32> -> vector<16x4096xf32>
    %select_n3A_2151 = arith.select %eq3A_2144, %concatenate3A_2147, %concatenate3A_2150 : vector<16x4096xi1>, vector<16x4096xf32>
    %slice3A_2152 = vector.extract_strided_slice %select_n3A_2138 {offsets = [0, 1024], sizes = [16, 3072], strides = [1, 1]} : vector<16x4096xi32> to vector<16x3072xi32>
    %slice3A_2153 = vector.extract_strided_slice %select_n3A_2138 {offsets = [0, 0], sizes = [16, 1024], strides = [1, 1]} : vector<16x4096xi32> to vector<16x1024xi32>
    %concatenate3A_2154 = tpu.concatenate %slice3A_2152, %slice3A_2153 in 1 : vector<16x3072xi32>, vector<16x1024xi32> -> vector<16x4096xi32>
    %slice3A_2155 = vector.extract_strided_slice %select_n3A_2138 {offsets = [0, 3072], sizes = [16, 1024], strides = [1, 1]} : vector<16x4096xi32> to vector<16x1024xi32>
    %slice3A_2156 = vector.extract_strided_slice %select_n3A_2138 {offsets = [0, 0], sizes = [16, 3072], strides = [1, 1]} : vector<16x4096xi32> to vector<16x3072xi32>
    %concatenate3A_2157 = tpu.concatenate %slice3A_2155, %slice3A_2156 in 1 : vector<16x1024xi32>, vector<16x3072xi32> -> vector<16x4096xi32>
    %select_n3A_2158 = arith.select %eq3A_2144, %concatenate3A_2154, %concatenate3A_2157 : vector<16x4096xi1>, vector<16x4096xi32>
    %gt3A_2159 = arith.cmpf ogt, %select_n3A_2137, %select_n3A_2151 : vector<16x4096xf32>
    %eq3A_2160 = arith.cmpf oeq, %select_n3A_2137, %select_n3A_2151 : vector<16x4096xf32>
    %lt3A_2161 = arith.cmpi slt, %select_n3A_2138, %select_n3A_2158 : vector<16x4096xi32>
    %and3A_2162 = arith.andi %eq3A_2160, %lt3A_2161 : vector<16x4096xi1>
    %or3A_2163 = arith.ori %gt3A_2159, %and3A_2162 : vector<16x4096xi1>
    %and3A_2164 = arith.constant 2048 : i32
    %and3A_2165 = vector.broadcast %and3A_2164 : i32 to vector<16x4096xi32>
    %and3A_2166 = arith.andi %iota3A, %and3A_2165 : vector<16x4096xi32>
    %eq3A_2167 = arith.constant 0 : i32
    %eq3A_2168 = vector.broadcast %eq3A_2167 : i32 to vector<16x4096xi32>
    %eq3A_2169 = arith.cmpi eq, %and3A_2166, %eq3A_2168 : vector<16x4096xi32>
    %eq3A_2170 = arith.xori %eq3A_2144, %eq3A_2169 : vector<16x4096xi1>
    %eq3A_2171 = arith.constant dense<true> : vector<16x4096xi1>
    %eq3A_2172 = arith.xori %eq3A_2170, %eq3A_2171 : vector<16x4096xi1>
    %eq3A_2173 = arith.xori %eq3A_2172, %or3A_2163 : vector<16x4096xi1>
    %eq3A_2174 = arith.constant dense<true> : vector<16x4096xi1>
    %eq3A_2175 = arith.xori %eq3A_2173, %eq3A_2174 : vector<16x4096xi1>
    %select_n3A_2176 = arith.select %eq3A_2175, %select_n3A_2137, %select_n3A_2151 : vector<16x4096xi1>, vector<16x4096xf32>
    %select_n3A_2177 = arith.select %eq3A_2175, %select_n3A_2138, %select_n3A_2158 : vector<16x4096xi1>, vector<16x4096xi32>
    %and3A_2178 = arith.constant 512 : i32
    %and3A_2179 = vector.broadcast %and3A_2178 : i32 to vector<16x4096xi32>
    %and3A_2180 = arith.andi %iota3A, %and3A_2179 : vector<16x4096xi32>
    %eq3A_2181 = arith.constant 0 : i32
    %eq3A_2182 = vector.broadcast %eq3A_2181 : i32 to vector<16x4096xi32>
    %eq3A_2183 = arith.cmpi eq, %and3A_2180, %eq3A_2182 : vector<16x4096xi32>
    %slice3A_2184 = vector.extract_strided_slice %select_n3A_2176 {offsets = [0, 512], sizes = [16, 3584], strides = [1, 1]} : vector<16x4096xf32> to vector<16x3584xf32>
    %slice3A_2185 = vector.extract_strided_slice %select_n3A_2176 {offsets = [0, 0], sizes = [16, 512], strides = [1, 1]} : vector<16x4096xf32> to vector<16x512xf32>
    %concatenate3A_2186 = tpu.concatenate %slice3A_2184, %slice3A_2185 in 1 : vector<16x3584xf32>, vector<16x512xf32> -> vector<16x4096xf32>
    %slice3A_2187 = vector.extract_strided_slice %select_n3A_2176 {offsets = [0, 3584], sizes = [16, 512], strides = [1, 1]} : vector<16x4096xf32> to vector<16x512xf32>
    %slice3A_2188 = vector.extract_strided_slice %select_n3A_2176 {offsets = [0, 0], sizes = [16, 3584], strides = [1, 1]} : vector<16x4096xf32> to vector<16x3584xf32>
    %concatenate3A_2189 = tpu.concatenate %slice3A_2187, %slice3A_2188 in 1 : vector<16x512xf32>, vector<16x3584xf32> -> vector<16x4096xf32>
    %select_n3A_2190 = arith.select %eq3A_2183, %concatenate3A_2186, %concatenate3A_2189 : vector<16x4096xi1>, vector<16x4096xf32>
    %slice3A_2191 = vector.extract_strided_slice %select_n3A_2177 {offsets = [0, 512], sizes = [16, 3584], strides = [1, 1]} : vector<16x4096xi32> to vector<16x3584xi32>
    %slice3A_2192 = vector.extract_strided_slice %select_n3A_2177 {offsets = [0, 0], sizes = [16, 512], strides = [1, 1]} : vector<16x4096xi32> to vector<16x512xi32>
    %concatenate3A_2193 = tpu.concatenate %slice3A_2191, %slice3A_2192 in 1 : vector<16x3584xi32>, vector<16x512xi32> -> vector<16x4096xi32>
    %slice3A_2194 = vector.extract_strided_slice %select_n3A_2177 {offsets = [0, 3584], sizes = [16, 512], strides = [1, 1]} : vector<16x4096xi32> to vector<16x512xi32>
    %slice3A_2195 = vector.extract_strided_slice %select_n3A_2177 {offsets = [0, 0], sizes = [16, 3584], strides = [1, 1]} : vector<16x4096xi32> to vector<16x3584xi32>
    %concatenate3A_2196 = tpu.concatenate %slice3A_2194, %slice3A_2195 in 1 : vector<16x512xi32>, vector<16x3584xi32> -> vector<16x4096xi32>
    %select_n3A_2197 = arith.select %eq3A_2183, %concatenate3A_2193, %concatenate3A_2196 : vector<16x4096xi1>, vector<16x4096xi32>
    %gt3A_2198 = arith.cmpf ogt, %select_n3A_2176, %select_n3A_2190 : vector<16x4096xf32>
    %eq3A_2199 = arith.cmpf oeq, %select_n3A_2176, %select_n3A_2190 : vector<16x4096xf32>
    %lt3A_2200 = arith.cmpi slt, %select_n3A_2177, %select_n3A_2197 : vector<16x4096xi32>
    %and3A_2201 = arith.andi %eq3A_2199, %lt3A_2200 : vector<16x4096xi1>
    %or3A_2202 = arith.ori %gt3A_2198, %and3A_2201 : vector<16x4096xi1>
    %and3A_2203 = arith.constant 2048 : i32
    %and3A_2204 = vector.broadcast %and3A_2203 : i32 to vector<16x4096xi32>
    %and3A_2205 = arith.andi %iota3A, %and3A_2204 : vector<16x4096xi32>
    %eq3A_2206 = arith.constant 0 : i32
    %eq3A_2207 = vector.broadcast %eq3A_2206 : i32 to vector<16x4096xi32>
    %eq3A_2208 = arith.cmpi eq, %and3A_2205, %eq3A_2207 : vector<16x4096xi32>
    %eq3A_2209 = arith.xori %eq3A_2183, %eq3A_2208 : vector<16x4096xi1>
    %eq3A_2210 = arith.constant dense<true> : vector<16x4096xi1>
    %eq3A_2211 = arith.xori %eq3A_2209, %eq3A_2210 : vector<16x4096xi1>
    %eq3A_2212 = arith.xori %eq3A_2211, %or3A_2202 : vector<16x4096xi1>
    %eq3A_2213 = arith.constant dense<true> : vector<16x4096xi1>
    %eq3A_2214 = arith.xori %eq3A_2212, %eq3A_2213 : vector<16x4096xi1>
    %select_n3A_2215 = arith.select %eq3A_2214, %select_n3A_2176, %select_n3A_2190 : vector<16x4096xi1>, vector<16x4096xf32>
    %select_n3A_2216 = arith.select %eq3A_2214, %select_n3A_2177, %select_n3A_2197 : vector<16x4096xi1>, vector<16x4096xi32>
    %and3A_2217 = arith.constant 256 : i32
    %and3A_2218 = vector.broadcast %and3A_2217 : i32 to vector<16x4096xi32>
    %and3A_2219 = arith.andi %iota3A, %and3A_2218 : vector<16x4096xi32>
    %eq3A_2220 = arith.constant 0 : i32
    %eq3A_2221 = vector.broadcast %eq3A_2220 : i32 to vector<16x4096xi32>
    %eq3A_2222 = arith.cmpi eq, %and3A_2219, %eq3A_2221 : vector<16x4096xi32>
    %slice3A_2223 = vector.extract_strided_slice %select_n3A_2215 {offsets = [0, 256], sizes = [16, 3840], strides = [1, 1]} : vector<16x4096xf32> to vector<16x3840xf32>
    %slice3A_2224 = vector.extract_strided_slice %select_n3A_2215 {offsets = [0, 0], sizes = [16, 256], strides = [1, 1]} : vector<16x4096xf32> to vector<16x256xf32>
    %concatenate3A_2225 = tpu.concatenate %slice3A_2223, %slice3A_2224 in 1 : vector<16x3840xf32>, vector<16x256xf32> -> vector<16x4096xf32>
    %slice3A_2226 = vector.extract_strided_slice %select_n3A_2215 {offsets = [0, 3840], sizes = [16, 256], strides = [1, 1]} : vector<16x4096xf32> to vector<16x256xf32>
    %slice3A_2227 = vector.extract_strided_slice %select_n3A_2215 {offsets = [0, 0], sizes = [16, 3840], strides = [1, 1]} : vector<16x4096xf32> to vector<16x3840xf32>
    %concatenate3A_2228 = tpu.concatenate %slice3A_2226, %slice3A_2227 in 1 : vector<16x256xf32>, vector<16x3840xf32> -> vector<16x4096xf32>
    %select_n3A_2229 = arith.select %eq3A_2222, %concatenate3A_2225, %concatenate3A_2228 : vector<16x4096xi1>, vector<16x4096xf32>
    %slice3A_2230 = vector.extract_strided_slice %select_n3A_2216 {offsets = [0, 256], sizes = [16, 3840], strides = [1, 1]} : vector<16x4096xi32> to vector<16x3840xi32>
    %slice3A_2231 = vector.extract_strided_slice %select_n3A_2216 {offsets = [0, 0], sizes = [16, 256], strides = [1, 1]} : vector<16x4096xi32> to vector<16x256xi32>
    %concatenate3A_2232 = tpu.concatenate %slice3A_2230, %slice3A_2231 in 1 : vector<16x3840xi32>, vector<16x256xi32> -> vector<16x4096xi32>
    %slice3A_2233 = vector.extract_strided_slice %select_n3A_2216 {offsets = [0, 3840], sizes = [16, 256], strides = [1, 1]} : vector<16x4096xi32> to vector<16x256xi32>
    %slice3A_2234 = vector.extract_strided_slice %select_n3A_2216 {offsets = [0, 0], sizes = [16, 3840], strides = [1, 1]} : vector<16x4096xi32> to vector<16x3840xi32>
    %concatenate3A_2235 = tpu.concatenate %slice3A_2233, %slice3A_2234 in 1 : vector<16x256xi32>, vector<16x3840xi32> -> vector<16x4096xi32>
    %select_n3A_2236 = arith.select %eq3A_2222, %concatenate3A_2232, %concatenate3A_2235 : vector<16x4096xi1>, vector<16x4096xi32>
    %gt3A_2237 = arith.cmpf ogt, %select_n3A_2215, %select_n3A_2229 : vector<16x4096xf32>
    %eq3A_2238 = arith.cmpf oeq, %select_n3A_2215, %select_n3A_2229 : vector<16x4096xf32>
    %lt3A_2239 = arith.cmpi slt, %select_n3A_2216, %select_n3A_2236 : vector<16x4096xi32>
    %and3A_2240 = arith.andi %eq3A_2238, %lt3A_2239 : vector<16x4096xi1>
    %or3A_2241 = arith.ori %gt3A_2237, %and3A_2240 : vector<16x4096xi1>
    %and3A_2242 = arith.constant 2048 : i32
    %and3A_2243 = vector.broadcast %and3A_2242 : i32 to vector<16x4096xi32>
    %and3A_2244 = arith.andi %iota3A, %and3A_2243 : vector<16x4096xi32>
    %eq3A_2245 = arith.constant 0 : i32
    %eq3A_2246 = vector.broadcast %eq3A_2245 : i32 to vector<16x4096xi32>
    %eq3A_2247 = arith.cmpi eq, %and3A_2244, %eq3A_2246 : vector<16x4096xi32>
    %eq3A_2248 = arith.xori %eq3A_2222, %eq3A_2247 : vector<16x4096xi1>
    %eq3A_2249 = arith.constant dense<true> : vector<16x4096xi1>
    %eq3A_2250 = arith.xori %eq3A_2248, %eq3A_2249 : vector<16x4096xi1>
    %eq3A_2251 = arith.xori %eq3A_2250, %or3A_2241 : vector<16x4096xi1>
    %eq3A_2252 = arith.constant dense<true> : vector<16x4096xi1>
    %eq3A_2253 = arith.xori %eq3A_2251, %eq3A_2252 : vector<16x4096xi1>
    %select_n3A_2254 = arith.select %eq3A_2253, %select_n3A_2215, %select_n3A_2229 : vector<16x4096xi1>, vector<16x4096xf32>
    %select_n3A_2255 = arith.select %eq3A_2253, %select_n3A_2216, %select_n3A_2236 : vector<16x4096xi1>, vector<16x4096xi32>
    %and3A_2256 = arith.constant 128 : i32
    %and3A_2257 = vector.broadcast %and3A_2256 : i32 to vector<16x4096xi32>
    %and3A_2258 = arith.andi %iota3A, %and3A_2257 : vector<16x4096xi32>
    %eq3A_2259 = arith.constant 0 : i32
    %eq3A_2260 = vector.broadcast %eq3A_2259 : i32 to vector<16x4096xi32>
    %eq3A_2261 = arith.cmpi eq, %and3A_2258, %eq3A_2260 : vector<16x4096xi32>
    %slice3A_2262 = vector.extract_strided_slice %select_n3A_2254 {offsets = [0, 128], sizes = [16, 3968], strides = [1, 1]} : vector<16x4096xf32> to vector<16x3968xf32>
    %slice3A_2263 = vector.extract_strided_slice %select_n3A_2254 {offsets = [0, 0], sizes = [16, 128], strides = [1, 1]} : vector<16x4096xf32> to vector<16x128xf32>
    %concatenate3A_2264 = tpu.concatenate %slice3A_2262, %slice3A_2263 in 1 : vector<16x3968xf32>, vector<16x128xf32> -> vector<16x4096xf32>
    %slice3A_2265 = vector.extract_strided_slice %select_n3A_2254 {offsets = [0, 3968], sizes = [16, 128], strides = [1, 1]} : vector<16x4096xf32> to vector<16x128xf32>
    %slice3A_2266 = vector.extract_strided_slice %select_n3A_2254 {offsets = [0, 0], sizes = [16, 3968], strides = [1, 1]} : vector<16x4096xf32> to vector<16x3968xf32>
    %concatenate3A_2267 = tpu.concatenate %slice3A_2265, %slice3A_2266 in 1 : vector<16x128xf32>, vector<16x3968xf32> -> vector<16x4096xf32>
    %select_n3A_2268 = arith.select %eq3A_2261, %concatenate3A_2264, %concatenate3A_2267 : vector<16x4096xi1>, vector<16x4096xf32>
    %slice3A_2269 = vector.extract_strided_slice %select_n3A_2255 {offsets = [0, 128], sizes = [16, 3968], strides = [1, 1]} : vector<16x4096xi32> to vector<16x3968xi32>
    %slice3A_2270 = vector.extract_strided_slice %select_n3A_2255 {offsets = [0, 0], sizes = [16, 128], strides = [1, 1]} : vector<16x4096xi32> to vector<16x128xi32>
    %concatenate3A_2271 = tpu.concatenate %slice3A_2269, %slice3A_2270 in 1 : vector<16x3968xi32>, vector<16x128xi32> -> vector<16x4096xi32>
    %slice3A_2272 = vector.extract_strided_slice %select_n3A_2255 {offsets = [0, 3968], sizes = [16, 128], strides = [1, 1]} : vector<16x4096xi32> to vector<16x128xi32>
    %slice3A_2273 = vector.extract_strided_slice %select_n3A_2255 {offsets = [0, 0], sizes = [16, 3968], strides = [1, 1]} : vector<16x4096xi32> to vector<16x3968xi32>
    %concatenate3A_2274 = tpu.concatenate %slice3A_2272, %slice3A_2273 in 1 : vector<16x128xi32>, vector<16x3968xi32> -> vector<16x4096xi32>
    %select_n3A_2275 = arith.select %eq3A_2261, %concatenate3A_2271, %concatenate3A_2274 : vector<16x4096xi1>, vector<16x4096xi32>
    %gt3A_2276 = arith.cmpf ogt, %select_n3A_2254, %select_n3A_2268 : vector<16x4096xf32>
    %eq3A_2277 = arith.cmpf oeq, %select_n3A_2254, %select_n3A_2268 : vector<16x4096xf32>
    %lt3A_2278 = arith.cmpi slt, %select_n3A_2255, %select_n3A_2275 : vector<16x4096xi32>
    %and3A_2279 = arith.andi %eq3A_2277, %lt3A_2278 : vector<16x4096xi1>
    %or3A_2280 = arith.ori %gt3A_2276, %and3A_2279 : vector<16x4096xi1>
    %and3A_2281 = arith.constant 2048 : i32
    %and3A_2282 = vector.broadcast %and3A_2281 : i32 to vector<16x4096xi32>
    %and3A_2283 = arith.andi %iota3A, %and3A_2282 : vector<16x4096xi32>
    %eq3A_2284 = arith.constant 0 : i32
    %eq3A_2285 = vector.broadcast %eq3A_2284 : i32 to vector<16x4096xi32>
    %eq3A_2286 = arith.cmpi eq, %and3A_2283, %eq3A_2285 : vector<16x4096xi32>
    %eq3A_2287 = arith.xori %eq3A_2261, %eq3A_2286 : vector<16x4096xi1>
    %eq3A_2288 = arith.constant dense<true> : vector<16x4096xi1>
    %eq3A_2289 = arith.xori %eq3A_2287, %eq3A_2288 : vector<16x4096xi1>
    %eq3A_2290 = arith.xori %eq3A_2289, %or3A_2280 : vector<16x4096xi1>
    %eq3A_2291 = arith.constant dense<true> : vector<16x4096xi1>
    %eq3A_2292 = arith.xori %eq3A_2290, %eq3A_2291 : vector<16x4096xi1>
    %select_n3A_2293 = arith.select %eq3A_2292, %select_n3A_2254, %select_n3A_2268 : vector<16x4096xi1>, vector<16x4096xf32>
    %select_n3A_2294 = arith.select %eq3A_2292, %select_n3A_2255, %select_n3A_2275 : vector<16x4096xi1>, vector<16x4096xi32>
    %and3A_2295 = arith.constant 64 : i32
    %and3A_2296 = vector.broadcast %and3A_2295 : i32 to vector<16x4096xi32>
    %and3A_2297 = arith.andi %iota3A, %and3A_2296 : vector<16x4096xi32>
    %eq3A_2298 = arith.constant 0 : i32
    %eq3A_2299 = vector.broadcast %eq3A_2298 : i32 to vector<16x4096xi32>
    %eq3A_2300 = arith.cmpi eq, %and3A_2297, %eq3A_2299 : vector<16x4096xi32>
    %slice3A_2301 = vector.extract_strided_slice %select_n3A_2293 {offsets = [0, 64], sizes = [16, 4032], strides = [1, 1]} : vector<16x4096xf32> to vector<16x4032xf32>
    %slice3A_2302 = vector.extract_strided_slice %select_n3A_2293 {offsets = [0, 0], sizes = [16, 64], strides = [1, 1]} : vector<16x4096xf32> to vector<16x64xf32>
    %concatenate3A_2303 = tpu.concatenate %slice3A_2301, %slice3A_2302 in 1 : vector<16x4032xf32>, vector<16x64xf32> -> vector<16x4096xf32>
    %slice3A_2304 = vector.extract_strided_slice %select_n3A_2293 {offsets = [0, 4032], sizes = [16, 64], strides = [1, 1]} : vector<16x4096xf32> to vector<16x64xf32>
    %slice3A_2305 = vector.extract_strided_slice %select_n3A_2293 {offsets = [0, 0], sizes = [16, 4032], strides = [1, 1]} : vector<16x4096xf32> to vector<16x4032xf32>
    %concatenate3A_2306 = tpu.concatenate %slice3A_2304, %slice3A_2305 in 1 : vector<16x64xf32>, vector<16x4032xf32> -> vector<16x4096xf32>
    %select_n3A_2307 = arith.select %eq3A_2300, %concatenate3A_2303, %concatenate3A_2306 : vector<16x4096xi1>, vector<16x4096xf32>
    %slice3A_2308 = vector.extract_strided_slice %select_n3A_2294 {offsets = [0, 64], sizes = [16, 4032], strides = [1, 1]} : vector<16x4096xi32> to vector<16x4032xi32>
    %slice3A_2309 = vector.extract_strided_slice %select_n3A_2294 {offsets = [0, 0], sizes = [16, 64], strides = [1, 1]} : vector<16x4096xi32> to vector<16x64xi32>
    %concatenate3A_2310 = tpu.concatenate %slice3A_2308, %slice3A_2309 in 1 : vector<16x4032xi32>, vector<16x64xi32> -> vector<16x4096xi32>
    %slice3A_2311 = vector.extract_strided_slice %select_n3A_2294 {offsets = [0, 4032], sizes = [16, 64], strides = [1, 1]} : vector<16x4096xi32> to vector<16x64xi32>
    %slice3A_2312 = vector.extract_strided_slice %select_n3A_2294 {offsets = [0, 0], sizes = [16, 4032], strides = [1, 1]} : vector<16x4096xi32> to vector<16x4032xi32>
    %concatenate3A_2313 = tpu.concatenate %slice3A_2311, %slice3A_2312 in 1 : vector<16x64xi32>, vector<16x4032xi32> -> vector<16x4096xi32>
    %select_n3A_2314 = arith.select %eq3A_2300, %concatenate3A_2310, %concatenate3A_2313 : vector<16x4096xi1>, vector<16x4096xi32>
    %gt3A_2315 = arith.cmpf ogt, %select_n3A_2293, %select_n3A_2307 : vector<16x4096xf32>
    %eq3A_2316 = arith.cmpf oeq, %select_n3A_2293, %select_n3A_2307 : vector<16x4096xf32>
    %lt3A_2317 = arith.cmpi slt, %select_n3A_2294, %select_n3A_2314 : vector<16x4096xi32>
    %and3A_2318 = arith.andi %eq3A_2316, %lt3A_2317 : vector<16x4096xi1>
    %or3A_2319 = arith.ori %gt3A_2315, %and3A_2318 : vector<16x4096xi1>
    %and3A_2320 = arith.constant 2048 : i32
    %and3A_2321 = vector.broadcast %and3A_2320 : i32 to vector<16x4096xi32>
    %and3A_2322 = arith.andi %iota3A, %and3A_2321 : vector<16x4096xi32>
    %eq3A_2323 = arith.constant 0 : i32
    %eq3A_2324 = vector.broadcast %eq3A_2323 : i32 to vector<16x4096xi32>
    %eq3A_2325 = arith.cmpi eq, %and3A_2322, %eq3A_2324 : vector<16x4096xi32>
    %eq3A_2326 = arith.xori %eq3A_2300, %eq3A_2325 : vector<16x4096xi1>
    %eq3A_2327 = arith.constant dense<true> : vector<16x4096xi1>
    %eq3A_2328 = arith.xori %eq3A_2326, %eq3A_2327 : vector<16x4096xi1>
    %eq3A_2329 = arith.xori %eq3A_2328, %or3A_2319 : vector<16x4096xi1>
    %eq3A_2330 = arith.constant dense<true> : vector<16x4096xi1>
    %eq3A_2331 = arith.xori %eq3A_2329, %eq3A_2330 : vector<16x4096xi1>
    %select_n3A_2332 = arith.select %eq3A_2331, %select_n3A_2293, %select_n3A_2307 : vector<16x4096xi1>, vector<16x4096xf32>
    %select_n3A_2333 = arith.select %eq3A_2331, %select_n3A_2294, %select_n3A_2314 : vector<16x4096xi1>, vector<16x4096xi32>
    %and3A_2334 = arith.constant 32 : i32
    %and3A_2335 = vector.broadcast %and3A_2334 : i32 to vector<16x4096xi32>
    %and3A_2336 = arith.andi %iota3A, %and3A_2335 : vector<16x4096xi32>
    %eq3A_2337 = arith.constant 0 : i32
    %eq3A_2338 = vector.broadcast %eq3A_2337 : i32 to vector<16x4096xi32>
    %eq3A_2339 = arith.cmpi eq, %and3A_2336, %eq3A_2338 : vector<16x4096xi32>
    %slice3A_2340 = vector.extract_strided_slice %select_n3A_2332 {offsets = [0, 32], sizes = [16, 4064], strides = [1, 1]} : vector<16x4096xf32> to vector<16x4064xf32>
    %slice3A_2341 = vector.extract_strided_slice %select_n3A_2332 {offsets = [0, 0], sizes = [16, 32], strides = [1, 1]} : vector<16x4096xf32> to vector<16x32xf32>
    %concatenate3A_2342 = tpu.concatenate %slice3A_2340, %slice3A_2341 in 1 : vector<16x4064xf32>, vector<16x32xf32> -> vector<16x4096xf32>
    %slice3A_2343 = vector.extract_strided_slice %select_n3A_2332 {offsets = [0, 4064], sizes = [16, 32], strides = [1, 1]} : vector<16x4096xf32> to vector<16x32xf32>
    %slice3A_2344 = vector.extract_strided_slice %select_n3A_2332 {offsets = [0, 0], sizes = [16, 4064], strides = [1, 1]} : vector<16x4096xf32> to vector<16x4064xf32>
    %concatenate3A_2345 = tpu.concatenate %slice3A_2343, %slice3A_2344 in 1 : vector<16x32xf32>, vector<16x4064xf32> -> vector<16x4096xf32>
    %select_n3A_2346 = arith.select %eq3A_2339, %concatenate3A_2342, %concatenate3A_2345 : vector<16x4096xi1>, vector<16x4096xf32>
    %slice3A_2347 = vector.extract_strided_slice %select_n3A_2333 {offsets = [0, 32], sizes = [16, 4064], strides = [1, 1]} : vector<16x4096xi32> to vector<16x4064xi32>
    %slice3A_2348 = vector.extract_strided_slice %select_n3A_2333 {offsets = [0, 0], sizes = [16, 32], strides = [1, 1]} : vector<16x4096xi32> to vector<16x32xi32>
    %concatenate3A_2349 = tpu.concatenate %slice3A_2347, %slice3A_2348 in 1 : vector<16x4064xi32>, vector<16x32xi32> -> vector<16x4096xi32>
    %slice3A_2350 = vector.extract_strided_slice %select_n3A_2333 {offsets = [0, 4064], sizes = [16, 32], strides = [1, 1]} : vector<16x4096xi32> to vector<16x32xi32>
    %slice3A_2351 = vector.extract_strided_slice %select_n3A_2333 {offsets = [0, 0], sizes = [16, 4064], strides = [1, 1]} : vector<16x4096xi32> to vector<16x4064xi32>
    %concatenate3A_2352 = tpu.concatenate %slice3A_2350, %slice3A_2351 in 1 : vector<16x32xi32>, vector<16x4064xi32> -> vector<16x4096xi32>
    %select_n3A_2353 = arith.select %eq3A_2339, %concatenate3A_2349, %concatenate3A_2352 : vector<16x4096xi1>, vector<16x4096xi32>
    %gt3A_2354 = arith.cmpf ogt, %select_n3A_2332, %select_n3A_2346 : vector<16x4096xf32>
    %eq3A_2355 = arith.cmpf oeq, %select_n3A_2332, %select_n3A_2346 : vector<16x4096xf32>
    %lt3A_2356 = arith.cmpi slt, %select_n3A_2333, %select_n3A_2353 : vector<16x4096xi32>
    %and3A_2357 = arith.andi %eq3A_2355, %lt3A_2356 : vector<16x4096xi1>
    %or3A_2358 = arith.ori %gt3A_2354, %and3A_2357 : vector<16x4096xi1>
    %and3A_2359 = arith.constant 2048 : i32
    %and3A_2360 = vector.broadcast %and3A_2359 : i32 to vector<16x4096xi32>
    %and3A_2361 = arith.andi %iota3A, %and3A_2360 : vector<16x4096xi32>
    %eq3A_2362 = arith.constant 0 : i32
    %eq3A_2363 = vector.broadcast %eq3A_2362 : i32 to vector<16x4096xi32>
    %eq3A_2364 = arith.cmpi eq, %and3A_2361, %eq3A_2363 : vector<16x4096xi32>
    %eq3A_2365 = arith.xori %eq3A_2339, %eq3A_2364 : vector<16x4096xi1>
    %eq3A_2366 = arith.constant dense<true> : vector<16x4096xi1>
    %eq3A_2367 = arith.xori %eq3A_2365, %eq3A_2366 : vector<16x4096xi1>
    %eq3A_2368 = arith.xori %eq3A_2367, %or3A_2358 : vector<16x4096xi1>
    %eq3A_2369 = arith.constant dense<true> : vector<16x4096xi1>
    %eq3A_2370 = arith.xori %eq3A_2368, %eq3A_2369 : vector<16x4096xi1>
    %select_n3A_2371 = arith.select %eq3A_2370, %select_n3A_2332, %select_n3A_2346 : vector<16x4096xi1>, vector<16x4096xf32>
    %select_n3A_2372 = arith.select %eq3A_2370, %select_n3A_2333, %select_n3A_2353 : vector<16x4096xi1>, vector<16x4096xi32>
    %and3A_2373 = arith.constant 16 : i32
    %and3A_2374 = vector.broadcast %and3A_2373 : i32 to vector<16x4096xi32>
    %and3A_2375 = arith.andi %iota3A, %and3A_2374 : vector<16x4096xi32>
    %eq3A_2376 = arith.constant 0 : i32
    %eq3A_2377 = vector.broadcast %eq3A_2376 : i32 to vector<16x4096xi32>
    %eq3A_2378 = arith.cmpi eq, %and3A_2375, %eq3A_2377 : vector<16x4096xi32>
    %slice3A_2379 = vector.extract_strided_slice %select_n3A_2371 {offsets = [0, 16], sizes = [16, 4080], strides = [1, 1]} : vector<16x4096xf32> to vector<16x4080xf32>
    %slice3A_2380 = vector.extract_strided_slice %select_n3A_2371 {offsets = [0, 0], sizes = [16, 16], strides = [1, 1]} : vector<16x4096xf32> to vector<16x16xf32>
    %concatenate3A_2381 = tpu.concatenate %slice3A_2379, %slice3A_2380 in 1 : vector<16x4080xf32>, vector<16x16xf32> -> vector<16x4096xf32>
    %slice3A_2382 = vector.extract_strided_slice %select_n3A_2371 {offsets = [0, 4080], sizes = [16, 16], strides = [1, 1]} : vector<16x4096xf32> to vector<16x16xf32>
    %slice3A_2383 = vector.extract_strided_slice %select_n3A_2371 {offsets = [0, 0], sizes = [16, 4080], strides = [1, 1]} : vector<16x4096xf32> to vector<16x4080xf32>
    %concatenate3A_2384 = tpu.concatenate %slice3A_2382, %slice3A_2383 in 1 : vector<16x16xf32>, vector<16x4080xf32> -> vector<16x4096xf32>
    %select_n3A_2385 = arith.select %eq3A_2378, %concatenate3A_2381, %concatenate3A_2384 : vector<16x4096xi1>, vector<16x4096xf32>
    %slice3A_2386 = vector.extract_strided_slice %select_n3A_2372 {offsets = [0, 16], sizes = [16, 4080], strides = [1, 1]} : vector<16x4096xi32> to vector<16x4080xi32>
    %slice3A_2387 = vector.extract_strided_slice %select_n3A_2372 {offsets = [0, 0], sizes = [16, 16], strides = [1, 1]} : vector<16x4096xi32> to vector<16x16xi32>
    %concatenate3A_2388 = tpu.concatenate %slice3A_2386, %slice3A_2387 in 1 : vector<16x4080xi32>, vector<16x16xi32> -> vector<16x4096xi32>
    %slice3A_2389 = vector.extract_strided_slice %select_n3A_2372 {offsets = [0, 4080], sizes = [16, 16], strides = [1, 1]} : vector<16x4096xi32> to vector<16x16xi32>
    %slice3A_2390 = vector.extract_strided_slice %select_n3A_2372 {offsets = [0, 0], sizes = [16, 4080], strides = [1, 1]} : vector<16x4096xi32> to vector<16x4080xi32>
    %concatenate3A_2391 = tpu.concatenate %slice3A_2389, %slice3A_2390 in 1 : vector<16x16xi32>, vector<16x4080xi32> -> vector<16x4096xi32>
    %select_n3A_2392 = arith.select %eq3A_2378, %concatenate3A_2388, %concatenate3A_2391 : vector<16x4096xi1>, vector<16x4096xi32>
    %gt3A_2393 = arith.cmpf ogt, %select_n3A_2371, %select_n3A_2385 : vector<16x4096xf32>
    %eq3A_2394 = arith.cmpf oeq, %select_n3A_2371, %select_n3A_2385 : vector<16x4096xf32>
    %lt3A_2395 = arith.cmpi slt, %select_n3A_2372, %select_n3A_2392 : vector<16x4096xi32>
    %and3A_2396 = arith.andi %eq3A_2394, %lt3A_2395 : vector<16x4096xi1>
    %or3A_2397 = arith.ori %gt3A_2393, %and3A_2396 : vector<16x4096xi1>
    %and3A_2398 = arith.constant 2048 : i32
    %and3A_2399 = vector.broadcast %and3A_2398 : i32 to vector<16x4096xi32>
    %and3A_2400 = arith.andi %iota3A, %and3A_2399 : vector<16x4096xi32>
    %eq3A_2401 = arith.constant 0 : i32
    %eq3A_2402 = vector.broadcast %eq3A_2401 : i32 to vector<16x4096xi32>
    %eq3A_2403 = arith.cmpi eq, %and3A_2400, %eq3A_2402 : vector<16x4096xi32>
    %eq3A_2404 = arith.xori %eq3A_2378, %eq3A_2403 : vector<16x4096xi1>
    %eq3A_2405 = arith.constant dense<true> : vector<16x4096xi1>
    %eq3A_2406 = arith.xori %eq3A_2404, %eq3A_2405 : vector<16x4096xi1>
    %eq3A_2407 = arith.xori %eq3A_2406, %or3A_2397 : vector<16x4096xi1>
    %eq3A_2408 = arith.constant dense<true> : vector<16x4096xi1>
    %eq3A_2409 = arith.xori %eq3A_2407, %eq3A_2408 : vector<16x4096xi1>
    %select_n3A_2410 = arith.select %eq3A_2409, %select_n3A_2371, %select_n3A_2385 : vector<16x4096xi1>, vector<16x4096xf32>
    %select_n3A_2411 = arith.select %eq3A_2409, %select_n3A_2372, %select_n3A_2392 : vector<16x4096xi1>, vector<16x4096xi32>
    %and3A_2412 = arith.constant 8 : i32
    %and3A_2413 = vector.broadcast %and3A_2412 : i32 to vector<16x4096xi32>
    %and3A_2414 = arith.andi %iota3A, %and3A_2413 : vector<16x4096xi32>
    %eq3A_2415 = arith.constant 0 : i32
    %eq3A_2416 = vector.broadcast %eq3A_2415 : i32 to vector<16x4096xi32>
    %eq3A_2417 = arith.cmpi eq, %and3A_2414, %eq3A_2416 : vector<16x4096xi32>
    %slice3A_2418 = vector.extract_strided_slice %select_n3A_2410 {offsets = [0, 8], sizes = [16, 4088], strides = [1, 1]} : vector<16x4096xf32> to vector<16x4088xf32>
    %slice3A_2419 = vector.extract_strided_slice %select_n3A_2410 {offsets = [0, 0], sizes = [16, 8], strides = [1, 1]} : vector<16x4096xf32> to vector<16x8xf32>
    %concatenate3A_2420 = tpu.concatenate %slice3A_2418, %slice3A_2419 in 1 : vector<16x4088xf32>, vector<16x8xf32> -> vector<16x4096xf32>
    %slice3A_2421 = vector.extract_strided_slice %select_n3A_2410 {offsets = [0, 4088], sizes = [16, 8], strides = [1, 1]} : vector<16x4096xf32> to vector<16x8xf32>
    %slice3A_2422 = vector.extract_strided_slice %select_n3A_2410 {offsets = [0, 0], sizes = [16, 4088], strides = [1, 1]} : vector<16x4096xf32> to vector<16x4088xf32>
    %concatenate3A_2423 = tpu.concatenate %slice3A_2421, %slice3A_2422 in 1 : vector<16x8xf32>, vector<16x4088xf32> -> vector<16x4096xf32>
    %select_n3A_2424 = arith.select %eq3A_2417, %concatenate3A_2420, %concatenate3A_2423 : vector<16x4096xi1>, vector<16x4096xf32>
    %slice3A_2425 = vector.extract_strided_slice %select_n3A_2411 {offsets = [0, 8], sizes = [16, 4088], strides = [1, 1]} : vector<16x4096xi32> to vector<16x4088xi32>
    %slice3A_2426 = vector.extract_strided_slice %select_n3A_2411 {offsets = [0, 0], sizes = [16, 8], strides = [1, 1]} : vector<16x4096xi32> to vector<16x8xi32>
    %concatenate3A_2427 = tpu.concatenate %slice3A_2425, %slice3A_2426 in 1 : vector<16x4088xi32>, vector<16x8xi32> -> vector<16x4096xi32>
    %slice3A_2428 = vector.extract_strided_slice %select_n3A_2411 {offsets = [0, 4088], sizes = [16, 8], strides = [1, 1]} : vector<16x4096xi32> to vector<16x8xi32>
    %slice3A_2429 = vector.extract_strided_slice %select_n3A_2411 {offsets = [0, 0], sizes = [16, 4088], strides = [1, 1]} : vector<16x4096xi32> to vector<16x4088xi32>
    %concatenate3A_2430 = tpu.concatenate %slice3A_2428, %slice3A_2429 in 1 : vector<16x8xi32>, vector<16x4088xi32> -> vector<16x4096xi32>
    %select_n3A_2431 = arith.select %eq3A_2417, %concatenate3A_2427, %concatenate3A_2430 : vector<16x4096xi1>, vector<16x4096xi32>
    %gt3A_2432 = arith.cmpf ogt, %select_n3A_2410, %select_n3A_2424 : vector<16x4096xf32>
    %eq3A_2433 = arith.cmpf oeq, %select_n3A_2410, %select_n3A_2424 : vector<16x4096xf32>
    %lt3A_2434 = arith.cmpi slt, %select_n3A_2411, %select_n3A_2431 : vector<16x4096xi32>
    %and3A_2435 = arith.andi %eq3A_2433, %lt3A_2434 : vector<16x4096xi1>
    %or3A_2436 = arith.ori %gt3A_2432, %and3A_2435 : vector<16x4096xi1>
    %and3A_2437 = arith.constant 2048 : i32
    %and3A_2438 = vector.broadcast %and3A_2437 : i32 to vector<16x4096xi32>
    %and3A_2439 = arith.andi %iota3A, %and3A_2438 : vector<16x4096xi32>
    %eq3A_2440 = arith.constant 0 : i32
    %eq3A_2441 = vector.broadcast %eq3A_2440 : i32 to vector<16x4096xi32>
    %eq3A_2442 = arith.cmpi eq, %and3A_2439, %eq3A_2441 : vector<16x4096xi32>
    %eq3A_2443 = arith.xori %eq3A_2417, %eq3A_2442 : vector<16x4096xi1>
    %eq3A_2444 = arith.constant dense<true> : vector<16x4096xi1>
    %eq3A_2445 = arith.xori %eq3A_2443, %eq3A_2444 : vector<16x4096xi1>
    %eq3A_2446 = arith.xori %eq3A_2445, %or3A_2436 : vector<16x4096xi1>
    %eq3A_2447 = arith.constant dense<true> : vector<16x4096xi1>
    %eq3A_2448 = arith.xori %eq3A_2446, %eq3A_2447 : vector<16x4096xi1>
    %select_n3A_2449 = arith.select %eq3A_2448, %select_n3A_2410, %select_n3A_2424 : vector<16x4096xi1>, vector<16x4096xf32>
    %select_n3A_2450 = arith.select %eq3A_2448, %select_n3A_2411, %select_n3A_2431 : vector<16x4096xi1>, vector<16x4096xi32>
    %and3A_2451 = arith.constant 4 : i32
    %and3A_2452 = vector.broadcast %and3A_2451 : i32 to vector<16x4096xi32>
    %and3A_2453 = arith.andi %iota3A, %and3A_2452 : vector<16x4096xi32>
    %eq3A_2454 = arith.constant 0 : i32
    %eq3A_2455 = vector.broadcast %eq3A_2454 : i32 to vector<16x4096xi32>
    %eq3A_2456 = arith.cmpi eq, %and3A_2453, %eq3A_2455 : vector<16x4096xi32>
    %slice3A_2457 = vector.extract_strided_slice %select_n3A_2449 {offsets = [0, 4], sizes = [16, 4092], strides = [1, 1]} : vector<16x4096xf32> to vector<16x4092xf32>
    %slice3A_2458 = vector.extract_strided_slice %select_n3A_2449 {offsets = [0, 0], sizes = [16, 4], strides = [1, 1]} : vector<16x4096xf32> to vector<16x4xf32>
    %concatenate3A_2459 = tpu.concatenate %slice3A_2457, %slice3A_2458 in 1 : vector<16x4092xf32>, vector<16x4xf32> -> vector<16x4096xf32>
    %slice3A_2460 = vector.extract_strided_slice %select_n3A_2449 {offsets = [0, 4092], sizes = [16, 4], strides = [1, 1]} : vector<16x4096xf32> to vector<16x4xf32>
    %slice3A_2461 = vector.extract_strided_slice %select_n3A_2449 {offsets = [0, 0], sizes = [16, 4092], strides = [1, 1]} : vector<16x4096xf32> to vector<16x4092xf32>
    %concatenate3A_2462 = tpu.concatenate %slice3A_2460, %slice3A_2461 in 1 : vector<16x4xf32>, vector<16x4092xf32> -> vector<16x4096xf32>
    %select_n3A_2463 = arith.select %eq3A_2456, %concatenate3A_2459, %concatenate3A_2462 : vector<16x4096xi1>, vector<16x4096xf32>
    %slice3A_2464 = vector.extract_strided_slice %select_n3A_2450 {offsets = [0, 4], sizes = [16, 4092], strides = [1, 1]} : vector<16x4096xi32> to vector<16x4092xi32>
    %slice3A_2465 = vector.extract_strided_slice %select_n3A_2450 {offsets = [0, 0], sizes = [16, 4], strides = [1, 1]} : vector<16x4096xi32> to vector<16x4xi32>
    %concatenate3A_2466 = tpu.concatenate %slice3A_2464, %slice3A_2465 in 1 : vector<16x4092xi32>, vector<16x4xi32> -> vector<16x4096xi32>
    %slice3A_2467 = vector.extract_strided_slice %select_n3A_2450 {offsets = [0, 4092], sizes = [16, 4], strides = [1, 1]} : vector<16x4096xi32> to vector<16x4xi32>
    %slice3A_2468 = vector.extract_strided_slice %select_n3A_2450 {offsets = [0, 0], sizes = [16, 4092], strides = [1, 1]} : vector<16x4096xi32> to vector<16x4092xi32>
    %concatenate3A_2469 = tpu.concatenate %slice3A_2467, %slice3A_2468 in 1 : vector<16x4xi32>, vector<16x4092xi32> -> vector<16x4096xi32>
    %select_n3A_2470 = arith.select %eq3A_2456, %concatenate3A_2466, %concatenate3A_2469 : vector<16x4096xi1>, vector<16x4096xi32>
    %gt3A_2471 = arith.cmpf ogt, %select_n3A_2449, %select_n3A_2463 : vector<16x4096xf32>
    %eq3A_2472 = arith.cmpf oeq, %select_n3A_2449, %select_n3A_2463 : vector<16x4096xf32>
    %lt3A_2473 = arith.cmpi slt, %select_n3A_2450, %select_n3A_2470 : vector<16x4096xi32>
    %and3A_2474 = arith.andi %eq3A_2472, %lt3A_2473 : vector<16x4096xi1>
    %or3A_2475 = arith.ori %gt3A_2471, %and3A_2474 : vector<16x4096xi1>
    %and3A_2476 = arith.constant 2048 : i32
    %and3A_2477 = vector.broadcast %and3A_2476 : i32 to vector<16x4096xi32>
    %and3A_2478 = arith.andi %iota3A, %and3A_2477 : vector<16x4096xi32>
    %eq3A_2479 = arith.constant 0 : i32
    %eq3A_2480 = vector.broadcast %eq3A_2479 : i32 to vector<16x4096xi32>
    %eq3A_2481 = arith.cmpi eq, %and3A_2478, %eq3A_2480 : vector<16x4096xi32>
    %eq3A_2482 = arith.xori %eq3A_2456, %eq3A_2481 : vector<16x4096xi1>
    %eq3A_2483 = arith.constant dense<true> : vector<16x4096xi1>
    %eq3A_2484 = arith.xori %eq3A_2482, %eq3A_2483 : vector<16x4096xi1>
    %eq3A_2485 = arith.xori %eq3A_2484, %or3A_2475 : vector<16x4096xi1>
    %eq3A_2486 = arith.constant dense<true> : vector<16x4096xi1>
    %eq3A_2487 = arith.xori %eq3A_2485, %eq3A_2486 : vector<16x4096xi1>
    %select_n3A_2488 = arith.select %eq3A_2487, %select_n3A_2449, %select_n3A_2463 : vector<16x4096xi1>, vector<16x4096xf32>
    %select_n3A_2489 = arith.select %eq3A_2487, %select_n3A_2450, %select_n3A_2470 : vector<16x4096xi1>, vector<16x4096xi32>
    %and3A_2490 = arith.constant 2 : i32
    %and3A_2491 = vector.broadcast %and3A_2490 : i32 to vector<16x4096xi32>
    %and3A_2492 = arith.andi %iota3A, %and3A_2491 : vector<16x4096xi32>
    %eq3A_2493 = arith.constant 0 : i32
    %eq3A_2494 = vector.broadcast %eq3A_2493 : i32 to vector<16x4096xi32>
    %eq3A_2495 = arith.cmpi eq, %and3A_2492, %eq3A_2494 : vector<16x4096xi32>
    %slice3A_2496 = vector.extract_strided_slice %select_n3A_2488 {offsets = [0, 2], sizes = [16, 4094], strides = [1, 1]} : vector<16x4096xf32> to vector<16x4094xf32>
    %slice3A_2497 = vector.extract_strided_slice %select_n3A_2488 {offsets = [0, 0], sizes = [16, 2], strides = [1, 1]} : vector<16x4096xf32> to vector<16x2xf32>
    %concatenate3A_2498 = tpu.concatenate %slice3A_2496, %slice3A_2497 in 1 : vector<16x4094xf32>, vector<16x2xf32> -> vector<16x4096xf32>
    %slice3A_2499 = vector.extract_strided_slice %select_n3A_2488 {offsets = [0, 4094], sizes = [16, 2], strides = [1, 1]} : vector<16x4096xf32> to vector<16x2xf32>
    %slice3A_2500 = vector.extract_strided_slice %select_n3A_2488 {offsets = [0, 0], sizes = [16, 4094], strides = [1, 1]} : vector<16x4096xf32> to vector<16x4094xf32>
    %concatenate3A_2501 = tpu.concatenate %slice3A_2499, %slice3A_2500 in 1 : vector<16x2xf32>, vector<16x4094xf32> -> vector<16x4096xf32>
    %select_n3A_2502 = arith.select %eq3A_2495, %concatenate3A_2498, %concatenate3A_2501 : vector<16x4096xi1>, vector<16x4096xf32>
    %slice3A_2503 = vector.extract_strided_slice %select_n3A_2489 {offsets = [0, 2], sizes = [16, 4094], strides = [1, 1]} : vector<16x4096xi32> to vector<16x4094xi32>
    %slice3A_2504 = vector.extract_strided_slice %select_n3A_2489 {offsets = [0, 0], sizes = [16, 2], strides = [1, 1]} : vector<16x4096xi32> to vector<16x2xi32>
    %concatenate3A_2505 = tpu.concatenate %slice3A_2503, %slice3A_2504 in 1 : vector<16x4094xi32>, vector<16x2xi32> -> vector<16x4096xi32>
    %slice3A_2506 = vector.extract_strided_slice %select_n3A_2489 {offsets = [0, 4094], sizes = [16, 2], strides = [1, 1]} : vector<16x4096xi32> to vector<16x2xi32>
    %slice3A_2507 = vector.extract_strided_slice %select_n3A_2489 {offsets = [0, 0], sizes = [16, 4094], strides = [1, 1]} : vector<16x4096xi32> to vector<16x4094xi32>
    %concatenate3A_2508 = tpu.concatenate %slice3A_2506, %slice3A_2507 in 1 : vector<16x2xi32>, vector<16x4094xi32> -> vector<16x4096xi32>
    %select_n3A_2509 = arith.select %eq3A_2495, %concatenate3A_2505, %concatenate3A_2508 : vector<16x4096xi1>, vector<16x4096xi32>
    %gt3A_2510 = arith.cmpf ogt, %select_n3A_2488, %select_n3A_2502 : vector<16x4096xf32>
    %eq3A_2511 = arith.cmpf oeq, %select_n3A_2488, %select_n3A_2502 : vector<16x4096xf32>
    %lt3A_2512 = arith.cmpi slt, %select_n3A_2489, %select_n3A_2509 : vector<16x4096xi32>
    %and3A_2513 = arith.andi %eq3A_2511, %lt3A_2512 : vector<16x4096xi1>
    %or3A_2514 = arith.ori %gt3A_2510, %and3A_2513 : vector<16x4096xi1>
    %and3A_2515 = arith.constant 2048 : i32
    %and3A_2516 = vector.broadcast %and3A_2515 : i32 to vector<16x4096xi32>
    %and3A_2517 = arith.andi %iota3A, %and3A_2516 : vector<16x4096xi32>
    %eq3A_2518 = arith.constant 0 : i32
    %eq3A_2519 = vector.broadcast %eq3A_2518 : i32 to vector<16x4096xi32>
    %eq3A_2520 = arith.cmpi eq, %and3A_2517, %eq3A_2519 : vector<16x4096xi32>
    %eq3A_2521 = arith.xori %eq3A_2495, %eq3A_2520 : vector<16x4096xi1>
    %eq3A_2522 = arith.constant dense<true> : vector<16x4096xi1>
    %eq3A_2523 = arith.xori %eq3A_2521, %eq3A_2522 : vector<16x4096xi1>
    %eq3A_2524 = arith.xori %eq3A_2523, %or3A_2514 : vector<16x4096xi1>
    %eq3A_2525 = arith.constant dense<true> : vector<16x4096xi1>
    %eq3A_2526 = arith.xori %eq3A_2524, %eq3A_2525 : vector<16x4096xi1>
    %select_n3A_2527 = arith.select %eq3A_2526, %select_n3A_2488, %select_n3A_2502 : vector<16x4096xi1>, vector<16x4096xf32>
    %select_n3A_2528 = arith.select %eq3A_2526, %select_n3A_2489, %select_n3A_2509 : vector<16x4096xi1>, vector<16x4096xi32>
    %and3A_2529 = arith.constant 1 : i32
    %and3A_2530 = vector.broadcast %and3A_2529 : i32 to vector<16x4096xi32>
    %and3A_2531 = arith.andi %iota3A, %and3A_2530 : vector<16x4096xi32>
    %eq3A_2532 = arith.constant 0 : i32
    %eq3A_2533 = vector.broadcast %eq3A_2532 : i32 to vector<16x4096xi32>
    %eq3A_2534 = arith.cmpi eq, %and3A_2531, %eq3A_2533 : vector<16x4096xi32>
    %slice3A_2535 = vector.extract_strided_slice %select_n3A_2527 {offsets = [0, 1], sizes = [16, 4095], strides = [1, 1]} : vector<16x4096xf32> to vector<16x4095xf32>
    %slice3A_2536 = vector.extract_strided_slice %select_n3A_2527 {offsets = [0, 0], sizes = [16, 1], strides = [1, 1]} : vector<16x4096xf32> to vector<16x1xf32>
    %concatenate3A_2537 = tpu.concatenate %slice3A_2535, %slice3A_2536 in 1 : vector<16x4095xf32>, vector<16x1xf32> -> vector<16x4096xf32>
    %slice3A_2538 = vector.extract_strided_slice %select_n3A_2527 {offsets = [0, 4095], sizes = [16, 1], strides = [1, 1]} : vector<16x4096xf32> to vector<16x1xf32>
    %slice3A_2539 = vector.extract_strided_slice %select_n3A_2527 {offsets = [0, 0], sizes = [16, 4095], strides = [1, 1]} : vector<16x4096xf32> to vector<16x4095xf32>
    %concatenate3A_2540 = tpu.concatenate %slice3A_2538, %slice3A_2539 in 1 : vector<16x1xf32>, vector<16x4095xf32> -> vector<16x4096xf32>
    %select_n3A_2541 = arith.select %eq3A_2534, %concatenate3A_2537, %concatenate3A_2540 : vector<16x4096xi1>, vector<16x4096xf32>
    %slice3A_2542 = vector.extract_strided_slice %select_n3A_2528 {offsets = [0, 1], sizes = [16, 4095], strides = [1, 1]} : vector<16x4096xi32> to vector<16x4095xi32>
    %slice3A_2543 = vector.extract_strided_slice %select_n3A_2528 {offsets = [0, 0], sizes = [16, 1], strides = [1, 1]} : vector<16x4096xi32> to vector<16x1xi32>
    %concatenate3A_2544 = tpu.concatenate %slice3A_2542, %slice3A_2543 in 1 : vector<16x4095xi32>, vector<16x1xi32> -> vector<16x4096xi32>
    %slice3A_2545 = vector.extract_strided_slice %select_n3A_2528 {offsets = [0, 4095], sizes = [16, 1], strides = [1, 1]} : vector<16x4096xi32> to vector<16x1xi32>
    %slice3A_2546 = vector.extract_strided_slice %select_n3A_2528 {offsets = [0, 0], sizes = [16, 4095], strides = [1, 1]} : vector<16x4096xi32> to vector<16x4095xi32>
    %concatenate3A_2547 = tpu.concatenate %slice3A_2545, %slice3A_2546 in 1 : vector<16x1xi32>, vector<16x4095xi32> -> vector<16x4096xi32>
    %select_n3A_2548 = arith.select %eq3A_2534, %concatenate3A_2544, %concatenate3A_2547 : vector<16x4096xi1>, vector<16x4096xi32>
    %gt3A_2549 = arith.cmpf ogt, %select_n3A_2527, %select_n3A_2541 : vector<16x4096xf32>
    %eq3A_2550 = arith.cmpf oeq, %select_n3A_2527, %select_n3A_2541 : vector<16x4096xf32>
    %lt3A_2551 = arith.cmpi slt, %select_n3A_2528, %select_n3A_2548 : vector<16x4096xi32>
    %and3A_2552 = arith.andi %eq3A_2550, %lt3A_2551 : vector<16x4096xi1>
    %or3A_2553 = arith.ori %gt3A_2549, %and3A_2552 : vector<16x4096xi1>
    %and3A_2554 = arith.constant 2048 : i32
    %and3A_2555 = vector.broadcast %and3A_2554 : i32 to vector<16x4096xi32>
    %and3A_2556 = arith.andi %iota3A, %and3A_2555 : vector<16x4096xi32>
    %eq3A_2557 = arith.constant 0 : i32
    %eq3A_2558 = vector.broadcast %eq3A_2557 : i32 to vector<16x4096xi32>
    %eq3A_2559 = arith.cmpi eq, %and3A_2556, %eq3A_2558 : vector<16x4096xi32>
    %eq3A_2560 = arith.xori %eq3A_2534, %eq3A_2559 : vector<16x4096xi1>
    %eq3A_2561 = arith.constant dense<true> : vector<16x4096xi1>
    %eq3A_2562 = arith.xori %eq3A_2560, %eq3A_2561 : vector<16x4096xi1>
    %eq3A_2563 = arith.xori %eq3A_2562, %or3A_2553 : vector<16x4096xi1>
    %eq3A_2564 = arith.constant dense<true> : vector<16x4096xi1>
    %eq3A_2565 = arith.xori %eq3A_2563, %eq3A_2564 : vector<16x4096xi1>
    %select_n3A_2566 = arith.select %eq3A_2565, %select_n3A_2527, %select_n3A_2541 : vector<16x4096xi1>, vector<16x4096xf32>
    %select_n3A_2567 = arith.select %eq3A_2565, %select_n3A_2528, %select_n3A_2548 : vector<16x4096xi1>, vector<16x4096xi32>
    %and3A_2568 = arith.constant 2048 : i32
    %and3A_2569 = vector.broadcast %and3A_2568 : i32 to vector<16x4096xi32>
    %and3A_2570 = arith.andi %iota3A, %and3A_2569 : vector<16x4096xi32>
    %eq3A_2571 = arith.constant 0 : i32
    %eq3A_2572 = vector.broadcast %eq3A_2571 : i32 to vector<16x4096xi32>
    %eq3A_2573 = arith.cmpi eq, %and3A_2570, %eq3A_2572 : vector<16x4096xi32>
    %slice3A_2574 = vector.extract_strided_slice %select_n3A_2566 {offsets = [0, 2048], sizes = [16, 2048], strides = [1, 1]} : vector<16x4096xf32> to vector<16x2048xf32>
    %slice3A_2575 = vector.extract_strided_slice %select_n3A_2566 {offsets = [0, 0], sizes = [16, 2048], strides = [1, 1]} : vector<16x4096xf32> to vector<16x2048xf32>
    %concatenate3A_2576 = tpu.concatenate %slice3A_2574, %slice3A_2575 in 1 : vector<16x2048xf32>, vector<16x2048xf32> -> vector<16x4096xf32>
    %slice3A_2577 = vector.extract_strided_slice %select_n3A_2566 {offsets = [0, 2048], sizes = [16, 2048], strides = [1, 1]} : vector<16x4096xf32> to vector<16x2048xf32>
    %slice3A_2578 = vector.extract_strided_slice %select_n3A_2566 {offsets = [0, 0], sizes = [16, 2048], strides = [1, 1]} : vector<16x4096xf32> to vector<16x2048xf32>
    %concatenate3A_2579 = tpu.concatenate %slice3A_2577, %slice3A_2578 in 1 : vector<16x2048xf32>, vector<16x2048xf32> -> vector<16x4096xf32>
    %select_n3A_2580 = arith.select %eq3A_2573, %concatenate3A_2576, %concatenate3A_2579 : vector<16x4096xi1>, vector<16x4096xf32>
    %slice3A_2581 = vector.extract_strided_slice %select_n3A_2567 {offsets = [0, 2048], sizes = [16, 2048], strides = [1, 1]} : vector<16x4096xi32> to vector<16x2048xi32>
    %slice3A_2582 = vector.extract_strided_slice %select_n3A_2567 {offsets = [0, 0], sizes = [16, 2048], strides = [1, 1]} : vector<16x4096xi32> to vector<16x2048xi32>
    %concatenate3A_2583 = tpu.concatenate %slice3A_2581, %slice3A_2582 in 1 : vector<16x2048xi32>, vector<16x2048xi32> -> vector<16x4096xi32>
    %slice3A_2584 = vector.extract_strided_slice %select_n3A_2567 {offsets = [0, 2048], sizes = [16, 2048], strides = [1, 1]} : vector<16x4096xi32> to vector<16x2048xi32>
    %slice3A_2585 = vector.extract_strided_slice %select_n3A_2567 {offsets = [0, 0], sizes = [16, 2048], strides = [1, 1]} : vector<16x4096xi32> to vector<16x2048xi32>
    %concatenate3A_2586 = tpu.concatenate %slice3A_2584, %slice3A_2585 in 1 : vector<16x2048xi32>, vector<16x2048xi32> -> vector<16x4096xi32>
    %select_n3A_2587 = arith.select %eq3A_2573, %concatenate3A_2583, %concatenate3A_2586 : vector<16x4096xi1>, vector<16x4096xi32>
    %gt3A_2588 = arith.cmpf ogt, %select_n3A_2566, %select_n3A_2580 : vector<16x4096xf32>
    %eq3A_2589 = arith.cmpf oeq, %select_n3A_2566, %select_n3A_2580 : vector<16x4096xf32>
    %lt3A_2590 = arith.cmpi slt, %select_n3A_2567, %select_n3A_2587 : vector<16x4096xi32>
    %and3A_2591 = arith.andi %eq3A_2589, %lt3A_2590 : vector<16x4096xi1>
    %or3A_2592 = arith.ori %gt3A_2588, %and3A_2591 : vector<16x4096xi1>
    %and3A_2593 = arith.constant 4096 : i32
    %and3A_2594 = vector.broadcast %and3A_2593 : i32 to vector<16x4096xi32>
    %and3A_2595 = arith.andi %iota3A, %and3A_2594 : vector<16x4096xi32>
    %eq3A_2596 = arith.constant 0 : i32
    %eq3A_2597 = vector.broadcast %eq3A_2596 : i32 to vector<16x4096xi32>
    %eq3A_2598 = arith.cmpi eq, %and3A_2595, %eq3A_2597 : vector<16x4096xi32>
    %eq3A_2599 = arith.xori %eq3A_2573, %eq3A_2598 : vector<16x4096xi1>
    %eq3A_2600 = arith.constant dense<true> : vector<16x4096xi1>
    %eq3A_2601 = arith.xori %eq3A_2599, %eq3A_2600 : vector<16x4096xi1>
    %eq3A_2602 = arith.xori %eq3A_2601, %or3A_2592 : vector<16x4096xi1>
    %eq3A_2603 = arith.constant dense<true> : vector<16x4096xi1>
    %eq3A_2604 = arith.xori %eq3A_2602, %eq3A_2603 : vector<16x4096xi1>
    %select_n3A_2605 = arith.select %eq3A_2604, %select_n3A_2566, %select_n3A_2580 : vector<16x4096xi1>, vector<16x4096xf32>
    %select_n3A_2606 = arith.select %eq3A_2604, %select_n3A_2567, %select_n3A_2587 : vector<16x4096xi1>, vector<16x4096xi32>
    %and3A_2607 = arith.constant 1024 : i32
    %and3A_2608 = vector.broadcast %and3A_2607 : i32 to vector<16x4096xi32>
    %and3A_2609 = arith.andi %iota3A, %and3A_2608 : vector<16x4096xi32>
    %eq3A_2610 = arith.constant 0 : i32
    %eq3A_2611 = vector.broadcast %eq3A_2610 : i32 to vector<16x4096xi32>
    %eq3A_2612 = arith.cmpi eq, %and3A_2609, %eq3A_2611 : vector<16x4096xi32>
    %slice3A_2613 = vector.extract_strided_slice %select_n3A_2605 {offsets = [0, 1024], sizes = [16, 3072], strides = [1, 1]} : vector<16x4096xf32> to vector<16x3072xf32>
    %slice3A_2614 = vector.extract_strided_slice %select_n3A_2605 {offsets = [0, 0], sizes = [16, 1024], strides = [1, 1]} : vector<16x4096xf32> to vector<16x1024xf32>
    %concatenate3A_2615 = tpu.concatenate %slice3A_2613, %slice3A_2614 in 1 : vector<16x3072xf32>, vector<16x1024xf32> -> vector<16x4096xf32>
    %slice3A_2616 = vector.extract_strided_slice %select_n3A_2605 {offsets = [0, 3072], sizes = [16, 1024], strides = [1, 1]} : vector<16x4096xf32> to vector<16x1024xf32>
    %slice3A_2617 = vector.extract_strided_slice %select_n3A_2605 {offsets = [0, 0], sizes = [16, 3072], strides = [1, 1]} : vector<16x4096xf32> to vector<16x3072xf32>
    %concatenate3A_2618 = tpu.concatenate %slice3A_2616, %slice3A_2617 in 1 : vector<16x1024xf32>, vector<16x3072xf32> -> vector<16x4096xf32>
    %select_n3A_2619 = arith.select %eq3A_2612, %concatenate3A_2615, %concatenate3A_2618 : vector<16x4096xi1>, vector<16x4096xf32>
    %slice3A_2620 = vector.extract_strided_slice %select_n3A_2606 {offsets = [0, 1024], sizes = [16, 3072], strides = [1, 1]} : vector<16x4096xi32> to vector<16x3072xi32>
    %slice3A_2621 = vector.extract_strided_slice %select_n3A_2606 {offsets = [0, 0], sizes = [16, 1024], strides = [1, 1]} : vector<16x4096xi32> to vector<16x1024xi32>
    %concatenate3A_2622 = tpu.concatenate %slice3A_2620, %slice3A_2621 in 1 : vector<16x3072xi32>, vector<16x1024xi32> -> vector<16x4096xi32>
    %slice3A_2623 = vector.extract_strided_slice %select_n3A_2606 {offsets = [0, 3072], sizes = [16, 1024], strides = [1, 1]} : vector<16x4096xi32> to vector<16x1024xi32>
    %slice3A_2624 = vector.extract_strided_slice %select_n3A_2606 {offsets = [0, 0], sizes = [16, 3072], strides = [1, 1]} : vector<16x4096xi32> to vector<16x3072xi32>
    %concatenate3A_2625 = tpu.concatenate %slice3A_2623, %slice3A_2624 in 1 : vector<16x1024xi32>, vector<16x3072xi32> -> vector<16x4096xi32>
    %select_n3A_2626 = arith.select %eq3A_2612, %concatenate3A_2622, %concatenate3A_2625 : vector<16x4096xi1>, vector<16x4096xi32>
    %gt3A_2627 = arith.cmpf ogt, %select_n3A_2605, %select_n3A_2619 : vector<16x4096xf32>
    %eq3A_2628 = arith.cmpf oeq, %select_n3A_2605, %select_n3A_2619 : vector<16x4096xf32>
    %lt3A_2629 = arith.cmpi slt, %select_n3A_2606, %select_n3A_2626 : vector<16x4096xi32>
    %and3A_2630 = arith.andi %eq3A_2628, %lt3A_2629 : vector<16x4096xi1>
    %or3A_2631 = arith.ori %gt3A_2627, %and3A_2630 : vector<16x4096xi1>
    %and3A_2632 = arith.constant 4096 : i32
    %and3A_2633 = vector.broadcast %and3A_2632 : i32 to vector<16x4096xi32>
    %and3A_2634 = arith.andi %iota3A, %and3A_2633 : vector<16x4096xi32>
    %eq3A_2635 = arith.constant 0 : i32
    %eq3A_2636 = vector.broadcast %eq3A_2635 : i32 to vector<16x4096xi32>
    %eq3A_2637 = arith.cmpi eq, %and3A_2634, %eq3A_2636 : vector<16x4096xi32>
    %eq3A_2638 = arith.xori %eq3A_2612, %eq3A_2637 : vector<16x4096xi1>
    %eq3A_2639 = arith.constant dense<true> : vector<16x4096xi1>
    %eq3A_2640 = arith.xori %eq3A_2638, %eq3A_2639 : vector<16x4096xi1>
    %eq3A_2641 = arith.xori %eq3A_2640, %or3A_2631 : vector<16x4096xi1>
    %eq3A_2642 = arith.constant dense<true> : vector<16x4096xi1>
    %eq3A_2643 = arith.xori %eq3A_2641, %eq3A_2642 : vector<16x4096xi1>
    %select_n3A_2644 = arith.select %eq3A_2643, %select_n3A_2605, %select_n3A_2619 : vector<16x4096xi1>, vector<16x4096xf32>
    %select_n3A_2645 = arith.select %eq3A_2643, %select_n3A_2606, %select_n3A_2626 : vector<16x4096xi1>, vector<16x4096xi32>
    %and3A_2646 = arith.constant 512 : i32
    %and3A_2647 = vector.broadcast %and3A_2646 : i32 to vector<16x4096xi32>
    %and3A_2648 = arith.andi %iota3A, %and3A_2647 : vector<16x4096xi32>
    %eq3A_2649 = arith.constant 0 : i32
    %eq3A_2650 = vector.broadcast %eq3A_2649 : i32 to vector<16x4096xi32>
    %eq3A_2651 = arith.cmpi eq, %and3A_2648, %eq3A_2650 : vector<16x4096xi32>
    %slice3A_2652 = vector.extract_strided_slice %select_n3A_2644 {offsets = [0, 512], sizes = [16, 3584], strides = [1, 1]} : vector<16x4096xf32> to vector<16x3584xf32>
    %slice3A_2653 = vector.extract_strided_slice %select_n3A_2644 {offsets = [0, 0], sizes = [16, 512], strides = [1, 1]} : vector<16x4096xf32> to vector<16x512xf32>
    %concatenate3A_2654 = tpu.concatenate %slice3A_2652, %slice3A_2653 in 1 : vector<16x3584xf32>, vector<16x512xf32> -> vector<16x4096xf32>
    %slice3A_2655 = vector.extract_strided_slice %select_n3A_2644 {offsets = [0, 3584], sizes = [16, 512], strides = [1, 1]} : vector<16x4096xf32> to vector<16x512xf32>
    %slice3A_2656 = vector.extract_strided_slice %select_n3A_2644 {offsets = [0, 0], sizes = [16, 3584], strides = [1, 1]} : vector<16x4096xf32> to vector<16x3584xf32>
    %concatenate3A_2657 = tpu.concatenate %slice3A_2655, %slice3A_2656 in 1 : vector<16x512xf32>, vector<16x3584xf32> -> vector<16x4096xf32>
    %select_n3A_2658 = arith.select %eq3A_2651, %concatenate3A_2654, %concatenate3A_2657 : vector<16x4096xi1>, vector<16x4096xf32>
    %slice3A_2659 = vector.extract_strided_slice %select_n3A_2645 {offsets = [0, 512], sizes = [16, 3584], strides = [1, 1]} : vector<16x4096xi32> to vector<16x3584xi32>
    %slice3A_2660 = vector.extract_strided_slice %select_n3A_2645 {offsets = [0, 0], sizes = [16, 512], strides = [1, 1]} : vector<16x4096xi32> to vector<16x512xi32>
    %concatenate3A_2661 = tpu.concatenate %slice3A_2659, %slice3A_2660 in 1 : vector<16x3584xi32>, vector<16x512xi32> -> vector<16x4096xi32>
    %slice3A_2662 = vector.extract_strided_slice %select_n3A_2645 {offsets = [0, 3584], sizes = [16, 512], strides = [1, 1]} : vector<16x4096xi32> to vector<16x512xi32>
    %slice3A_2663 = vector.extract_strided_slice %select_n3A_2645 {offsets = [0, 0], sizes = [16, 3584], strides = [1, 1]} : vector<16x4096xi32> to vector<16x3584xi32>
    %concatenate3A_2664 = tpu.concatenate %slice3A_2662, %slice3A_2663 in 1 : vector<16x512xi32>, vector<16x3584xi32> -> vector<16x4096xi32>
    %select_n3A_2665 = arith.select %eq3A_2651, %concatenate3A_2661, %concatenate3A_2664 : vector<16x4096xi1>, vector<16x4096xi32>
    %gt3A_2666 = arith.cmpf ogt, %select_n3A_2644, %select_n3A_2658 : vector<16x4096xf32>
    %eq3A_2667 = arith.cmpf oeq, %select_n3A_2644, %select_n3A_2658 : vector<16x4096xf32>
    %lt3A_2668 = arith.cmpi slt, %select_n3A_2645, %select_n3A_2665 : vector<16x4096xi32>
    %and3A_2669 = arith.andi %eq3A_2667, %lt3A_2668 : vector<16x4096xi1>
    %or3A_2670 = arith.ori %gt3A_2666, %and3A_2669 : vector<16x4096xi1>
    %and3A_2671 = arith.constant 4096 : i32
    %and3A_2672 = vector.broadcast %and3A_2671 : i32 to vector<16x4096xi32>
    %and3A_2673 = arith.andi %iota3A, %and3A_2672 : vector<16x4096xi32>
    %eq3A_2674 = arith.constant 0 : i32
    %eq3A_2675 = vector.broadcast %eq3A_2674 : i32 to vector<16x4096xi32>
    %eq3A_2676 = arith.cmpi eq, %and3A_2673, %eq3A_2675 : vector<16x4096xi32>
    %eq3A_2677 = arith.xori %eq3A_2651, %eq3A_2676 : vector<16x4096xi1>
    %eq3A_2678 = arith.constant dense<true> : vector<16x4096xi1>
    %eq3A_2679 = arith.xori %eq3A_2677, %eq3A_2678 : vector<16x4096xi1>
    %eq3A_2680 = arith.xori %eq3A_2679, %or3A_2670 : vector<16x4096xi1>
    %eq3A_2681 = arith.constant dense<true> : vector<16x4096xi1>
    %eq3A_2682 = arith.xori %eq3A_2680, %eq3A_2681 : vector<16x4096xi1>
    %select_n3A_2683 = arith.select %eq3A_2682, %select_n3A_2644, %select_n3A_2658 : vector<16x4096xi1>, vector<16x4096xf32>
    %select_n3A_2684 = arith.select %eq3A_2682, %select_n3A_2645, %select_n3A_2665 : vector<16x4096xi1>, vector<16x4096xi32>
    %and3A_2685 = arith.constant 256 : i32
    %and3A_2686 = vector.broadcast %and3A_2685 : i32 to vector<16x4096xi32>
    %and3A_2687 = arith.andi %iota3A, %and3A_2686 : vector<16x4096xi32>
    %eq3A_2688 = arith.constant 0 : i32
    %eq3A_2689 = vector.broadcast %eq3A_2688 : i32 to vector<16x4096xi32>
    %eq3A_2690 = arith.cmpi eq, %and3A_2687, %eq3A_2689 : vector<16x4096xi32>
    %slice3A_2691 = vector.extract_strided_slice %select_n3A_2683 {offsets = [0, 256], sizes = [16, 3840], strides = [1, 1]} : vector<16x4096xf32> to vector<16x3840xf32>
    %slice3A_2692 = vector.extract_strided_slice %select_n3A_2683 {offsets = [0, 0], sizes = [16, 256], strides = [1, 1]} : vector<16x4096xf32> to vector<16x256xf32>
    %concatenate3A_2693 = tpu.concatenate %slice3A_2691, %slice3A_2692 in 1 : vector<16x3840xf32>, vector<16x256xf32> -> vector<16x4096xf32>
    %slice3A_2694 = vector.extract_strided_slice %select_n3A_2683 {offsets = [0, 3840], sizes = [16, 256], strides = [1, 1]} : vector<16x4096xf32> to vector<16x256xf32>
    %slice3A_2695 = vector.extract_strided_slice %select_n3A_2683 {offsets = [0, 0], sizes = [16, 3840], strides = [1, 1]} : vector<16x4096xf32> to vector<16x3840xf32>
    %concatenate3A_2696 = tpu.concatenate %slice3A_2694, %slice3A_2695 in 1 : vector<16x256xf32>, vector<16x3840xf32> -> vector<16x4096xf32>
    %select_n3A_2697 = arith.select %eq3A_2690, %concatenate3A_2693, %concatenate3A_2696 : vector<16x4096xi1>, vector<16x4096xf32>
    %slice3A_2698 = vector.extract_strided_slice %select_n3A_2684 {offsets = [0, 256], sizes = [16, 3840], strides = [1, 1]} : vector<16x4096xi32> to vector<16x3840xi32>
    %slice3A_2699 = vector.extract_strided_slice %select_n3A_2684 {offsets = [0, 0], sizes = [16, 256], strides = [1, 1]} : vector<16x4096xi32> to vector<16x256xi32>
    %concatenate3A_2700 = tpu.concatenate %slice3A_2698, %slice3A_2699 in 1 : vector<16x3840xi32>, vector<16x256xi32> -> vector<16x4096xi32>
    %slice3A_2701 = vector.extract_strided_slice %select_n3A_2684 {offsets = [0, 3840], sizes = [16, 256], strides = [1, 1]} : vector<16x4096xi32> to vector<16x256xi32>
    %slice3A_2702 = vector.extract_strided_slice %select_n3A_2684 {offsets = [0, 0], sizes = [16, 3840], strides = [1, 1]} : vector<16x4096xi32> to vector<16x3840xi32>
    %concatenate3A_2703 = tpu.concatenate %slice3A_2701, %slice3A_2702 in 1 : vector<16x256xi32>, vector<16x3840xi32> -> vector<16x4096xi32>
    %select_n3A_2704 = arith.select %eq3A_2690, %concatenate3A_2700, %concatenate3A_2703 : vector<16x4096xi1>, vector<16x4096xi32>
    %gt3A_2705 = arith.cmpf ogt, %select_n3A_2683, %select_n3A_2697 : vector<16x4096xf32>
    %eq3A_2706 = arith.cmpf oeq, %select_n3A_2683, %select_n3A_2697 : vector<16x4096xf32>
    %lt3A_2707 = arith.cmpi slt, %select_n3A_2684, %select_n3A_2704 : vector<16x4096xi32>
    %and3A_2708 = arith.andi %eq3A_2706, %lt3A_2707 : vector<16x4096xi1>
    %or3A_2709 = arith.ori %gt3A_2705, %and3A_2708 : vector<16x4096xi1>
    %and3A_2710 = arith.constant 4096 : i32
    %and3A_2711 = vector.broadcast %and3A_2710 : i32 to vector<16x4096xi32>
    %and3A_2712 = arith.andi %iota3A, %and3A_2711 : vector<16x4096xi32>
    %eq3A_2713 = arith.constant 0 : i32
    %eq3A_2714 = vector.broadcast %eq3A_2713 : i32 to vector<16x4096xi32>
    %eq3A_2715 = arith.cmpi eq, %and3A_2712, %eq3A_2714 : vector<16x4096xi32>
    %eq3A_2716 = arith.xori %eq3A_2690, %eq3A_2715 : vector<16x4096xi1>
    %eq3A_2717 = arith.constant dense<true> : vector<16x4096xi1>
    %eq3A_2718 = arith.xori %eq3A_2716, %eq3A_2717 : vector<16x4096xi1>
    %eq3A_2719 = arith.xori %eq3A_2718, %or3A_2709 : vector<16x4096xi1>
    %eq3A_2720 = arith.constant dense<true> : vector<16x4096xi1>
    %eq3A_2721 = arith.xori %eq3A_2719, %eq3A_2720 : vector<16x4096xi1>
    %select_n3A_2722 = arith.select %eq3A_2721, %select_n3A_2683, %select_n3A_2697 : vector<16x4096xi1>, vector<16x4096xf32>
    %select_n3A_2723 = arith.select %eq3A_2721, %select_n3A_2684, %select_n3A_2704 : vector<16x4096xi1>, vector<16x4096xi32>
    %and3A_2724 = arith.constant 128 : i32
    %and3A_2725 = vector.broadcast %and3A_2724 : i32 to vector<16x4096xi32>
    %and3A_2726 = arith.andi %iota3A, %and3A_2725 : vector<16x4096xi32>
    %eq3A_2727 = arith.constant 0 : i32
    %eq3A_2728 = vector.broadcast %eq3A_2727 : i32 to vector<16x4096xi32>
    %eq3A_2729 = arith.cmpi eq, %and3A_2726, %eq3A_2728 : vector<16x4096xi32>
    %slice3A_2730 = vector.extract_strided_slice %select_n3A_2722 {offsets = [0, 128], sizes = [16, 3968], strides = [1, 1]} : vector<16x4096xf32> to vector<16x3968xf32>
    %slice3A_2731 = vector.extract_strided_slice %select_n3A_2722 {offsets = [0, 0], sizes = [16, 128], strides = [1, 1]} : vector<16x4096xf32> to vector<16x128xf32>
    %concatenate3A_2732 = tpu.concatenate %slice3A_2730, %slice3A_2731 in 1 : vector<16x3968xf32>, vector<16x128xf32> -> vector<16x4096xf32>
    %slice3A_2733 = vector.extract_strided_slice %select_n3A_2722 {offsets = [0, 3968], sizes = [16, 128], strides = [1, 1]} : vector<16x4096xf32> to vector<16x128xf32>
    %slice3A_2734 = vector.extract_strided_slice %select_n3A_2722 {offsets = [0, 0], sizes = [16, 3968], strides = [1, 1]} : vector<16x4096xf32> to vector<16x3968xf32>
    %concatenate3A_2735 = tpu.concatenate %slice3A_2733, %slice3A_2734 in 1 : vector<16x128xf32>, vector<16x3968xf32> -> vector<16x4096xf32>
    %select_n3A_2736 = arith.select %eq3A_2729, %concatenate3A_2732, %concatenate3A_2735 : vector<16x4096xi1>, vector<16x4096xf32>
    %slice3A_2737 = vector.extract_strided_slice %select_n3A_2723 {offsets = [0, 128], sizes = [16, 3968], strides = [1, 1]} : vector<16x4096xi32> to vector<16x3968xi32>
    %slice3A_2738 = vector.extract_strided_slice %select_n3A_2723 {offsets = [0, 0], sizes = [16, 128], strides = [1, 1]} : vector<16x4096xi32> to vector<16x128xi32>
    %concatenate3A_2739 = tpu.concatenate %slice3A_2737, %slice3A_2738 in 1 : vector<16x3968xi32>, vector<16x128xi32> -> vector<16x4096xi32>
    %slice3A_2740 = vector.extract_strided_slice %select_n3A_2723 {offsets = [0, 3968], sizes = [16, 128], strides = [1, 1]} : vector<16x4096xi32> to vector<16x128xi32>
    %slice3A_2741 = vector.extract_strided_slice %select_n3A_2723 {offsets = [0, 0], sizes = [16, 3968], strides = [1, 1]} : vector<16x4096xi32> to vector<16x3968xi32>
    %concatenate3A_2742 = tpu.concatenate %slice3A_2740, %slice3A_2741 in 1 : vector<16x128xi32>, vector<16x3968xi32> -> vector<16x4096xi32>
    %select_n3A_2743 = arith.select %eq3A_2729, %concatenate3A_2739, %concatenate3A_2742 : vector<16x4096xi1>, vector<16x4096xi32>
    %gt3A_2744 = arith.cmpf ogt, %select_n3A_2722, %select_n3A_2736 : vector<16x4096xf32>
    %eq3A_2745 = arith.cmpf oeq, %select_n3A_2722, %select_n3A_2736 : vector<16x4096xf32>
    %lt3A_2746 = arith.cmpi slt, %select_n3A_2723, %select_n3A_2743 : vector<16x4096xi32>
    %and3A_2747 = arith.andi %eq3A_2745, %lt3A_2746 : vector<16x4096xi1>
    %or3A_2748 = arith.ori %gt3A_2744, %and3A_2747 : vector<16x4096xi1>
    %and3A_2749 = arith.constant 4096 : i32
    %and3A_2750 = vector.broadcast %and3A_2749 : i32 to vector<16x4096xi32>
    %and3A_2751 = arith.andi %iota3A, %and3A_2750 : vector<16x4096xi32>
    %eq3A_2752 = arith.constant 0 : i32
    %eq3A_2753 = vector.broadcast %eq3A_2752 : i32 to vector<16x4096xi32>
    %eq3A_2754 = arith.cmpi eq, %and3A_2751, %eq3A_2753 : vector<16x4096xi32>
    %eq3A_2755 = arith.xori %eq3A_2729, %eq3A_2754 : vector<16x4096xi1>
    %eq3A_2756 = arith.constant dense<true> : vector<16x4096xi1>
    %eq3A_2757 = arith.xori %eq3A_2755, %eq3A_2756 : vector<16x4096xi1>
    %eq3A_2758 = arith.xori %eq3A_2757, %or3A_2748 : vector<16x4096xi1>
    %eq3A_2759 = arith.constant dense<true> : vector<16x4096xi1>
    %eq3A_2760 = arith.xori %eq3A_2758, %eq3A_2759 : vector<16x4096xi1>
    %select_n3A_2761 = arith.select %eq3A_2760, %select_n3A_2722, %select_n3A_2736 : vector<16x4096xi1>, vector<16x4096xf32>
    %select_n3A_2762 = arith.select %eq3A_2760, %select_n3A_2723, %select_n3A_2743 : vector<16x4096xi1>, vector<16x4096xi32>
    %and3A_2763 = arith.constant 64 : i32
    %and3A_2764 = vector.broadcast %and3A_2763 : i32 to vector<16x4096xi32>
    %and3A_2765 = arith.andi %iota3A, %and3A_2764 : vector<16x4096xi32>
    %eq3A_2766 = arith.constant 0 : i32
    %eq3A_2767 = vector.broadcast %eq3A_2766 : i32 to vector<16x4096xi32>
    %eq3A_2768 = arith.cmpi eq, %and3A_2765, %eq3A_2767 : vector<16x4096xi32>
    %slice3A_2769 = vector.extract_strided_slice %select_n3A_2761 {offsets = [0, 64], sizes = [16, 4032], strides = [1, 1]} : vector<16x4096xf32> to vector<16x4032xf32>
    %slice3A_2770 = vector.extract_strided_slice %select_n3A_2761 {offsets = [0, 0], sizes = [16, 64], strides = [1, 1]} : vector<16x4096xf32> to vector<16x64xf32>
    %concatenate3A_2771 = tpu.concatenate %slice3A_2769, %slice3A_2770 in 1 : vector<16x4032xf32>, vector<16x64xf32> -> vector<16x4096xf32>
    %slice3A_2772 = vector.extract_strided_slice %select_n3A_2761 {offsets = [0, 4032], sizes = [16, 64], strides = [1, 1]} : vector<16x4096xf32> to vector<16x64xf32>
    %slice3A_2773 = vector.extract_strided_slice %select_n3A_2761 {offsets = [0, 0], sizes = [16, 4032], strides = [1, 1]} : vector<16x4096xf32> to vector<16x4032xf32>
    %concatenate3A_2774 = tpu.concatenate %slice3A_2772, %slice3A_2773 in 1 : vector<16x64xf32>, vector<16x4032xf32> -> vector<16x4096xf32>
    %select_n3A_2775 = arith.select %eq3A_2768, %concatenate3A_2771, %concatenate3A_2774 : vector<16x4096xi1>, vector<16x4096xf32>
    %slice3A_2776 = vector.extract_strided_slice %select_n3A_2762 {offsets = [0, 64], sizes = [16, 4032], strides = [1, 1]} : vector<16x4096xi32> to vector<16x4032xi32>
    %slice3A_2777 = vector.extract_strided_slice %select_n3A_2762 {offsets = [0, 0], sizes = [16, 64], strides = [1, 1]} : vector<16x4096xi32> to vector<16x64xi32>
    %concatenate3A_2778 = tpu.concatenate %slice3A_2776, %slice3A_2777 in 1 : vector<16x4032xi32>, vector<16x64xi32> -> vector<16x4096xi32>
    %slice3A_2779 = vector.extract_strided_slice %select_n3A_2762 {offsets = [0, 4032], sizes = [16, 64], strides = [1, 1]} : vector<16x4096xi32> to vector<16x64xi32>
    %slice3A_2780 = vector.extract_strided_slice %select_n3A_2762 {offsets = [0, 0], sizes = [16, 4032], strides = [1, 1]} : vector<16x4096xi32> to vector<16x4032xi32>
    %concatenate3A_2781 = tpu.concatenate %slice3A_2779, %slice3A_2780 in 1 : vector<16x64xi32>, vector<16x4032xi32> -> vector<16x4096xi32>
    %select_n3A_2782 = arith.select %eq3A_2768, %concatenate3A_2778, %concatenate3A_2781 : vector<16x4096xi1>, vector<16x4096xi32>
    %gt3A_2783 = arith.cmpf ogt, %select_n3A_2761, %select_n3A_2775 : vector<16x4096xf32>
    %eq3A_2784 = arith.cmpf oeq, %select_n3A_2761, %select_n3A_2775 : vector<16x4096xf32>
    %lt3A_2785 = arith.cmpi slt, %select_n3A_2762, %select_n3A_2782 : vector<16x4096xi32>
    %and3A_2786 = arith.andi %eq3A_2784, %lt3A_2785 : vector<16x4096xi1>
    %or3A_2787 = arith.ori %gt3A_2783, %and3A_2786 : vector<16x4096xi1>
    %and3A_2788 = arith.constant 4096 : i32
    %and3A_2789 = vector.broadcast %and3A_2788 : i32 to vector<16x4096xi32>
    %and3A_2790 = arith.andi %iota3A, %and3A_2789 : vector<16x4096xi32>
    %eq3A_2791 = arith.constant 0 : i32
    %eq3A_2792 = vector.broadcast %eq3A_2791 : i32 to vector<16x4096xi32>
    %eq3A_2793 = arith.cmpi eq, %and3A_2790, %eq3A_2792 : vector<16x4096xi32>
    %eq3A_2794 = arith.xori %eq3A_2768, %eq3A_2793 : vector<16x4096xi1>
    %eq3A_2795 = arith.constant dense<true> : vector<16x4096xi1>
    %eq3A_2796 = arith.xori %eq3A_2794, %eq3A_2795 : vector<16x4096xi1>
    %eq3A_2797 = arith.xori %eq3A_2796, %or3A_2787 : vector<16x4096xi1>
    %eq3A_2798 = arith.constant dense<true> : vector<16x4096xi1>
    %eq3A_2799 = arith.xori %eq3A_2797, %eq3A_2798 : vector<16x4096xi1>
    %select_n3A_2800 = arith.select %eq3A_2799, %select_n3A_2761, %select_n3A_2775 : vector<16x4096xi1>, vector<16x4096xf32>
    %select_n3A_2801 = arith.select %eq3A_2799, %select_n3A_2762, %select_n3A_2782 : vector<16x4096xi1>, vector<16x4096xi32>
    %and3A_2802 = arith.constant 32 : i32
    %and3A_2803 = vector.broadcast %and3A_2802 : i32 to vector<16x4096xi32>
    %and3A_2804 = arith.andi %iota3A, %and3A_2803 : vector<16x4096xi32>
    %eq3A_2805 = arith.constant 0 : i32
    %eq3A_2806 = vector.broadcast %eq3A_2805 : i32 to vector<16x4096xi32>
    %eq3A_2807 = arith.cmpi eq, %and3A_2804, %eq3A_2806 : vector<16x4096xi32>
    %slice3A_2808 = vector.extract_strided_slice %select_n3A_2800 {offsets = [0, 32], sizes = [16, 4064], strides = [1, 1]} : vector<16x4096xf32> to vector<16x4064xf32>
    %slice3A_2809 = vector.extract_strided_slice %select_n3A_2800 {offsets = [0, 0], sizes = [16, 32], strides = [1, 1]} : vector<16x4096xf32> to vector<16x32xf32>
    %concatenate3A_2810 = tpu.concatenate %slice3A_2808, %slice3A_2809 in 1 : vector<16x4064xf32>, vector<16x32xf32> -> vector<16x4096xf32>
    %slice3A_2811 = vector.extract_strided_slice %select_n3A_2800 {offsets = [0, 4064], sizes = [16, 32], strides = [1, 1]} : vector<16x4096xf32> to vector<16x32xf32>
    %slice3A_2812 = vector.extract_strided_slice %select_n3A_2800 {offsets = [0, 0], sizes = [16, 4064], strides = [1, 1]} : vector<16x4096xf32> to vector<16x4064xf32>
    %concatenate3A_2813 = tpu.concatenate %slice3A_2811, %slice3A_2812 in 1 : vector<16x32xf32>, vector<16x4064xf32> -> vector<16x4096xf32>
    %select_n3A_2814 = arith.select %eq3A_2807, %concatenate3A_2810, %concatenate3A_2813 : vector<16x4096xi1>, vector<16x4096xf32>
    %slice3A_2815 = vector.extract_strided_slice %select_n3A_2801 {offsets = [0, 32], sizes = [16, 4064], strides = [1, 1]} : vector<16x4096xi32> to vector<16x4064xi32>
    %slice3A_2816 = vector.extract_strided_slice %select_n3A_2801 {offsets = [0, 0], sizes = [16, 32], strides = [1, 1]} : vector<16x4096xi32> to vector<16x32xi32>
    %concatenate3A_2817 = tpu.concatenate %slice3A_2815, %slice3A_2816 in 1 : vector<16x4064xi32>, vector<16x32xi32> -> vector<16x4096xi32>
    %slice3A_2818 = vector.extract_strided_slice %select_n3A_2801 {offsets = [0, 4064], sizes = [16, 32], strides = [1, 1]} : vector<16x4096xi32> to vector<16x32xi32>
    %slice3A_2819 = vector.extract_strided_slice %select_n3A_2801 {offsets = [0, 0], sizes = [16, 4064], strides = [1, 1]} : vector<16x4096xi32> to vector<16x4064xi32>
    %concatenate3A_2820 = tpu.concatenate %slice3A_2818, %slice3A_2819 in 1 : vector<16x32xi32>, vector<16x4064xi32> -> vector<16x4096xi32>
    %select_n3A_2821 = arith.select %eq3A_2807, %concatenate3A_2817, %concatenate3A_2820 : vector<16x4096xi1>, vector<16x4096xi32>
    %gt3A_2822 = arith.cmpf ogt, %select_n3A_2800, %select_n3A_2814 : vector<16x4096xf32>
    %eq3A_2823 = arith.cmpf oeq, %select_n3A_2800, %select_n3A_2814 : vector<16x4096xf32>
    %lt3A_2824 = arith.cmpi slt, %select_n3A_2801, %select_n3A_2821 : vector<16x4096xi32>
    %and3A_2825 = arith.andi %eq3A_2823, %lt3A_2824 : vector<16x4096xi1>
    %or3A_2826 = arith.ori %gt3A_2822, %and3A_2825 : vector<16x4096xi1>
    %and3A_2827 = arith.constant 4096 : i32
    %and3A_2828 = vector.broadcast %and3A_2827 : i32 to vector<16x4096xi32>
    %and3A_2829 = arith.andi %iota3A, %and3A_2828 : vector<16x4096xi32>
    %eq3A_2830 = arith.constant 0 : i32
    %eq3A_2831 = vector.broadcast %eq3A_2830 : i32 to vector<16x4096xi32>
    %eq3A_2832 = arith.cmpi eq, %and3A_2829, %eq3A_2831 : vector<16x4096xi32>
    %eq3A_2833 = arith.xori %eq3A_2807, %eq3A_2832 : vector<16x4096xi1>
    %eq3A_2834 = arith.constant dense<true> : vector<16x4096xi1>
    %eq3A_2835 = arith.xori %eq3A_2833, %eq3A_2834 : vector<16x4096xi1>
    %eq3A_2836 = arith.xori %eq3A_2835, %or3A_2826 : vector<16x4096xi1>
    %eq3A_2837 = arith.constant dense<true> : vector<16x4096xi1>
    %eq3A_2838 = arith.xori %eq3A_2836, %eq3A_2837 : vector<16x4096xi1>
    %select_n3A_2839 = arith.select %eq3A_2838, %select_n3A_2800, %select_n3A_2814 : vector<16x4096xi1>, vector<16x4096xf32>
    %select_n3A_2840 = arith.select %eq3A_2838, %select_n3A_2801, %select_n3A_2821 : vector<16x4096xi1>, vector<16x4096xi32>
    %and3A_2841 = arith.constant 16 : i32
    %and3A_2842 = vector.broadcast %and3A_2841 : i32 to vector<16x4096xi32>
    %and3A_2843 = arith.andi %iota3A, %and3A_2842 : vector<16x4096xi32>
    %eq3A_2844 = arith.constant 0 : i32
    %eq3A_2845 = vector.broadcast %eq3A_2844 : i32 to vector<16x4096xi32>
    %eq3A_2846 = arith.cmpi eq, %and3A_2843, %eq3A_2845 : vector<16x4096xi32>
    %slice3A_2847 = vector.extract_strided_slice %select_n3A_2839 {offsets = [0, 16], sizes = [16, 4080], strides = [1, 1]} : vector<16x4096xf32> to vector<16x4080xf32>
    %slice3A_2848 = vector.extract_strided_slice %select_n3A_2839 {offsets = [0, 0], sizes = [16, 16], strides = [1, 1]} : vector<16x4096xf32> to vector<16x16xf32>
    %concatenate3A_2849 = tpu.concatenate %slice3A_2847, %slice3A_2848 in 1 : vector<16x4080xf32>, vector<16x16xf32> -> vector<16x4096xf32>
    %slice3A_2850 = vector.extract_strided_slice %select_n3A_2839 {offsets = [0, 4080], sizes = [16, 16], strides = [1, 1]} : vector<16x4096xf32> to vector<16x16xf32>
    %slice3A_2851 = vector.extract_strided_slice %select_n3A_2839 {offsets = [0, 0], sizes = [16, 4080], strides = [1, 1]} : vector<16x4096xf32> to vector<16x4080xf32>
    %concatenate3A_2852 = tpu.concatenate %slice3A_2850, %slice3A_2851 in 1 : vector<16x16xf32>, vector<16x4080xf32> -> vector<16x4096xf32>
    %select_n3A_2853 = arith.select %eq3A_2846, %concatenate3A_2849, %concatenate3A_2852 : vector<16x4096xi1>, vector<16x4096xf32>
    %slice3A_2854 = vector.extract_strided_slice %select_n3A_2840 {offsets = [0, 16], sizes = [16, 4080], strides = [1, 1]} : vector<16x4096xi32> to vector<16x4080xi32>
    %slice3A_2855 = vector.extract_strided_slice %select_n3A_2840 {offsets = [0, 0], sizes = [16, 16], strides = [1, 1]} : vector<16x4096xi32> to vector<16x16xi32>
    %concatenate3A_2856 = tpu.concatenate %slice3A_2854, %slice3A_2855 in 1 : vector<16x4080xi32>, vector<16x16xi32> -> vector<16x4096xi32>
    %slice3A_2857 = vector.extract_strided_slice %select_n3A_2840 {offsets = [0, 4080], sizes = [16, 16], strides = [1, 1]} : vector<16x4096xi32> to vector<16x16xi32>
    %slice3A_2858 = vector.extract_strided_slice %select_n3A_2840 {offsets = [0, 0], sizes = [16, 4080], strides = [1, 1]} : vector<16x4096xi32> to vector<16x4080xi32>
    %concatenate3A_2859 = tpu.concatenate %slice3A_2857, %slice3A_2858 in 1 : vector<16x16xi32>, vector<16x4080xi32> -> vector<16x4096xi32>
    %select_n3A_2860 = arith.select %eq3A_2846, %concatenate3A_2856, %concatenate3A_2859 : vector<16x4096xi1>, vector<16x4096xi32>
    %gt3A_2861 = arith.cmpf ogt, %select_n3A_2839, %select_n3A_2853 : vector<16x4096xf32>
    %eq3A_2862 = arith.cmpf oeq, %select_n3A_2839, %select_n3A_2853 : vector<16x4096xf32>
    %lt3A_2863 = arith.cmpi slt, %select_n3A_2840, %select_n3A_2860 : vector<16x4096xi32>
    %and3A_2864 = arith.andi %eq3A_2862, %lt3A_2863 : vector<16x4096xi1>
    %or3A_2865 = arith.ori %gt3A_2861, %and3A_2864 : vector<16x4096xi1>
    %and3A_2866 = arith.constant 4096 : i32
    %and3A_2867 = vector.broadcast %and3A_2866 : i32 to vector<16x4096xi32>
    %and3A_2868 = arith.andi %iota3A, %and3A_2867 : vector<16x4096xi32>
    %eq3A_2869 = arith.constant 0 : i32
    %eq3A_2870 = vector.broadcast %eq3A_2869 : i32 to vector<16x4096xi32>
    %eq3A_2871 = arith.cmpi eq, %and3A_2868, %eq3A_2870 : vector<16x4096xi32>
    %eq3A_2872 = arith.xori %eq3A_2846, %eq3A_2871 : vector<16x4096xi1>
    %eq3A_2873 = arith.constant dense<true> : vector<16x4096xi1>
    %eq3A_2874 = arith.xori %eq3A_2872, %eq3A_2873 : vector<16x4096xi1>
    %eq3A_2875 = arith.xori %eq3A_2874, %or3A_2865 : vector<16x4096xi1>
    %eq3A_2876 = arith.constant dense<true> : vector<16x4096xi1>
    %eq3A_2877 = arith.xori %eq3A_2875, %eq3A_2876 : vector<16x4096xi1>
    %select_n3A_2878 = arith.select %eq3A_2877, %select_n3A_2839, %select_n3A_2853 : vector<16x4096xi1>, vector<16x4096xf32>
    %select_n3A_2879 = arith.select %eq3A_2877, %select_n3A_2840, %select_n3A_2860 : vector<16x4096xi1>, vector<16x4096xi32>
    %and3A_2880 = arith.constant 8 : i32
    %and3A_2881 = vector.broadcast %and3A_2880 : i32 to vector<16x4096xi32>
    %and3A_2882 = arith.andi %iota3A, %and3A_2881 : vector<16x4096xi32>
    %eq3A_2883 = arith.constant 0 : i32
    %eq3A_2884 = vector.broadcast %eq3A_2883 : i32 to vector<16x4096xi32>
    %eq3A_2885 = arith.cmpi eq, %and3A_2882, %eq3A_2884 : vector<16x4096xi32>
    %slice3A_2886 = vector.extract_strided_slice %select_n3A_2878 {offsets = [0, 8], sizes = [16, 4088], strides = [1, 1]} : vector<16x4096xf32> to vector<16x4088xf32>
    %slice3A_2887 = vector.extract_strided_slice %select_n3A_2878 {offsets = [0, 0], sizes = [16, 8], strides = [1, 1]} : vector<16x4096xf32> to vector<16x8xf32>
    %concatenate3A_2888 = tpu.concatenate %slice3A_2886, %slice3A_2887 in 1 : vector<16x4088xf32>, vector<16x8xf32> -> vector<16x4096xf32>
    %slice3A_2889 = vector.extract_strided_slice %select_n3A_2878 {offsets = [0, 4088], sizes = [16, 8], strides = [1, 1]} : vector<16x4096xf32> to vector<16x8xf32>
    %slice3A_2890 = vector.extract_strided_slice %select_n3A_2878 {offsets = [0, 0], sizes = [16, 4088], strides = [1, 1]} : vector<16x4096xf32> to vector<16x4088xf32>
    %concatenate3A_2891 = tpu.concatenate %slice3A_2889, %slice3A_2890 in 1 : vector<16x8xf32>, vector<16x4088xf32> -> vector<16x4096xf32>
    %select_n3A_2892 = arith.select %eq3A_2885, %concatenate3A_2888, %concatenate3A_2891 : vector<16x4096xi1>, vector<16x4096xf32>
    %slice3A_2893 = vector.extract_strided_slice %select_n3A_2879 {offsets = [0, 8], sizes = [16, 4088], strides = [1, 1]} : vector<16x4096xi32> to vector<16x4088xi32>
    %slice3A_2894 = vector.extract_strided_slice %select_n3A_2879 {offsets = [0, 0], sizes = [16, 8], strides = [1, 1]} : vector<16x4096xi32> to vector<16x8xi32>
    %concatenate3A_2895 = tpu.concatenate %slice3A_2893, %slice3A_2894 in 1 : vector<16x4088xi32>, vector<16x8xi32> -> vector<16x4096xi32>
    %slice3A_2896 = vector.extract_strided_slice %select_n3A_2879 {offsets = [0, 4088], sizes = [16, 8], strides = [1, 1]} : vector<16x4096xi32> to vector<16x8xi32>
    %slice3A_2897 = vector.extract_strided_slice %select_n3A_2879 {offsets = [0, 0], sizes = [16, 4088], strides = [1, 1]} : vector<16x4096xi32> to vector<16x4088xi32>
    %concatenate3A_2898 = tpu.concatenate %slice3A_2896, %slice3A_2897 in 1 : vector<16x8xi32>, vector<16x4088xi32> -> vector<16x4096xi32>
    %select_n3A_2899 = arith.select %eq3A_2885, %concatenate3A_2895, %concatenate3A_2898 : vector<16x4096xi1>, vector<16x4096xi32>
    %gt3A_2900 = arith.cmpf ogt, %select_n3A_2878, %select_n3A_2892 : vector<16x4096xf32>
    %eq3A_2901 = arith.cmpf oeq, %select_n3A_2878, %select_n3A_2892 : vector<16x4096xf32>
    %lt3A_2902 = arith.cmpi slt, %select_n3A_2879, %select_n3A_2899 : vector<16x4096xi32>
    %and3A_2903 = arith.andi %eq3A_2901, %lt3A_2902 : vector<16x4096xi1>
    %or3A_2904 = arith.ori %gt3A_2900, %and3A_2903 : vector<16x4096xi1>
    %and3A_2905 = arith.constant 4096 : i32
    %and3A_2906 = vector.broadcast %and3A_2905 : i32 to vector<16x4096xi32>
    %and3A_2907 = arith.andi %iota3A, %and3A_2906 : vector<16x4096xi32>
    %eq3A_2908 = arith.constant 0 : i32
    %eq3A_2909 = vector.broadcast %eq3A_2908 : i32 to vector<16x4096xi32>
    %eq3A_2910 = arith.cmpi eq, %and3A_2907, %eq3A_2909 : vector<16x4096xi32>
    %eq3A_2911 = arith.xori %eq3A_2885, %eq3A_2910 : vector<16x4096xi1>
    %eq3A_2912 = arith.constant dense<true> : vector<16x4096xi1>
    %eq3A_2913 = arith.xori %eq3A_2911, %eq3A_2912 : vector<16x4096xi1>
    %eq3A_2914 = arith.xori %eq3A_2913, %or3A_2904 : vector<16x4096xi1>
    %eq3A_2915 = arith.constant dense<true> : vector<16x4096xi1>
    %eq3A_2916 = arith.xori %eq3A_2914, %eq3A_2915 : vector<16x4096xi1>
    %select_n3A_2917 = arith.select %eq3A_2916, %select_n3A_2878, %select_n3A_2892 : vector<16x4096xi1>, vector<16x4096xf32>
    %select_n3A_2918 = arith.select %eq3A_2916, %select_n3A_2879, %select_n3A_2899 : vector<16x4096xi1>, vector<16x4096xi32>
    %and3A_2919 = arith.constant 4 : i32
    %and3A_2920 = vector.broadcast %and3A_2919 : i32 to vector<16x4096xi32>
    %and3A_2921 = arith.andi %iota3A, %and3A_2920 : vector<16x4096xi32>
    %eq3A_2922 = arith.constant 0 : i32
    %eq3A_2923 = vector.broadcast %eq3A_2922 : i32 to vector<16x4096xi32>
    %eq3A_2924 = arith.cmpi eq, %and3A_2921, %eq3A_2923 : vector<16x4096xi32>
    %slice3A_2925 = vector.extract_strided_slice %select_n3A_2917 {offsets = [0, 4], sizes = [16, 4092], strides = [1, 1]} : vector<16x4096xf32> to vector<16x4092xf32>
    %slice3A_2926 = vector.extract_strided_slice %select_n3A_2917 {offsets = [0, 0], sizes = [16, 4], strides = [1, 1]} : vector<16x4096xf32> to vector<16x4xf32>
    %concatenate3A_2927 = tpu.concatenate %slice3A_2925, %slice3A_2926 in 1 : vector<16x4092xf32>, vector<16x4xf32> -> vector<16x4096xf32>
    %slice3A_2928 = vector.extract_strided_slice %select_n3A_2917 {offsets = [0, 4092], sizes = [16, 4], strides = [1, 1]} : vector<16x4096xf32> to vector<16x4xf32>
    %slice3A_2929 = vector.extract_strided_slice %select_n3A_2917 {offsets = [0, 0], sizes = [16, 4092], strides = [1, 1]} : vector<16x4096xf32> to vector<16x4092xf32>
    %concatenate3A_2930 = tpu.concatenate %slice3A_2928, %slice3A_2929 in 1 : vector<16x4xf32>, vector<16x4092xf32> -> vector<16x4096xf32>
    %select_n3A_2931 = arith.select %eq3A_2924, %concatenate3A_2927, %concatenate3A_2930 : vector<16x4096xi1>, vector<16x4096xf32>
    %slice3A_2932 = vector.extract_strided_slice %select_n3A_2918 {offsets = [0, 4], sizes = [16, 4092], strides = [1, 1]} : vector<16x4096xi32> to vector<16x4092xi32>
    %slice3A_2933 = vector.extract_strided_slice %select_n3A_2918 {offsets = [0, 0], sizes = [16, 4], strides = [1, 1]} : vector<16x4096xi32> to vector<16x4xi32>
    %concatenate3A_2934 = tpu.concatenate %slice3A_2932, %slice3A_2933 in 1 : vector<16x4092xi32>, vector<16x4xi32> -> vector<16x4096xi32>
    %slice3A_2935 = vector.extract_strided_slice %select_n3A_2918 {offsets = [0, 4092], sizes = [16, 4], strides = [1, 1]} : vector<16x4096xi32> to vector<16x4xi32>
    %slice3A_2936 = vector.extract_strided_slice %select_n3A_2918 {offsets = [0, 0], sizes = [16, 4092], strides = [1, 1]} : vector<16x4096xi32> to vector<16x4092xi32>
    %concatenate3A_2937 = tpu.concatenate %slice3A_2935, %slice3A_2936 in 1 : vector<16x4xi32>, vector<16x4092xi32> -> vector<16x4096xi32>
    %select_n3A_2938 = arith.select %eq3A_2924, %concatenate3A_2934, %concatenate3A_2937 : vector<16x4096xi1>, vector<16x4096xi32>
    %gt3A_2939 = arith.cmpf ogt, %select_n3A_2917, %select_n3A_2931 : vector<16x4096xf32>
    %eq3A_2940 = arith.cmpf oeq, %select_n3A_2917, %select_n3A_2931 : vector<16x4096xf32>
    %lt3A_2941 = arith.cmpi slt, %select_n3A_2918, %select_n3A_2938 : vector<16x4096xi32>
    %and3A_2942 = arith.andi %eq3A_2940, %lt3A_2941 : vector<16x4096xi1>
    %or3A_2943 = arith.ori %gt3A_2939, %and3A_2942 : vector<16x4096xi1>
    %and3A_2944 = arith.constant 4096 : i32
    %and3A_2945 = vector.broadcast %and3A_2944 : i32 to vector<16x4096xi32>
    %and3A_2946 = arith.andi %iota3A, %and3A_2945 : vector<16x4096xi32>
    %eq3A_2947 = arith.constant 0 : i32
    %eq3A_2948 = vector.broadcast %eq3A_2947 : i32 to vector<16x4096xi32>
    %eq3A_2949 = arith.cmpi eq, %and3A_2946, %eq3A_2948 : vector<16x4096xi32>
    %eq3A_2950 = arith.xori %eq3A_2924, %eq3A_2949 : vector<16x4096xi1>
    %eq3A_2951 = arith.constant dense<true> : vector<16x4096xi1>
    %eq3A_2952 = arith.xori %eq3A_2950, %eq3A_2951 : vector<16x4096xi1>
    %eq3A_2953 = arith.xori %eq3A_2952, %or3A_2943 : vector<16x4096xi1>
    %eq3A_2954 = arith.constant dense<true> : vector<16x4096xi1>
    %eq3A_2955 = arith.xori %eq3A_2953, %eq3A_2954 : vector<16x4096xi1>
    %select_n3A_2956 = arith.select %eq3A_2955, %select_n3A_2917, %select_n3A_2931 : vector<16x4096xi1>, vector<16x4096xf32>
    %select_n3A_2957 = arith.select %eq3A_2955, %select_n3A_2918, %select_n3A_2938 : vector<16x4096xi1>, vector<16x4096xi32>
    %and3A_2958 = arith.constant 2 : i32
    %and3A_2959 = vector.broadcast %and3A_2958 : i32 to vector<16x4096xi32>
    %and3A_2960 = arith.andi %iota3A, %and3A_2959 : vector<16x4096xi32>
    %eq3A_2961 = arith.constant 0 : i32
    %eq3A_2962 = vector.broadcast %eq3A_2961 : i32 to vector<16x4096xi32>
    %eq3A_2963 = arith.cmpi eq, %and3A_2960, %eq3A_2962 : vector<16x4096xi32>
    %slice3A_2964 = vector.extract_strided_slice %select_n3A_2956 {offsets = [0, 2], sizes = [16, 4094], strides = [1, 1]} : vector<16x4096xf32> to vector<16x4094xf32>
    %slice3A_2965 = vector.extract_strided_slice %select_n3A_2956 {offsets = [0, 0], sizes = [16, 2], strides = [1, 1]} : vector<16x4096xf32> to vector<16x2xf32>
    %concatenate3A_2966 = tpu.concatenate %slice3A_2964, %slice3A_2965 in 1 : vector<16x4094xf32>, vector<16x2xf32> -> vector<16x4096xf32>
    %slice3A_2967 = vector.extract_strided_slice %select_n3A_2956 {offsets = [0, 4094], sizes = [16, 2], strides = [1, 1]} : vector<16x4096xf32> to vector<16x2xf32>
    %slice3A_2968 = vector.extract_strided_slice %select_n3A_2956 {offsets = [0, 0], sizes = [16, 4094], strides = [1, 1]} : vector<16x4096xf32> to vector<16x4094xf32>
    %concatenate3A_2969 = tpu.concatenate %slice3A_2967, %slice3A_2968 in 1 : vector<16x2xf32>, vector<16x4094xf32> -> vector<16x4096xf32>
    %select_n3A_2970 = arith.select %eq3A_2963, %concatenate3A_2966, %concatenate3A_2969 : vector<16x4096xi1>, vector<16x4096xf32>
    %slice3A_2971 = vector.extract_strided_slice %select_n3A_2957 {offsets = [0, 2], sizes = [16, 4094], strides = [1, 1]} : vector<16x4096xi32> to vector<16x4094xi32>
    %slice3A_2972 = vector.extract_strided_slice %select_n3A_2957 {offsets = [0, 0], sizes = [16, 2], strides = [1, 1]} : vector<16x4096xi32> to vector<16x2xi32>
    %concatenate3A_2973 = tpu.concatenate %slice3A_2971, %slice3A_2972 in 1 : vector<16x4094xi32>, vector<16x2xi32> -> vector<16x4096xi32>
    %slice3A_2974 = vector.extract_strided_slice %select_n3A_2957 {offsets = [0, 4094], sizes = [16, 2], strides = [1, 1]} : vector<16x4096xi32> to vector<16x2xi32>
    %slice3A_2975 = vector.extract_strided_slice %select_n3A_2957 {offsets = [0, 0], sizes = [16, 4094], strides = [1, 1]} : vector<16x4096xi32> to vector<16x4094xi32>
    %concatenate3A_2976 = tpu.concatenate %slice3A_2974, %slice3A_2975 in 1 : vector<16x2xi32>, vector<16x4094xi32> -> vector<16x4096xi32>
    %select_n3A_2977 = arith.select %eq3A_2963, %concatenate3A_2973, %concatenate3A_2976 : vector<16x4096xi1>, vector<16x4096xi32>
    %gt3A_2978 = arith.cmpf ogt, %select_n3A_2956, %select_n3A_2970 : vector<16x4096xf32>
    %eq3A_2979 = arith.cmpf oeq, %select_n3A_2956, %select_n3A_2970 : vector<16x4096xf32>
    %lt3A_2980 = arith.cmpi slt, %select_n3A_2957, %select_n3A_2977 : vector<16x4096xi32>
    %and3A_2981 = arith.andi %eq3A_2979, %lt3A_2980 : vector<16x4096xi1>
    %or3A_2982 = arith.ori %gt3A_2978, %and3A_2981 : vector<16x4096xi1>
    %and3A_2983 = arith.constant 4096 : i32
    %and3A_2984 = vector.broadcast %and3A_2983 : i32 to vector<16x4096xi32>
    %and3A_2985 = arith.andi %iota3A, %and3A_2984 : vector<16x4096xi32>
    %eq3A_2986 = arith.constant 0 : i32
    %eq3A_2987 = vector.broadcast %eq3A_2986 : i32 to vector<16x4096xi32>
    %eq3A_2988 = arith.cmpi eq, %and3A_2985, %eq3A_2987 : vector<16x4096xi32>
    %eq3A_2989 = arith.xori %eq3A_2963, %eq3A_2988 : vector<16x4096xi1>
    %eq3A_2990 = arith.constant dense<true> : vector<16x4096xi1>
    %eq3A_2991 = arith.xori %eq3A_2989, %eq3A_2990 : vector<16x4096xi1>
    %eq3A_2992 = arith.xori %eq3A_2991, %or3A_2982 : vector<16x4096xi1>
    %eq3A_2993 = arith.constant dense<true> : vector<16x4096xi1>
    %eq3A_2994 = arith.xori %eq3A_2992, %eq3A_2993 : vector<16x4096xi1>
    %select_n3A_2995 = arith.select %eq3A_2994, %select_n3A_2956, %select_n3A_2970 : vector<16x4096xi1>, vector<16x4096xf32>
    %select_n3A_2996 = arith.select %eq3A_2994, %select_n3A_2957, %select_n3A_2977 : vector<16x4096xi1>, vector<16x4096xi32>
    %and3A_2997 = arith.constant 1 : i32
    %and3A_2998 = vector.broadcast %and3A_2997 : i32 to vector<16x4096xi32>
    %and3A_2999 = arith.andi %iota3A, %and3A_2998 : vector<16x4096xi32>
    %eq3A_3000 = arith.constant 0 : i32
    %eq3A_3001 = vector.broadcast %eq3A_3000 : i32 to vector<16x4096xi32>
    %eq3A_3002 = arith.cmpi eq, %and3A_2999, %eq3A_3001 : vector<16x4096xi32>
    %slice3A_3003 = vector.extract_strided_slice %select_n3A_2995 {offsets = [0, 1], sizes = [16, 4095], strides = [1, 1]} : vector<16x4096xf32> to vector<16x4095xf32>
    %slice3A_3004 = vector.extract_strided_slice %select_n3A_2995 {offsets = [0, 0], sizes = [16, 1], strides = [1, 1]} : vector<16x4096xf32> to vector<16x1xf32>
    %concatenate3A_3005 = tpu.concatenate %slice3A_3003, %slice3A_3004 in 1 : vector<16x4095xf32>, vector<16x1xf32> -> vector<16x4096xf32>
    %slice3A_3006 = vector.extract_strided_slice %select_n3A_2995 {offsets = [0, 4095], sizes = [16, 1], strides = [1, 1]} : vector<16x4096xf32> to vector<16x1xf32>
    %slice3A_3007 = vector.extract_strided_slice %select_n3A_2995 {offsets = [0, 0], sizes = [16, 4095], strides = [1, 1]} : vector<16x4096xf32> to vector<16x4095xf32>
    %concatenate3A_3008 = tpu.concatenate %slice3A_3006, %slice3A_3007 in 1 : vector<16x1xf32>, vector<16x4095xf32> -> vector<16x4096xf32>
    %select_n3A_3009 = arith.select %eq3A_3002, %concatenate3A_3005, %concatenate3A_3008 : vector<16x4096xi1>, vector<16x4096xf32>
    %slice3A_3010 = vector.extract_strided_slice %select_n3A_2996 {offsets = [0, 1], sizes = [16, 4095], strides = [1, 1]} : vector<16x4096xi32> to vector<16x4095xi32>
    %slice3A_3011 = vector.extract_strided_slice %select_n3A_2996 {offsets = [0, 0], sizes = [16, 1], strides = [1, 1]} : vector<16x4096xi32> to vector<16x1xi32>
    %concatenate3A_3012 = tpu.concatenate %slice3A_3010, %slice3A_3011 in 1 : vector<16x4095xi32>, vector<16x1xi32> -> vector<16x4096xi32>
    %slice3A_3013 = vector.extract_strided_slice %select_n3A_2996 {offsets = [0, 4095], sizes = [16, 1], strides = [1, 1]} : vector<16x4096xi32> to vector<16x1xi32>
    %slice3A_3014 = vector.extract_strided_slice %select_n3A_2996 {offsets = [0, 0], sizes = [16, 4095], strides = [1, 1]} : vector<16x4096xi32> to vector<16x4095xi32>
    %concatenate3A_3015 = tpu.concatenate %slice3A_3013, %slice3A_3014 in 1 : vector<16x1xi32>, vector<16x4095xi32> -> vector<16x4096xi32>
    %select_n3A_3016 = arith.select %eq3A_3002, %concatenate3A_3012, %concatenate3A_3015 : vector<16x4096xi1>, vector<16x4096xi32>
    %gt3A_3017 = arith.cmpf ogt, %select_n3A_2995, %select_n3A_3009 : vector<16x4096xf32>
    %eq3A_3018 = arith.cmpf oeq, %select_n3A_2995, %select_n3A_3009 : vector<16x4096xf32>
    %lt3A_3019 = arith.cmpi slt, %select_n3A_2996, %select_n3A_3016 : vector<16x4096xi32>
    %and3A_3020 = arith.andi %eq3A_3018, %lt3A_3019 : vector<16x4096xi1>
    %or3A_3021 = arith.ori %gt3A_3017, %and3A_3020 : vector<16x4096xi1>
    %and3A_3022 = arith.constant 4096 : i32
    %and3A_3023 = vector.broadcast %and3A_3022 : i32 to vector<16x4096xi32>
    %and3A_3024 = arith.andi %iota3A, %and3A_3023 : vector<16x4096xi32>
    %eq3A_3025 = arith.constant 0 : i32
    %eq3A_3026 = vector.broadcast %eq3A_3025 : i32 to vector<16x4096xi32>
    %eq3A_3027 = arith.cmpi eq, %and3A_3024, %eq3A_3026 : vector<16x4096xi32>
    %eq3A_3028 = arith.xori %eq3A_3002, %eq3A_3027 : vector<16x4096xi1>
    %eq3A_3029 = arith.constant dense<true> : vector<16x4096xi1>
    %eq3A_3030 = arith.xori %eq3A_3028, %eq3A_3029 : vector<16x4096xi1>
    %eq3A_3031 = arith.xori %eq3A_3030, %or3A_3021 : vector<16x4096xi1>
    %eq3A_3032 = arith.constant dense<true> : vector<16x4096xi1>
    %eq3A_3033 = arith.xori %eq3A_3031, %eq3A_3032 : vector<16x4096xi1>
    %select_n3A_3034 = arith.select %eq3A_3033, %select_n3A_2996, %select_n3A_3016 : vector<16x4096xi1>, vector<16x4096xi32>
    %iota3A_3035 = tpu.iota {dimensions = array<i32: 0>} : vector<16x2048xi32>
    %mul3A = arith.constant 4096 : i32
    %mul3A_3036 = vector.broadcast %mul3A : i32 to vector<16x2048xi32>
    %mul3A_3037 = arith.muli %iota3A_3035, %mul3A_3036 : vector<16x2048xi32>
    %slice3A_3038 = vector.extract_strided_slice %select_n3A_3034 {offsets = [0, 0], sizes = [16, 2048], strides = [1, 1]} : vector<16x4096xi32> to vector<16x2048xi32>
    %add3A = arith.addi %slice3A_3038, %mul3A_3037 : vector<16x2048xi32>
    %swap3A = arith.constant 0 : index
    %swap3A_3039 = arith.constant 0 : index
    %swap3A_3040 = vector.load %arg1[%swap3A, %swap3A_3039] : memref<16x2048xi32, #tpu.memory_space<vmem>>, vector<16x2048xi32>
    tpu.vector_store %arg1[%swap3A, %swap3A_3039], %add3A {strides = array<i32>} : memref<16x2048xi32, #tpu.memory_space<vmem>>, vector<16x2048xi32>,
    return
  }
}

module attributes {stable_mosaic.version = 14 : i64} {
  func.func @_score_body(%arg0: i32, %arg1: memref<4096x512xf32, #tpu.memory_space<vmem>>, %arg2: memref<512x1024xf32, #tpu.memory_space<vmem>>, %arg3: memref<1x1024xf32, #tpu.memory_space<vmem>>, %arg4: memref<1x1024xf32, #tpu.memory_space<vmem>>, %arg5: memref<1x1xf32, #tpu.memory_space<vmem>>, %arg6: memref<1x4096xf32, #tpu.memory_space<vmem>>) attributes {dimension_semantics = [#tpu.dimension_semantics<arbitrary>], iteration_bounds = array<i64: 16>, scalar_prefetch = 0 : i64, scratch_operands = 0 : i64, tpu.core_type = #tpu.core_type<tc>, window_params = [{transform_indices = @transform_0, window_bounds = array<i64: 4096, 512>}, {pipeline_mode = #tpu.pipeline_mode<synchronous>, transform_indices = @transform_1, window_bounds = array<i64: 512, 1024>}, {pipeline_mode = #tpu.pipeline_mode<synchronous>, transform_indices = @transform_2, window_bounds = array<i64: 1, 1024>}, {pipeline_mode = #tpu.pipeline_mode<synchronous>, transform_indices = @transform_3, window_bounds = array<i64: 1, 1024>}, {pipeline_mode = #tpu.pipeline_mode<synchronous>, transform_indices = @transform_4, window_bounds = array<i64: 1, 1>}, {transform_indices = @transform_5, window_bounds = array<i64: 1, 4096>}]} {
    %get3A = arith.constant 0 : index
    %get3A_0 = arith.constant 0 : index
    %get3A_1 = vector.load %arg1[%get3A, %get3A_0] : memref<4096x512xf32, #tpu.memory_space<vmem>>, vector<4096x512xf32>
    %get3A_2 = arith.constant 0 : index
    %get3A_3 = arith.constant 0 : index
    %get3A_4 = vector.load %arg2[%get3A_2, %get3A_3] : memref<512x1024xf32, #tpu.memory_space<vmem>>, vector<512x1024xf32>
    %dot_general3A = arith.constant dense<0.000000e+00> : vector<4096x1024xf32>
    %dot_general3A_5 = tpu.matmul %get3A_1, %get3A_4, %dot_general3A {dimension_numbers = #tpu.dot_dimension_numbers<[1], [0], [0], [1], [0, 0, 1, 1], [], []>, transpose_lhs_hint = false} : vector<4096x512xf32>, vector<512x1024xf32>, vector<4096x1024xf32> -> vector<4096x1024xf32>
    %get3A_6 = arith.constant 0 : index
    %get3A_7 = arith.constant 0 : index
    %get3A_8 = vector.load %arg3[%get3A_6, %get3A_7] : memref<1x1024xf32, #tpu.memory_space<vmem>>, vector<1x1024xf32>
    %add3A = vector.broadcast %get3A_8 : vector<1x1024xf32> to vector<4096x1024xf32>
    %add3A_9 = arith.addf %dot_general3A_5, %add3A : vector<4096x1024xf32>
    %ge3A = arith.constant 0.000000e+00 : f32
    %ge3A_10 = vector.broadcast %ge3A : f32 to vector<4096x1024xf32>
    %ge3A_11 = arith.cmpf oge, %add3A_9, %ge3A_10 : vector<4096x1024xf32>
    %mul3A = arith.constant 2.000000e-01 : f32
    %mul3A_12 = vector.broadcast %mul3A : f32 to vector<4096x1024xf32>
    %mul3A_13 = arith.mulf %mul3A_12, %add3A_9 : vector<4096x1024xf32>
    %select_n3A = arith.select %ge3A_11, %add3A_9, %mul3A_13 : vector<4096x1024xi1>, vector<4096x1024xf32>
    %get3A_14 = arith.constant 0 : index
    %get3A_15 = arith.constant 0 : index
    %get3A_16 = vector.load %arg4[%get3A_14, %get3A_15] : memref<1x1024xf32, #tpu.memory_space<vmem>>, vector<1x1024xf32>
    %slice3A = vector.extract_strided_slice %get3A_16 {offsets = [0, 0], sizes = [1, 128], strides = [1, 1]} : vector<1x1024xf32> to vector<1x128xf32>
    %slice3A_17 = vector.extract_strided_slice %select_n3A {offsets = [0, 0], sizes = [4096, 128], strides = [1, 1]} : vector<4096x1024xf32> to vector<4096x128xf32>
    %dot_general3A_18 = arith.constant dense<0.000000e+00> : vector<1x4096xf32>
    %dot_general3A_19 = tpu.matmul %slice3A, %slice3A_17, %dot_general3A_18 {dimension_numbers = #tpu.dot_dimension_numbers<[1], [1], [0], [0], [0, 0, 1, 0], [], []>, transpose_lhs_hint = false} : vector<1x128xf32>, vector<4096x128xf32>, vector<1x4096xf32> -> vector<1x4096xf32>
    %slice3A_20 = vector.extract_strided_slice %get3A_16 {offsets = [0, 128], sizes = [1, 128], strides = [1, 1]} : vector<1x1024xf32> to vector<1x128xf32>
    %slice3A_21 = vector.extract_strided_slice %select_n3A {offsets = [0, 128], sizes = [4096, 128], strides = [1, 1]} : vector<4096x1024xf32> to vector<4096x128xf32>
    %dot_general3A_22 = arith.constant dense<0.000000e+00> : vector<1x4096xf32>
    %dot_general3A_23 = tpu.matmul %slice3A_20, %slice3A_21, %dot_general3A_22 {dimension_numbers = #tpu.dot_dimension_numbers<[1], [1], [0], [0], [0, 0, 1, 0], [], []>, transpose_lhs_hint = false} : vector<1x128xf32>, vector<4096x128xf32>, vector<1x4096xf32> -> vector<1x4096xf32>
    %add3A_24 = arith.addf %dot_general3A_19, %dot_general3A_23 : vector<1x4096xf32>
    %slice3A_25 = vector.extract_strided_slice %get3A_16 {offsets = [0, 256], sizes = [1, 128], strides = [1, 1]} : vector<1x1024xf32> to vector<1x128xf32>
    %slice3A_26 = vector.extract_strided_slice %select_n3A {offsets = [0, 256], sizes = [4096, 128], strides = [1, 1]} : vector<4096x1024xf32> to vector<4096x128xf32>
    %dot_general3A_27 = arith.constant dense<0.000000e+00> : vector<1x4096xf32>
    %dot_general3A_28 = tpu.matmul %slice3A_25, %slice3A_26, %dot_general3A_27 {dimension_numbers = #tpu.dot_dimension_numbers<[1], [1], [0], [0], [0, 0, 1, 0], [], []>, transpose_lhs_hint = false} : vector<1x128xf32>, vector<4096x128xf32>, vector<1x4096xf32> -> vector<1x4096xf32>
    %add3A_29 = arith.addf %add3A_24, %dot_general3A_28 : vector<1x4096xf32>
    %slice3A_30 = vector.extract_strided_slice %get3A_16 {offsets = [0, 384], sizes = [1, 128], strides = [1, 1]} : vector<1x1024xf32> to vector<1x128xf32>
    %slice3A_31 = vector.extract_strided_slice %select_n3A {offsets = [0, 384], sizes = [4096, 128], strides = [1, 1]} : vector<4096x1024xf32> to vector<4096x128xf32>
    %dot_general3A_32 = arith.constant dense<0.000000e+00> : vector<1x4096xf32>
    %dot_general3A_33 = tpu.matmul %slice3A_30, %slice3A_31, %dot_general3A_32 {dimension_numbers = #tpu.dot_dimension_numbers<[1], [1], [0], [0], [0, 0, 1, 0], [], []>, transpose_lhs_hint = false} : vector<1x128xf32>, vector<4096x128xf32>, vector<1x4096xf32> -> vector<1x4096xf32>
    %add3A_34 = arith.addf %add3A_29, %dot_general3A_33 : vector<1x4096xf32>
    %slice3A_35 = vector.extract_strided_slice %get3A_16 {offsets = [0, 512], sizes = [1, 128], strides = [1, 1]} : vector<1x1024xf32> to vector<1x128xf32>
    %slice3A_36 = vector.extract_strided_slice %select_n3A {offsets = [0, 512], sizes = [4096, 128], strides = [1, 1]} : vector<4096x1024xf32> to vector<4096x128xf32>
    %dot_general3A_37 = arith.constant dense<0.000000e+00> : vector<1x4096xf32>
    %dot_general3A_38 = tpu.matmul %slice3A_35, %slice3A_36, %dot_general3A_37 {dimension_numbers = #tpu.dot_dimension_numbers<[1], [1], [0], [0], [0, 0, 1, 0], [], []>, transpose_lhs_hint = false} : vector<1x128xf32>, vector<4096x128xf32>, vector<1x4096xf32> -> vector<1x4096xf32>
    %add3A_39 = arith.addf %add3A_34, %dot_general3A_38 : vector<1x4096xf32>
    %slice3A_40 = vector.extract_strided_slice %get3A_16 {offsets = [0, 640], sizes = [1, 128], strides = [1, 1]} : vector<1x1024xf32> to vector<1x128xf32>
    %slice3A_41 = vector.extract_strided_slice %select_n3A {offsets = [0, 640], sizes = [4096, 128], strides = [1, 1]} : vector<4096x1024xf32> to vector<4096x128xf32>
    %dot_general3A_42 = arith.constant dense<0.000000e+00> : vector<1x4096xf32>
    %dot_general3A_43 = tpu.matmul %slice3A_40, %slice3A_41, %dot_general3A_42 {dimension_numbers = #tpu.dot_dimension_numbers<[1], [1], [0], [0], [0, 0, 1, 0], [], []>, transpose_lhs_hint = false} : vector<1x128xf32>, vector<4096x128xf32>, vector<1x4096xf32> -> vector<1x4096xf32>
    %add3A_44 = arith.addf %add3A_39, %dot_general3A_43 : vector<1x4096xf32>
    %slice3A_45 = vector.extract_strided_slice %get3A_16 {offsets = [0, 768], sizes = [1, 128], strides = [1, 1]} : vector<1x1024xf32> to vector<1x128xf32>
    %slice3A_46 = vector.extract_strided_slice %select_n3A {offsets = [0, 768], sizes = [4096, 128], strides = [1, 1]} : vector<4096x1024xf32> to vector<4096x128xf32>
    %dot_general3A_47 = arith.constant dense<0.000000e+00> : vector<1x4096xf32>
    %dot_general3A_48 = tpu.matmul %slice3A_45, %slice3A_46, %dot_general3A_47 {dimension_numbers = #tpu.dot_dimension_numbers<[1], [1], [0], [0], [0, 0, 1, 0], [], []>, transpose_lhs_hint = false} : vector<1x128xf32>, vector<4096x128xf32>, vector<1x4096xf32> -> vector<1x4096xf32>
    %add3A_49 = arith.addf %add3A_44, %dot_general3A_48 : vector<1x4096xf32>
    %slice3A_50 = vector.extract_strided_slice %get3A_16 {offsets = [0, 896], sizes = [1, 128], strides = [1, 1]} : vector<1x1024xf32> to vector<1x128xf32>
    %slice3A_51 = vector.extract_strided_slice %select_n3A {offsets = [0, 896], sizes = [4096, 128], strides = [1, 1]} : vector<4096x1024xf32> to vector<4096x128xf32>
    %dot_general3A_52 = arith.constant dense<0.000000e+00> : vector<1x4096xf32>
    %dot_general3A_53 = tpu.matmul %slice3A_50, %slice3A_51, %dot_general3A_52 {dimension_numbers = #tpu.dot_dimension_numbers<[1], [1], [0], [0], [0, 0, 1, 0], [], []>, transpose_lhs_hint = false} : vector<1x128xf32>, vector<4096x128xf32>, vector<1x4096xf32> -> vector<1x4096xf32>
    %add3A_54 = arith.addf %add3A_49, %dot_general3A_53 : vector<1x4096xf32>
    %get3A_55 = arith.constant 0 : index
    %get3A_56 = arith.constant 0 : index
    %get3A_57 = vector.load %arg5[%get3A_55, %get3A_56] : memref<1x1xf32, #tpu.memory_space<vmem>>, vector<1x1xf32>
    %add3A_58 = vector.broadcast %get3A_57 : vector<1x1xf32> to vector<1x4096xf32>
    %add3A_59 = arith.addf %add3A_54, %add3A_58 : vector<1x4096xf32>
    %swap3A = arith.constant 0 : index
    %swap3A_60 = arith.constant 0 : index
    %swap3A_61 = vector.load %arg6[%swap3A, %swap3A_60] : memref<1x4096xf32, #tpu.memory_space<vmem>>, vector<1x4096xf32>
    tpu.vector_store %arg6[%swap3A, %swap3A_60], %add3A_59 {strides = array<i32>} : memref<1x4096xf32, #tpu.memory_space<vmem>>, vector<1x4096xf32>,
    return
  }
  func.func @transform_0(%arg0: i32) -> (i32, i32) {
    %c0_i32 = arith.constant 0 : i32
    %c0_i32_0 = arith.constant 0 : i32
    return %arg0, %c0_i32 : i32, i32
  }
  func.func @transform_1(%arg0: i32) -> (i32, i32) {
    %c0_i32 = arith.constant 0 : i32
    %c0_i32_0 = arith.constant 0 : i32
    %c0_i32_1 = arith.constant 0 : i32
    return %c0_i32, %c0_i32_0 : i32, i32
  }
  func.func @transform_2(%arg0: i32) -> (i32, i32) {
    %c0_i32 = arith.constant 0 : i32
    %c0_i32_0 = arith.constant 0 : i32
    %c0_i32_1 = arith.constant 0 : i32
    return %c0_i32, %c0_i32_0 : i32, i32
  }
  func.func @transform_3(%arg0: i32) -> (i32, i32) {
    %c0_i32 = arith.constant 0 : i32
    %c0_i32_0 = arith.constant 0 : i32
    %c0_i32_1 = arith.constant 0 : i32
    return %c0_i32, %c0_i32_0 : i32, i32
  }
  func.func @transform_4(%arg0: i32) -> (i32, i32) {
    %c0_i32 = arith.constant 0 : i32
    %c0_i32_0 = arith.constant 0 : i32
    %c0_i32_1 = arith.constant 0 : i32
    return %c0_i32, %c0_i32_0 : i32, i32
  }
  func.func @transform_5(%arg0: i32) -> (i32, i32) {
    %c0_i32 = arith.constant 0 : i32
    %c0_i32_0 = arith.constant 0 : i32
    return %c0_i32, %arg0 : i32, i32
  }
}

</mosaic_0001>

<sc_bundles>
// kernel: kernel.5.cloned.1.call-start
scs
__scs_entry_jumppad:
0x0: {  	(pc) =	sbr.rel $0x88, $3  }
0x1: {  	(tag) =	ssettag $0x0;
	lr =	simm.s32 $0x1  }
0x2: {  	[smem:$0x3F9C] =	sst lr;
	_ =	strace $0xD0000000  }
0x3: {  	_ = 	snop  }
0x4: {  	_ = 	snop  }
0x5: {  	_ = 	snop  }
0x6: {  	_ = 	snop  }
0x7: {  	_ = 	snop  }
__scs_overlays_trampoline_lowered:
0x8: {  	[smem:$0x3FAB] =	sst s0  }
0x9: {  	[smem:$0x3FAC] =	sst s1  }
0xa: {  	[smem:$0x3FAD] =	sst s2  }
0xb: {  	[smem:$0x3FAE] =	sst s3  }
0xc: {  	[smem:$0x3FAF] =	sst s4  }
0xd: {  	[smem:$0x3FB0] =	sst s5  }
0xe: {  	[smem:$0x3FB1] =	sst s6  }
0xf: {  	[smem:$0x3FB2] =	sst s7  }
0x10: {  	[smem:$0x3FB3] =	sst s8  }
0x11: {  	[smem:$0x3FB4] =	sst s9;
	s0 =	simm.s32 @!p0 $0x0  }
0x12: {  	s1 =	sld [smem:$0x3F9A];
	s0 =	simm.s32 @p0 $0x1  }
0x13: {  	[smem:$0x3FB5] =	sst s0;
	s0 =	simm.s32 @!p1 $0x0  }
0x14: {  	s2 =	sld [smem:$0x3F99];
	s0 =	simm.s32 @p1 $0x1  }
0x15: {  	[smem:$0x3FB6] =	sst s0;
	s0 =	simm.s32 @!p2 $0x0  }
0x16: {  	s3 =	sld [smem:$0x3FDB];
	s0 =	simm.s32 @p2 $0x1  }
0x17: {  	s4 =	simm.s32 $0x1BF5;
	[smem:$0x3FB8] =	sst s0  }
0x18: {  	s0 =	sld [smem:$0x3F9B];
	_ =	swait.ge [sflag:s4], $0x0  }
0x19: {  	s7 =	sld [smem:$0x3F9C]  }
0x1a: {  	s8 =	sadd.s32 $0xFFFFE003, lr  }
0x1b: {  	s9 =	sadd.s32 $0xFFFFFEF7, lr;
	s5 =	simm.s32 $0xFFFFFFFF;
	p2 =	slt.u32 s8, $0xFFFFF086  }
0x1c: {  	p1 =	slt.u32 s9, $0xF7A;
	s5 =	simm.s32 @!p2 $0x0  }
0x1d: {  	s5 =	simm.s32 @p1 $0x1;
	p0 =	seq.s32 s7, s2  }
0x1e: {  	s7 =	smul.u32 @!p0 $0xF7A, s2;
	p2 =	seq.s32 @!p0 s5, $0x0  }
0x1f: {  	s9 =	smul.u32 $0xF7A, s1;
	s8 =	simm.s32 @!p0 $0x1BF5;
	p2 =	por !p2, p0  }
0x20: {  	[sflag:s8] =	ssyncset.s32 @!p0 $0xFFFFF086;
	s6 =	sadd.s32 @!p0 s3, s7;
	s7 =	simm.s32 @!p0 $0x108  }
0x21: {  	s3 =	sadd.s32 s3, s9;
	s6 =	sadd.s32 @!p0 $0x88, s6;
	s7 =	simm.s32 @p2 $0x1082  }
0x22: {  	[simem:s7], [sflag:s8] =	dma.local @!p0 [hbm:s6], $0xF7A  }
0x23: {  	s9 =	sor.u32 $0xD0000000, s2;
	s6 =	simm.s32 $0x108;
	_ =	swait.ge @!p0 [sflag:s8], $0x0  }
0x24: {  	s3 =	sadd.s32 $0x88, s3;
	s6 =	simm.s32 @!p1 $0x1082;
	[sflag:s4] =	ssyncset.s32 $0xFFFFF086  }
0x25: {  	[simem:s6], [sflag:s4] =	dma.local [hbm:s3], $0xF7A  }
0x26: {  	[smem:$0x3F9C] =	sst s1;
	(tag) =	ssettag s2;
	_ =	strace s9  }
0x27: {  	s1 =	sld [smem:$0x3FAC]  }
0x28: {  	s2 =	sld [smem:$0x3FAD]  }
0x29: {  	s4 =	sld [smem:$0x3FAF]  }
0x2a: {  	p0 =	seq.s32 s5, $0x0;
	s5 =	sld [smem:$0x3FB0]  }
0x2b: {  	s6 =	sld [smem:$0x3FB1]  }
0x2c: {  	s7 =	sld [smem:$0x3FB2]  }
0x2d: {  	s3 =	simm.s32 $0x108;
	s8 =	sld [smem:$0x3FB3]  }
0x2e: {  	s3 =	simm.s32 @!p0 $0x1082;
	s9 =	sld [smem:$0x3FB4]  }
0x2f: {  	lr =	sadd.s32 s0, s3;
	s0 =	sld [smem:$0x3FAB]  }
0x30: {  	s3 =	sld [smem:$0x3FAE]  }
0x31: {  	[smem:$0x3FB7] =	sst s10  }
0x32: {  	s10 =	sld [smem:$0x3FB5];
	_ =	sdelay $0x3  }
0x33: {  	p0 =	seq.s32 s10, $0x1;
	s10 =	sld [smem:$0x3FB7];
	_ =	sdelay $0x3  }
0x34: {  	[smem:$0x3FB7] =	sst s10  }
0x35: {  	s10 =	sld [smem:$0x3FB6];
	_ =	sdelay $0x3  }
0x36: {  	p1 =	seq.s32 s10, $0x1;
	s10 =	sld [smem:$0x3FB7];
	_ =	sdelay $0x3  }
0x37: {  	[smem:$0x3FB7] =	sst s10  }
0x38: {  	s10 =	sld [smem:$0x3FB8]  }
0x39: {  	_ = 	snop;
	(pc) =	sbr.ind lr, $3  }
0x3a: {  	_ = 	snop  }
0x3b: {  	_ = 	snop  }
0x3c: {  	p2 =	seq.s32 s10, $0x1;
	s10 =	sld [smem:$0x3FB7]  }
0x3d: {  	_ =	shalt  }
0x3e: {  	_ =	shalt  }
0x3f: {  	_ =	shalt  }
0x40: {  	_ =	shalt  }
0x41: {  	_ =	shalt  }
0x42: {  	_ =	shalt  }
0x43: {  	_ =	shalt  }
0x44: {  	_ =	shalt  }
0x45: {  	_ =	shalt  }
0x46: {  	_ =	shalt  }
0x47: {  	_ =	shalt  }
0x48: {  	_ =	shalt  }
0x49: {  	_ =	shalt  }
0x4a: {  	_ =	shalt  }
0x4b: {  	_ =	shalt  }
0x4c: {  	_ =	shalt  }
0x4d: {  	_ =	shalt  }
0x4e: {  	_ =	shalt  }
0x4f: {  	_ =	shalt  }
0x50: {  	_ =	shalt  }
0x51: {  	_ =	shalt  }
0x52: {  	_ =	shalt  }
0x53: {  	_ =	shalt  }
0x54: {  	_ =	shalt  }
0x55: {  	_ =	shalt  }
0x56: {  	_ =	shalt  }
0x57: {  	_ =	shalt  }
0x58: {  	_ =	shalt  }
0x59: {  	_ =	shalt  }
0x5a: {  	_ =	shalt  }
0x5b: {  	_ =	shalt  }
0x5c: {  	_ =	shalt  }
0x5d: {  	_ =	shalt  }
0x5e: {  	_ =	shalt  }
0x5f: {  	_ =	shalt  }
0x60: {  	_ =	shalt  }
0x61: {  	_ =	shalt  }
0x62: {  	_ =	shalt  }
0x63: {  	_ =	shalt  }
0x64: {  	_ =	shalt  }
0x65: {  	_ =	shalt  }
0x66: {  	_ =	shalt  }
0x67: {  	_ =	shalt  }
0x68: {  	_ =	shalt  }
0x69: {  	_ =	shalt  }
0x6a: {  	_ =	shalt  }
0x6b: {  	_ =	shalt  }
0x6c: {  	_ =	shalt  }
0x6d: {  	_ =	shalt  }
0x6e: {  	_ =	shalt  }
0x6f: {  	_ =	shalt  }
0x70: {  	_ =	shalt  }
0x71: {  	_ =	shalt  }
0x72: {  	_ =	shalt  }
0x73: {  	_ =	shalt  }
0x74: {  	_ =	shalt  }
0x75: {  	_ =	shalt  }
0x76: {  	_ =	shalt  }
0x77: {  	_ =	shalt  }
0x78: {  	_ =	shalt  }
0x79: {  	_ =	shalt  }
0x7a: {  	_ =	shalt  }
0x7b: {  	_ =	shalt  }
0x7c: {  	_ =	shalt  }
0x7d: {  	_ =	shalt  }
0x7e: {  	_ =	shalt  }
0x7f: {  	_ =	shalt  }
0x80: {  	_ =	shalt  }
0x81: {  	_ =	shalt  }
0x82: {  	_ =	shalt  }
0x83: {  	_ =	shalt  }
0x84: {  	_ =	shalt  }
0x85: {  	_ =	shalt  }
0x86: {  	_ =	shalt  }
0x87: {  	_ =	shalt  }
.Lfunc_end0:
.L_simem_size_0:
called_computation_lowered:
.L_overlay_start_0:
0x88: {  	s2 =	sld [smem:$0x3FD9]  }
0x89: {  	s3 =	sld [smem:$0x3FFE];
	_ =	sdelay $0x1  }
0x8a: {  	s1 =	srdreg.scid  }
0x8b: {  	s0 =	sand.u32 $0x1, s1  }
0x8c: {  	s14 =	sshll.u32 s0, $0xA;
	s2 =	sadd.s32 s3, s2  }
0x8d: {  	s2 =	sadd.s32 s2, s14  }
0x8e: {  	[smem:$0x3FC3] =	sst s2  }
0x8f: {  	_ = 	snop  }
0x90: {  	s2 =	sld [smem:$0x3FD0];
	_ =	sdelay $0x2  }
0x91: {  	s4 =	simm.s32 $0xA;
	s5 =	simm.s32 $0x10;
	s15 =	sld [smem:$0x3FC9]  }
0x92: {  	[smem:s5], [sflag:s4] =	dma.local [hbm:s2], $0x1  }
0x93: {  	_ =	swait.eq [sflag:s4], $0x1  }
0x94: {  	[sflag:s4] =	ssyncset.done $0x0  }
0x95: {  	[sflag:s4] =	ssyncadd.s32 $0xFFFFFFFF  }
0x96: {  	s16 =	sld [smem:$0x10];
	(tm) =	ssettm $0x1  }
0x97: {  	s17 =	sld [smem:$0x3FFB];
	_ =	sdelay $0x3  }
0x98: {  	_ =	strace s17  }
0x99: {  	s4 =	sld [smem:$0x3FFC];
	_ =	sdelay $0x3  }
0x9a: {  	_ =	strace s4  }
0x9b: {  	s4 =	sld [smem:$0x3FFD];
	_ =	sdelay $0x3  }
0x9c: {  	_ =	strace s4  }
0x9d: {  	_ =	strace $0x8FFFFFFF  }
0x9e: {  	s18 =	sld [smem:$0x3FDB];
	_ =	sdelay $0x1  }
0x9f: {  	s19 =	simm.s32 $_scs_section_size  }
0xa0: {  	s6 =	simm.s32 $_size__tile_overlayer_lowered;
	s7 =	simm.s32 $_tile_overlayer_lowered  }
0xa1: {  	s22 =	simm.s32 $0x1BFF;
	s21 =	sshll.u32 s7, $0x1;
	s4 =	sadd.s32 s19, s18  }
0xa2: {  	s8 =	simm.s32 $0x0;
	s20 =	sshll.u32 s6, $0x1;
	s6 =	sadd.s32 s21, s4  }
0xa3: {  	[timem:s8], [sflag:s22] =	dma.local [hbm:s6], s20  }
0xa4: {  	_ =	swait.ge [sflag:s22], s20  }
0xa5: {  	s5 =	ssub.s32 $0x0, s20;
	[sflag:s22] =	ssyncset.done $0x0  }
0xa6: {  	[sflag:s22] =	ssyncadd.s32 s5;
	_ =	sdelay $0x1  }
0xa7: {  	s23 =	simm.s32 $0x1B8B  }
0xa8: {  	_ =	swait.ge [sflag:s23], $0x1  }
0xa9: {  	[sflag:s23] =	ssyncset.done $0x0  }
0xaa: {  	s25 =	simm.s32 $0x1B8E;
	s24 =	sld [smem:$0x3FFE];
	[sflag:s23] =	ssyncadd.s32 $0xFFFFFFFF  }
0xab: {  	s26 =	simm.s32 $execute0_lowered;
	[smem:$0x3FD2] =	sst s25  }
0xac: {  	s6 =	sshll.u32 s26, $0x1;
	_ =	strace $0x80000046;
	[dreg:$0x1] =	wrdreg $0xFFFFFFFF  }
0xad: {  	s28 =	simm.s32 $_size_execute0_lowered;
	s4 =	sadd.s32 s4, s6;
	[dreg:$0x0] =	wrdreg $0x0  }
0xae: {  	s6 =	sshll.u32 s28, $0x1;
	[dreg:$0x2] =	wrdreg s4  }
0xaf: {  	[dreg:$0x3] =	wrdreg s6  }
0xb0: {  	[dreg:$0x4] =	wrdreg $0xC0  }
0xb1: {  	_ =	task [dreg:s8], $0x5FFFF  }
0xb2: {  	[dreg:$0x1] =	wrdreg $0xFFFFFFFF  }
0xb3: {  	[dreg:$0x0] =	wrdreg $0x60  }
0xb4: {  	[dreg:$0x2] =	wrdreg s15  }
0xb5: {  	[dreg:$0x3] =	wrdreg s24  }
0xb6: {  	[dreg:$0x4] =	wrdreg s16  }
0xb7: {  	[dreg:$0x5] =	wrdreg $0x9  }
0xb8: {  	_ =	task.clear_ibuf [dreg:s8], $0x6FFFF;
	_ =	strace $0x90000046  }
0xb9: {  	s29 =	simm.s32 $0x9;
	_ =	strace $0x80000048  }
0xba: {  	_ =	swait.ge [sflag:s29], $0x1  }
0xbb: {  	[sflag:s29] =	ssyncadd.s32 $0xFFFFFFFF  }
0xbc: {  	_ =	strace $0x90000048  }
0xbd: {  	_ =	sfence  }
0xbe: {  	s30 =	sld [smem:$0x0];
	_ =	sdelay $0x2  }
0xbf: {  	s31 =	sshll.u32 s1, $0xD;
	s1 =	sshrl.u32 s1, $0x2  }
0xc0: {  	s3 =	sand.u32 $0x4000, s31;
	s1 =	sadd.s32 s1, s30  }
0xc1: {  	s0 =	sor.u32 s3, s0;
	s1 =	sshll.u32 s1, $0x11  }
0xc2: {  	s0 =	sor.u32 s1, s0  }
0xc3: {  	s0 =	sadd.s32 $0x8F2B, s0  }
0xc4: {  	[sflag:s0] =	ssyncadd.remote.s32 $0x1  }
0xc5: {  	_ =	sfence.sel $0xFFFF  }
0xc6: {  	[dreg:$0x0] =	wrdreg $0xFFFFFFFF;
	(pc) =	sbr.abs _section_cstart, $3  }
0xc7: {  	[dreg:$0x1] =	wrdreg $0xFFFFFFFF  }
0xc8: {  	_ =	task.clear_ibuf [dreg:s8], $0x2FFFF;
	_ =	strace $0x9FFFFFFF  }
0xc9: {  	(tm) =	ssettm $0x7FFFFFFF  }
tec
execute0_lowered:
.L_overlay_start_1:
0x0: {  	(tag) =	ssettag $0x1  }
0x1: {  	s0 =	srdreg.scid  }
0x2: {  	s1 =	rddreg [dreg:$0x0];
	s3 =	stileid.u32;
	s0 =	sand.u32 $0x1, s0  }
0x3: {  	s2 =	rddreg [dreg:$0x1];
	s3 =	sshll.u32 s3, $0xB;
	s4 =	sshll.u32 s0, $0xA  }
0x4: {  	s5 =	rddreg [dreg:$0x2];
	s4 =	sor.u32 s4, s3  }
0x5: {  	s3 =	simm.s32 $0x0;
	s6 =	sshrl.u32 s4, $0x3;
	s4 =	sshll.u32 s4, $0x6  }
0x6: {  	[smem:$0x7FF] =	sst s3;
	s2 =	sadd.s32 s6, s2;
	s10 =	sadd.s32 s5, s4  }
0x7: {  	_ =	strace $0x80000047;
	s2 =	sadd.s32 $0x800, s2;
	[dreg:$0x14] =	wrdreg s10  }
0x8: {  	s11 =	sadd.s32 $0x1000, s10;
	[dreg:$0x4] =	wrdreg s2  }
0x9: {  	s12 =	sadd.s32 $0x2000, s10;
	[dreg:$0x5] =	wrdreg s11  }
0xa: {  	s13 =	sadd.s32 $0x3000, s10;
	[dreg:$0x6] =	wrdreg s12  }
0xb: {  	s28 =	simm.s32 $0x1;
	s14 =	sadd.s32 $0x4000, s10;
	[dreg:$0x7] =	wrdreg s13  }
0xc: {  	s29 =	simm.s32 $0x4;
	s15 =	sadd.s32 $0x5000, s10;
	[dreg:$0x8] =	wrdreg s14  }
0xd: {  	s30 =	simm.s32 $0x2;
	s16 =	sadd.s32 $0x6000, s10;
	[dreg:$0x9] =	wrdreg s15  }
0xe: {  	s31 =	simm.s32 $0x8400;
	s17 =	sadd.s32 $0x7000, s10;
	[dreg:$0xa] =	wrdreg s16  }
0xf: {  	s8 =	simm.s32 $0x10400;
	s18 =	sadd.s32 $0x8000, s10;
	[dreg:$0xb] =	wrdreg s17  }
0x10: {  	s0 =	ssub.s32 $0x2, s0;
	s19 =	sadd.s32 $0x9000, s10;
	[dreg:$0xc] =	wrdreg s18  }
0x11: {  	s23 =	sshrl.u32 s0, $0x1;
	s20 =	sadd.s32 $0xA000, s10;
	[dreg:$0xd] =	wrdreg s19  }
0x12: {  	s0 =	ssub.s32 s0, s23;
	s21 =	sadd.s32 $0xB000, s10;
	[dreg:$0xe] =	wrdreg s20  }
0x13: {  	s23 =	simm.s32 $0x400;
	s22 =	sadd.s32 $0xC000, s10;
	[dreg:$0xf] =	wrdreg s21  }
0x14: {  	s5 =	sadd.s32 $0x100, s1;
	s24 =	sadd.s32 $0xD000, s10;
	[dreg:$0x10] =	wrdreg s22  }
0x15: {  	v2 =	vlaneseq.u32;
	s6 =	smax.u32 s0, $0x1;
	s25 =	sadd.s32 $0xE000, s10;
	[dreg:$0x11] =	wrdreg s24  }
0x16: {  	vm0 =	vmmov $0xffff;
	v1 =	vshrl.u32 v2, $0x3;
	s0 =	simm.s32 $0x3;
	s26 =	sadd.s32 $0xF000, s10;
	[dreg:$0x12] =	wrdreg s25  }
0x17: {  	v0 =	vand.u32 $0x7, v2;
	v2 =	vor.u32 $0x8, v2;
	v1 =	vmul.u32 $0x8, v1;
	s4 =	simm.s32 $0x6;
	[dreg:$0x13] =	wrdreg s26;
	s2 =	simm.s32 $0x5  }
.LBB2_1:
0x18: {  	s7 =	rddreg [dreg:$0x4];
	s13 =	simm.s32 $0x7  }
0x19: {  	[tilespmem:s3], [sflag:$0x7] =	stream.linear.gather [hbm4b:s7+s3], $0x400, $0x38;
	[tilespmem:$0x18400] =	vst v63  }
0x1a: {  	_ =	swait.ge [sflag:s13], $0x400  }
0x1b: {  	[sflag:s13] =	ssyncset.done $0x0  }
0x1c: {  	[sflag:s13] =	ssyncadd.s32 $0xFFFFFC00  }
0x1d: {  	v3 =	vld [tilespmem:$0x0];
	_ =	sdelay $0x4  }
0x1e: {  	v4 =	vshll.u32 v3, $0x2  }
0x1f: {  	v3 =	vand.u32 $0x7, v3;
	v4 =	vand.u32 $0xFFFFFFE0, v4  }
0x20: {  	v3 =	vor.u32 v3, v4  }
0x21: {  	v4 =	vperm.xlane v3, v0;
	_ =	sdelay $0x1  }
0x22: {  	v4 =	vadd.s32 v1, v4;
	_ =	sdelay $0x1  }
0x23: {  	v3 =	vperm.xlane v3, v2;
	_ =	sdelay $0x1  }
0x24: {  	v3 =	vadd.s32 v1, v3  }
0x25: {  	[tilespmem:s23], [sflag:$0x1] =	stream.indirect_vreg.gather [hbm4b:s1+s3], $0x80, v4, vm0, $0xb8;
	[tilespmem:$0x18400] =	vst v63  }
0x26: {  	s14 =	simm.s32 $0xC00  }
0x27: {  	[tilespmem:s14], [sflag:$0x1] =	stream.indirect_vreg.gather [hbm4b:s5+s3], $0x80, v4, vm0, $0xb8;
	[tilespmem:$0x18400] =	vst v63  }
0x28: {  	s15 =	simm.s32 $0x1400  }
0x29: {  	[tilespmem:s15], [sflag:$0x1] =	stream.indirect_vreg.gather [hbm4b:s1+s3], $0x80, v3, vm0, $0xb8;
	[tilespmem:$0x18400] =	vst v63  }
0x2a: {  	s16 =	simm.s32 $0x1C00  }
0x2b: {  	[tilespmem:s16], [sflag:$0x1] =	stream.indirect_vreg.gather [hbm4b:s5+s3], $0x80, v3, vm0, $0xb8;
	[tilespmem:$0x18400] =	vst v63  }
0x2c: {  	v3 =	vld [tilespmem:$0x10];
	_ =	sdelay $0x4  }
0x2d: {  	v57 =	vshll.u32 v3, $0x2  }
0x2e: {  	v3 =	vand.u32 $0x7, v3;
	v4 =	vand.u32 $0xFFFFFFE0, v57  }
0x2f: {  	v3 =	vor.u32 v3, v4  }
0x30: {  	v4 =	vperm.xlane v3, v0;
	_ =	sdelay $0x1  }
0x31: {  	v4 =	vadd.s32 v1, v4;
	_ =	sdelay $0x1  }
0x32: {  	v3 =	vperm.xlane v3, v2;
	_ =	sdelay $0x1  }
0x33: {  	s17 =	simm.s32 $0x2400;
	v3 =	vadd.s32 v1, v3  }
0x34: {  	[tilespmem:s17], [sflag:$0x1] =	stream.indirect_vreg.gather [hbm4b:s1+s3], $0x80, v4, vm0, $0xb8;
	[tilespmem:$0x18400] =	vst v63  }
0x35: {  	s18 =	simm.s32 $0x2C00  }
0x36: {  	[tilespmem:s18], [sflag:$0x1] =	stream.indirect_vreg.gather [hbm4b:s5+s3], $0x80, v4, vm0, $0xb8;
	[tilespmem:$0x18400] =	vst v63  }
0x37: {  	s19 =	simm.s32 $0x3400  }
0x38: {  	[tilespmem:s19], [sflag:$0x1] =	stream.indirect_vreg.gather [hbm4b:s1+s3], $0x80, v3, vm0, $0xb8;
	[tilespmem:$0x18400] =	vst v63  }
0x39: {  	s20 =	simm.s32 $0x3C00  }
0x3a: {  	[tilespmem:s20], [sflag:$0x1] =	stream.indirect_vreg.gather [hbm4b:s5+s3], $0x80, v3, vm0, $0xb8;
	[tilespmem:$0x18400] =	vst v63  }
0x3b: {  	v3 =	vld [tilespmem:$0x20];
	_ =	sdelay $0x4  }
0x3c: {  	v58 =	vshll.u32 v3, $0x2  }
0x3d: {  	v3 =	vand.u32 $0x7, v3;
	v4 =	vand.u32 $0xFFFFFFE0, v58  }
0x3e: {  	v3 =	vor.u32 v3, v4  }
0x3f: {  	v4 =	vperm.xlane v3, v0;
	_ =	sdelay $0x1  }
0x40: {  	v4 =	vadd.s32 v1, v4;
	_ =	sdelay $0x1  }
0x41: {  	v3 =	vperm.xlane v3, v2;
	_ =	sdelay $0x1  }
0x42: {  	s21 =	simm.s32 $0x4400;
	v3 =	vadd.s32 v1, v3  }
0x43: {  	[tilespmem:s21], [sflag:$0x1] =	stream.indirect_vreg.gather [hbm4b:s1+s3], $0x80, v4, vm0, $0xb8;
	[tilespmem:$0x18400] =	vst v63  }
0x44: {  	s22 =	simm.s32 $0x4C00  }
0x45: {  	[tilespmem:s22], [sflag:$0x1] =	stream.indirect_vreg.gather [hbm4b:s5+s3], $0x80, v4, vm0, $0xb8;
	[tilespmem:$0x18400] =	vst v63  }
0x46: {  	s25 =	simm.s32 $0x5400  }
0x47: {  	[tilespmem:s25], [sflag:$0x1] =	stream.indirect_vreg.gather [hbm4b:s1+s3], $0x80, v3, vm0, $0xb8;
	[tilespmem:$0x18400] =	vst v63  }
0x48: {  	s26 =	simm.s32 $0x5C00  }
0x49: {  	[tilespmem:s26], [sflag:$0x1] =	stream.indirect_vreg.gather [hbm4b:s5+s3], $0x80, v3, vm0, $0xb8;
	[tilespmem:$0x18400] =	vst v63  }
0x4a: {  	v3 =	vld [tilespmem:$0x30];
	_ =	sdelay $0x4  }
0x4b: {  	v59 =	vshll.u32 v3, $0x2  }
0x4c: {  	v3 =	vand.u32 $0x7, v3;
	v4 =	vand.u32 $0xFFFFFFE0, v59  }
0x4d: {  	v3 =	vor.u32 v3, v4  }
0x4e: {  	v4 =	vperm.xlane v3, v0;
	_ =	sdelay $0x1  }
0x4f: {  	v4 =	vadd.s32 v1, v4;
	_ =	sdelay $0x1  }
0x50: {  	v3 =	vperm.xlane v3, v2;
	_ =	sdelay $0x1  }
0x51: {  	s17 =	simm.s32 $0x6400;
	v3 =	vadd.s32 v1, v3  }
0x52: {  	[tilespmem:s17], [sflag:$0x1] =	stream.indirect_vreg.gather [hbm4b:s1+s3], $0x80, v4, vm0, $0xb8;
	[tilespmem:$0x18400] =	vst v63  }
0x53: {  	s18 =	simm.s32 $0x6C00  }
0x54: {  	[tilespmem:s18], [sflag:$0x1] =	stream.indirect_vreg.gather [hbm4b:s5+s3], $0x80, v4, vm0, $0xb8;
	[tilespmem:$0x18400] =	vst v63  }
0x55: {  	s19 =	simm.s32 $0x7400  }
0x56: {  	[tilespmem:s19], [sflag:$0x1] =	stream.indirect_vreg.gather [hbm4b:s1+s3], $0x80, v3, vm0, $0xb8;
	[tilespmem:$0x18400] =	vst v63  }
0x57: {  	s22 =	simm.s32 $0x7C00  }
0x58: {  	[tilespmem:s22], [sflag:$0x1] =	stream.indirect_vreg.gather [hbm4b:s5+s3], $0x80, v3, vm0, $0xb8;
	[tilespmem:$0x18400] =	vst v63  }
0x59: {  	v3 =	vld [tilespmem:$0x40];
	_ =	sdelay $0x4  }
0x5a: {  	v60 =	vshll.u32 v3, $0x2  }
0x5b: {  	v3 =	vand.u32 $0x7, v3;
	v4 =	vand.u32 $0xFFFFFFE0, v60  }
0x5c: {  	v3 =	vor.u32 v3, v4  }
0x5d: {  	v4 =	vperm.xlane v3, v0;
	_ =	sdelay $0x1  }
0x5e: {  	v4 =	vadd.s32 v1, v4;
	_ =	sdelay $0x1  }
0x5f: {  	v3 =	vperm.xlane v3, v2;
	_ =	sdelay $0x1  }
0x60: {  	v3 =	vadd.s32 v1, v3  }
0x61: {  	[tilespmem:s31], [sflag:$0x2] =	stream.indirect_vreg.gather [hbm4b:s1+s3], $0x80, v4, vm0, $0xb8;
	[tilespmem:$0x18400] =	vst v63  }
0x62: {  	s25 =	simm.s32 $0x8C00  }
0x63: {  	[tilespmem:s25], [sflag:$0x2] =	stream.indirect_vreg.gather [hbm4b:s5+s3], $0x80, v4, vm0, $0xb8;
	[tilespmem:$0x18400] =	vst v63  }
0x64: {  	s26 =	simm.s32 $0x9400  }
0x65: {  	[tilespmem:s26], [sflag:$0x2] =	stream.indirect_vreg.gather [hbm4b:s1+s3], $0x80, v3, vm0, $0xb8;
	[tilespmem:$0x18400] =	vst v63  }
0x66: {  	s25 =	simm.s32 $0x9C00  }
0x67: {  	[tilespmem:s25], [sflag:$0x2] =	stream.indirect_vreg.gather [hbm4b:s5+s3], $0x80, v3, vm0, $0xb8;
	[tilespmem:$0x18400] =	vst v63  }
0x68: {  	v3 =	vld [tilespmem:$0x50];
	_ =	sdelay $0x4  }
0x69: {  	v61 =	vshll.u32 v3, $0x2  }
0x6a: {  	v3 =	vand.u32 $0x7, v3;
	v4 =	vand.u32 $0xFFFFFFE0, v61  }
0x6b: {  	v3 =	vor.u32 v3, v4  }
0x6c: {  	v4 =	vperm.xlane v3, v0;
	_ =	sdelay $0x1  }
0x6d: {  	v4 =	vadd.s32 v1, v4;
	_ =	sdelay $0x1  }
0x6e: {  	v3 =	vperm.xlane v3, v2;
	_ =	sdelay $0x1  }
0x6f: {  	s26 =	simm.s32 $0xA400;
	v3 =	vadd.s32 v1, v3  }
0x70: {  	[tilespmem:s26], [sflag:$0x2] =	stream.indirect_vreg.gather [hbm4b:s1+s3], $0x80, v4, vm0, $0xb8;
	[tilespmem:$0x18400] =	vst v63  }
0x71: {  	s26 =	simm.s32 $0xAC00  }
0x72: {  	[tilespmem:s26], [sflag:$0x2] =	stream.indirect_vreg.gather [hbm4b:s5+s3], $0x80, v4, vm0, $0xb8;
	[tilespmem:$0x18400] =	vst v63  }
0x73: {  	s26 =	simm.s32 $0xB400  }
0x74: {  	[tilespmem:s26], [sflag:$0x2] =	stream.indirect_vreg.gather [hbm4b:s1+s3], $0x80, v3, vm0, $0xb8;
	[tilespmem:$0x18400] =	vst v63  }
0x75: {  	s26 =	simm.s32 $0xBC00  }
0x76: {  	[tilespmem:s26], [sflag:$0x2] =	stream.indirect_vreg.gather [hbm4b:s5+s3], $0x80, v3, vm0, $0xb8;
	[tilespmem:$0x18400] =	vst v63  }
0x77: {  	v3 =	vld [tilespmem:$0x60];
	_ =	sdelay $0x4  }
0x78: {  	v62 =	vshll.u32 v3, $0x2  }
0x79: {  	v3 =	vand.u32 $0x7, v3;
	v4 =	vand.u32 $0xFFFFFFE0, v62  }
0x7a: {  	v3 =	vor.u32 v3, v4  }
0x7b: {  	v4 =	vperm.xlane v3, v0;
	_ =	sdelay $0x1  }
0x7c: {  	v4 =	vadd.s32 v1, v4;
	_ =	sdelay $0x1  }
0x7d: {  	v3 =	vperm.xlane v3, v2;
	_ =	sdelay $0x1  }
0x7e: {  	s7 =	simm.s32 $0xC400;
	v3 =	vadd.s32 v1, v3  }
0x7f: {  	[tilespmem:s7], [sflag:$0x2] =	stream.indirect_vreg.gather [hbm4b:s1+s3], $0x80, v4, vm0, $0xb8;
	[tilespmem:$0x18400] =	vst v63  }
0x80: {  	s7 =	simm.s32 $0xCC00  }
0x81: {  	[tilespmem:s7], [sflag:$0x2] =	stream.indirect_vreg.gather [hbm4b:s5+s3], $0x80, v4, vm0, $0xb8;
	[tilespmem:$0x18400] =	vst v63  }
0x82: {  	s7 =	simm.s32 $0xD400  }
0x83: {  	[tilespmem:s7], [sflag:$0x2] =	stream.indirect_vreg.gather [hbm4b:s1+s3], $0x80, v3, vm0, $0xb8;
	[tilespmem:$0x18400] =	vst v63  }
0x84: {  	s7 =	simm.s32 $0xDC00  }
0x85: {  	[tilespmem:s7], [sflag:$0x2] =	stream.indirect_vreg.gather [hbm4b:s5+s3], $0x80, v3, vm0, $0xb8;
	[tilespmem:$0x18400] =	vst v63  }
0x86: {  	v3 =	vld [tilespmem:$0x70];
	_ =	sdelay $0x4  }
0x87: {  	v63 =	vshll.u32 v3, $0x2  }
0x88: {  	v3 =	vand.u32 $0x7, v3;
	v4 =	vand.u32 $0xFFFFFFE0, v63  }
0x89: {  	v3 =	vor.u32 v3, v4  }
0x8a: {  	v4 =	vperm.xlane v3, v0;
	_ =	sdelay $0x1  }
0x8b: {  	v4 =	vadd.s32 v1, v4;
	_ =	sdelay $0x1  }
0x8c: {  	v3 =	vperm.xlane v3, v2;
	_ =	sdelay $0x1  }
0x8d: {  	s7 =	simm.s32 $0xE400;
	v3 =	vadd.s32 v1, v3  }
0x8e: {  	[tilespmem:s7], [sflag:$0x2] =	stream.indirect_vreg.gather [hbm4b:s1+s3], $0x80, v4, vm0, $0xb8;
	[tilespmem:$0x18400] =	vst v63  }
0x8f: {  	s7 =	simm.s32 $0xEC00  }
0x90: {  	[tilespmem:s7], [sflag:$0x2] =	stream.indirect_vreg.gather [hbm4b:s5+s3], $0x80, v4, vm0, $0xb8;
	[tilespmem:$0x18400] =	vst v63  }
0x91: {  	s7 =	simm.s32 $0xF400  }
0x92: {  	[tilespmem:s7], [sflag:$0x2] =	stream.indirect_vreg.gather [hbm4b:s1+s3], $0x80, v3, vm0, $0xb8;
	[tilespmem:$0x18400] =	vst v63  }
0x93: {  	s7 =	simm.s32 $0xFC00  }
0x94: {  	[tilespmem:s7], [sflag:$0x2] =	stream.indirect_vreg.gather [hbm4b:s5+s3], $0x80, v3, vm0, $0xb8;
	[tilespmem:$0x18400] =	vst v63  }
0x95: {  	v3 =	vld [tilespmem:$0x80];
	_ =	sdelay $0x4  }
0x96: {  	v8 =	vshll.u32 v3, $0x2  }
0x97: {  	v3 =	vand.u32 $0x7, v3;
	v4 =	vand.u32 $0xFFFFFFE0, v8  }
0x98: {  	v3 =	vor.u32 v3, v4  }
0x99: {  	v4 =	vperm.xlane v3, v0;
	_ =	sdelay $0x1  }
0x9a: {  	v4 =	vadd.s32 v1, v4;
	_ =	sdelay $0x1  }
0x9b: {  	v3 =	vperm.xlane v3, v2;
	_ =	sdelay $0x1  }
0x9c: {  	v3 =	vadd.s32 v1, v3  }
0x9d: {  	[tilespmem:s8], [sflag:$0x3] =	stream.indirect_vreg.gather [hbm4b:s1+s3], $0x80, v4, vm0, $0xb8;
	[tilespmem:$0x18400] =	vst v63  }
0x9e: {  	s7 =	simm.s32 $0x10C00  }
0x9f: {  	[tilespmem:s7], [sflag:$0x3] =	stream.indirect_vreg.gather [hbm4b:s5+s3], $0x80, v4, vm0, $0xb8;
	[tilespmem:$0x18400] =	vst v63  }
0xa0: {  	s7 =	simm.s32 $0x11400  }
0xa1: {  	[tilespmem:s7], [sflag:$0x3] =	stream.indirect_vreg.gather [hbm4b:s1+s3], $0x80, v3, vm0, $0xb8;
	[tilespmem:$0x18400] =	vst v63  }
0xa2: {  	s7 =	simm.s32 $0x11C00  }
0xa3: {  	[tilespmem:s7], [sflag:$0x3] =	stream.indirect_vreg.gather [hbm4b:s5+s3], $0x80, v3, vm0, $0xb8;
	[tilespmem:$0x18400] =	vst v63  }
0xa4: {  	v3 =	vld [tilespmem:$0x90];
	_ =	sdelay $0x4  }
0xa5: {  	v9 =	vshll.u32 v3, $0x2  }
0xa6: {  	v3 =	vand.u32 $0x7, v3;
	v4 =	vand.u32 $0xFFFFFFE0, v9  }
0xa7: {  	v3 =	vor.u32 v3, v4  }
0xa8: {  	v4 =	vperm.xlane v3, v0;
	_ =	sdelay $0x1  }
0xa9: {  	v4 =	vadd.s32 v1, v4;
	_ =	sdelay $0x1  }
0xaa: {  	v3 =	vperm.xlane v3, v2;
	_ =	sdelay $0x1  }
0xab: {  	s7 =	simm.s32 $0x12400;
	v3 =	vadd.s32 v1, v3  }
0xac: {  	[tilespmem:s7], [sflag:$0x3] =	stream.indirect_vreg.gather [hbm4b:s1+s3], $0x80, v4, vm0, $0xb8;
	[tilespmem:$0x18400] =	vst v63  }
0xad: {  	s7 =	simm.s32 $0x12C00  }
0xae: {  	[tilespmem:s7], [sflag:$0x3] =	stream.indirect_vreg.gather [hbm4b:s5+s3], $0x80, v4, vm0, $0xb8;
	[tilespmem:$0x18400] =	vst v63  }
0xaf: {  	s7 =	simm.s32 $0x13400  }
0xb0: {  	[tilespmem:s7], [sflag:$0x3] =	stream.indirect_vreg.gather [hbm4b:s1+s3], $0x80, v3, vm0, $0xb8;
	[tilespmem:$0x18400] =	vst v63  }
0xb1: {  	s7 =	simm.s32 $0x13C00  }
0xb2: {  	[tilespmem:s7], [sflag:$0x3] =	stream.indirect_vreg.gather [hbm4b:s5+s3], $0x80, v3, vm0, $0xb8;
	[tilespmem:$0x18400] =	vst v63  }
0xb3: {  	v3 =	vld [tilespmem:$0xA0];
	_ =	sdelay $0x4  }
0xb4: {  	v10 =	vshll.u32 v3, $0x2  }
0xb5: {  	v3 =	vand.u32 $0x7, v3;
	v4 =	vand.u32 $0xFFFFFFE0, v10  }
0xb6: {  	v3 =	vor.u32 v3, v4  }
0xb7: {  	v4 =	vperm.xlane v3, v0;
	_ =	sdelay $0x1  }
0xb8: {  	v4 =	vadd.s32 v1, v4;
	_ =	sdelay $0x1  }
0xb9: {  	v3 =	vperm.xlane v3, v2;
	_ =	sdelay $0x1  }
0xba: {  	s7 =	simm.s32 $0x14400;
	v3 =	vadd.s32 v1, v3  }
0xbb: {  	[tilespmem:s7], [sflag:$0x3] =	stream.indirect_vreg.gather [hbm4b:s1+s3], $0x80, v4, vm0, $0xb8;
	[tilespmem:$0x18400] =	vst v63  }
0xbc: {  	s7 =	simm.s32 $0x14C00  }
0xbd: {  	[tilespmem:s7], [sflag:$0x3] =	stream.indirect_vreg.gather [hbm4b:s5+s3], $0x80, v4, vm0, $0xb8;
	[tilespmem:$0x18400] =	vst v63  }
0xbe: {  	s7 =	simm.s32 $0x15400  }
0xbf: {  	[tilespmem:s7], [sflag:$0x3] =	stream.indirect_vreg.gather [hbm4b:s1+s3], $0x80, v3, vm0, $0xb8;
	[tilespmem:$0x18400] =	vst v63  }
0xc0: {  	s7 =	simm.s32 $0x15C00  }
0xc1: {  	[tilespmem:s7], [sflag:$0x3] =	stream.indirect_vreg.gather [hbm4b:s5+s3], $0x80, v3, vm0, $0xb8;
	[tilespmem:$0x18400] =	vst v63  }
0xc2: {  	v3 =	vld [tilespmem:$0xB0];
	_ =	sdelay $0x4  }
0xc3: {  	v11 =	vshll.u32 v3, $0x2  }
0xc4: {  	v3 =	vand.u32 $0x7, v3;
	v4 =	vand.u32 $0xFFFFFFE0, v11  }
0xc5: {  	v3 =	vor.u32 v3, v4  }
0xc6: {  	v4 =	vperm.xlane v3, v0;
	_ =	sdelay $0x1  }
0xc7: {  	v4 =	vadd.s32 v1, v4;
	_ =	sdelay $0x1  }
0xc8: {  	v3 =	vperm.xlane v3, v2;
	_ =	sdelay $0x1  }
0xc9: {  	s7 =	simm.s32 $0x16400;
	v3 =	vadd.s32 v1, v3  }
0xca: {  	[tilespmem:s7], [sflag:$0x3] =	stream.indirect_vreg.gather [hbm4b:s1+s3], $0x80, v4, vm0, $0xb8;
	[tilespmem:$0x18400] =	vst v63  }
0xcb: {  	s7 =	simm.s32 $0x16C00  }
0xcc: {  	[tilespmem:s7], [sflag:$0x3] =	stream.indirect_vreg.gather [hbm4b:s5+s3], $0x80, v4, vm0, $0xb8;
	[tilespmem:$0x18400] =	vst v63  }
0xcd: {  	s7 =	simm.s32 $0x17400  }
0xce: {  	[tilespmem:s7], [sflag:$0x3] =	stream.indirect_vreg.gather [hbm4b:s1+s3], $0x80, v3, vm0, $0xb8;
	[tilespmem:$0x18400] =	vst v63  }
0xcf: {  	s7 =	simm.s32 $0x17C00  }
0xd0: {  	[tilespmem:s7], [sflag:$0x3] =	stream.indirect_vreg.gather [hbm4b:s5+s3], $0x80, v3, vm0, $0xb8;
	[tilespmem:$0x18400] =	vst v63  }
0xd1: {  	_ =	swait.ge [sflag:s28], $0x8000  }
0xd2: {  	[sflag:s28] =	ssyncset.done $0x0  }
0xd3: {  	s7 =	rddreg [dreg:$0x14];
	[sflag:s28] =	ssyncadd.s32 $0xFFFF8000  }
0xd4: {  	[hbm4b:s7+s3] =	stream.linear.scatter [tilespmem:s23], [sflag:$0x4], $0x8000, $0x38;
	[tilespmem:$0x18400] =	vst v63  }
0xd5: {  	_ =	swait.ge [sflag:s29], $0x8000  }
0xd6: {  	[sflag:s29] =	ssyncset.done $0x0  }
0xd7: {  	[sflag:s29] =	ssyncadd.s32 $0xFFFF8000  }
0xd8: {  	v3 =	vld [tilespmem:$0xC0];
	_ =	sdelay $0x4  }
0xd9: {  	v12 =	vshll.u32 v3, $0x2  }
0xda: {  	v3 =	vand.u32 $0x7, v3;
	v4 =	vand.u32 $0xFFFFFFE0, v12  }
0xdb: {  	v3 =	vor.u32 v3, v4  }
0xdc: {  	v4 =	vperm.xlane v3, v0;
	_ =	sdelay $0x1  }
0xdd: {  	v4 =	vadd.s32 v1, v4;
	_ =	sdelay $0x1  }
0xde: {  	v3 =	vperm.xlane v3, v2;
	_ =	sdelay $0x1  }
0xdf: {  	v3 =	vadd.s32 v1, v3  }
0xe0: {  	[tilespmem:s23], [sflag:$0x1] =	stream.indirect_vreg.gather [hbm4b:s1+s3], $0x80, v4, vm0, $0xb8;
	[tilespmem:$0x18400] =	vst v63  }
0xe1: {  	s9 =	simm.s32 $0xC00  }
0xe2: {  	[tilespmem:s9], [sflag:$0x1] =	stream.indirect_vreg.gather [hbm4b:s5+s3], $0x80, v4, vm0, $0xb8;
	[tilespmem:$0x18400] =	vst v63  }
0xe3: {  	s10 =	simm.s32 $0x1400  }
0xe4: {  	[tilespmem:s10], [sflag:$0x1] =	stream.indirect_vreg.gather [hbm4b:s1+s3], $0x80, v3, vm0, $0xb8;
	[tilespmem:$0x18400] =	vst v63  }
0xe5: {  	s24 =	simm.s32 $0x1C00  }
0xe6: {  	[tilespmem:s24], [sflag:$0x1] =	stream.indirect_vreg.gather [hbm4b:s5+s3], $0x80, v3, vm0, $0xb8;
	[tilespmem:$0x18400] =	vst v63  }
0xe7: {  	v3 =	vld [tilespmem:$0xD0];
	_ =	sdelay $0x4  }
0xe8: {  	v13 =	vshll.u32 v3, $0x2  }
0xe9: {  	v3 =	vand.u32 $0x7, v3;
	v4 =	vand.u32 $0xFFFFFFE0, v13  }
0xea: {  	v3 =	vor.u32 v3, v4  }
0xeb: {  	v4 =	vperm.xlane v3, v0;
	_ =	sdelay $0x1  }
0xec: {  	v4 =	vadd.s32 v1, v4;
	_ =	sdelay $0x1  }
0xed: {  	v3 =	vperm.xlane v3, v2;
	_ =	sdelay $0x1  }
0xee: {  	s11 =	simm.s32 $0x2400;
	v3 =	vadd.s32 v1, v3  }
0xef: {  	[tilespmem:s11], [sflag:$0x1] =	stream.indirect_vreg.gather [hbm4b:s1+s3], $0x80, v4, vm0, $0xb8;
	[tilespmem:$0x18400] =	vst v63  }
0xf0: {  	s12 =	simm.s32 $0x2C00  }
0xf1: {  	[tilespmem:s12], [sflag:$0x1] =	stream.indirect_vreg.gather [hbm4b:s5+s3], $0x80, v4, vm0, $0xb8;
	[tilespmem:$0x18400] =	vst v63  }
0xf2: {  	s13 =	simm.s32 $0x3400  }
0xf3: {  	[tilespmem:s13], [sflag:$0x1] =	stream.indirect_vreg.gather [hbm4b:s1+s3], $0x80, v3, vm0, $0xb8;
	[tilespmem:$0x18400] =	vst v63  }
0xf4: {  	s20 =	simm.s32 $0x3C00  }
0xf5: {  	[tilespmem:s20], [sflag:$0x1] =	stream.indirect_vreg.gather [hbm4b:s5+s3], $0x80, v3, vm0, $0xb8;
	[tilespmem:$0x18400] =	vst v63  }
0xf6: {  	v3 =	vld [tilespmem:$0xE0];
	_ =	sdelay $0x4  }
0xf7: {  	v14 =	vshll.u32 v3, $0x2  }
0xf8: {  	v3 =	vand.u32 $0x7, v3;
	v4 =	vand.u32 $0xFFFFFFE0, v14  }
0xf9: {  	v3 =	vor.u32 v3, v4  }
0xfa: {  	v4 =	vperm.xlane v3, v0;
	_ =	sdelay $0x1  }
0xfb: {  	v4 =	vadd.s32 v1, v4;
	_ =	sdelay $0x1  }
0xfc: {  	v3 =	vperm.xlane v3, v2;
	_ =	sdelay $0x1  }
0xfd: {  	s14 =	simm.s32 $0x4400;
	v3 =	vadd.s32 v1, v3  }
0xfe: {  	[tilespmem:s14], [sflag:$0x1] =	stream.indirect_vreg.gather [hbm4b:s1+s3], $0x80, v4, vm0, $0xb8;
	[tilespmem:$0x18400] =	vst v63  }
0xff: {  	s15 =	simm.s32 $0x4C00  }
0x100: {  	[tilespmem:s15], [sflag:$0x1] =	stream.indirect_vreg.gather [hbm4b:s5+s3], $0x80, v4, vm0, $0xb8;
	[tilespmem:$0x18400] =	vst v63  }
0x101: {  	s16 =	simm.s32 $0x5400  }
0x102: {  	[tilespmem:s16], [sflag:$0x1] =	stream.indirect_vreg.gather [hbm4b:s1+s3], $0x80, v3, vm0, $0xb8;
	[tilespmem:$0x18400] =	vst v63  }
0x103: {  	s21 =	simm.s32 $0x5C00  }
0x104: {  	[tilespmem:s21], [sflag:$0x1] =	stream.indirect_vreg.gather [hbm4b:s5+s3], $0x80, v3, vm0, $0xb8;
	[tilespmem:$0x18400] =	vst v63  }
0x105: {  	v3 =	vld [tilespmem:$0xF0];
	_ =	sdelay $0x4  }
0x106: {  	v15 =	vshll.u32 v3, $0x2  }
0x107: {  	v3 =	vand.u32 $0x7, v3;
	v4 =	vand.u32 $0xFFFFFFE0, v15  }
0x108: {  	v3 =	vor.u32 v3, v4  }
0x109: {  	v4 =	vperm.xlane v3, v0;
	_ =	sdelay $0x1  }
0x10a: {  	v4 =	vadd.s32 v1, v4;
	_ =	sdelay $0x1  }
0x10b: {  	v3 =	vperm.xlane v3, v2;
	_ =	sdelay $0x1  }
0x10c: {  	s17 =	simm.s32 $0x6400;
	v3 =	vadd.s32 v1, v3  }
0x10d: {  	[tilespmem:s17], [sflag:$0x1] =	stream.indirect_vreg.gather [hbm4b:s1+s3], $0x80, v4, vm0, $0xb8;
	[tilespmem:$0x18400] =	vst v63  }
0x10e: {  	s18 =	simm.s32 $0x6C00  }
0x10f: {  	[tilespmem:s18], [sflag:$0x1] =	stream.indirect_vreg.gather [hbm4b:s5+s3], $0x80, v4, vm0, $0xb8;
	[tilespmem:$0x18400] =	vst v63  }
0x110: {  	s19 =	simm.s32 $0x7400  }
0x111: {  	[tilespmem:s19], [sflag:$0x1] =	stream.indirect_vreg.gather [hbm4b:s1+s3], $0x80, v3, vm0, $0xb8;
	[tilespmem:$0x18400] =	vst v63  }
0x112: {  	s22 =	simm.s32 $0x7C00  }
0x113: {  	[tilespmem:s22], [sflag:$0x1] =	stream.indirect_vreg.gather [hbm4b:s5+s3], $0x80, v3, vm0, $0xb8;
	[tilespmem:$0x18400] =	vst v63  }
0x114: {  	_ =	swait.ge [sflag:s30], $0x8000  }
0x115: {  	[sflag:s30] =	ssyncset.done $0x0  }
0x116: {  	s22 =	rddreg [dreg:$0x5];
	[sflag:s30] =	ssyncadd.s32 $0xFFFF8000  }
0x117: {  	[hbm4b:s22+s3] =	stream.linear.scatter [tilespmem:s31], [sflag:$0x5], $0x8000, $0x38;
	[tilespmem:$0x18400] =	vst v63  }
0x118: {  	_ =	swait.ge [sflag:s2], $0x8000  }
0x119: {  	[sflag:s2] =	ssyncset.done $0x0  }
0x11a: {  	[sflag:s2] =	ssyncadd.s32 $0xFFFF8000  }
0x11b: {  	v3 =	vld [tilespmem:$0x100];
	_ =	sdelay $0x4  }
0x11c: {  	v16 =	vshll.u32 v3, $0x2  }
0x11d: {  	v3 =	vand.u32 $0x7, v3;
	v4 =	vand.u32 $0xFFFFFFE0, v16  }
0x11e: {  	v3 =	vor.u32 v3, v4  }
0x11f: {  	v4 =	vperm.xlane v3, v0;
	_ =	sdelay $0x1  }
0x120: {  	v4 =	vadd.s32 v1, v4;
	_ =	sdelay $0x1  }
0x121: {  	v3 =	vperm.xlane v3, v2;
	_ =	sdelay $0x1  }
0x122: {  	v3 =	vadd.s32 v1, v3  }
0x123: {  	[tilespmem:s31], [sflag:$0x2] =	stream.indirect_vreg.gather [hbm4b:s1+s3], $0x80, v4, vm0, $0xb8;
	[tilespmem:$0x18400] =	vst v63  }
0x124: {  	s22 =	simm.s32 $0x8C00  }
0x125: {  	[tilespmem:s22], [sflag:$0x2] =	stream.indirect_vreg.gather [hbm4b:s5+s3], $0x80, v4, vm0, $0xb8;
	[tilespmem:$0x18400] =	vst v63  }
0x126: {  	s22 =	simm.s32 $0x9400  }
0x127: {  	[tilespmem:s22], [sflag:$0x2] =	stream.indirect_vreg.gather [hbm4b:s1+s3], $0x80, v3, vm0, $0xb8;
	[tilespmem:$0x18400] =	vst v63  }
0x128: {  	s25 =	simm.s32 $0x9C00  }
0x129: {  	[tilespmem:s25], [sflag:$0x2] =	stream.indirect_vreg.gather [hbm4b:s5+s3], $0x80, v3, vm0, $0xb8;
	[tilespmem:$0x18400] =	vst v63  }
0x12a: {  	v3 =	vld [tilespmem:$0x110];
	_ =	sdelay $0x4  }
0x12b: {  	v17 =	vshll.u32 v3, $0x2  }
0x12c: {  	v3 =	vand.u32 $0x7, v3;
	v4 =	vand.u32 $0xFFFFFFE0, v17  }
0x12d: {  	v3 =	vor.u32 v3, v4  }
0x12e: {  	v4 =	vperm.xlane v3, v0;
	_ =	sdelay $0x1  }
0x12f: {  	v4 =	vadd.s32 v1, v4;
	_ =	sdelay $0x1  }
0x130: {  	v3 =	vperm.xlane v3, v2;
	_ =	sdelay $0x1  }
0x131: {  	s25 =	simm.s32 $0xA400;
	v3 =	vadd.s32 v1, v3  }
0x132: {  	[tilespmem:s25], [sflag:$0x2] =	stream.indirect_vreg.gather [hbm4b:s1+s3], $0x80, v4, vm0, $0xb8;
	[tilespmem:$0x18400] =	vst v63  }
0x133: {  	s22 =	simm.s32 $0xAC00  }
0x134: {  	[tilespmem:s22], [sflag:$0x2] =	stream.indirect_vreg.gather [hbm4b:s5+s3], $0x80, v4, vm0, $0xb8;
	[tilespmem:$0x18400] =	vst v63  }
0x135: {  	s25 =	simm.s32 $0xB400  }
0x136: {  	[tilespmem:s25], [sflag:$0x2] =	stream.indirect_vreg.gather [hbm4b:s1+s3], $0x80, v3, vm0, $0xb8;
	[tilespmem:$0x18400] =	vst v63  }
0x137: {  	s26 =	simm.s32 $0xBC00  }
0x138: {  	[tilespmem:s26], [sflag:$0x2] =	stream.indirect_vreg.gather [hbm4b:s5+s3], $0x80, v3, vm0, $0xb8;
	[tilespmem:$0x18400] =	vst v63  }
0x139: {  	v3 =	vld [tilespmem:$0x120];
	_ =	sdelay $0x4  }
0x13a: {  	v18 =	vshll.u32 v3, $0x2  }
0x13b: {  	v3 =	vand.u32 $0x7, v3;
	v4 =	vand.u32 $0xFFFFFFE0, v18  }
0x13c: {  	v3 =	vor.u32 v3, v4  }
0x13d: {  	v4 =	vperm.xlane v3, v0;
	_ =	sdelay $0x1  }
0x13e: {  	v4 =	vadd.s32 v1, v4;
	_ =	sdelay $0x1  }
0x13f: {  	v3 =	vperm.xlane v3, v2;
	_ =	sdelay $0x1  }
0x140: {  	s26 =	simm.s32 $0xC400;
	v3 =	vadd.s32 v1, v3  }
0x141: {  	[tilespmem:s26], [sflag:$0x2] =	stream.indirect_vreg.gather [hbm4b:s1+s3], $0x80, v4, vm0, $0xb8;
	[tilespmem:$0x18400] =	vst v63  }
0x142: {  	s22 =	simm.s32 $0xCC00  }
0x143: {  	[tilespmem:s22], [sflag:$0x2] =	stream.indirect_vreg.gather [hbm4b:s5+s3], $0x80, v4, vm0, $0xb8;
	[tilespmem:$0x18400] =	vst v63  }
0x144: {  	s25 =	simm.s32 $0xD400  }
0x145: {  	[tilespmem:s25], [sflag:$0x2] =	stream.indirect_vreg.gather [hbm4b:s1+s3], $0x80, v3, vm0, $0xb8;
	[tilespmem:$0x18400] =	vst v63  }
0x146: {  	s26 =	simm.s32 $0xDC00  }
0x147: {  	[tilespmem:s26], [sflag:$0x2] =	stream.indirect_vreg.gather [hbm4b:s5+s3], $0x80, v3, vm0, $0xb8;
	[tilespmem:$0x18400] =	vst v63  }
0x148: {  	v3 =	vld [tilespmem:$0x130];
	_ =	sdelay $0x4  }
0x149: {  	v19 =	vshll.u32 v3, $0x2  }
0x14a: {  	v3 =	vand.u32 $0x7, v3;
	v4 =	vand.u32 $0xFFFFFFE0, v19  }
0x14b: {  	v3 =	vor.u32 v3, v4  }
0x14c: {  	v4 =	vperm.xlane v3, v0;
	_ =	sdelay $0x1  }
0x14d: {  	v4 =	vadd.s32 v1, v4;
	_ =	sdelay $0x1  }
0x14e: {  	v3 =	vperm.xlane v3, v2;
	_ =	sdelay $0x1  }
0x14f: {  	s22 =	simm.s32 $0xE400;
	v3 =	vadd.s32 v1, v3  }
0x150: {  	[tilespmem:s22], [sflag:$0x2] =	stream.indirect_vreg.gather [hbm4b:s1+s3], $0x80, v4, vm0, $0xb8;
	[tilespmem:$0x18400] =	vst v63  }
0x151: {  	s25 =	simm.s32 $0xEC00  }
0x152: {  	[tilespmem:s25], [sflag:$0x2] =	stream.indirect_vreg.gather [hbm4b:s5+s3], $0x80, v4, vm0, $0xb8;
	[tilespmem:$0x18400] =	vst v63  }
0x153: {  	s26 =	simm.s32 $0xF400  }
0x154: {  	[tilespmem:s26], [sflag:$0x2] =	stream.indirect_vreg.gather [hbm4b:s1+s3], $0x80, v3, vm0, $0xb8;
	[tilespmem:$0x18400] =	vst v63  }
0x155: {  	s22 =	simm.s32 $0xFC00  }
0x156: {  	[tilespmem:s22], [sflag:$0x2] =	stream.indirect_vreg.gather [hbm4b:s5+s3], $0x80, v3, vm0, $0xb8;
	[tilespmem:$0x18400] =	vst v63  }
0x157: {  	_ =	swait.ge [sflag:s0], $0x8000  }
0x158: {  	[sflag:s0] =	ssyncset.done $0x0  }
0x159: {  	s25 =	rddreg [dreg:$0x6];
	[sflag:s0] =	ssyncadd.s32 $0xFFFF8000  }
0x15a: {  	[hbm4b:s25+s3] =	stream.linear.scatter [tilespmem:s8], [sflag:$0x6], $0x8000, $0x38;
	[tilespmem:$0x18400] =	vst v63  }
0x15b: {  	_ =	swait.ge [sflag:s4], $0x8000  }
0x15c: {  	[sflag:s4] =	ssyncset.done $0x0  }
0x15d: {  	[sflag:s4] =	ssyncadd.s32 $0xFFFF8000  }
0x15e: {  	v3 =	vld [tilespmem:$0x140];
	_ =	sdelay $0x4  }
0x15f: {  	v20 =	vshll.u32 v3, $0x2  }
0x160: {  	v3 =	vand.u32 $0x7, v3;
	v4 =	vand.u32 $0xFFFFFFE0, v20  }
0x161: {  	v3 =	vor.u32 v3, v4  }
0x162: {  	v4 =	vperm.xlane v3, v0;
	_ =	sdelay $0x1  }
0x163: {  	v4 =	vadd.s32 v1, v4;
	_ =	sdelay $0x1  }
0x164: {  	v3 =	vperm.xlane v3, v2;
	_ =	sdelay $0x1  }
0x165: {  	v3 =	vadd.s32 v1, v3  }
0x166: {  	[tilespmem:s8], [sflag:$0x3] =	stream.indirect_vreg.gather [hbm4b:s1+s3], $0x80, v4, vm0, $0xb8;
	[tilespmem:$0x18400] =	vst v63  }
0x167: {  	s26 =	simm.s32 $0x10C00  }
0x168: {  	[tilespmem:s26], [sflag:$0x3] =	stream.indirect_vreg.gather [hbm4b:s5+s3], $0x80, v4, vm0, $0xb8;
	[tilespmem:$0x18400] =	vst v63  }
0x169: {  	s22 =	simm.s32 $0x11400  }
0x16a: {  	[tilespmem:s22], [sflag:$0x3] =	stream.indirect_vreg.gather [hbm4b:s1+s3], $0x80, v3, vm0, $0xb8;
	[tilespmem:$0x18400] =	vst v63  }
0x16b: {  	s25 =	simm.s32 $0x11C00  }
0x16c: {  	[tilespmem:s25], [sflag:$0x3] =	stream.indirect_vreg.gather [hbm4b:s5+s3], $0x80, v3, vm0, $0xb8;
	[tilespmem:$0x18400] =	vst v63  }
0x16d: {  	v3 =	vld [tilespmem:$0x150];
	_ =	sdelay $0x4  }
0x16e: {  	v21 =	vshll.u32 v3, $0x2  }
0x16f: {  	v3 =	vand.u32 $0x7, v3;
	v4 =	vand.u32 $0xFFFFFFE0, v21  }
0x170: {  	v3 =	vor.u32 v3, v4  }
0x171: {  	v4 =	vperm.xlane v3, v0;
	_ =	sdelay $0x1  }
0x172: {  	v4 =	vadd.s32 v1, v4;
	_ =	sdelay $0x1  }
0x173: {  	v3 =	vperm.xlane v3, v2;
	_ =	sdelay $0x1  }
0x174: {  	s22 =	simm.s32 $0x12400;
	v3 =	vadd.s32 v1, v3  }
0x175: {  	[tilespmem:s22], [sflag:$0x3] =	stream.indirect_vreg.gather [hbm4b:s1+s3], $0x80, v4, vm0, $0xb8;
	[tilespmem:$0x18400] =	vst v63  }
0x176: {  	s25 =	simm.s32 $0x12C00  }
0x177: {  	[tilespmem:s25], [sflag:$0x3] =	stream.indirect_vreg.gather [hbm4b:s5+s3], $0x80, v4, vm0, $0xb8;
	[tilespmem:$0x18400] =	vst v63  }
0x178: {  	s22 =	simm.s32 $0x13400  }
0x179: {  	[tilespmem:s22], [sflag:$0x3] =	stream.indirect_vreg.gather [hbm4b:s1+s3], $0x80, v3, vm0, $0xb8;
	[tilespmem:$0x18400] =	vst v63  }
0x17a: {  	s25 =	simm.s32 $0x13C00  }
0x17b: {  	[tilespmem:s25], [sflag:$0x3] =	stream.indirect_vreg.gather [hbm4b:s5+s3], $0x80, v3, vm0, $0xb8;
	[tilespmem:$0x18400] =	vst v63  }
0x17c: {  	v3 =	vld [tilespmem:$0x160];
	_ =	sdelay $0x4  }
0x17d: {  	v22 =	vshll.u32 v3, $0x2  }
0x17e: {  	v3 =	vand.u32 $0x7, v3;
	v4 =	vand.u32 $0xFFFFFFE0, v22  }
0x17f: {  	v3 =	vor.u32 v3, v4  }
0x180: {  	v4 =	vperm.xlane v3, v0;
	_ =	sdelay $0x1  }
0x181: {  	v4 =	vadd.s32 v1, v4;
	_ =	sdelay $0x1  }
0x182: {  	v3 =	vperm.xlane v3, v2;
	_ =	sdelay $0x1  }
0x183: {  	s22 =	simm.s32 $0x14400;
	v3 =	vadd.s32 v1, v3  }
0x184: {  	[tilespmem:s22], [sflag:$0x3] =	stream.indirect_vreg.gather [hbm4b:s1+s3], $0x80, v4, vm0, $0xb8;
	[tilespmem:$0x18400] =	vst v63  }
0x185: {  	s25 =	simm.s32 $0x14C00  }
0x186: {  	[tilespmem:s25], [sflag:$0x3] =	stream.indirect_vreg.gather [hbm4b:s5+s3], $0x80, v4, vm0, $0xb8;
	[tilespmem:$0x18400] =	vst v63  }
0x187: {  	s22 =	simm.s32 $0x15400  }
0x188: {  	[tilespmem:s22], [sflag:$0x3] =	stream.indirect_vreg.gather [hbm4b:s1+s3], $0x80, v3, vm0, $0xb8;
	[tilespmem:$0x18400] =	vst v63  }
0x189: {  	s25 =	simm.s32 $0x15C00  }
0x18a: {  	[tilespmem:s25], [sflag:$0x3] =	stream.indirect_vreg.gather [hbm4b:s5+s3], $0x80, v3, vm0, $0xb8;
	[tilespmem:$0x18400] =	vst v63  }
0x18b: {  	v3 =	vld [tilespmem:$0x170];
	_ =	sdelay $0x4  }
0x18c: {  	v23 =	vshll.u32 v3, $0x2  }
0x18d: {  	v3 =	vand.u32 $0x7, v3;
	v4 =	vand.u32 $0xFFFFFFE0, v23  }
0x18e: {  	v3 =	vor.u32 v3, v4  }
0x18f: {  	v4 =	vperm.xlane v3, v0;
	_ =	sdelay $0x1  }
0x190: {  	v4 =	vadd.s32 v1, v4;
	_ =	sdelay $0x1  }
0x191: {  	v3 =	vperm.xlane v3, v2;
	_ =	sdelay $0x1  }
0x192: {  	s22 =	simm.s32 $0x16400;
	v3 =	vadd.s32 v1, v3  }
0x193: {  	[tilespmem:s22], [sflag:$0x3] =	stream.indirect_vreg.gather [hbm4b:s1+s3], $0x80, v4, vm0, $0xb8;
	[tilespmem:$0x18400] =	vst v63  }
0x194: {  	s25 =	simm.s32 $0x16C00  }
0x195: {  	[tilespmem:s25], [sflag:$0x3] =	stream.indirect_vreg.gather [hbm4b:s5+s3], $0x80, v4, vm0, $0xb8;
	[tilespmem:$0x18400] =	vst v63  }
0x196: {  	s22 =	simm.s32 $0x17400  }
0x197: {  	[tilespmem:s22], [sflag:$0x3] =	stream.indirect_vreg.gather [hbm4b:s1+s3], $0x80, v3, vm0, $0xb8;
	[tilespmem:$0x18400] =	vst v63  }
0x198: {  	s25 =	simm.s32 $0x17C00  }
0x199: {  	[tilespmem:s25], [sflag:$0x3] =	stream.indirect_vreg.gather [hbm4b:s5+s3], $0x80, v3, vm0, $0xb8;
	[tilespmem:$0x18400] =	vst v63  }
0x19a: {  	_ =	swait.ge [sflag:s28], $0x8000  }
0x19b: {  	[sflag:s28] =	ssyncset.done $0x0  }
0x19c: {  	s22 =	rddreg [dreg:$0x7];
	[sflag:s28] =	ssyncadd.s32 $0xFFFF8000  }
0x19d: {  	[hbm4b:s22+s3] =	stream.linear.scatter [tilespmem:s23], [sflag:$0x4], $0x8000, $0x38;
	[tilespmem:$0x18400] =	vst v63  }
0x19e: {  	_ =	swait.ge [sflag:s29], $0x8000  }
0x19f: {  	[sflag:s29] =	ssyncset.done $0x0  }
0x1a0: {  	[sflag:s29] =	ssyncadd.s32 $0xFFFF8000  }
0x1a1: {  	v3 =	vld [tilespmem:$0x180];
	_ =	sdelay $0x4  }
0x1a2: {  	v24 =	vshll.u32 v3, $0x2  }
0x1a3: {  	v3 =	vand.u32 $0x7, v3;
	v4 =	vand.u32 $0xFFFFFFE0, v24  }
0x1a4: {  	v3 =	vor.u32 v3, v4  }
0x1a5: {  	v4 =	vperm.xlane v3, v0;
	_ =	sdelay $0x1  }
0x1a6: {  	v4 =	vadd.s32 v1, v4;
	_ =	sdelay $0x1  }
0x1a7: {  	v3 =	vperm.xlane v3, v2;
	_ =	sdelay $0x1  }
0x1a8: {  	v3 =	vadd.s32 v1, v3  }
0x1a9: {  	[tilespmem:s23], [sflag:$0x1] =	stream.indirect_vreg.gather [hbm4b:s1+s3], $0x80, v4, vm0, $0xb8;
	[tilespmem:$0x18400] =	vst v63  }
0x1aa: {  	s9 =	simm.s32 $0xC00  }
0x1ab: {  	[tilespmem:s9], [sflag:$0x1] =	stream.indirect_vreg.gather [hbm4b:s5+s3], $0x80, v4, vm0, $0xb8;
	[tilespmem:$0x18400] =	vst v63  }
0x1ac: {  	s10 =	simm.s32 $0x1400  }
0x1ad: {  	[tilespmem:s10], [sflag:$0x1] =	stream.indirect_vreg.gather [hbm4b:s1+s3], $0x80, v3, vm0, $0xb8;
	[tilespmem:$0x18400] =	vst v63  }
0x1ae: {  	s25 =	simm.s32 $0x1C00  }
0x1af: {  	[tilespmem:s25], [sflag:$0x1] =	stream.indirect_vreg.gather [hbm4b:s5+s3], $0x80, v3, vm0, $0xb8;
	[tilespmem:$0x18400] =	vst v63  }
0x1b0: {  	v3 =	vld [tilespmem:$0x190];
	_ =	sdelay $0x4  }
0x1b1: {  	v25 =	vshll.u32 v3, $0x2  }
0x1b2: {  	v3 =	vand.u32 $0x7, v3;
	v4 =	vand.u32 $0xFFFFFFE0, v25  }
0x1b3: {  	v3 =	vor.u32 v3, v4  }
0x1b4: {  	v4 =	vperm.xlane v3, v0;
	_ =	sdelay $0x1  }
0x1b5: {  	v4 =	vadd.s32 v1, v4;
	_ =	sdelay $0x1  }
0x1b6: {  	v3 =	vperm.xlane v3, v2;
	_ =	sdelay $0x1  }
0x1b7: {  	s11 =	simm.s32 $0x2400;
	v3 =	vadd.s32 v1, v3  }
0x1b8: {  	[tilespmem:s11], [sflag:$0x1] =	stream.indirect_vreg.gather [hbm4b:s1+s3], $0x80, v4, vm0, $0xb8;
	[tilespmem:$0x18400] =	vst v63  }
0x1b9: {  	s12 =	simm.s32 $0x2C00  }
0x1ba: {  	[tilespmem:s12], [sflag:$0x1] =	stream.indirect_vreg.gather [hbm4b:s5+s3], $0x80, v4, vm0, $0xb8;
	[tilespmem:$0x18400] =	vst v63  }
0x1bb: {  	s13 =	simm.s32 $0x3400  }
0x1bc: {  	[tilespmem:s13], [sflag:$0x1] =	stream.indirect_vreg.gather [hbm4b:s1+s3], $0x80, v3, vm0, $0xb8;
	[tilespmem:$0x18400] =	vst v63  }
0x1bd: {  	s24 =	simm.s32 $0x3C00  }
0x1be: {  	[tilespmem:s24], [sflag:$0x1] =	stream.indirect_vreg.gather [hbm4b:s5+s3], $0x80, v3, vm0, $0xb8;
	[tilespmem:$0x18400] =	vst v63  }
0x1bf: {  	v3 =	vld [tilespmem:$0x1A0];
	_ =	sdelay $0x4  }
0x1c0: {  	v26 =	vshll.u32 v3, $0x2  }
0x1c1: {  	v3 =	vand.u32 $0x7, v3;
	v4 =	vand.u32 $0xFFFFFFE0, v26  }
0x1c2: {  	v3 =	vor.u32 v3, v4  }
0x1c3: {  	v4 =	vperm.xlane v3, v0;
	_ =	sdelay $0x1  }
0x1c4: {  	v4 =	vadd.s32 v1, v4;
	_ =	sdelay $0x1  }
0x1c5: {  	v3 =	vperm.xlane v3, v2;
	_ =	sdelay $0x1  }
0x1c6: {  	s14 =	simm.s32 $0x4400;
	v3 =	vadd.s32 v1, v3  }
0x1c7: {  	[tilespmem:s14], [sflag:$0x1] =	stream.indirect_vreg.gather [hbm4b:s1+s3], $0x80, v4, vm0, $0xb8;
	[tilespmem:$0x18400] =	vst v63  }
0x1c8: {  	s15 =	simm.s32 $0x4C00  }
0x1c9: {  	[tilespmem:s15], [sflag:$0x1] =	stream.indirect_vreg.gather [hbm4b:s5+s3], $0x80, v4, vm0, $0xb8;
	[tilespmem:$0x18400] =	vst v63  }
0x1ca: {  	s16 =	simm.s32 $0x5400  }
0x1cb: {  	[tilespmem:s16], [sflag:$0x1] =	stream.indirect_vreg.gather [hbm4b:s1+s3], $0x80, v3, vm0, $0xb8;
	[tilespmem:$0x18400] =	vst v63  }
0x1cc: {  	s20 =	simm.s32 $0x5C00  }
0x1cd: {  	[tilespmem:s20], [sflag:$0x1] =	stream.indirect_vreg.gather [hbm4b:s5+s3], $0x80, v3, vm0, $0xb8;
	[tilespmem:$0x18400] =	vst v63  }
0x1ce: {  	v3 =	vld [tilespmem:$0x1B0];
	_ =	sdelay $0x4  }
0x1cf: {  	v27 =	vshll.u32 v3, $0x2  }
0x1d0: {  	v3 =	vand.u32 $0x7, v3;
	v4 =	vand.u32 $0xFFFFFFE0, v27  }
0x1d1: {  	v3 =	vor.u32 v3, v4  }
0x1d2: {  	v4 =	vperm.xlane v3, v0;
	_ =	sdelay $0x1  }
0x1d3: {  	v4 =	vadd.s32 v1, v4;
	_ =	sdelay $0x1  }
0x1d4: {  	v3 =	vperm.xlane v3, v2;
	_ =	sdelay $0x1  }
0x1d5: {  	s17 =	simm.s32 $0x6400;
	v3 =	vadd.s32 v1, v3  }
0x1d6: {  	[tilespmem:s17], [sflag:$0x1] =	stream.indirect_vreg.gather [hbm4b:s1+s3], $0x80, v4, vm0, $0xb8;
	[tilespmem:$0x18400] =	vst v63  }
0x1d7: {  	s18 =	simm.s32 $0x6C00  }
0x1d8: {  	[tilespmem:s18], [sflag:$0x1] =	stream.indirect_vreg.gather [hbm4b:s5+s3], $0x80, v4, vm0, $0xb8;
	[tilespmem:$0x18400] =	vst v63  }
0x1d9: {  	s19 =	simm.s32 $0x7400  }
0x1da: {  	[tilespmem:s19], [sflag:$0x1] =	stream.indirect_vreg.gather [hbm4b:s1+s3], $0x80, v3, vm0, $0xb8;
	[tilespmem:$0x18400] =	vst v63  }
0x1db: {  	s21 =	simm.s32 $0x7C00  }
0x1dc: {  	[tilespmem:s21], [sflag:$0x1] =	stream.indirect_vreg.gather [hbm4b:s5+s3], $0x80, v3, vm0, $0xb8;
	[tilespmem:$0x18400] =	vst v63  }
0x1dd: {  	_ =	swait.ge [sflag:s30], $0x8000  }
0x1de: {  	[sflag:s30] =	ssyncset.done $0x0  }
0x1df: {  	s21 =	rddreg [dreg:$0x8];
	[sflag:s30] =	ssyncadd.s32 $0xFFFF8000  }
0x1e0: {  	[hbm4b:s21+s3] =	stream.linear.scatter [tilespmem:s31], [sflag:$0x5], $0x8000, $0x38;
	[tilespmem:$0x18400] =	vst v63  }
0x1e1: {  	_ =	swait.ge [sflag:s2], $0x8000  }
0x1e2: {  	[sflag:s2] =	ssyncset.done $0x0  }
0x1e3: {  	[sflag:s2] =	ssyncadd.s32 $0xFFFF8000  }
0x1e4: {  	v3 =	vld [tilespmem:$0x1C0];
	_ =	sdelay $0x4  }
0x1e5: {  	v28 =	vshll.u32 v3, $0x2  }
0x1e6: {  	v3 =	vand.u32 $0x7, v3;
	v4 =	vand.u32 $0xFFFFFFE0, v28  }
0x1e7: {  	v3 =	vor.u32 v3, v4  }
0x1e8: {  	v4 =	vperm.xlane v3, v0;
	_ =	sdelay $0x1  }
0x1e9: {  	v4 =	vadd.s32 v1, v4;
	_ =	sdelay $0x1  }
0x1ea: {  	v3 =	vperm.xlane v3, v2;
	_ =	sdelay $0x1  }
0x1eb: {  	v3 =	vadd.s32 v1, v3  }
0x1ec: {  	[tilespmem:s31], [sflag:$0x2] =	stream.indirect_vreg.gather [hbm4b:s1+s3], $0x80, v4, vm0, $0xb8;
	[tilespmem:$0x18400] =	vst v63  }
0x1ed: {  	s20 =	simm.s32 $0x8C00  }
0x1ee: {  	[tilespmem:s20], [sflag:$0x2] =	stream.indirect_vreg.gather [hbm4b:s5+s3], $0x80, v4, vm0, $0xb8;
	[tilespmem:$0x18400] =	vst v63  }
0x1ef: {  	s21 =	simm.s32 $0x9400  }
0x1f0: {  	[tilespmem:s21], [sflag:$0x2] =	stream.indirect_vreg.gather [hbm4b:s1+s3], $0x80, v3, vm0, $0xb8;
	[tilespmem:$0x18400] =	vst v63  }
0x1f1: {  	s20 =	simm.s32 $0x9C00  }
0x1f2: {  	[tilespmem:s20], [sflag:$0x2] =	stream.indirect_vreg.gather [hbm4b:s5+s3], $0x80, v3, vm0, $0xb8;
	[tilespmem:$0x18400] =	vst v63  }
0x1f3: {  	v3 =	vld [tilespmem:$0x1D0];
	_ =	sdelay $0x4  }
0x1f4: {  	v29 =	vshll.u32 v3, $0x2  }
0x1f5: {  	v3 =	vand.u32 $0x7, v3;
	v4 =	vand.u32 $0xFFFFFFE0, v29  }
0x1f6: {  	v3 =	vor.u32 v3, v4  }
0x1f7: {  	v4 =	vperm.xlane v3, v0;
	_ =	sdelay $0x1  }
0x1f8: {  	v4 =	vadd.s32 v1, v4;
	_ =	sdelay $0x1  }
0x1f9: {  	v3 =	vperm.xlane v3, v2;
	_ =	sdelay $0x1  }
0x1fa: {  	s21 =	simm.s32 $0xA400;
	v3 =	vadd.s32 v1, v3  }
0x1fb: {  	[tilespmem:s21], [sflag:$0x2] =	stream.indirect_vreg.gather [hbm4b:s1+s3], $0x80, v4, vm0, $0xb8;
	[tilespmem:$0x18400] =	vst v63  }
0x1fc: {  	s20 =	simm.s32 $0xAC00  }
0x1fd: {  	[tilespmem:s20], [sflag:$0x2] =	stream.indirect_vreg.gather [hbm4b:s5+s3], $0x80, v4, vm0, $0xb8;
	[tilespmem:$0x18400] =	vst v63  }
0x1fe: {  	s21 =	simm.s32 $0xB400  }
0x1ff: {  	[tilespmem:s21], [sflag:$0x2] =	stream.indirect_vreg.gather [hbm4b:s1+s3], $0x80, v3, vm0, $0xb8;
	[tilespmem:$0x18400] =	vst v63  }
0x200: {  	s20 =	simm.s32 $0xBC00  }
0x201: {  	[tilespmem:s20], [sflag:$0x2] =	stream.indirect_vreg.gather [hbm4b:s5+s3], $0x80, v3, vm0, $0xb8;
	[tilespmem:$0x18400] =	vst v63  }
0x202: {  	v3 =	vld [tilespmem:$0x1E0];
	_ =	sdelay $0x4  }
0x203: {  	v30 =	vshll.u32 v3, $0x2  }
0x204: {  	v3 =	vand.u32 $0x7, v3;
	v4 =	vand.u32 $0xFFFFFFE0, v30  }
0x205: {  	v3 =	vor.u32 v3, v4  }
0x206: {  	v4 =	vperm.xlane v3, v0;
	_ =	sdelay $0x1  }
0x207: {  	v4 =	vadd.s32 v1, v4;
	_ =	sdelay $0x1  }
0x208: {  	v3 =	vperm.xlane v3, v2;
	_ =	sdelay $0x1  }
0x209: {  	s21 =	simm.s32 $0xC400;
	v3 =	vadd.s32 v1, v3  }
0x20a: {  	[tilespmem:s21], [sflag:$0x2] =	stream.indirect_vreg.gather [hbm4b:s1+s3], $0x80, v4, vm0, $0xb8;
	[tilespmem:$0x18400] =	vst v63  }
0x20b: {  	s20 =	simm.s32 $0xCC00  }
0x20c: {  	[tilespmem:s20], [sflag:$0x2] =	stream.indirect_vreg.gather [hbm4b:s5+s3], $0x80, v4, vm0, $0xb8;
	[tilespmem:$0x18400] =	vst v63  }
0x20d: {  	s21 =	simm.s32 $0xD400  }
0x20e: {  	[tilespmem:s21], [sflag:$0x2] =	stream.indirect_vreg.gather [hbm4b:s1+s3], $0x80, v3, vm0, $0xb8;
	[tilespmem:$0x18400] =	vst v63  }
0x20f: {  	s20 =	simm.s32 $0xDC00  }
0x210: {  	[tilespmem:s20], [sflag:$0x2] =	stream.indirect_vreg.gather [hbm4b:s5+s3], $0x80, v3, vm0, $0xb8;
	[tilespmem:$0x18400] =	vst v63  }
0x211: {  	v3 =	vld [tilespmem:$0x1F0];
	_ =	sdelay $0x4  }
0x212: {  	v31 =	vshll.u32 v3, $0x2  }
0x213: {  	v3 =	vand.u32 $0x7, v3;
	v4 =	vand.u32 $0xFFFFFFE0, v31  }
0x214: {  	v3 =	vor.u32 v3, v4  }
0x215: {  	v4 =	vperm.xlane v3, v0;
	_ =	sdelay $0x1  }
0x216: {  	v4 =	vadd.s32 v1, v4;
	_ =	sdelay $0x1  }
0x217: {  	v3 =	vperm.xlane v3, v2;
	_ =	sdelay $0x1  }
0x218: {  	s21 =	simm.s32 $0xE400;
	v3 =	vadd.s32 v1, v3  }
0x219: {  	[tilespmem:s21], [sflag:$0x2] =	stream.indirect_vreg.gather [hbm4b:s1+s3], $0x80, v4, vm0, $0xb8;
	[tilespmem:$0x18400] =	vst v63  }
0x21a: {  	s20 =	simm.s32 $0xEC00  }
0x21b: {  	[tilespmem:s20], [sflag:$0x2] =	stream.indirect_vreg.gather [hbm4b:s5+s3], $0x80, v4, vm0, $0xb8;
	[tilespmem:$0x18400] =	vst v63  }
0x21c: {  	s21 =	simm.s32 $0xF400  }
0x21d: {  	[tilespmem:s21], [sflag:$0x2] =	stream.indirect_vreg.gather [hbm4b:s1+s3], $0x80, v3, vm0, $0xb8;
	[tilespmem:$0x18400] =	vst v63  }
0x21e: {  	s20 =	simm.s32 $0xFC00  }
0x21f: {  	[tilespmem:s20], [sflag:$0x2] =	stream.indirect_vreg.gather [hbm4b:s5+s3], $0x80, v3, vm0, $0xb8;
	[tilespmem:$0x18400] =	vst v63  }
0x220: {  	_ =	swait.ge [sflag:s0], $0x8000  }
0x221: {  	[sflag:s0] =	ssyncset.done $0x0  }
0x222: {  	s21 =	rddreg [dreg:$0x9];
	[sflag:s0] =	ssyncadd.s32 $0xFFFF8000  }
0x223: {  	[hbm4b:s21+s3] =	stream.linear.scatter [tilespmem:s8], [sflag:$0x6], $0x8000, $0x38;
	[tilespmem:$0x18400] =	vst v63  }
0x224: {  	_ =	swait.ge [sflag:s4], $0x8000  }
0x225: {  	[sflag:s4] =	ssyncset.done $0x0  }
0x226: {  	[sflag:s4] =	ssyncadd.s32 $0xFFFF8000  }
0x227: {  	v3 =	vld [tilespmem:$0x200];
	_ =	sdelay $0x4  }
0x228: {  	v32 =	vshll.u32 v3, $0x2  }
0x229: {  	v3 =	vand.u32 $0x7, v3;
	v4 =	vand.u32 $0xFFFFFFE0, v32  }
0x22a: {  	v3 =	vor.u32 v3, v4  }
0x22b: {  	v4 =	vperm.xlane v3, v0;
	_ =	sdelay $0x1  }
0x22c: {  	v4 =	vadd.s32 v1, v4;
	_ =	sdelay $0x1  }
0x22d: {  	v3 =	vperm.xlane v3, v2;
	_ =	sdelay $0x1  }
0x22e: {  	v3 =	vadd.s32 v1, v3  }
0x22f: {  	[tilespmem:s8], [sflag:$0x3] =	stream.indirect_vreg.gather [hbm4b:s1+s3], $0x80, v4, vm0, $0xb8;
	[tilespmem:$0x18400] =	vst v63  }
0x230: {  	s26 =	simm.s32 $0x10C00  }
0x231: {  	[tilespmem:s26], [sflag:$0x3] =	stream.indirect_vreg.gather [hbm4b:s5+s3], $0x80, v4, vm0, $0xb8;
	[tilespmem:$0x18400] =	vst v63  }
0x232: {  	s26 =	simm.s32 $0x11400  }
0x233: {  	[tilespmem:s26], [sflag:$0x3] =	stream.indirect_vreg.gather [hbm4b:s1+s3], $0x80, v3, vm0, $0xb8;
	[tilespmem:$0x18400] =	vst v63  }
0x234: {  	s20 =	simm.s32 $0x11C00  }
0x235: {  	[tilespmem:s20], [sflag:$0x3] =	stream.indirect_vreg.gather [hbm4b:s5+s3], $0x80, v3, vm0, $0xb8;
	[tilespmem:$0x18400] =	vst v63  }
0x236: {  	v3 =	vld [tilespmem:$0x210];
	_ =	sdelay $0x4  }
0x237: {  	v33 =	vshll.u32 v3, $0x2  }
0x238: {  	v3 =	vand.u32 $0x7, v3;
	v4 =	vand.u32 $0xFFFFFFE0, v33  }
0x239: {  	v3 =	vor.u32 v3, v4  }
0x23a: {  	v4 =	vperm.xlane v3, v0;
	_ =	sdelay $0x1  }
0x23b: {  	v4 =	vadd.s32 v1, v4;
	_ =	sdelay $0x1  }
0x23c: {  	v3 =	vperm.xlane v3, v2;
	_ =	sdelay $0x1  }
0x23d: {  	s26 =	simm.s32 $0x12400;
	v3 =	vadd.s32 v1, v3  }
0x23e: {  	[tilespmem:s26], [sflag:$0x3] =	stream.indirect_vreg.gather [hbm4b:s1+s3], $0x80, v4, vm0, $0xb8;
	[tilespmem:$0x18400] =	vst v63  }
0x23f: {  	s20 =	simm.s32 $0x12C00  }
0x240: {  	[tilespmem:s20], [sflag:$0x3] =	stream.indirect_vreg.gather [hbm4b:s5+s3], $0x80, v4, vm0, $0xb8;
	[tilespmem:$0x18400] =	vst v63  }
0x241: {  	s26 =	simm.s32 $0x13400  }
0x242: {  	[tilespmem:s26], [sflag:$0x3] =	stream.indirect_vreg.gather [hbm4b:s1+s3], $0x80, v3, vm0, $0xb8;
	[tilespmem:$0x18400] =	vst v63  }
0x243: {  	s20 =	simm.s32 $0x13C00  }
0x244: {  	[tilespmem:s20], [sflag:$0x3] =	stream.indirect_vreg.gather [hbm4b:s5+s3], $0x80, v3, vm0, $0xb8;
	[tilespmem:$0x18400] =	vst v63  }
0x245: {  	v3 =	vld [tilespmem:$0x220];
	_ =	sdelay $0x4  }
0x246: {  	v34 =	vshll.u32 v3, $0x2  }
0x247: {  	v3 =	vand.u32 $0x7, v3;
	v4 =	vand.u32 $0xFFFFFFE0, v34  }
0x248: {  	v3 =	vor.u32 v3, v4  }
0x249: {  	v4 =	vperm.xlane v3, v0;
	_ =	sdelay $0x1  }
0x24a: {  	v4 =	vadd.s32 v1, v4;
	_ =	sdelay $0x1  }
0x24b: {  	v3 =	vperm.xlane v3, v2;
	_ =	sdelay $0x1  }
0x24c: {  	s26 =	simm.s32 $0x14400;
	v3 =	vadd.s32 v1, v3  }
0x24d: {  	[tilespmem:s26], [sflag:$0x3] =	stream.indirect_vreg.gather [hbm4b:s1+s3], $0x80, v4, vm0, $0xb8;
	[tilespmem:$0x18400] =	vst v63  }
0x24e: {  	s20 =	simm.s32 $0x14C00  }
0x24f: {  	[tilespmem:s20], [sflag:$0x3] =	stream.indirect_vreg.gather [hbm4b:s5+s3], $0x80, v4, vm0, $0xb8;
	[tilespmem:$0x18400] =	vst v63  }
0x250: {  	s26 =	simm.s32 $0x15400  }
0x251: {  	[tilespmem:s26], [sflag:$0x3] =	stream.indirect_vreg.gather [hbm4b:s1+s3], $0x80, v3, vm0, $0xb8;
	[tilespmem:$0x18400] =	vst v63  }
0x252: {  	s20 =	simm.s32 $0x15C00  }
0x253: {  	[tilespmem:s20], [sflag:$0x3] =	stream.indirect_vreg.gather [hbm4b:s5+s3], $0x80, v3, vm0, $0xb8;
	[tilespmem:$0x18400] =	vst v63  }
0x254: {  	v3 =	vld [tilespmem:$0x230];
	_ =	sdelay $0x4  }
0x255: {  	v35 =	vshll.u32 v3, $0x2  }
0x256: {  	v3 =	vand.u32 $0x7, v3;
	v4 =	vand.u32 $0xFFFFFFE0, v35  }
0x257: {  	v3 =	vor.u32 v3, v4  }
0x258: {  	v4 =	vperm.xlane v3, v0;
	_ =	sdelay $0x1  }
0x259: {  	v4 =	vadd.s32 v1, v4;
	_ =	sdelay $0x1  }
0x25a: {  	v3 =	vperm.xlane v3, v2;
	_ =	sdelay $0x1  }
0x25b: {  	s26 =	simm.s32 $0x16400;
	v3 =	vadd.s32 v1, v3  }
0x25c: {  	[tilespmem:s26], [sflag:$0x3] =	stream.indirect_vreg.gather [hbm4b:s1+s3], $0x80, v4, vm0, $0xb8;
	[tilespmem:$0x18400] =	vst v63  }
0x25d: {  	s20 =	simm.s32 $0x16C00  }
0x25e: {  	[tilespmem:s20], [sflag:$0x3] =	stream.indirect_vreg.gather [hbm4b:s5+s3], $0x80, v4, vm0, $0xb8;
	[tilespmem:$0x18400] =	vst v63  }
0x25f: {  	s26 =	simm.s32 $0x17400  }
0x260: {  	[tilespmem:s26], [sflag:$0x3] =	stream.indirect_vreg.gather [hbm4b:s1+s3], $0x80, v3, vm0, $0xb8;
	[tilespmem:$0x18400] =	vst v63  }
0x261: {  	s20 =	simm.s32 $0x17C00  }
0x262: {  	[tilespmem:s20], [sflag:$0x3] =	stream.indirect_vreg.gather [hbm4b:s5+s3], $0x80, v3, vm0, $0xb8;
	[tilespmem:$0x18400] =	vst v63  }
0x263: {  	_ =	swait.ge [sflag:s28], $0x8000  }
0x264: {  	[sflag:s28] =	ssyncset.done $0x0  }
0x265: {  	s26 =	rddreg [dreg:$0xa];
	[sflag:s28] =	ssyncadd.s32 $0xFFFF8000  }
0x266: {  	[hbm4b:s26+s3] =	stream.linear.scatter [tilespmem:s23], [sflag:$0x4], $0x8000, $0x38;
	[tilespmem:$0x18400] =	vst v63  }
0x267: {  	_ =	swait.ge [sflag:s29], $0x8000  }
0x268: {  	[sflag:s29] =	ssyncset.done $0x0  }
0x269: {  	[sflag:s29] =	ssyncadd.s32 $0xFFFF8000  }
0x26a: {  	v3 =	vld [tilespmem:$0x240];
	_ =	sdelay $0x4  }
0x26b: {  	v36 =	vshll.u32 v3, $0x2  }
0x26c: {  	v3 =	vand.u32 $0x7, v3;
	v4 =	vand.u32 $0xFFFFFFE0, v36  }
0x26d: {  	v3 =	vor.u32 v3, v4  }
0x26e: {  	v4 =	vperm.xlane v3, v0;
	_ =	sdelay $0x1  }
0x26f: {  	v4 =	vadd.s32 v1, v4;
	_ =	sdelay $0x1  }
0x270: {  	v3 =	vperm.xlane v3, v2;
	_ =	sdelay $0x1  }
0x271: {  	v3 =	vadd.s32 v1, v3  }
0x272: {  	[tilespmem:s23], [sflag:$0x1] =	stream.indirect_vreg.gather [hbm4b:s1+s3], $0x80, v4, vm0, $0xb8;
	[tilespmem:$0x18400] =	vst v63  }
0x273: {  	s9 =	simm.s32 $0xC00  }
0x274: {  	[tilespmem:s9], [sflag:$0x1] =	stream.indirect_vreg.gather [hbm4b:s5+s3], $0x80, v4, vm0, $0xb8;
	[tilespmem:$0x18400] =	vst v63  }
0x275: {  	s10 =	simm.s32 $0x1400  }
0x276: {  	[tilespmem:s10], [sflag:$0x1] =	stream.indirect_vreg.gather [hbm4b:s1+s3], $0x80, v3, vm0, $0xb8;
	[tilespmem:$0x18400] =	vst v63  }
0x277: {  	s25 =	simm.s32 $0x1C00  }
0x278: {  	[tilespmem:s25], [sflag:$0x1] =	stream.indirect_vreg.gather [hbm4b:s5+s3], $0x80, v3, vm0, $0xb8;
	[tilespmem:$0x18400] =	vst v63  }
0x279: {  	v3 =	vld [tilespmem:$0x250];
	_ =	sdelay $0x4  }
0x27a: {  	v37 =	vshll.u32 v3, $0x2  }
0x27b: {  	v3 =	vand.u32 $0x7, v3;
	v4 =	vand.u32 $0xFFFFFFE0, v37  }
0x27c: {  	v3 =	vor.u32 v3, v4  }
0x27d: {  	v4 =	vperm.xlane v3, v0;
	_ =	sdelay $0x1  }
0x27e: {  	v4 =	vadd.s32 v1, v4;
	_ =	sdelay $0x1  }
0x27f: {  	v3 =	vperm.xlane v3, v2;
	_ =	sdelay $0x1  }
0x280: {  	s11 =	simm.s32 $0x2400;
	v3 =	vadd.s32 v1, v3  }
0x281: {  	[tilespmem:s11], [sflag:$0x1] =	stream.indirect_vreg.gather [hbm4b:s1+s3], $0x80, v4, vm0, $0xb8;
	[tilespmem:$0x18400] =	vst v63  }
0x282: {  	s12 =	simm.s32 $0x2C00  }
0x283: {  	[tilespmem:s12], [sflag:$0x1] =	stream.indirect_vreg.gather [hbm4b:s5+s3], $0x80, v4, vm0, $0xb8;
	[tilespmem:$0x18400] =	vst v63  }
0x284: {  	s13 =	simm.s32 $0x3400  }
0x285: {  	[tilespmem:s13], [sflag:$0x1] =	stream.indirect_vreg.gather [hbm4b:s1+s3], $0x80, v3, vm0, $0xb8;
	[tilespmem:$0x18400] =	vst v63  }
0x286: {  	s22 =	simm.s32 $0x3C00  }
0x287: {  	[tilespmem:s22], [sflag:$0x1] =	stream.indirect_vreg.gather [hbm4b:s5+s3], $0x80, v3, vm0, $0xb8;
	[tilespmem:$0x18400] =	vst v63  }
0x288: {  	v3 =	vld [tilespmem:$0x260];
	_ =	sdelay $0x4  }
0x289: {  	v38 =	vshll.u32 v3, $0x2  }
0x28a: {  	v3 =	vand.u32 $0x7, v3;
	v4 =	vand.u32 $0xFFFFFFE0, v38  }
0x28b: {  	v3 =	vor.u32 v3, v4  }
0x28c: {  	v4 =	vperm.xlane v3, v0;
	_ =	sdelay $0x1  }
0x28d: {  	v4 =	vadd.s32 v1, v4;
	_ =	sdelay $0x1  }
0x28e: {  	v3 =	vperm.xlane v3, v2;
	_ =	sdelay $0x1  }
0x28f: {  	s9 =	simm.s32 $0x4400;
	v3 =	vadd.s32 v1, v3  }
0x290: {  	[tilespmem:s9], [sflag:$0x1] =	stream.indirect_vreg.gather [hbm4b:s1+s3], $0x80, v4, vm0, $0xb8;
	[tilespmem:$0x18400] =	vst v63  }
0x291: {  	s14 =	simm.s32 $0x4C00  }
0x292: {  	[tilespmem:s14], [sflag:$0x1] =	stream.indirect_vreg.gather [hbm4b:s5+s3], $0x80, v4, vm0, $0xb8;
	[tilespmem:$0x18400] =	vst v63  }
0x293: {  	s15 =	simm.s32 $0x5400  }
0x294: {  	[tilespmem:s15], [sflag:$0x1] =	stream.indirect_vreg.gather [hbm4b:s1+s3], $0x80, v3, vm0, $0xb8;
	[tilespmem:$0x18400] =	vst v63  }
0x295: {  	s24 =	simm.s32 $0x5C00  }
0x296: {  	[tilespmem:s24], [sflag:$0x1] =	stream.indirect_vreg.gather [hbm4b:s5+s3], $0x80, v3, vm0, $0xb8;
	[tilespmem:$0x18400] =	vst v63  }
0x297: {  	v3 =	vld [tilespmem:$0x270];
	_ =	sdelay $0x4  }
0x298: {  	v39 =	vshll.u32 v3, $0x2  }
0x299: {  	v3 =	vand.u32 $0x7, v3;
	v4 =	vand.u32 $0xFFFFFFE0, v39  }
0x29a: {  	v3 =	vor.u32 v3, v4  }
0x29b: {  	v4 =	vperm.xlane v3, v0;
	_ =	sdelay $0x1  }
0x29c: {  	v4 =	vadd.s32 v1, v4;
	_ =	sdelay $0x1  }
0x29d: {  	v3 =	vperm.xlane v3, v2;
	_ =	sdelay $0x1  }
0x29e: {  	s16 =	simm.s32 $0x6400;
	v3 =	vadd.s32 v1, v3  }
0x29f: {  	[tilespmem:s16], [sflag:$0x1] =	stream.indirect_vreg.gather [hbm4b:s1+s3], $0x80, v4, vm0, $0xb8;
	[tilespmem:$0x18400] =	vst v63  }
0x2a0: {  	s17 =	simm.s32 $0x6C00  }
0x2a1: {  	[tilespmem:s17], [sflag:$0x1] =	stream.indirect_vreg.gather [hbm4b:s5+s3], $0x80, v4, vm0, $0xb8;
	[tilespmem:$0x18400] =	vst v63  }
0x2a2: {  	s18 =	simm.s32 $0x7400  }
0x2a3: {  	[tilespmem:s18], [sflag:$0x1] =	stream.indirect_vreg.gather [hbm4b:s1+s3], $0x80, v3, vm0, $0xb8;
	[tilespmem:$0x18400] =	vst v63  }
0x2a4: {  	s19 =	simm.s32 $0x7C00  }
0x2a5: {  	[tilespmem:s19], [sflag:$0x1] =	stream.indirect_vreg.gather [hbm4b:s5+s3], $0x80, v3, vm0, $0xb8;
	[tilespmem:$0x18400] =	vst v63  }
0x2a6: {  	_ =	swait.ge [sflag:s30], $0x8000  }
0x2a7: {  	[sflag:s30] =	ssyncset.done $0x0  }
0x2a8: {  	s16 =	rddreg [dreg:$0xb];
	[sflag:s30] =	ssyncadd.s32 $0xFFFF8000  }
0x2a9: {  	[hbm4b:s16+s3] =	stream.linear.scatter [tilespmem:s31], [sflag:$0x5], $0x8000, $0x38;
	[tilespmem:$0x18400] =	vst v63  }
0x2aa: {  	_ =	swait.ge [sflag:s2], $0x8000  }
0x2ab: {  	[sflag:s2] =	ssyncset.done $0x0  }
0x2ac: {  	[sflag:s2] =	ssyncadd.s32 $0xFFFF8000  }
0x2ad: {  	v3 =	vld [tilespmem:$0x280];
	_ =	sdelay $0x4  }
0x2ae: {  	v40 =	vshll.u32 v3, $0x2  }
0x2af: {  	v3 =	vand.u32 $0x7, v3;
	v4 =	vand.u32 $0xFFFFFFE0, v40  }
0x2b0: {  	v3 =	vor.u32 v3, v4  }
0x2b1: {  	v4 =	vperm.xlane v3, v0;
	_ =	sdelay $0x1  }
0x2b2: {  	v4 =	vadd.s32 v1, v4;
	_ =	sdelay $0x1  }
0x2b3: {  	v3 =	vperm.xlane v3, v2;
	_ =	sdelay $0x1  }
0x2b4: {  	v3 =	vadd.s32 v1, v3  }
0x2b5: {  	[tilespmem:s31], [sflag:$0x2] =	stream.indirect_vreg.gather [hbm4b:s1+s3], $0x80, v4, vm0, $0xb8;
	[tilespmem:$0x18400] =	vst v63  }
0x2b6: {  	s17 =	simm.s32 $0x8C00  }
0x2b7: {  	[tilespmem:s17], [sflag:$0x2] =	stream.indirect_vreg.gather [hbm4b:s5+s3], $0x80, v4, vm0, $0xb8;
	[tilespmem:$0x18400] =	vst v63  }
0x2b8: {  	s19 =	simm.s32 $0x9400  }
0x2b9: {  	[tilespmem:s19], [sflag:$0x2] =	stream.indirect_vreg.gather [hbm4b:s1+s3], $0x80, v3, vm0, $0xb8;
	[tilespmem:$0x18400] =	vst v63  }
0x2ba: {  	s14 =	simm.s32 $0x9C00  }
0x2bb: {  	[tilespmem:s14], [sflag:$0x2] =	stream.indirect_vreg.gather [hbm4b:s5+s3], $0x80, v3, vm0, $0xb8;
	[tilespmem:$0x18400] =	vst v63  }
0x2bc: {  	v3 =	vld [tilespmem:$0x290];
	_ =	sdelay $0x4  }
0x2bd: {  	v41 =	vshll.u32 v3, $0x2  }
0x2be: {  	v3 =	vand.u32 $0x7, v3;
	v4 =	vand.u32 $0xFFFFFFE0, v41  }
0x2bf: {  	v3 =	vor.u32 v3, v4  }
0x2c0: {  	v4 =	vperm.xlane v3, v0;
	_ =	sdelay $0x1  }
0x2c1: {  	v4 =	vadd.s32 v1, v4;
	_ =	sdelay $0x1  }
0x2c2: {  	v3 =	vperm.xlane v3, v2;
	_ =	sdelay $0x1  }
0x2c3: {  	s16 =	simm.s32 $0xA400;
	v3 =	vadd.s32 v1, v3  }
0x2c4: {  	[tilespmem:s16], [sflag:$0x2] =	stream.indirect_vreg.gather [hbm4b:s1+s3], $0x80, v4, vm0, $0xb8;
	[tilespmem:$0x18400] =	vst v63  }
0x2c5: {  	s17 =	simm.s32 $0xAC00  }
0x2c6: {  	[tilespmem:s17], [sflag:$0x2] =	stream.indirect_vreg.gather [hbm4b:s5+s3], $0x80, v4, vm0, $0xb8;
	[tilespmem:$0x18400] =	vst v63  }
0x2c7: {  	s19 =	simm.s32 $0xB400  }
0x2c8: {  	[tilespmem:s19], [sflag:$0x2] =	stream.indirect_vreg.gather [hbm4b:s1+s3], $0x80, v3, vm0, $0xb8;
	[tilespmem:$0x18400] =	vst v63  }
0x2c9: {  	s14 =	simm.s32 $0xBC00  }
0x2ca: {  	[tilespmem:s14], [sflag:$0x2] =	stream.indirect_vreg.gather [hbm4b:s5+s3], $0x80, v3, vm0, $0xb8;
	[tilespmem:$0x18400] =	vst v63  }
0x2cb: {  	v3 =	vld [tilespmem:$0x2A0];
	_ =	sdelay $0x4  }
0x2cc: {  	v42 =	vshll.u32 v3, $0x2  }
0x2cd: {  	v3 =	vand.u32 $0x7, v3;
	v4 =	vand.u32 $0xFFFFFFE0, v42  }
0x2ce: {  	v3 =	vor.u32 v3, v4  }
0x2cf: {  	v4 =	vperm.xlane v3, v0;
	_ =	sdelay $0x1  }
0x2d0: {  	v4 =	vadd.s32 v1, v4;
	_ =	sdelay $0x1  }
0x2d1: {  	v3 =	vperm.xlane v3, v2;
	_ =	sdelay $0x1  }
0x2d2: {  	s16 =	simm.s32 $0xC400;
	v3 =	vadd.s32 v1, v3  }
0x2d3: {  	[tilespmem:s16], [sflag:$0x2] =	stream.indirect_vreg.gather [hbm4b:s1+s3], $0x80, v4, vm0, $0xb8;
	[tilespmem:$0x18400] =	vst v63  }
0x2d4: {  	s17 =	simm.s32 $0xCC00  }
0x2d5: {  	[tilespmem:s17], [sflag:$0x2] =	stream.indirect_vreg.gather [hbm4b:s5+s3], $0x80, v4, vm0, $0xb8;
	[tilespmem:$0x18400] =	vst v63  }
0x2d6: {  	s19 =	simm.s32 $0xD400  }
0x2d7: {  	[tilespmem:s19], [sflag:$0x2] =	stream.indirect_vreg.gather [hbm4b:s1+s3], $0x80, v3, vm0, $0xb8;
	[tilespmem:$0x18400] =	vst v63  }
0x2d8: {  	s14 =	simm.s32 $0xDC00  }
0x2d9: {  	[tilespmem:s14], [sflag:$0x2] =	stream.indirect_vreg.gather [hbm4b:s5+s3], $0x80, v3, vm0, $0xb8;
	[tilespmem:$0x18400] =	vst v63  }
0x2da: {  	v3 =	vld [tilespmem:$0x2B0];
	_ =	sdelay $0x4  }
0x2db: {  	v43 =	vshll.u32 v3, $0x2  }
0x2dc: {  	v3 =	vand.u32 $0x7, v3;
	v4 =	vand.u32 $0xFFFFFFE0, v43  }
0x2dd: {  	v3 =	vor.u32 v3, v4  }
0x2de: {  	v4 =	vperm.xlane v3, v0;
	_ =	sdelay $0x1  }
0x2df: {  	v4 =	vadd.s32 v1, v4;
	_ =	sdelay $0x1  }
0x2e0: {  	v3 =	vperm.xlane v3, v2;
	_ =	sdelay $0x1  }
0x2e1: {  	s16 =	simm.s32 $0xE400;
	v3 =	vadd.s32 v1, v3  }
0x2e2: {  	[tilespmem:s16], [sflag:$0x2] =	stream.indirect_vreg.gather [hbm4b:s1+s3], $0x80, v4, vm0, $0xb8;
	[tilespmem:$0x18400] =	vst v63  }
0x2e3: {  	s17 =	simm.s32 $0xEC00  }
0x2e4: {  	[tilespmem:s17], [sflag:$0x2] =	stream.indirect_vreg.gather [hbm4b:s5+s3], $0x80, v4, vm0, $0xb8;
	[tilespmem:$0x18400] =	vst v63  }
0x2e5: {  	s19 =	simm.s32 $0xF400  }
0x2e6: {  	[tilespmem:s19], [sflag:$0x2] =	stream.indirect_vreg.gather [hbm4b:s1+s3], $0x80, v3, vm0, $0xb8;
	[tilespmem:$0x18400] =	vst v63  }
0x2e7: {  	s14 =	simm.s32 $0xFC00  }
0x2e8: {  	[tilespmem:s14], [sflag:$0x2] =	stream.indirect_vreg.gather [hbm4b:s5+s3], $0x80, v3, vm0, $0xb8;
	[tilespmem:$0x18400] =	vst v63  }
0x2e9: {  	_ =	swait.ge [sflag:s0], $0x8000  }
0x2ea: {  	[sflag:s0] =	ssyncset.done $0x0  }
0x2eb: {  	s16 =	rddreg [dreg:$0xc];
	[sflag:s0] =	ssyncadd.s32 $0xFFFF8000  }
0x2ec: {  	[hbm4b:s16+s3] =	stream.linear.scatter [tilespmem:s8], [sflag:$0x6], $0x8000, $0x38;
	[tilespmem:$0x18400] =	vst v63  }
0x2ed: {  	_ =	swait.ge [sflag:s4], $0x8000  }
0x2ee: {  	[sflag:s4] =	ssyncset.done $0x0  }
0x2ef: {  	[sflag:s4] =	ssyncadd.s32 $0xFFFF8000  }
0x2f0: {  	v3 =	vld [tilespmem:$0x2C0];
	_ =	sdelay $0x4  }
0x2f1: {  	v44 =	vshll.u32 v3, $0x2  }
0x2f2: {  	v3 =	vand.u32 $0x7, v3;
	v4 =	vand.u32 $0xFFFFFFE0, v44  }
0x2f3: {  	v3 =	vor.u32 v3, v4  }
0x2f4: {  	v4 =	vperm.xlane v3, v0;
	_ =	sdelay $0x1  }
0x2f5: {  	v4 =	vadd.s32 v1, v4;
	_ =	sdelay $0x1  }
0x2f6: {  	v3 =	vperm.xlane v3, v2;
	_ =	sdelay $0x1  }
0x2f7: {  	v3 =	vadd.s32 v1, v3  }
0x2f8: {  	[tilespmem:s8], [sflag:$0x3] =	stream.indirect_vreg.gather [hbm4b:s1+s3], $0x80, v4, vm0, $0xb8;
	[tilespmem:$0x18400] =	vst v63  }
0x2f9: {  	s17 =	simm.s32 $0x10C00  }
0x2fa: {  	[tilespmem:s17], [sflag:$0x3] =	stream.indirect_vreg.gather [hbm4b:s5+s3], $0x80, v4, vm0, $0xb8;
	[tilespmem:$0x18400] =	vst v63  }
0x2fb: {  	s21 =	simm.s32 $0x11400  }
0x2fc: {  	[tilespmem:s21], [sflag:$0x3] =	stream.indirect_vreg.gather [hbm4b:s1+s3], $0x80, v3, vm0, $0xb8;
	[tilespmem:$0x18400] =	vst v63  }
0x2fd: {  	s19 =	simm.s32 $0x11C00  }
0x2fe: {  	[tilespmem:s19], [sflag:$0x3] =	stream.indirect_vreg.gather [hbm4b:s5+s3], $0x80, v3, vm0, $0xb8;
	[tilespmem:$0x18400] =	vst v63  }
0x2ff: {  	v3 =	vld [tilespmem:$0x2D0];
	_ =	sdelay $0x4  }
0x300: {  	v45 =	vshll.u32 v3, $0x2  }
0x301: {  	v3 =	vand.u32 $0x7, v3;
	v4 =	vand.u32 $0xFFFFFFE0, v45  }
0x302: {  	v3 =	vor.u32 v3, v4  }
0x303: {  	v4 =	vperm.xlane v3, v0;
	_ =	sdelay $0x1  }
0x304: {  	v4 =	vadd.s32 v1, v4;
	_ =	sdelay $0x1  }
0x305: {  	v3 =	vperm.xlane v3, v2;
	_ =	sdelay $0x1  }
0x306: {  	s21 =	simm.s32 $0x12400;
	v3 =	vadd.s32 v1, v3  }
0x307: {  	[tilespmem:s21], [sflag:$0x3] =	stream.indirect_vreg.gather [hbm4b:s1+s3], $0x80, v4, vm0, $0xb8;
	[tilespmem:$0x18400] =	vst v63  }
0x308: {  	s14 =	simm.s32 $0x12C00  }
0x309: {  	[tilespmem:s14], [sflag:$0x3] =	stream.indirect_vreg.gather [hbm4b:s5+s3], $0x80, v4, vm0, $0xb8;
	[tilespmem:$0x18400] =	vst v63  }
0x30a: {  	s19 =	simm.s32 $0x13400  }
0x30b: {  	[tilespmem:s19], [sflag:$0x3] =	stream.indirect_vreg.gather [hbm4b:s1+s3], $0x80, v3, vm0, $0xb8;
	[tilespmem:$0x18400] =	vst v63  }
0x30c: {  	s21 =	simm.s32 $0x13C00  }
0x30d: {  	[tilespmem:s21], [sflag:$0x3] =	stream.indirect_vreg.gather [hbm4b:s5+s3], $0x80, v3, vm0, $0xb8;
	[tilespmem:$0x18400] =	vst v63  }
0x30e: {  	v3 =	vld [tilespmem:$0x2E0];
	_ =	sdelay $0x4  }
0x30f: {  	v46 =	vshll.u32 v3, $0x2  }
0x310: {  	v3 =	vand.u32 $0x7, v3;
	v4 =	vand.u32 $0xFFFFFFE0, v46  }
0x311: {  	v3 =	vor.u32 v3, v4  }
0x312: {  	v4 =	vperm.xlane v3, v0;
	_ =	sdelay $0x1  }
0x313: {  	v4 =	vadd.s32 v1, v4;
	_ =	sdelay $0x1  }
0x314: {  	v3 =	vperm.xlane v3, v2;
	_ =	sdelay $0x1  }
0x315: {  	s14 =	simm.s32 $0x14400;
	v3 =	vadd.s32 v1, v3  }
0x316: {  	[tilespmem:s14], [sflag:$0x3] =	stream.indirect_vreg.gather [hbm4b:s1+s3], $0x80, v4, vm0, $0xb8;
	[tilespmem:$0x18400] =	vst v63  }
0x317: {  	s19 =	simm.s32 $0x14C00  }
0x318: {  	[tilespmem:s19], [sflag:$0x3] =	stream.indirect_vreg.gather [hbm4b:s5+s3], $0x80, v4, vm0, $0xb8;
	[tilespmem:$0x18400] =	vst v63  }
0x319: {  	s21 =	simm.s32 $0x15400  }
0x31a: {  	[tilespmem:s21], [sflag:$0x3] =	stream.indirect_vreg.gather [hbm4b:s1+s3], $0x80, v3, vm0, $0xb8;
	[tilespmem:$0x18400] =	vst v63  }
0x31b: {  	s14 =	simm.s32 $0x15C00  }
0x31c: {  	[tilespmem:s14], [sflag:$0x3] =	stream.indirect_vreg.gather [hbm4b:s5+s3], $0x80, v3, vm0, $0xb8;
	[tilespmem:$0x18400] =	vst v63  }
0x31d: {  	v3 =	vld [tilespmem:$0x2F0];
	_ =	sdelay $0x4  }
0x31e: {  	v47 =	vshll.u32 v3, $0x2  }
0x31f: {  	v3 =	vand.u32 $0x7, v3;
	v4 =	vand.u32 $0xFFFFFFE0, v47  }
0x320: {  	v3 =	vor.u32 v3, v4  }
0x321: {  	v4 =	vperm.xlane v3, v0;
	_ =	sdelay $0x1  }
0x322: {  	v4 =	vadd.s32 v1, v4;
	_ =	sdelay $0x1  }
0x323: {  	v3 =	vperm.xlane v3, v2;
	_ =	sdelay $0x1  }
0x324: {  	s19 =	simm.s32 $0x16400;
	v3 =	vadd.s32 v1, v3  }
0x325: {  	[tilespmem:s19], [sflag:$0x3] =	stream.indirect_vreg.gather [hbm4b:s1+s3], $0x80, v4, vm0, $0xb8;
	[tilespmem:$0x18400] =	vst v63  }
0x326: {  	s21 =	simm.s32 $0x16C00  }
0x327: {  	[tilespmem:s21], [sflag:$0x3] =	stream.indirect_vreg.gather [hbm4b:s5+s3], $0x80, v4, vm0, $0xb8;
	[tilespmem:$0x18400] =	vst v63  }
0x328: {  	s14 =	simm.s32 $0x17400  }
0x329: {  	[tilespmem:s14], [sflag:$0x3] =	stream.indirect_vreg.gather [hbm4b:s1+s3], $0x80, v3, vm0, $0xb8;
	[tilespmem:$0x18400] =	vst v63  }
0x32a: {  	s19 =	simm.s32 $0x17C00  }
0x32b: {  	[tilespmem:s19], [sflag:$0x3] =	stream.indirect_vreg.gather [hbm4b:s5+s3], $0x80, v3, vm0, $0xb8;
	[tilespmem:$0x18400] =	vst v63  }
0x32c: {  	_ =	swait.ge [sflag:s28], $0x8000  }
0x32d: {  	[sflag:s28] =	ssyncset.done $0x0  }
0x32e: {  	s21 =	rddreg [dreg:$0xd];
	[sflag:s28] =	ssyncadd.s32 $0xFFFF8000  }
0x32f: {  	[hbm4b:s21+s3] =	stream.linear.scatter [tilespmem:s23], [sflag:$0x4], $0x8000, $0x38;
	[tilespmem:$0x18400] =	vst v63  }
0x330: {  	_ =	swait.ge [sflag:s29], $0x8000  }
0x331: {  	[sflag:s29] =	ssyncset.done $0x0  }
0x332: {  	[sflag:s29] =	ssyncadd.s32 $0xFFFF8000  }
0x333: {  	v3 =	vld [tilespmem:$0x300];
	_ =	sdelay $0x4  }
0x334: {  	v48 =	vshll.u32 v3, $0x2  }
0x335: {  	v3 =	vand.u32 $0x7, v3;
	v4 =	vand.u32 $0xFFFFFFE0, v48  }
0x336: {  	v3 =	vor.u32 v3, v4  }
0x337: {  	v4 =	vperm.xlane v3, v0;
	_ =	sdelay $0x1  }
0x338: {  	v4 =	vadd.s32 v1, v4;
	_ =	sdelay $0x1  }
0x339: {  	v3 =	vperm.xlane v3, v2;
	_ =	sdelay $0x1  }
0x33a: {  	v3 =	vadd.s32 v1, v3  }
0x33b: {  	[tilespmem:s23], [sflag:$0x1] =	stream.indirect_vreg.gather [hbm4b:s1+s3], $0x80, v4, vm0, $0xb8;
	[tilespmem:$0x18400] =	vst v63  }
0x33c: {  	s26 =	simm.s32 $0xC00  }
0x33d: {  	[tilespmem:s26], [sflag:$0x1] =	stream.indirect_vreg.gather [hbm4b:s5+s3], $0x80, v4, vm0, $0xb8;
	[tilespmem:$0x18400] =	vst v63  }
0x33e: {  	s10 =	simm.s32 $0x1400  }
0x33f: {  	[tilespmem:s10], [sflag:$0x1] =	stream.indirect_vreg.gather [hbm4b:s1+s3], $0x80, v3, vm0, $0xb8;
	[tilespmem:$0x18400] =	vst v63  }
0x340: {  	s14 =	simm.s32 $0x1C00  }
0x341: {  	[tilespmem:s14], [sflag:$0x1] =	stream.indirect_vreg.gather [hbm4b:s5+s3], $0x80, v3, vm0, $0xb8;
	[tilespmem:$0x18400] =	vst v63  }
0x342: {  	v3 =	vld [tilespmem:$0x310];
	_ =	sdelay $0x4  }
0x343: {  	v49 =	vshll.u32 v3, $0x2  }
0x344: {  	v3 =	vand.u32 $0x7, v3;
	v4 =	vand.u32 $0xFFFFFFE0, v49  }
0x345: {  	v3 =	vor.u32 v3, v4  }
0x346: {  	v4 =	vperm.xlane v3, v0;
	_ =	sdelay $0x1  }
0x347: {  	v4 =	vadd.s32 v1, v4;
	_ =	sdelay $0x1  }
0x348: {  	v3 =	vperm.xlane v3, v2;
	_ =	sdelay $0x1  }
0x349: {  	s11 =	simm.s32 $0x2400;
	v3 =	vadd.s32 v1, v3  }
0x34a: {  	[tilespmem:s11], [sflag:$0x1] =	stream.indirect_vreg.gather [hbm4b:s1+s3], $0x80, v4, vm0, $0xb8;
	[tilespmem:$0x18400] =	vst v63  }
0x34b: {  	s12 =	simm.s32 $0x2C00  }
0x34c: {  	[tilespmem:s12], [sflag:$0x1] =	stream.indirect_vreg.gather [hbm4b:s5+s3], $0x80, v4, vm0, $0xb8;
	[tilespmem:$0x18400] =	vst v63  }
0x34d: {  	s13 =	simm.s32 $0x3400  }
0x34e: {  	[tilespmem:s13], [sflag:$0x1] =	stream.indirect_vreg.gather [hbm4b:s1+s3], $0x80, v3, vm0, $0xb8;
	[tilespmem:$0x18400] =	vst v63  }
0x34f: {  	s20 =	simm.s32 $0x3C00  }
0x350: {  	[tilespmem:s20], [sflag:$0x1] =	stream.indirect_vreg.gather [hbm4b:s5+s3], $0x80, v3, vm0, $0xb8;
	[tilespmem:$0x18400] =	vst v63  }
0x351: {  	v3 =	vld [tilespmem:$0x320];
	_ =	sdelay $0x4  }
0x352: {  	v50 =	vshll.u32 v3, $0x2  }
0x353: {  	v3 =	vand.u32 $0x7, v3;
	v4 =	vand.u32 $0xFFFFFFE0, v50  }
0x354: {  	v3 =	vor.u32 v3, v4  }
0x355: {  	v4 =	vperm.xlane v3, v0;
	_ =	sdelay $0x1  }
0x356: {  	v4 =	vadd.s32 v1, v4;
	_ =	sdelay $0x1  }
0x357: {  	v3 =	vperm.xlane v3, v2;
	_ =	sdelay $0x1  }
0x358: {  	s9 =	simm.s32 $0x4400;
	v3 =	vadd.s32 v1, v3  }
0x359: {  	[tilespmem:s9], [sflag:$0x1] =	stream.indirect_vreg.gather [hbm4b:s1+s3], $0x80, v4, vm0, $0xb8;
	[tilespmem:$0x18400] =	vst v63  }
0x35a: {  	s25 =	simm.s32 $0x4C00  }
0x35b: {  	[tilespmem:s25], [sflag:$0x1] =	stream.indirect_vreg.gather [hbm4b:s5+s3], $0x80, v4, vm0, $0xb8;
	[tilespmem:$0x18400] =	vst v63  }
0x35c: {  	s15 =	simm.s32 $0x5400  }
0x35d: {  	[tilespmem:s15], [sflag:$0x1] =	stream.indirect_vreg.gather [hbm4b:s1+s3], $0x80, v3, vm0, $0xb8;
	[tilespmem:$0x18400] =	vst v63  }
0x35e: {  	s15 =	simm.s32 $0x5C00  }
0x35f: {  	[tilespmem:s15], [sflag:$0x1] =	stream.indirect_vreg.gather [hbm4b:s5+s3], $0x80, v3, vm0, $0xb8;
	[tilespmem:$0x18400] =	vst v63  }
0x360: {  	v3 =	vld [tilespmem:$0x330];
	_ =	sdelay $0x4  }
0x361: {  	v51 =	vshll.u32 v3, $0x2  }
0x362: {  	v3 =	vand.u32 $0x7, v3;
	v4 =	vand.u32 $0xFFFFFFE0, v51  }
0x363: {  	v3 =	vor.u32 v3, v4  }
0x364: {  	v4 =	vperm.xlane v3, v0;
	_ =	sdelay $0x1  }
0x365: {  	v4 =	vadd.s32 v1, v4;
	_ =	sdelay $0x1  }
0x366: {  	v3 =	vperm.xlane v3, v2;
	_ =	sdelay $0x1  }
0x367: {  	s22 =	simm.s32 $0x6400;
	v3 =	vadd.s32 v1, v3  }
0x368: {  	[tilespmem:s22], [sflag:$0x1] =	stream.indirect_vreg.gather [hbm4b:s1+s3], $0x80, v4, vm0, $0xb8;
	[tilespmem:$0x18400] =	vst v63  }
0x369: {  	s24 =	simm.s32 $0x6C00  }
0x36a: {  	[tilespmem:s24], [sflag:$0x1] =	stream.indirect_vreg.gather [hbm4b:s5+s3], $0x80, v4, vm0, $0xb8;
	[tilespmem:$0x18400] =	vst v63  }
0x36b: {  	s18 =	simm.s32 $0x7400  }
0x36c: {  	[tilespmem:s18], [sflag:$0x1] =	stream.indirect_vreg.gather [hbm4b:s1+s3], $0x80, v3, vm0, $0xb8;
	[tilespmem:$0x18400] =	vst v63  }
0x36d: {  	s18 =	simm.s32 $0x7C00  }
0x36e: {  	[tilespmem:s18], [sflag:$0x1] =	stream.indirect_vreg.gather [hbm4b:s5+s3], $0x80, v3, vm0, $0xb8;
	[tilespmem:$0x18400] =	vst v63  }
0x36f: {  	_ =	swait.ge [sflag:s30], $0x8000  }
0x370: {  	[sflag:s30] =	ssyncset.done $0x0  }
0x371: {  	s7 =	rddreg [dreg:$0xe];
	[sflag:s30] =	ssyncadd.s32 $0xFFFF8000  }
0x372: {  	[hbm4b:s7+s3] =	stream.linear.scatter [tilespmem:s31], [sflag:$0x5], $0x8000, $0x38;
	[tilespmem:$0x18400] =	vst v63  }
0x373: {  	_ =	swait.ge [sflag:s2], $0x8000  }
0x374: {  	[sflag:s2] =	ssyncset.done $0x0  }
0x375: {  	[sflag:s2] =	ssyncadd.s32 $0xFFFF8000  }
0x376: {  	v3 =	vld [tilespmem:$0x340];
	_ =	sdelay $0x4  }
0x377: {  	v52 =	vshll.u32 v3, $0x2  }
0x378: {  	v3 =	vand.u32 $0x7, v3;
	v4 =	vand.u32 $0xFFFFFFE0, v52  }
0x379: {  	v3 =	vor.u32 v3, v4  }
0x37a: {  	v4 =	vperm.xlane v3, v0;
	_ =	sdelay $0x1  }
0x37b: {  	v4 =	vadd.s32 v1, v4;
	_ =	sdelay $0x1  }
0x37c: {  	v3 =	vperm.xlane v3, v2;
	_ =	sdelay $0x1  }
0x37d: {  	v3 =	vadd.s32 v1, v3  }
0x37e: {  	[tilespmem:s31], [sflag:$0x2] =	stream.indirect_vreg.gather [hbm4b:s1+s3], $0x80, v4, vm0, $0xb8;
	[tilespmem:$0x18400] =	vst v63  }
0x37f: {  	s7 =	simm.s32 $0x8C00  }
0x380: {  	[tilespmem:s7], [sflag:$0x2] =	stream.indirect_vreg.gather [hbm4b:s5+s3], $0x80, v4, vm0, $0xb8;
	[tilespmem:$0x18400] =	vst v63  }
0x381: {  	s7 =	simm.s32 $0x9400  }
0x382: {  	[tilespmem:s7], [sflag:$0x2] =	stream.indirect_vreg.gather [hbm4b:s1+s3], $0x80, v3, vm0, $0xb8;
	[tilespmem:$0x18400] =	vst v63  }
0x383: {  	s7 =	simm.s32 $0x9C00  }
0x384: {  	[tilespmem:s7], [sflag:$0x2] =	stream.indirect_vreg.gather [hbm4b:s5+s3], $0x80, v3, vm0, $0xb8;
	[tilespmem:$0x18400] =	vst v63  }
0x385: {  	v3 =	vld [tilespmem:$0x350];
	_ =	sdelay $0x4  }
0x386: {  	v53 =	vshll.u32 v3, $0x2  }
0x387: {  	v3 =	vand.u32 $0x7, v3;
	v4 =	vand.u32 $0xFFFFFFE0, v53  }
0x388: {  	v3 =	vor.u32 v3, v4  }
0x389: {  	v4 =	vperm.xlane v3, v0;
	_ =	sdelay $0x1  }
0x38a: {  	v4 =	vadd.s32 v1, v4;
	_ =	sdelay $0x1  }
0x38b: {  	v3 =	vperm.xlane v3, v2;
	_ =	sdelay $0x1  }
0x38c: {  	s7 =	simm.s32 $0xA400;
	v3 =	vadd.s32 v1, v3  }
0x38d: {  	[tilespmem:s7], [sflag:$0x2] =	stream.indirect_vreg.gather [hbm4b:s1+s3], $0x80, v4, vm0, $0xb8;
	[tilespmem:$0x18400] =	vst v63  }
0x38e: {  	s7 =	simm.s32 $0xAC00  }
0x38f: {  	[tilespmem:s7], [sflag:$0x2] =	stream.indirect_vreg.gather [hbm4b:s5+s3], $0x80, v4, vm0, $0xb8;
	[tilespmem:$0x18400] =	vst v63  }
0x390: {  	s7 =	simm.s32 $0xB400  }
0x391: {  	[tilespmem:s7], [sflag:$0x2] =	stream.indirect_vreg.gather [hbm4b:s1+s3], $0x80, v3, vm0, $0xb8;
	[tilespmem:$0x18400] =	vst v63  }
0x392: {  	s7 =	simm.s32 $0xBC00  }
0x393: {  	[tilespmem:s7], [sflag:$0x2] =	stream.indirect_vreg.gather [hbm4b:s5+s3], $0x80, v3, vm0, $0xb8;
	[tilespmem:$0x18400] =	vst v63  }
0x394: {  	v3 =	vld [tilespmem:$0x360];
	_ =	sdelay $0x4  }
0x395: {  	v54 =	vshll.u32 v3, $0x2  }
0x396: {  	v3 =	vand.u32 $0x7, v3;
	v4 =	vand.u32 $0xFFFFFFE0, v54  }
0x397: {  	v3 =	vor.u32 v3, v4  }
0x398: {  	v4 =	vperm.xlane v3, v0;
	_ =	sdelay $0x1  }
0x399: {  	v4 =	vadd.s32 v1, v4;
	_ =	sdelay $0x1  }
0x39a: {  	v3 =	vperm.xlane v3, v2;
	_ =	sdelay $0x1  }
0x39b: {  	s7 =	simm.s32 $0xC400;
	v3 =	vadd.s32 v1, v3  }
0x39c: {  	[tilespmem:s7], [sflag:$0x2] =	stream.indirect_vreg.gather [hbm4b:s1+s3], $0x80, v4, vm0, $0xb8;
	[tilespmem:$0x18400] =	vst v63  }
0x39d: {  	s7 =	simm.s32 $0xCC00  }
0x39e: {  	[tilespmem:s7], [sflag:$0x2] =	stream.indirect_vreg.gather [hbm4b:s5+s3], $0x80, v4, vm0, $0xb8;
	[tilespmem:$0x18400] =	vst v63  }
0x39f: {  	s7 =	simm.s32 $0xD400  }
0x3a0: {  	[tilespmem:s7], [sflag:$0x2] =	stream.indirect_vreg.gather [hbm4b:s1+s3], $0x80, v3, vm0, $0xb8;
	[tilespmem:$0x18400] =	vst v63  }
0x3a1: {  	s7 =	simm.s32 $0xDC00  }
0x3a2: {  	[tilespmem:s7], [sflag:$0x2] =	stream.indirect_vreg.gather [hbm4b:s5+s3], $0x80, v3, vm0, $0xb8;
	[tilespmem:$0x18400] =	vst v63  }
0x3a3: {  	v3 =	vld [tilespmem:$0x370];
	_ =	sdelay $0x4  }
0x3a4: {  	v55 =	vshll.u32 v3, $0x2  }
0x3a5: {  	v3 =	vand.u32 $0x7, v3;
	v4 =	vand.u32 $0xFFFFFFE0, v55  }
0x3a6: {  	v3 =	vor.u32 v3, v4  }
0x3a7: {  	v4 =	vperm.xlane v3, v0;
	_ =	sdelay $0x1  }
0x3a8: {  	v4 =	vadd.s32 v1, v4;
	_ =	sdelay $0x1  }
0x3a9: {  	v3 =	vperm.xlane v3, v2;
	_ =	sdelay $0x1  }
0x3aa: {  	s7 =	simm.s32 $0xE400;
	v3 =	vadd.s32 v1, v3  }
0x3ab: {  	[tilespmem:s7], [sflag:$0x2] =	stream.indirect_vreg.gather [hbm4b:s1+s3], $0x80, v4, vm0, $0xb8;
	[tilespmem:$0x18400] =	vst v63  }
0x3ac: {  	s7 =	simm.s32 $0xEC00  }
0x3ad: {  	[tilespmem:s7], [sflag:$0x2] =	stream.indirect_vreg.gather [hbm4b:s5+s3], $0x80, v4, vm0, $0xb8;
	[tilespmem:$0x18400] =	vst v63  }
0x3ae: {  	s7 =	simm.s32 $0xF400  }
0x3af: {  	[tilespmem:s7], [sflag:$0x2] =	stream.indirect_vreg.gather [hbm4b:s1+s3], $0x80, v3, vm0, $0xb8;
	[tilespmem:$0x18400] =	vst v63  }
0x3b0: {  	s7 =	simm.s32 $0xFC00  }
0x3b1: {  	[tilespmem:s7], [sflag:$0x2] =	stream.indirect_vreg.gather [hbm4b:s5+s3], $0x80, v3, vm0, $0xb8;
	[tilespmem:$0x18400] =	vst v63  }
0x3b2: {  	_ =	swait.ge [sflag:s0], $0x8000  }
0x3b3: {  	[sflag:s0] =	ssyncset.done $0x0  }
0x3b4: {  	s7 =	rddreg [dreg:$0xf];
	[sflag:s0] =	ssyncadd.s32 $0xFFFF8000  }
0x3b5: {  	[hbm4b:s7+s3] =	stream.linear.scatter [tilespmem:s8], [sflag:$0x6], $0x8000, $0x38;
	[tilespmem:$0x18400] =	vst v63  }
0x3b6: {  	_ =	swait.ge [sflag:s4], $0x8000  }
0x3b7: {  	[sflag:s4] =	ssyncset.done $0x0  }
0x3b8: {  	[sflag:s4] =	ssyncadd.s32 $0xFFFF8000  }
0x3b9: {  	v3 =	vld [tilespmem:$0x380];
	_ =	sdelay $0x4  }
0x3ba: {  	v56 =	vshll.u32 v3, $0x2  }
0x3bb: {  	v3 =	vand.u32 $0x7, v3;
	v4 =	vand.u32 $0xFFFFFFE0, v56  }
0x3bc: {  	v3 =	vor.u32 v3, v4  }
0x3bd: {  	v4 =	vperm.xlane v3, v0;
	_ =	sdelay $0x1  }
0x3be: {  	v4 =	vadd.s32 v1, v4;
	_ =	sdelay $0x1  }
0x3bf: {  	v3 =	vperm.xlane v3, v2;
	_ =	sdelay $0x1  }
0x3c0: {  	v3 =	vadd.s32 v1, v3  }
0x3c1: {  	[tilespmem:s8], [sflag:$0x3] =	stream.indirect_vreg.gather [hbm4b:s1+s3], $0x80, v4, vm0, $0xb8;
	[tilespmem:$0x18400] =	vst v63  }
0x3c2: {  	s17 =	simm.s32 $0x10C00  }
0x3c3: {  	[tilespmem:s17], [sflag:$0x3] =	stream.indirect_vreg.gather [hbm4b:s5+s3], $0x80, v4, vm0, $0xb8;
	[tilespmem:$0x18400] =	vst v63  }
0x3c4: {  	s16 =	simm.s32 $0x11400  }
0x3c5: {  	[tilespmem:s16], [sflag:$0x3] =	stream.indirect_vreg.gather [hbm4b:s1+s3], $0x80, v3, vm0, $0xb8;
	[tilespmem:$0x18400] =	vst v63  }
0x3c6: {  	s16 =	simm.s32 $0x11C00  }
0x3c7: {  	[tilespmem:s16], [sflag:$0x3] =	stream.indirect_vreg.gather [hbm4b:s5+s3], $0x80, v3, vm0, $0xb8;
	[tilespmem:$0x18400] =	vst v63  }
0x3c8: {  	v3 =	vld [tilespmem:$0x390];
	_ =	sdelay $0x4  }
0x3c9: {  	v57 =	vshll.u32 v3, $0x2  }
0x3ca: {  	v3 =	vand.u32 $0x7, v3;
	v4 =	vand.u32 $0xFFFFFFE0, v57  }
0x3cb: {  	v3 =	vor.u32 v3, v4  }
0x3cc: {  	v4 =	vperm.xlane v3, v0;
	_ =	sdelay $0x1  }
0x3cd: {  	v4 =	vadd.s32 v1, v4;
	_ =	sdelay $0x1  }
0x3ce: {  	v3 =	vperm.xlane v3, v2;
	_ =	sdelay $0x1  }
0x3cf: {  	s17 =	simm.s32 $0x12400;
	v3 =	vadd.s32 v1, v3  }
0x3d0: {  	[tilespmem:s17], [sflag:$0x3] =	stream.indirect_vreg.gather [hbm4b:s1+s3], $0x80, v4, vm0, $0xb8;
	[tilespmem:$0x18400] =	vst v63  }
0x3d1: {  	s16 =	simm.s32 $0x12C00  }
0x3d2: {  	[tilespmem:s16], [sflag:$0x3] =	stream.indirect_vreg.gather [hbm4b:s5+s3], $0x80, v4, vm0, $0xb8;
	[tilespmem:$0x18400] =	vst v63  }
0x3d3: {  	s17 =	simm.s32 $0x13400  }
0x3d4: {  	[tilespmem:s17], [sflag:$0x3] =	stream.indirect_vreg.gather [hbm4b:s1+s3], $0x80, v3, vm0, $0xb8;
	[tilespmem:$0x18400] =	vst v63  }
0x3d5: {  	s16 =	simm.s32 $0x13C00  }
0x3d6: {  	[tilespmem:s16], [sflag:$0x3] =	stream.indirect_vreg.gather [hbm4b:s5+s3], $0x80, v3, vm0, $0xb8;
	[tilespmem:$0x18400] =	vst v63  }
0x3d7: {  	v3 =	vld [tilespmem:$0x3A0];
	_ =	sdelay $0x4  }
0x3d8: {  	v58 =	vshll.u32 v3, $0x2  }
0x3d9: {  	v3 =	vand.u32 $0x7, v3;
	v4 =	vand.u32 $0xFFFFFFE0, v58  }
0x3da: {  	v3 =	vor.u32 v3, v4  }
0x3db: {  	v4 =	vperm.xlane v3, v0;
	_ =	sdelay $0x1  }
0x3dc: {  	v4 =	vadd.s32 v1, v4;
	_ =	sdelay $0x1  }
0x3dd: {  	v3 =	vperm.xlane v3, v2;
	_ =	sdelay $0x1  }
0x3de: {  	s17 =	simm.s32 $0x14400;
	v3 =	vadd.s32 v1, v3  }
0x3df: {  	[tilespmem:s17], [sflag:$0x3] =	stream.indirect_vreg.gather [hbm4b:s1+s3], $0x80, v4, vm0, $0xb8;
	[tilespmem:$0x18400] =	vst v63  }
0x3e0: {  	s16 =	simm.s32 $0x14C00  }
0x3e1: {  	[tilespmem:s16], [sflag:$0x3] =	stream.indirect_vreg.gather [hbm4b:s5+s3], $0x80, v4, vm0, $0xb8;
	[tilespmem:$0x18400] =	vst v63  }
0x3e2: {  	s17 =	simm.s32 $0x15400  }
0x3e3: {  	[tilespmem:s17], [sflag:$0x3] =	stream.indirect_vreg.gather [hbm4b:s1+s3], $0x80, v3, vm0, $0xb8;
	[tilespmem:$0x18400] =	vst v63  }
0x3e4: {  	s16 =	simm.s32 $0x15C00  }
0x3e5: {  	[tilespmem:s16], [sflag:$0x3] =	stream.indirect_vreg.gather [hbm4b:s5+s3], $0x80, v3, vm0, $0xb8;
	[tilespmem:$0x18400] =	vst v63  }
0x3e6: {  	v3 =	vld [tilespmem:$0x3B0];
	_ =	sdelay $0x4  }
0x3e7: {  	v59 =	vshll.u32 v3, $0x2  }
0x3e8: {  	v3 =	vand.u32 $0x7, v3;
	v4 =	vand.u32 $0xFFFFFFE0, v59  }
0x3e9: {  	v3 =	vor.u32 v3, v4  }
0x3ea: {  	v4 =	vperm.xlane v3, v0;
	_ =	sdelay $0x1  }
0x3eb: {  	v4 =	vadd.s32 v1, v4;
	_ =	sdelay $0x1  }
0x3ec: {  	v3 =	vperm.xlane v3, v2;
	_ =	sdelay $0x1  }
0x3ed: {  	s17 =	simm.s32 $0x16400;
	v3 =	vadd.s32 v1, v3  }
0x3ee: {  	[tilespmem:s17], [sflag:$0x3] =	stream.indirect_vreg.gather [hbm4b:s1+s3], $0x80, v4, vm0, $0xb8;
	[tilespmem:$0x18400] =	vst v63  }
0x3ef: {  	s16 =	simm.s32 $0x16C00  }
0x3f0: {  	[tilespmem:s16], [sflag:$0x3] =	stream.indirect_vreg.gather [hbm4b:s5+s3], $0x80, v4, vm0, $0xb8;
	[tilespmem:$0x18400] =	vst v63  }
0x3f1: {  	s17 =	simm.s32 $0x17400  }
0x3f2: {  	[tilespmem:s17], [sflag:$0x3] =	stream.indirect_vreg.gather [hbm4b:s1+s3], $0x80, v3, vm0, $0xb8;
	[tilespmem:$0x18400] =	vst v63  }
0x3f3: {  	s16 =	simm.s32 $0x17C00  }
0x3f4: {  	[tilespmem:s16], [sflag:$0x3] =	stream.indirect_vreg.gather [hbm4b:s5+s3], $0x80, v3, vm0, $0xb8;
	[tilespmem:$0x18400] =	vst v63  }
0x3f5: {  	_ =	swait.ge [sflag:s28], $0x8000  }
0x3f6: {  	[sflag:s28] =	ssyncset.done $0x0  }
0x3f7: {  	s17 =	rddreg [dreg:$0x10];
	[sflag:s28] =	ssyncadd.s32 $0xFFFF8000  }
0x3f8: {  	[hbm4b:s17+s3] =	stream.linear.scatter [tilespmem:s23], [sflag:$0x4], $0x8000, $0x38;
	[tilespmem:$0x18400] =	vst v63  }
0x3f9: {  	_ =	swait.ge [sflag:s29], $0x8000  }
0x3fa: {  	[sflag:s29] =	ssyncset.done $0x0  }
0x3fb: {  	[sflag:s29] =	ssyncadd.s32 $0xFFFF8000  }
0x3fc: {  	v3 =	vld [tilespmem:$0x3C0];
	_ =	sdelay $0x4  }
0x3fd: {  	v60 =	vshll.u32 v3, $0x2  }
0x3fe: {  	v3 =	vand.u32 $0x7, v3;
	v4 =	vand.u32 $0xFFFFFFE0, v60  }
0x3ff: {  	v3 =	vor.u32 v3, v4  }
0x400: {  	v4 =	vperm.xlane v3, v0;
	_ =	sdelay $0x1  }
0x401: {  	v4 =	vadd.s32 v1, v4;
	_ =	sdelay $0x1  }
0x402: {  	v3 =	vperm.xlane v3, v2;
	_ =	sdelay $0x1  }
0x403: {  	v3 =	vadd.s32 v1, v3  }
0x404: {  	[tilespmem:s23], [sflag:$0x1] =	stream.indirect_vreg.gather [hbm4b:s1+s3], $0x80, v4, vm0, $0xb8;
	[tilespmem:$0x18400] =	vst v63  }
0x405: {  	s21 =	simm.s32 $0xC00  }
0x406: {  	[tilespmem:s21], [sflag:$0x1] =	stream.indirect_vreg.gather [hbm4b:s5+s3], $0x80, v4, vm0, $0xb8;
	[tilespmem:$0x18400] =	vst v63  }
0x407: {  	s10 =	simm.s32 $0x1400  }
0x408: {  	[tilespmem:s10], [sflag:$0x1] =	stream.indirect_vreg.gather [hbm4b:s1+s3], $0x80, v3, vm0, $0xb8;
	[tilespmem:$0x18400] =	vst v63  }
0x409: {  	s26 =	simm.s32 $0x1C00  }
0x40a: {  	[tilespmem:s26], [sflag:$0x1] =	stream.indirect_vreg.gather [hbm4b:s5+s3], $0x80, v3, vm0, $0xb8;
	[tilespmem:$0x18400] =	vst v63  }
0x40b: {  	v3 =	vld [tilespmem:$0x3D0];
	_ =	sdelay $0x4  }
0x40c: {  	v61 =	vshll.u32 v3, $0x2  }
0x40d: {  	v3 =	vand.u32 $0x7, v3;
	v4 =	vand.u32 $0xFFFFFFE0, v61  }
0x40e: {  	v3 =	vor.u32 v3, v4  }
0x40f: {  	v4 =	vperm.xlane v3, v0;
	_ =	sdelay $0x1  }
0x410: {  	v4 =	vadd.s32 v1, v4;
	_ =	sdelay $0x1  }
0x411: {  	v3 =	vperm.xlane v3, v2;
	_ =	sdelay $0x1  }
0x412: {  	s11 =	simm.s32 $0x2400;
	v3 =	vadd.s32 v1, v3  }
0x413: {  	[tilespmem:s11], [sflag:$0x1] =	stream.indirect_vreg.gather [hbm4b:s1+s3], $0x80, v4, vm0, $0xb8;
	[tilespmem:$0x18400] =	vst v63  }
0x414: {  	s12 =	simm.s32 $0x2C00  }
0x415: {  	[tilespmem:s12], [sflag:$0x1] =	stream.indirect_vreg.gather [hbm4b:s5+s3], $0x80, v4, vm0, $0xb8;
	[tilespmem:$0x18400] =	vst v63  }
0x416: {  	s13 =	simm.s32 $0x3400  }
0x417: {  	[tilespmem:s13], [sflag:$0x1] =	stream.indirect_vreg.gather [hbm4b:s1+s3], $0x80, v3, vm0, $0xb8;
	[tilespmem:$0x18400] =	vst v63  }
0x418: {  	s14 =	simm.s32 $0x3C00  }
0x419: {  	[tilespmem:s14], [sflag:$0x1] =	stream.indirect_vreg.gather [hbm4b:s5+s3], $0x80, v3, vm0, $0xb8;
	[tilespmem:$0x18400] =	vst v63  }
0x41a: {  	v3 =	vld [tilespmem:$0x3E0];
	_ =	sdelay $0x4  }
0x41b: {  	v62 =	vshll.u32 v3, $0x2  }
0x41c: {  	v3 =	vand.u32 $0x7, v3;
	v4 =	vand.u32 $0xFFFFFFE0, v62  }
0x41d: {  	v3 =	vor.u32 v3, v4  }
0x41e: {  	v4 =	vperm.xlane v3, v0;
	_ =	sdelay $0x1  }
0x41f: {  	v4 =	vadd.s32 v1, v4;
	_ =	sdelay $0x1  }
0x420: {  	v3 =	vperm.xlane v3, v2;
	_ =	sdelay $0x1  }
0x421: {  	s19 =	simm.s32 $0x4400;
	v3 =	vadd.s32 v1, v3  }
0x422: {  	[tilespmem:s19], [sflag:$0x1] =	stream.indirect_vreg.gather [hbm4b:s1+s3], $0x80, v4, vm0, $0xb8;
	[tilespmem:$0x18400] =	vst v63  }
0x423: {  	s20 =	simm.s32 $0x4C00  }
0x424: {  	[tilespmem:s20], [sflag:$0x1] =	stream.indirect_vreg.gather [hbm4b:s5+s3], $0x80, v4, vm0, $0xb8;
	[tilespmem:$0x18400] =	vst v63  }
0x425: {  	s9 =	simm.s32 $0x5400  }
0x426: {  	[tilespmem:s9], [sflag:$0x1] =	stream.indirect_vreg.gather [hbm4b:s1+s3], $0x80, v3, vm0, $0xb8;
	[tilespmem:$0x18400] =	vst v63  }
0x427: {  	s25 =	simm.s32 $0x5C00  }
0x428: {  	[tilespmem:s25], [sflag:$0x1] =	stream.indirect_vreg.gather [hbm4b:s5+s3], $0x80, v3, vm0, $0xb8;
	[tilespmem:$0x18400] =	vst v63  }
0x429: {  	v3 =	vld [tilespmem:$0x3F0];
	_ =	sdelay $0x4  }
0x42a: {  	v63 =	vshll.u32 v3, $0x2  }
0x42b: {  	v3 =	vand.u32 $0x7, v3;
	v4 =	vand.u32 $0xFFFFFFE0, v63  }
0x42c: {  	v3 =	vor.u32 v3, v4  }
0x42d: {  	v4 =	vperm.xlane v3, v0;
	_ =	sdelay $0x1  }
0x42e: {  	v4 =	vadd.s32 v1, v4;
	_ =	sdelay $0x1  }
0x42f: {  	v3 =	vperm.xlane v3, v2;
	_ =	sdelay $0x1  }
0x430: {  	s15 =	simm.s32 $0x6400;
	v3 =	vadd.s32 v1, v3  }
0x431: {  	[tilespmem:s15], [sflag:$0x1] =	stream.indirect_vreg.gather [hbm4b:s1+s3], $0x80, v4, vm0, $0xb8;
	[tilespmem:$0x18400] =	vst v63  }
0x432: {  	s22 =	simm.s32 $0x6C00  }
0x433: {  	[tilespmem:s22], [sflag:$0x1] =	stream.indirect_vreg.gather [hbm4b:s5+s3], $0x80, v4, vm0, $0xb8;
	[tilespmem:$0x18400] =	vst v63  }
0x434: {  	s24 =	simm.s32 $0x7400  }
0x435: {  	[tilespmem:s24], [sflag:$0x1] =	stream.indirect_vreg.gather [hbm4b:s1+s3], $0x80, v3, vm0, $0xb8;
	[tilespmem:$0x18400] =	vst v63  }
0x436: {  	s18 =	simm.s32 $0x7C00  }
0x437: {  	[tilespmem:s18], [sflag:$0x1] =	stream.indirect_vreg.gather [hbm4b:s5+s3], $0x80, v3, vm0, $0xb8;
	[tilespmem:$0x18400] =	vst v63  }
0x438: {  	_ =	swait.ge [sflag:s30], $0x8000  }
0x439: {  	[sflag:s30] =	ssyncset.done $0x0  }
0x43a: {  	s24 =	rddreg [dreg:$0x11];
	[sflag:s30] =	ssyncadd.s32 $0xFFFF8000  }
0x43b: {  	[hbm4b:s24+s3] =	stream.linear.scatter [tilespmem:s31], [sflag:$0x5], $0x8000, $0x38;
	[tilespmem:$0x18400] =	vst v63  }
0x43c: {  	_ =	swait.ge [sflag:s0], $0x8000  }
0x43d: {  	[sflag:s0] =	ssyncset.done $0x0  }
0x43e: {  	s25 =	rddreg [dreg:$0x12];
	[sflag:s0] =	ssyncadd.s32 $0xFFFF8000  }
0x43f: {  	[hbm4b:s25+s3] =	stream.linear.scatter [tilespmem:s8], [sflag:$0x6], $0x8000, $0x38;
	[tilespmem:$0x18400] =	vst v63  }
0x440: {  	_ =	swait.ge [sflag:s28], $0x8000  }
0x441: {  	[sflag:s28] =	ssyncset.done $0x0  }
0x442: {  	s26 =	rddreg [dreg:$0x13];
	[sflag:s28] =	ssyncadd.s32 $0xFFFF8000  }
0x443: {  	[hbm4b:s26+s3] =	stream.linear.scatter [tilespmem:s23], [sflag:$0x4], $0x8000, $0x38;
	[tilespmem:$0x18400] =	vst v63  }
0x444: {  	_ =	swait.ge [sflag:s2], $0x8000  }
0x445: {  	[sflag:s2] =	ssyncset.done $0x0  }
0x446: {  	[sflag:s2] =	ssyncadd.s32 $0xFFFF8000  }
0x447: {  	p0 =	sne.s32 s6, $0x1;
	_ =	swait.ge [sflag:s4], $0x8000  }
.Ltmp0:
0x448: {  	[sflag:s4] =	ssyncset.done $0x0;
	(pc) =	sbr.rel @p0 .LBB2_1-.Ltmp0, $4  }
0x449: {  	[sflag:s4] =	ssyncadd.s32 $0xFFFF8000  }
0x44a: {  	_ =	swait.ge [sflag:s29], $0x8000  }
0x44b: {  	[sflag:s29] =	ssyncset.done $0x0  }
0x44c: {  	s6 =	sadd.s32 $0xFFFFFFFF, s6;
	[sflag:s29] =	ssyncadd.s32 $0xFFFF8000  }
0x44d: {  	_ =	sfence.sel $0x180000  }
0x44e: {  	[bflag:$0x0] =	sbarrier.arrive $0xFFFF  }
0x44f: {  	_ =	strace $0x90000047  }
0x450: {  	s0 =	stileid.u32;
	[bflag:$0x2] =	sbarrier.arrive $0xFFFF  }
0x451: {  	p0 =	sne.s32 s0, $0x0;
	s0 =	rddreg [dreg:$0x3]  }
0x452: {  	s0 =	sadd.s32 @!p0 $0x100000, s0  }
0x453: {  	[sflag:s0] =	ssyncadd.tile.s32 @!p0 $0x1;
	_ =	shalt  }
.Lfunc_end2:
_tile_overlayer_lowered:
.L_overlay_start_2:
0x454: {  	(tag) =	ssettag $0x2  }
0x455: {  	s0 =	rddreg [dreg:$0x0];
	s2 =	stileid.u32  }
0x456: {  	s1 =	rddreg [dreg:$0x1];
	p0 =	sne.s32 s2, $0x0  }
0x457: {  	s3 =	rddreg [dreg:$0x2];
	[bflag:$0x3] =	sbarrier.arrive $0xFFFF;
	s2 =	simm.s32 @!p0 $0x1C07  }
0x458: {  	[timem:s3], [sflag:s2] =	dma.local @!p0 [hbm:s0], s1  }
0x459: {  	s0 =	simm.s32 @!p0 $0x7  }
0x45a: {  	_ =	swait.ge @!p0 [sflag:s0], s1  }
0x45b: {  	s1 =	ssub.s32 @!p0 $0x0, s1;
	[sflag:s0] =	ssyncset.done @!p0 $0x0  }
0x45c: {  	[sflag:s0] =	ssyncadd.s32 @!p0 s1  }
0x45d: {  	[bflag:$0x3] =	sbarrier.arrive $0xFFFF  }
0x45e: {  	_ =	shalt  }

</sc_bundles>
